<compile_context>
chip_gen: v7x
topology: tpu7x:2x2x1
jax: 0.10.2.dev20260603
libtpu: 0.0.44.dev20260713+nightly
codegen_flags: <defaults>
</compile_context>

<pallas_src>
import functools

import jax
import jax.numpy as jnp
from jax import lax
from jax.experimental import pallas as pl
from jax.experimental.pallas import tpu as pltpu
from jax.experimental.pallas import tpu_sc as plsc

N = 10000
NPAD = 10240
E = 320000
D = 128
G = 64
NWORK = 32
CHUNK = 128
ROWS_W = 80
GS = 8
EPAD = NWORK * ROWS_W * CHUNK
STRIPE = NPAD // 16
R0AGG = 120



def _fill_rows(rows, val):
    v = jnp.full((16,), val, jnp.float32)
    lanes = D // 16

    def body(i, _):
        rows[i // lanes, pl.ds((i % lanes) * 16, 16)] = v
        return 0
    lax.fori_loop(0, CHUNK * lanes, body, 0)


def _zero_stripe(rows, acc_sh, base):
    _fill_rows(rows, 0.0)

    def body(k, _):
        pltpu.sync_copy(rows, acc_sh.at[pl.ds(base + k * CHUNK, CHUNK)])
        return 0
    lax.fori_loop(0, STRIPE // CHUNK, body, 0)


def _copy_stripe_out(rows, acc_sh, base, out, obase):
    def body(k, _):
        pltpu.sync_copy(acc_sh.at[pl.ds(base + k * CHUNK, CHUNK)], rows)
        pltpu.sync_copy(rows, out.at[pl.ds(obase + k * CHUNK, CHUNK)])
        return 0
    lax.fori_loop(0, STRIPE // CHUNK, body, 0)


NB = 2


def _sc_body(with_gather, r0, *refs):
    if with_gather:
        (y_hbm, src_hbm, dst_hbm, agg_out, srcv, dstv) = refs[:6]
        bufs = refs[6:6 + NB]
        rows = bufs[0]
        acc_sh = refs[6 + NB]
        gsems = refs[7 + NB:7 + 2 * NB]
    else:
        (src_hbm, dst_hbm, agg_out,
         srcv, dstv, rows, acc_sh, gsem) = refs

    cid = lax.axis_index("c")
    sid = lax.axis_index("s")
    base = sid * STRIPE

    my_base = sid * (2 * ROWS_W) + jnp.where(cid == 0, 0, r0)
    ngroups = jnp.where(cid == 0, r0 // GS, (2 * ROWS_W - r0) // GS)

    _zero_stripe(rows, acc_sh, base)
    if not with_gather:
        _fill_rows(rows, 1.0)
    plsc.subcore_barrier()

    def group(g, _):
        row0 = my_base + g * GS
        if with_gather:
            pltpu.sync_copy(src_hbm.at[pl.ds(row0, GS)], srcv)
        pltpu.sync_copy(dst_hbm.at[pl.ds(row0, GS)], dstv)

        if with_gather:
            g = [None] * GS
            g[0] = pltpu.async_copy(y_hbm.at[srcv.at[0]], bufs[0], gsems[0])
            for j in range(GS):
                g[j].wait()
                if j + 1 < GS:
                    g[j + 1] = pltpu.async_copy(
                        y_hbm.at[srcv.at[j + 1]],
                        bufs[(j + 1) % NB], gsems[(j + 1) % NB])
                pltpu.sync_copy(bufs[j % NB], acc_sh.at[dstv.at[j]], add=True)
        else:
            def step(j, _):
                pltpu.sync_copy(rows, acc_sh.at[dstv.at[j]], add=True)
                return 0
            lax.fori_loop(0, GS, step, 0)
        return 0
    lax.fori_loop(0, ngroups, group, 0)

    plsc.subcore_barrier()
    _copy_stripe_out(rows, acc_sh, base, agg_out, cid * NPAD + base)


@functools.lru_cache(maxsize=None)
def _make_sc_kernel(with_gather, r0=ROWS_W):
    mesh = plsc.VectorSubcoreMesh(core_axis_name="c", subcore_axis_name="s",
                                  num_cores=2, num_subcores=16)
    scratch = [
        pltpu.VMEM((GS, CHUNK), jnp.int32),
        pltpu.VMEM((GS, CHUNK), jnp.int32),
    ]
    if with_gather:
        scratch += [pltpu.VMEM((CHUNK, D), jnp.float32)] * NB
        scratch.append(pltpu.VMEM_SHARED((NPAD, D), jnp.float32))
        scratch += [pltpu.SemaphoreType.DMA] * NB
    else:
        scratch.append(pltpu.VMEM((CHUNK, D), jnp.float32))
        scratch.append(pltpu.VMEM_SHARED((NPAD, D), jnp.float32))
        scratch.append(pltpu.SemaphoreType.DMA)
    return pl.kernel(
        functools.partial(_sc_body, with_gather, r0),
        out_type=(jax.ShapeDtypeStruct((2 * NPAD, D), jnp.float32),),
        mesh=mesh,
        scratch_types=tuple(scratch),
    )



BLK = 1024
GRID = NPAD // BLK


def _bdot(a, b):
    return jnp.dot(a.astype(jnp.bfloat16), b.astype(jnp.bfloat16),
                   preferred_element_type=jnp.float32)


def _layer_body(p0, p1, c0, c1, x_ref, wl_ref, bl_ref, wr_ref, h_ref):
    cnt = c0[:, 0:1] + c1[:, 0:1]
    mean = (p0[...] + p1[...]) / jnp.maximum(cnt, 1.0)
    h = _bdot(mean, wl_ref[...]) + bl_ref[...] + _bdot(x_ref[...], wr_ref[...])
    h_ref[...] = jnp.maximum(h, 0.0)


def _final_body(p0, p1, c0, c1, x_ref, wl_ref, bl_ref, wr_ref, wf_ref,
                batch_ref, bf_ref, sums_ref, cnts_ref, out_ref):
    i = pl.program_id(0)
    cnt = c0[:, 0:1] + c1[:, 0:1]
    mean = (p0[...] + p1[...]) / jnp.maximum(cnt, 1.0)
    h = _bdot(mean, wl_ref[...]) + bl_ref[...] + _bdot(x_ref[...], wr_ref[...])
    h = jnp.maximum(h, 0.0)

    gids = lax.broadcasted_iota(jnp.int32, (BLK, G), 1)
    onehot = (batch_ref[...] == gids).astype(jnp.float32)
    dn = (((0,), (0,)), ((), ()))
    s = lax.dot_general(onehot, h, dn, precision='highest',
                        preferred_element_type=jnp.float32)
    c = lax.dot_general(onehot, jnp.ones((BLK, D), jnp.float32), dn,
                        precision='highest',
                        preferred_element_type=jnp.float32)

    @pl.when(i == 0)
    def _():
        sums_ref[...] = jnp.zeros((G, D), jnp.float32)
        cnts_ref[...] = jnp.zeros((G, D), jnp.float32)

    sums_ref[...] += s
    cnts_ref[...] += c

    @pl.when(i == GRID - 1)
    def _():
        pooled = sums_ref[...] / jnp.maximum(cnts_ref[...], 1.0)
        pb = pooled.astype(jnp.bfloat16).astype(jnp.float32)
        wb = wf_ref[...].astype(jnp.bfloat16).astype(jnp.float32)
        out_ref[...] = jnp.sum(pb * wb, axis=1, keepdims=True) + bf_ref[...]


def _row_spec(last):
    return pl.BlockSpec((BLK, last), lambda i: (i, 0))


def _full_spec(shape):
    return pl.BlockSpec(shape, lambda i: (0,) * len(shape))


_layer = pl.pallas_call(
    _layer_body,
    grid=(GRID,),
    in_specs=[_row_spec(D), _row_spec(D), _row_spec(D), _row_spec(D),
              _row_spec(D), _full_spec((D, D)), _full_spec((1, D)),
              _full_spec((D, D))],
    out_specs=[_row_spec(D)],
    out_shape=[jax.ShapeDtypeStruct((NPAD, D), jnp.float32)],
)

_final = pl.pallas_call(
    _final_body,
    grid=(GRID,),
    in_specs=[_row_spec(D), _row_spec(D), _row_spec(D), _row_spec(D),
              _row_spec(D), _full_spec((D, D)), _full_spec((1, D)),
              _full_spec((D, D)), _full_spec((1, D)), _row_spec(1),
              _full_spec((1, 1))],
    out_specs=[_full_spec((G, D)), _full_spec((G, D)), _full_spec((G, 1))],
    out_shape=[jax.ShapeDtypeStruct((G, D), jnp.float32),
               jax.ShapeDtypeStruct((G, D), jnp.float32),
               jax.ShapeDtypeStruct((G, 1), jnp.float32)],
)



@jax.jit
def kernel(x, edge_index, batch, Wl1, bl1, Wr1, Wl2, bl2, Wr2, Wf, bf):
    src = edge_index[0].astype(jnp.int32)
    dst = edge_index[1].astype(jnp.int32)
    src3 = jnp.pad(src, (0, EPAD - E)).reshape(NWORK * ROWS_W, CHUNK)
    dst3 = jnp.pad(dst, (0, EPAD - E), constant_values=N).reshape(
        NWORK * ROWS_W, CHUNK)
    xp = jnp.pad(x, ((0, NPAD - N), (0, 0)))
    batch_p = jnp.pad(batch.astype(jnp.int32), (0, NPAD - N),
                      constant_values=G).reshape(NPAD, 1)
    wl1t = Wl1.T
    wr1t = Wr1.T
    wl2t = Wl2.T
    wr2t = Wr2.T
    b1 = bl1.reshape(1, D)
    b2 = bl2.reshape(1, D)
    wf_row = Wf.reshape(1, D)
    bf2 = bf.reshape(1, 1)

    (cntp,) = _make_sc_kernel(False)(src3, dst3)
    (aggp1,) = _make_sc_kernel(True, R0AGG)(xp, src3, dst3)
    h1 = _layer(aggp1[:NPAD], aggp1[NPAD:], cntp[:NPAD], cntp[NPAD:],
                xp, wl1t, b1, wr1t)[0]
    (aggp2,) = _make_sc_kernel(True, R0AGG)(h1, src3, dst3)
    _, _, out = _final(aggp2[:NPAD], aggp2[NPAD:], cntp[:NPAD], cntp[NPAD:],
                       h1, wl2t, b2, wr2t, wf_row, batch_p, bf2)
    return out

# --- scband reference (transcript-rebuilt; emitter-appended) ---
"""Pipeline reference for scband-graph-sagenetwork-17197049053739 (READ-ONLY COPY).

The authoritative reference and input builder live on the scoring server;
editing this copy changes nothing except your own understanding.
"""

import jax, jax.numpy as jnp
import numpy as np

N = 10000
E = 320000
D = 128
H1 = 128
H2 = 128
OUT = 1
G = 64


def setup_inputs(seed: int = 0) -> dict:
    key = jax.random.key(seed)
    ks = [jax.random.fold_in(key, i) for i in range(16)]
    x = jax.random.normal(ks[0], (N, D), dtype=jnp.float32)
    edge_index = jax.random.randint(ks[1], (2, E), 0, N, dtype=jnp.int64)
    batch = jnp.sort(jax.random.randint(ks[2], (N,), 0, G, dtype=jnp.int64))
    s1 = 1.0 / np.sqrt(D)
    s2 = 1.0 / np.sqrt(H1)
    s3 = 1.0 / np.sqrt(H2)
    Wl1 = jax.random.uniform(ks[3], (H1, D), dtype=jnp.float32, minval=-s1, maxval=s1)
    bl1 = jax.random.uniform(ks[4], (H1,), dtype=jnp.float32, minval=-s1, maxval=s1)
    Wr1 = jax.random.uniform(ks[5], (H1, D), dtype=jnp.float32, minval=-s1, maxval=s1)
    Wl2 = jax.random.uniform(ks[6], (H2, H1), dtype=jnp.float32, minval=-s2, maxval=s2)
    bl2 = jax.random.uniform(ks[7], (H2,), dtype=jnp.float32, minval=-s2, maxval=s2)
    Wr2 = jax.random.uniform(ks[8], (H2, H1), dtype=jnp.float32, minval=-s2, maxval=s2)
    Wf = jax.random.uniform(ks[9], (OUT, H2), dtype=jnp.float32, minval=-s3, maxval=s3)
    bf = jnp.zeros((OUT,), dtype=jnp.float32)
    return {"x": x, "edge_index": edge_index, "batch": batch,
            "Wl1": Wl1, "bl1": bl1, "Wr1": Wr1,
            "Wl2": Wl2, "bl2": bl2, "Wr2": Wr2,
            "Wf": Wf, "bf": bf}


def _sage_conv(x, edge_index, Wl, bl, Wr):
    # PyG SAGEConv (aggr='mean', root_weight=True):
    # out = lin_l(mean_{j in N(i)} x_j) + lin_r(x_i)
    src = edge_index[0]
    dst = edge_index[1]
    msg = jnp.take(x, src, axis=0)
    agg = jax.ops.segment_sum(msg, dst, num_segments=N)
    cnt = jax.ops.segment_sum(jnp.ones((edge_index.shape[1],), dtype=x.dtype), dst, num_segments=N)
    agg = agg / jnp.clip(cnt, 1.0, None)[:, None]
    return agg @ Wl.T + bl + x @ Wr.T


def reference(x, edge_index, batch, Wl1, bl1, Wr1, Wl2, bl2, Wr2, Wf, bf):
    # Block 1: SAGEConv -> ReLU -> Dropout(p=0.0, identity)
    h = _sage_conv(x, edge_index, Wl1, bl1, Wr1)
    h = jax.nn.relu(h)
    # Block 2
    h = _sage_conv(h, edge_index, Wl2, bl2, Wr2)
    h = jax.nn.relu(h)
    # global mean pool over graphs in batch
    sums = jax.ops.segment_sum(h, batch, num_segments=G)
    cnts = jax.ops.segment_sum(jnp.ones((N,), dtype=h.dtype), batch, num_segments=G)
    pooled = sums / jnp.clip(cnts, 1.0, None)[:, None]
    # final linear
    out = pooled @ Wf.T + bf
    return out

if __name__ == "__main__":
    import jax
    _d = setup_inputs()
    print(jax.jit(kernel)(*tuple(_d.values())))

</pallas_src>

<mosaic_0001>
#map = affine_map<(d0, d1) -> (0, 0)>
module attributes {stable_mosaic.version = 14 : i64} {
  func.func @_sc_body(%arg0: i32, %arg1: i32, %arg2: memref<2560x128xi32, #tpu.memory_space<hbm>>, %arg3: memref<2560x128xi32, #tpu.memory_space<hbm>>, %arg4: memref<20480x128xf32, #tpu.memory_space<hbm>>, %arg5: memref<8x128xi32, #tpu.memory_space<vmem>>, %arg6: memref<8x128xi32, #tpu.memory_space<vmem>>, %arg7: memref<128x128xf32, #tpu.memory_space<vmem>>, %arg8: memref<10240x128xf32, #tpu.memory_space<vmem_shared>>, %arg9: memref<!tpu.dma_semaphore, #tpu.memory_space<semaphore_mem>>) attributes {dimension_semantics = [#tpu.dimension_semantics<core_parallel>, #tpu.dimension_semantics<subcore_parallel>], iteration_bounds = array<i64: 2, 16>, scalar_prefetch = 0 : i64, scratch_operands = 5 : i64, tpu.core_type = #tpu.core_type<sc_vector_subcore>, window_params = [{transform_indices = #map}, {transform_indices = #map}, {transform_indices = #map}]} {
    %mul3A = arith.constant 640 : i32
    %mul3A_0 = arith.muli %arg1, %mul3A : i32
    %mul3A_1 = arith.constant 160 : i32
    %mul3A_2 = arith.muli %arg1, %mul3A_1 : i32
    %eq3A = arith.constant 0 : i32
    %eq3A_3 = arith.cmpi eq, %arg0, %eq3A : i32
    %jit3A = arith.constant 0 : i32
    %jit3A_4 = arith.constant 80 : i32
    %select_n3A = arith.select %eq3A_3, %jit3A, %jit3A_4 : i32
    %add3A = arith.addi %mul3A_2, %select_n3A : i32
    %eq3A_5 = arith.constant 0 : i32
    %eq3A_6 = arith.cmpi eq, %arg0, %eq3A_5 : i32
    %jit3A_7 = arith.constant 10 : i32
    %jit3A_8 = arith.constant 10 : i32
    %select_n3A_9 = arith.select %eq3A_6, %jit3A_7, %jit3A_8 : i32
    %broadcast_in_dim3A = arith.constant 0.000000e+00 : f32
    %broadcast_in_dim3A_10 = vector.broadcast %broadcast_in_dim3A : f32 to vector<16xf32>
    %scan3A = arith.constant 0 : i32
    %scan3A_11 = arith.constant 0 : i32
    %scan3A_12 = arith.constant 1024 : i32
    %scan3A_13 = arith.addi %scan3A_11, %scan3A_12 : i32
    %scan3A_14 = arith.constant 1 : i32
    %scan3A_15 = scf.for %scan3A_55 = %scan3A_11 to %scan3A_13 step %scan3A_14 iter_args(%scan3A_56 = %scan3A) -> (i32)  : i32 {
      %jit3A_57 = arith.constant 8 : i32
      %div3A = arith.divsi %scan3A_55, %jit3A_57 : i32
      %sign3A = arith.constant 0 : i32
      %sign3A_58 = arith.cmpi sgt, %scan3A_55, %sign3A : i32
      %sign3A_59 = arith.extui %sign3A_58 : i1 to i32
      %sign3A_60 = arith.constant 0 : i32
      %sign3A_61 = arith.cmpi slt, %scan3A_55, %sign3A_60 : i32
      %sign3A_62 = arith.extui %sign3A_61 : i1 to i32
      %sign3A_63 = arith.subi %sign3A_59, %sign3A_62 : i32
      %sign3A_64 = arith.constant 0 : i32
      %sign3A_65 = arith.cmpi sgt, %jit3A_57, %sign3A_64 : i32
      %sign3A_66 = arith.extui %sign3A_65 : i1 to i32
      %sign3A_67 = arith.constant 0 : i32
      %sign3A_68 = arith.cmpi slt, %jit3A_57, %sign3A_67 : i32
      %sign3A_69 = arith.extui %sign3A_68 : i1 to i32
      %sign3A_70 = arith.subi %sign3A_66, %sign3A_69 : i32
      %ne3A = arith.cmpi ne, %sign3A_63, %sign3A_70 : i32
      %rem3A = arith.remsi %scan3A_55, %jit3A_57 : i32
      %ne3A_71 = arith.constant 0 : i32
      %ne3A_72 = arith.cmpi ne, %rem3A, %ne3A_71 : i32
      %and3A = arith.andi %ne3A, %ne3A_72 : i1
      %sub3A = arith.constant 1 : i32
      %sub3A_73 = arith.subi %div3A, %sub3A : i32
      %select_n3A_74 = arith.select %and3A, %sub3A_73, %div3A : i32
      %jit3A_75 = arith.constant 8 : i32
      %eq3A_76 = arith.constant 0 : i32
      %eq3A_77 = arith.cmpi eq, %jit3A_75, %eq3A_76 : i32
      %jit3A_78 = arith.constant 1 : i32
      %select_n3A_79 = arith.select %eq3A_77, %jit3A_78, %jit3A_75 : i32
      %rem3A_80 = arith.remsi %scan3A_55, %select_n3A_79 : i32
      %ne3A_81 = arith.constant 0 : i32
      %ne3A_82 = arith.cmpi ne, %rem3A_80, %ne3A_81 : i32
      %lt3A = arith.constant 0 : i32
      %lt3A_83 = arith.cmpi slt, %rem3A_80, %lt3A : i32
      %lt3A_84 = arith.constant 0 : i32
      %lt3A_85 = arith.cmpi slt, %select_n3A_79, %lt3A_84 : i32
      %ne3A_86 = arith.xori %lt3A_83, %lt3A_85 : i1
      %and3A_87 = arith.andi %ne3A_86, %ne3A_82 : i1
      %add3A_88 = arith.addi %rem3A_80, %select_n3A_79 : i32
      %select_n3A_89 = arith.select %and3A_87, %add3A_88, %rem3A_80 : i32
      %mul3A_90 = arith.constant 16 : i32
      %mul3A_91 = arith.muli %select_n3A_89, %mul3A_90 : i32
      %swap3A = arith.index_cast %select_n3A_74 : i32 to index
      %swap3A_92 = arith.index_cast %mul3A_91 : i32 to index
      %swap3A_93 = tpu.vector_load %arg7[%swap3A, %swap3A_92] {strides = array<i32>} : memref<128x128xf32, #tpu.memory_space<vmem>>, vector<1x16xf32>,
      %swap3A_94 = vector.shape_cast %swap3A_93 : vector<1x16xf32> to vector<16xf32>
      %swap3A_95 = vector.shape_cast %broadcast_in_dim3A_10 : vector<16xf32> to vector<1x16xf32>
      tpu.vector_store %arg7[%swap3A, %swap3A_92], %swap3A_95 {strides = array<i32>} : memref<128x128xf32, #tpu.memory_space<vmem>>, vector<1x16xf32>,
      %scan3A_96 = arith.constant 0 : i32
      scf.yield %scan3A_96 : i32
    }
    %scan3A_16 = arith.constant 1024 : i32
    %scan3A_17 = arith.constant 0 : i32
    %scan3A_18 = arith.constant 0 : i32
    %scan3A_19 = arith.constant 5 : i32
    %scan3A_20 = arith.addi %scan3A_18, %scan3A_19 : i32
    %scan3A_21 = arith.constant 1 : i32
    %scan3A_22 = scf.for %scan3A_55 = %scan3A_18 to %scan3A_20 step %scan3A_21 iter_args(%scan3A_56 = %scan3A_17) -> (i32)  : i32 {
      %mul3A_57 = arith.constant 128 : i32
      %mul3A_58 = arith.muli %scan3A_55, %mul3A_57 : i32
      %add3A_59 = arith.addi %mul3A_0, %mul3A_58 : i32
      "tpu.region"() ({
        %run_scoped3A = tpu.sem_alloc : memref<!tpu.dma_semaphore, #tpu.memory_space<semaphore_mem>>
        %dma_start3A = arith.constant 0 : i32
        %dma_start3A_61 = tpu.memref_slice %arg8[%add3A_59, %dma_start3A] : memref<10240x128xf32, #tpu.memory_space<vmem_shared>> -> memref<128x128xf32, #tpu.memory_space<vmem_shared>>
        %dma_start3A_62 = arith.constant 0 : i32
        %dma_start3A_63 = tpu.memref_slice %arg8[%add3A_59, %dma_start3A_62] : memref<10240x128xf32, #tpu.memory_space<vmem_shared>> -> memref<128x128xf32, #tpu.memory_space<vmem_shared>>
        tpu.enqueue_dma source(%arg7 : memref<128x128xf32, #tpu.memory_space<vmem>>) target(%dma_start3A_63 : memref<128x128xf32, #tpu.memory_space<vmem_shared>>) target_semaphore(%run_scoped3A : memref<!tpu.dma_semaphore, #tpu.memory_space<semaphore_mem>>)
        %dma_wait3A = arith.constant 0 : i32
        %dma_wait3A_64 = tpu.memref_slice %arg8[%add3A_59, %dma_wait3A] : memref<10240x128xf32, #tpu.memory_space<vmem_shared>> -> memref<128x128xf32, #tpu.memory_space<vmem_shared>>
        %dma_wait3A_65 = arith.constant 0 : i32
        %dma_wait3A_66 = tpu.memref_slice %arg8[%add3A_59, %dma_wait3A_65] : memref<10240x128xf32, #tpu.memory_space<vmem_shared>> -> memref<128x128xf32, #tpu.memory_space<vmem_shared>>
        tpu.wait_dma2 semaphore(%run_scoped3A : memref<!tpu.dma_semaphore, #tpu.memory_space<semaphore_mem>>) src(%arg7 : memref<128x128xf32, #tpu.memory_space<vmem>>) dst(%dma_wait3A_66 : memref<128x128xf32, #tpu.memory_space<vmem_shared>>)
        tpu.yield
      }) : () -> ()
      %scan3A_60 = arith.constant 0 : i32
      scf.yield %scan3A_60 : i32
    }
    %scan3A_23 = arith.constant 5 : i32
    %broadcast_in_dim3A_24 = arith.constant 1.000000e+00 : f32
    %broadcast_in_dim3A_25 = vector.broadcast %broadcast_in_dim3A_24 : f32 to vector<16xf32>
    %scan3A_26 = arith.constant 0 : i32
    %scan3A_27 = arith.constant 0 : i32
    %scan3A_28 = arith.constant 1024 : i32
    %scan3A_29 = arith.addi %scan3A_27, %scan3A_28 : i32
    %scan3A_30 = arith.constant 1 : i32
    %scan3A_31 = scf.for %scan3A_55 = %scan3A_27 to %scan3A_29 step %scan3A_30 iter_args(%scan3A_56 = %scan3A_26) -> (i32)  : i32 {
      %jit3A_57 = arith.constant 8 : i32
      %div3A = arith.divsi %scan3A_55, %jit3A_57 : i32
      %sign3A = arith.constant 0 : i32
      %sign3A_58 = arith.cmpi sgt, %scan3A_55, %sign3A : i32
      %sign3A_59 = arith.extui %sign3A_58 : i1 to i32
      %sign3A_60 = arith.constant 0 : i32
      %sign3A_61 = arith.cmpi slt, %scan3A_55, %sign3A_60 : i32
      %sign3A_62 = arith.extui %sign3A_61 : i1 to i32
      %sign3A_63 = arith.subi %sign3A_59, %sign3A_62 : i32
      %sign3A_64 = arith.constant 0 : i32
      %sign3A_65 = arith.cmpi sgt, %jit3A_57, %sign3A_64 : i32
      %sign3A_66 = arith.extui %sign3A_65 : i1 to i32
      %sign3A_67 = arith.constant 0 : i32
      %sign3A_68 = arith.cmpi slt, %jit3A_57, %sign3A_67 : i32
      %sign3A_69 = arith.extui %sign3A_68 : i1 to i32
      %sign3A_70 = arith.subi %sign3A_66, %sign3A_69 : i32
      %ne3A = arith.cmpi ne, %sign3A_63, %sign3A_70 : i32
      %rem3A = arith.remsi %scan3A_55, %jit3A_57 : i32
      %ne3A_71 = arith.constant 0 : i32
      %ne3A_72 = arith.cmpi ne, %rem3A, %ne3A_71 : i32
      %and3A = arith.andi %ne3A, %ne3A_72 : i1
      %sub3A = arith.constant 1 : i32
      %sub3A_73 = arith.subi %div3A, %sub3A : i32
      %select_n3A_74 = arith.select %and3A, %sub3A_73, %div3A : i32
      %jit3A_75 = arith.constant 8 : i32
      %eq3A_76 = arith.constant 0 : i32
      %eq3A_77 = arith.cmpi eq, %jit3A_75, %eq3A_76 : i32
      %jit3A_78 = arith.constant 1 : i32
      %select_n3A_79 = arith.select %eq3A_77, %jit3A_78, %jit3A_75 : i32
      %rem3A_80 = arith.remsi %scan3A_55, %select_n3A_79 : i32
      %ne3A_81 = arith.constant 0 : i32
      %ne3A_82 = arith.cmpi ne, %rem3A_80, %ne3A_81 : i32
      %lt3A = arith.constant 0 : i32
      %lt3A_83 = arith.cmpi slt, %rem3A_80, %lt3A : i32
      %lt3A_84 = arith.constant 0 : i32
      %lt3A_85 = arith.cmpi slt, %select_n3A_79, %lt3A_84 : i32
      %ne3A_86 = arith.xori %lt3A_83, %lt3A_85 : i1
      %and3A_87 = arith.andi %ne3A_86, %ne3A_82 : i1
      %add3A_88 = arith.addi %rem3A_80, %select_n3A_79 : i32
      %select_n3A_89 = arith.select %and3A_87, %add3A_88, %rem3A_80 : i32
      %mul3A_90 = arith.constant 16 : i32
      %mul3A_91 = arith.muli %select_n3A_89, %mul3A_90 : i32
      %swap3A = arith.index_cast %select_n3A_74 : i32 to index
      %swap3A_92 = arith.index_cast %mul3A_91 : i32 to index
      %swap3A_93 = tpu.vector_load %arg7[%swap3A, %swap3A_92] {strides = array<i32>} : memref<128x128xf32, #tpu.memory_space<vmem>>, vector<1x16xf32>,
      %swap3A_94 = vector.shape_cast %swap3A_93 : vector<1x16xf32> to vector<16xf32>
      %swap3A_95 = vector.shape_cast %broadcast_in_dim3A_25 : vector<16xf32> to vector<1x16xf32>
      tpu.vector_store %arg7[%swap3A, %swap3A_92], %swap3A_95 {strides = array<i32>} : memref<128x128xf32, #tpu.memory_space<vmem>>, vector<1x16xf32>,
      %scan3A_96 = arith.constant 0 : i32
      scf.yield %scan3A_96 : i32
    }
    %scan3A_32 = arith.constant 1024 : i32
    %barrier3A = arith.constant 0 : index
    tpu.barrier barrier_id(%barrier3A)
    %while3A = arith.constant 0 : i32
    %while3A_33 = arith.constant 0 : i32
    %while3A_34 = arith.subi %select_n3A_9, %while3A : i32
    %while3A_35 = arith.addi %while3A, %while3A_34 : i32
    %while3A_36 = arith.constant 1 : i32
    %while3A_37 = arith.divsi %while3A_34, %while3A_36 : i32
    %while3A_38 = arith.muli %while3A_37, %while3A_36 : i32
    %while3A_39 = arith.addi %while3A, %while3A_38 : i32
    %while3A_40 = arith.constant 1 : i32
    %while3A_41 = scf.for %while3A_55 = %while3A to %while3A_39 step %while3A_40 iter_args(%while3A_56 = %while3A_33) -> (i32)  : i32 {
      %mul3A_57 = arith.constant 8 : i32
      %mul3A_58 = arith.muli %while3A_55, %mul3A_57 : i32
      %add3A_59 = arith.addi %add3A, %mul3A_58 : i32
      "tpu.region"() ({
        %run_scoped3A = tpu.sem_alloc : memref<!tpu.dma_semaphore, #tpu.memory_space<semaphore_mem>>
        %dma_start3A = arith.constant 0 : i32
        %dma_start3A_68 = tpu.memref_slice %arg3[%add3A_59, %dma_start3A] : memref<2560x128xi32, #tpu.memory_space<hbm>> -> memref<8x128xi32, #tpu.memory_space<hbm>>
        %dma_start3A_69 = arith.constant 0 : i32
        %dma_start3A_70 = tpu.memref_slice %arg3[%add3A_59, %dma_start3A_69] : memref<2560x128xi32, #tpu.memory_space<hbm>> -> memref<8x128xi32, #tpu.memory_space<hbm>>
        tpu.enqueue_dma source(%dma_start3A_70 : memref<8x128xi32, #tpu.memory_space<hbm>>) target(%arg6 : memref<8x128xi32, #tpu.memory_space<vmem>>) target_semaphore(%run_scoped3A : memref<!tpu.dma_semaphore, #tpu.memory_space<semaphore_mem>>)
        %dma_wait3A = arith.constant 0 : i32
        %dma_wait3A_71 = tpu.memref_slice %arg3[%add3A_59, %dma_wait3A] : memref<2560x128xi32, #tpu.memory_space<hbm>> -> memref<8x128xi32, #tpu.memory_space<hbm>>
        %dma_wait3A_72 = arith.constant 0 : i32
        %dma_wait3A_73 = tpu.memref_slice %arg3[%add3A_59, %dma_wait3A_72] : memref<2560x128xi32, #tpu.memory_space<hbm>> -> memref<8x128xi32, #tpu.memory_space<hbm>>
        tpu.wait_dma2 semaphore(%run_scoped3A : memref<!tpu.dma_semaphore, #tpu.memory_space<semaphore_mem>>) src(%dma_wait3A_73 : memref<8x128xi32, #tpu.memory_space<hbm>>) dst(%arg6 : memref<8x128xi32, #tpu.memory_space<vmem>>)
        tpu.yield
      }) : () -> ()
      %scan3A_60 = arith.constant 0 : i32
      %scan3A_61 = arith.constant 0 : i32
      %scan3A_62 = arith.constant 8 : i32
      %scan3A_63 = arith.addi %scan3A_61, %scan3A_62 : i32
      %scan3A_64 = arith.constant 1 : i32
      %scan3A_65 = scf.for %scan3A_68 = %scan3A_61 to %scan3A_63 step %scan3A_64 iter_args(%scan3A_69 = %scan3A_60) -> (i32)  : i32 {
        "tpu.region"() ({
          %run_scoped3A = tpu.sem_alloc : memref<!tpu.dma_semaphore, #tpu.memory_space<semaphore_mem>>
          %dma_start3A = arith.constant 0 : i32
          %dma_start3A_71 = tpu.memref_slice %arg6[%scan3A_68, %dma_start3A] : memref<8x128xi32, #tpu.memory_space<vmem>> -> memref<1x128xi32, #tpu.memory_space<vmem>>
          %dma_start3A_72 = tpu.memref_squeeze %dma_start3A_71 : memref<1x128xi32, #tpu.memory_space<vmem>> -> memref<128xi32, #tpu.memory_space<vmem>>
          %dma_start3A_73 = arith.constant 0 : i32
          %dma_start3A_74 = arith.constant 0 : i32
          %dma_start3A_75 = tpu.memref_slice %arg8[%dma_start3A_73, %dma_start3A_74] : memref<10240x128xf32, #tpu.memory_space<vmem_shared>> -> memref<10240x128xf32, #tpu.memory_space<vmem_shared>>
          tpu.enqueue_indirect_dma source(%arg7 : memref<128x128xf32, #tpu.memory_space<vmem>>) target(%dma_start3A_75 : memref<10240x128xf32, #tpu.memory_space<vmem_shared>>) offsets(%dma_start3A_72 : memref<128xi32, #tpu.memory_space<vmem>>) semaphore(%run_scoped3A : memref<!tpu.dma_semaphore, #tpu.memory_space<semaphore_mem>>) {add = true}
          %dma_wait3A = arith.constant 0 : i32
          %dma_wait3A_76 = tpu.memref_slice %arg6[%scan3A_68, %dma_wait3A] : memref<8x128xi32, #tpu.memory_space<vmem>> -> memref<1x128xi32, #tpu.memory_space<vmem>>
          %dma_wait3A_77 = tpu.memref_squeeze %dma_wait3A_76 : memref<1x128xi32, #tpu.memory_space<vmem>> -> memref<128xi32, #tpu.memory_space<vmem>>
          %dma_wait3A_78 = arith.constant 0 : i32
          %dma_wait3A_79 = arith.constant 0 : i32
          %dma_wait3A_80 = tpu.memref_slice %arg8[%dma_wait3A_78, %dma_wait3A_79] : memref<10240x128xf32, #tpu.memory_space<vmem_shared>> -> memref<10240x128xf32, #tpu.memory_space<vmem_shared>>
          tpu.wait_indirect_dma semaphore(%run_scoped3A : memref<!tpu.dma_semaphore, #tpu.memory_space<semaphore_mem>>) src(%arg7 : memref<128x128xf32, #tpu.memory_space<vmem>>) dst(%dma_wait3A_80 : memref<10240x128xf32, #tpu.memory_space<vmem_shared>>)
          tpu.yield
        }) : () -> ()
        %scan3A_70 = arith.constant 0 : i32
        scf.yield %scan3A_70 : i32
      }
      %scan3A_66 = arith.constant 8 : i32
      %while3A_67 = arith.constant 0 : i32
      scf.yield %while3A_67 : i32
    }
    %while3A_42 = arith.constant 1 : i32
    %while3A_43 = scf.for %while3A_55 = %while3A_39 to %while3A_35 step %while3A_42 iter_args(%while3A_56 = %while3A_41) -> (i32)  : i32 {
      %mul3A_57 = arith.constant 8 : i32
      %mul3A_58 = arith.muli %while3A_55, %mul3A_57 : i32
      %add3A_59 = arith.addi %add3A, %mul3A_58 : i32
      "tpu.region"() ({
        %run_scoped3A = tpu.sem_alloc : memref<!tpu.dma_semaphore, #tpu.memory_space<semaphore_mem>>
        %dma_start3A = arith.constant 0 : i32
        %dma_start3A_68 = tpu.memref_slice %arg3[%add3A_59, %dma_start3A] : memref<2560x128xi32, #tpu.memory_space<hbm>> -> memref<8x128xi32, #tpu.memory_space<hbm>>
        %dma_start3A_69 = arith.constant 0 : i32
        %dma_start3A_70 = tpu.memref_slice %arg3[%add3A_59, %dma_start3A_69] : memref<2560x128xi32, #tpu.memory_space<hbm>> -> memref<8x128xi32, #tpu.memory_space<hbm>>
        tpu.enqueue_dma source(%dma_start3A_70 : memref<8x128xi32, #tpu.memory_space<hbm>>) target(%arg6 : memref<8x128xi32, #tpu.memory_space<vmem>>) target_semaphore(%run_scoped3A : memref<!tpu.dma_semaphore, #tpu.memory_space<semaphore_mem>>)
        %dma_wait3A = arith.constant 0 : i32
        %dma_wait3A_71 = tpu.memref_slice %arg3[%add3A_59, %dma_wait3A] : memref<2560x128xi32, #tpu.memory_space<hbm>> -> memref<8x128xi32, #tpu.memory_space<hbm>>
        %dma_wait3A_72 = arith.constant 0 : i32
        %dma_wait3A_73 = tpu.memref_slice %arg3[%add3A_59, %dma_wait3A_72] : memref<2560x128xi32, #tpu.memory_space<hbm>> -> memref<8x128xi32, #tpu.memory_space<hbm>>
        tpu.wait_dma2 semaphore(%run_scoped3A : memref<!tpu.dma_semaphore, #tpu.memory_space<semaphore_mem>>) src(%dma_wait3A_73 : memref<8x128xi32, #tpu.memory_space<hbm>>) dst(%arg6 : memref<8x128xi32, #tpu.memory_space<vmem>>)
        tpu.yield
      }) : () -> ()
      %scan3A_60 = arith.constant 0 : i32
      %scan3A_61 = arith.constant 0 : i32
      %scan3A_62 = arith.constant 8 : i32
      %scan3A_63 = arith.addi %scan3A_61, %scan3A_62 : i32
      %scan3A_64 = arith.constant 1 : i32
      %scan3A_65 = scf.for %scan3A_68 = %scan3A_61 to %scan3A_63 step %scan3A_64 iter_args(%scan3A_69 = %scan3A_60) -> (i32)  : i32 {
        "tpu.region"() ({
          %run_scoped3A = tpu.sem_alloc : memref<!tpu.dma_semaphore, #tpu.memory_space<semaphore_mem>>
          %dma_start3A = arith.constant 0 : i32
          %dma_start3A_71 = tpu.memref_slice %arg6[%scan3A_68, %dma_start3A] : memref<8x128xi32, #tpu.memory_space<vmem>> -> memref<1x128xi32, #tpu.memory_space<vmem>>
          %dma_start3A_72 = tpu.memref_squeeze %dma_start3A_71 : memref<1x128xi32, #tpu.memory_space<vmem>> -> memref<128xi32, #tpu.memory_space<vmem>>
          %dma_start3A_73 = arith.constant 0 : i32
          %dma_start3A_74 = arith.constant 0 : i32
          %dma_start3A_75 = tpu.memref_slice %arg8[%dma_start3A_73, %dma_start3A_74] : memref<10240x128xf32, #tpu.memory_space<vmem_shared>> -> memref<10240x128xf32, #tpu.memory_space<vmem_shared>>
          tpu.enqueue_indirect_dma source(%arg7 : memref<128x128xf32, #tpu.memory_space<vmem>>) target(%dma_start3A_75 : memref<10240x128xf32, #tpu.memory_space<vmem_shared>>) offsets(%dma_start3A_72 : memref<128xi32, #tpu.memory_space<vmem>>) semaphore(%run_scoped3A : memref<!tpu.dma_semaphore, #tpu.memory_space<semaphore_mem>>) {add = true}
          %dma_wait3A = arith.constant 0 : i32
          %dma_wait3A_76 = tpu.memref_slice %arg6[%scan3A_68, %dma_wait3A] : memref<8x128xi32, #tpu.memory_space<vmem>> -> memref<1x128xi32, #tpu.memory_space<vmem>>
          %dma_wait3A_77 = tpu.memref_squeeze %dma_wait3A_76 : memref<1x128xi32, #tpu.memory_space<vmem>> -> memref<128xi32, #tpu.memory_space<vmem>>
          %dma_wait3A_78 = arith.constant 0 : i32
          %dma_wait3A_79 = arith.constant 0 : i32
          %dma_wait3A_80 = tpu.memref_slice %arg8[%dma_wait3A_78, %dma_wait3A_79] : memref<10240x128xf32, #tpu.memory_space<vmem_shared>> -> memref<10240x128xf32, #tpu.memory_space<vmem_shared>>
          tpu.wait_indirect_dma semaphore(%run_scoped3A : memref<!tpu.dma_semaphore, #tpu.memory_space<semaphore_mem>>) src(%arg7 : memref<128x128xf32, #tpu.memory_space<vmem>>) dst(%dma_wait3A_80 : memref<10240x128xf32, #tpu.memory_space<vmem_shared>>)
          tpu.yield
        }) : () -> ()
        %scan3A_70 = arith.constant 0 : i32
        scf.yield %scan3A_70 : i32
      }
      %scan3A_66 = arith.constant 8 : i32
      %while3A_67 = arith.constant 0 : i32
      scf.yield %while3A_67 : i32
    }
    %barrier3A_44 = arith.constant 0 : index
    tpu.barrier barrier_id(%barrier3A_44)
    %mul3A_45 = arith.constant 10240 : i32
    %mul3A_46 = arith.muli %arg0, %mul3A_45 : i32
    %add3A_47 = arith.addi %mul3A_46, %mul3A_0 : i32
    %scan3A_48 = arith.constant 0 : i32
    %scan3A_49 = arith.constant 0 : i32
    %scan3A_50 = arith.constant 5 : i32
    %scan3A_51 = arith.addi %scan3A_49, %scan3A_50 : i32
    %scan3A_52 = arith.constant 1 : i32
    %scan3A_53 = scf.for %scan3A_55 = %scan3A_49 to %scan3A_51 step %scan3A_52 iter_args(%scan3A_56 = %scan3A_48) -> (i32)  : i32 {
      %mul3A_57 = arith.constant 128 : i32
      %mul3A_58 = arith.muli %scan3A_55, %mul3A_57 : i32
      %add3A_59 = arith.addi %mul3A_0, %mul3A_58 : i32
      "tpu.region"() ({
        %run_scoped3A = tpu.sem_alloc : memref<!tpu.dma_semaphore, #tpu.memory_space<semaphore_mem>>
        %dma_start3A = arith.constant 0 : i32
        %dma_start3A_64 = tpu.memref_slice %arg8[%add3A_59, %dma_start3A] : memref<10240x128xf32, #tpu.memory_space<vmem_shared>> -> memref<128x128xf32, #tpu.memory_space<vmem_shared>>
        %dma_start3A_65 = arith.constant 0 : i32
        %dma_start3A_66 = tpu.memref_slice %arg8[%add3A_59, %dma_start3A_65] : memref<10240x128xf32, #tpu.memory_space<vmem_shared>> -> memref<128x128xf32, #tpu.memory_space<vmem_shared>>
        tpu.enqueue_dma source(%dma_start3A_66 : memref<128x128xf32, #tpu.memory_space<vmem_shared>>) target(%arg7 : memref<128x128xf32, #tpu.memory_space<vmem>>) target_semaphore(%run_scoped3A : memref<!tpu.dma_semaphore, #tpu.memory_space<semaphore_mem>>)
        %dma_wait3A = arith.constant 0 : i32
        %dma_wait3A_67 = tpu.memref_slice %arg8[%add3A_59, %dma_wait3A] : memref<10240x128xf32, #tpu.memory_space<vmem_shared>> -> memref<128x128xf32, #tpu.memory_space<vmem_shared>>
        %dma_wait3A_68 = arith.constant 0 : i32
        %dma_wait3A_69 = tpu.memref_slice %arg8[%add3A_59, %dma_wait3A_68] : memref<10240x128xf32, #tpu.memory_space<vmem_shared>> -> memref<128x128xf32, #tpu.memory_space<vmem_shared>>
        tpu.wait_dma2 semaphore(%run_scoped3A : memref<!tpu.dma_semaphore, #tpu.memory_space<semaphore_mem>>) src(%dma_wait3A_69 : memref<128x128xf32, #tpu.memory_space<vmem_shared>>) dst(%arg7 : memref<128x128xf32, #tpu.memory_space<vmem>>)
        tpu.yield
      }) : () -> ()
      %mul3A_60 = arith.constant 128 : i32
      %mul3A_61 = arith.muli %scan3A_55, %mul3A_60 : i32
      %add3A_62 = arith.addi %add3A_47, %mul3A_61 : i32
      "tpu.region"() ({
        %run_scoped3A = tpu.sem_alloc : memref<!tpu.dma_semaphore, #tpu.memory_space<semaphore_mem>>
        %dma_start3A = arith.constant 0 : i32
        %dma_start3A_64 = tpu.memref_slice %arg4[%add3A_62, %dma_start3A] : memref<20480x128xf32, #tpu.memory_space<hbm>> -> memref<128x128xf32, #tpu.memory_space<hbm>>
        %dma_start3A_65 = arith.constant 0 : i32
        %dma_start3A_66 = tpu.memref_slice %arg4[%add3A_62, %dma_start3A_65] : memref<20480x128xf32, #tpu.memory_space<hbm>> -> memref<128x128xf32, #tpu.memory_space<hbm>>
        tpu.enqueue_dma source(%arg7 : memref<128x128xf32, #tpu.memory_space<vmem>>) target(%dma_start3A_66 : memref<128x128xf32, #tpu.memory_space<hbm>>) target_semaphore(%run_scoped3A : memref<!tpu.dma_semaphore, #tpu.memory_space<semaphore_mem>>)
        %dma_wait3A = arith.constant 0 : i32
        %dma_wait3A_67 = tpu.memref_slice %arg4[%add3A_62, %dma_wait3A] : memref<20480x128xf32, #tpu.memory_space<hbm>> -> memref<128x128xf32, #tpu.memory_space<hbm>>
        %dma_wait3A_68 = arith.constant 0 : i32
        %dma_wait3A_69 = tpu.memref_slice %arg4[%add3A_62, %dma_wait3A_68] : memref<20480x128xf32, #tpu.memory_space<hbm>> -> memref<128x128xf32, #tpu.memory_space<hbm>>
        tpu.wait_dma2 semaphore(%run_scoped3A : memref<!tpu.dma_semaphore, #tpu.memory_space<semaphore_mem>>) src(%arg7 : memref<128x128xf32, #tpu.memory_space<vmem>>) dst(%dma_wait3A_69 : memref<128x128xf32, #tpu.memory_space<hbm>>)
        tpu.yield
      }) : () -> ()
      %scan3A_63 = arith.constant 0 : i32
      scf.yield %scan3A_63 : i32
    }
    %scan3A_54 = arith.constant 5 : i32
    return
  }
}

#map = affine_map<(d0, d1) -> (0, 0)>
module attributes {stable_mosaic.version = 14 : i64} {
  func.func @_sc_body(%arg0: i32, %arg1: i32, %arg2: memref<10240x128xf32, #tpu.memory_space<hbm>>, %arg3: memref<2560x128xi32, #tpu.memory_space<hbm>>, %arg4: memref<2560x128xi32, #tpu.memory_space<hbm>>, %arg5: memref<20480x128xf32, #tpu.memory_space<hbm>>, %arg6: memref<8x128xi32, #tpu.memory_space<vmem>>, %arg7: memref<8x128xi32, #tpu.memory_space<vmem>>, %arg8: memref<128x128xf32, #tpu.memory_space<vmem>>, %arg9: memref<128x128xf32, #tpu.memory_space<vmem>>, %arg10: memref<10240x128xf32, #tpu.memory_space<vmem_shared>>, %arg11: memref<!tpu.dma_semaphore, #tpu.memory_space<semaphore_mem>>, %arg12: memref<!tpu.dma_semaphore, #tpu.memory_space<semaphore_mem>>) attributes {dimension_semantics = [#tpu.dimension_semantics<core_parallel>, #tpu.dimension_semantics<subcore_parallel>], iteration_bounds = array<i64: 2, 16>, scalar_prefetch = 0 : i64, scratch_operands = 7 : i64, tpu.core_type = #tpu.core_type<sc_vector_subcore>, window_params = [{transform_indices = #map}, {transform_indices = #map}, {transform_indices = #map}, {transform_indices = #map}]} {
    %mul3A = arith.constant 640 : i32
    %mul3A_0 = arith.muli %arg1, %mul3A : i32
    %mul3A_1 = arith.constant 160 : i32
    %mul3A_2 = arith.muli %arg1, %mul3A_1 : i32
    %eq3A = arith.constant 0 : i32
    %eq3A_3 = arith.cmpi eq, %arg0, %eq3A : i32
    %jit3A = arith.constant 0 : i32
    %jit3A_4 = arith.constant 120 : i32
    %select_n3A = arith.select %eq3A_3, %jit3A, %jit3A_4 : i32
    %add3A = arith.addi %mul3A_2, %select_n3A : i32
    %eq3A_5 = arith.constant 0 : i32
    %eq3A_6 = arith.cmpi eq, %arg0, %eq3A_5 : i32
    %jit3A_7 = arith.constant 15 : i32
    %jit3A_8 = arith.constant 5 : i32
    %select_n3A_9 = arith.select %eq3A_6, %jit3A_7, %jit3A_8 : i32
    %broadcast_in_dim3A = arith.constant 0.000000e+00 : f32
    %broadcast_in_dim3A_10 = vector.broadcast %broadcast_in_dim3A : f32 to vector<16xf32>
    %scan3A = arith.constant 0 : i32
    %scan3A_11 = arith.constant 0 : i32
    %scan3A_12 = arith.constant 1024 : i32
    %scan3A_13 = arith.addi %scan3A_11, %scan3A_12 : i32
    %scan3A_14 = arith.constant 1 : i32
    %scan3A_15 = scf.for %scan3A_46 = %scan3A_11 to %scan3A_13 step %scan3A_14 iter_args(%scan3A_47 = %scan3A) -> (i32)  : i32 {
      %jit3A_48 = arith.constant 8 : i32
      %div3A = arith.divsi %scan3A_46, %jit3A_48 : i32
      %sign3A = arith.constant 0 : i32
      %sign3A_49 = arith.cmpi sgt, %scan3A_46, %sign3A : i32
      %sign3A_50 = arith.extui %sign3A_49 : i1 to i32
      %sign3A_51 = arith.constant 0 : i32
      %sign3A_52 = arith.cmpi slt, %scan3A_46, %sign3A_51 : i32
      %sign3A_53 = arith.extui %sign3A_52 : i1 to i32
      %sign3A_54 = arith.subi %sign3A_50, %sign3A_53 : i32
      %sign3A_55 = arith.constant 0 : i32
      %sign3A_56 = arith.cmpi sgt, %jit3A_48, %sign3A_55 : i32
      %sign3A_57 = arith.extui %sign3A_56 : i1 to i32
      %sign3A_58 = arith.constant 0 : i32
      %sign3A_59 = arith.cmpi slt, %jit3A_48, %sign3A_58 : i32
      %sign3A_60 = arith.extui %sign3A_59 : i1 to i32
      %sign3A_61 = arith.subi %sign3A_57, %sign3A_60 : i32
      %ne3A = arith.cmpi ne, %sign3A_54, %sign3A_61 : i32
      %rem3A = arith.remsi %scan3A_46, %jit3A_48 : i32
      %ne3A_62 = arith.constant 0 : i32
      %ne3A_63 = arith.cmpi ne, %rem3A, %ne3A_62 : i32
      %and3A = arith.andi %ne3A, %ne3A_63 : i1
      %sub3A = arith.constant 1 : i32
      %sub3A_64 = arith.subi %div3A, %sub3A : i32
      %select_n3A_65 = arith.select %and3A, %sub3A_64, %div3A : i32
      %jit3A_66 = arith.constant 8 : i32
      %eq3A_67 = arith.constant 0 : i32
      %eq3A_68 = arith.cmpi eq, %jit3A_66, %eq3A_67 : i32
      %jit3A_69 = arith.constant 1 : i32
      %select_n3A_70 = arith.select %eq3A_68, %jit3A_69, %jit3A_66 : i32
      %rem3A_71 = arith.remsi %scan3A_46, %select_n3A_70 : i32
      %ne3A_72 = arith.constant 0 : i32
      %ne3A_73 = arith.cmpi ne, %rem3A_71, %ne3A_72 : i32
      %lt3A = arith.constant 0 : i32
      %lt3A_74 = arith.cmpi slt, %rem3A_71, %lt3A : i32
      %lt3A_75 = arith.constant 0 : i32
      %lt3A_76 = arith.cmpi slt, %select_n3A_70, %lt3A_75 : i32
      %ne3A_77 = arith.xori %lt3A_74, %lt3A_76 : i1
      %and3A_78 = arith.andi %ne3A_77, %ne3A_73 : i1
      %add3A_79 = arith.addi %rem3A_71, %select_n3A_70 : i32
      %select_n3A_80 = arith.select %and3A_78, %add3A_79, %rem3A_71 : i32
      %mul3A_81 = arith.constant 16 : i32
      %mul3A_82 = arith.muli %select_n3A_80, %mul3A_81 : i32
      %swap3A = arith.index_cast %select_n3A_65 : i32 to index
      %swap3A_83 = arith.index_cast %mul3A_82 : i32 to index
      %swap3A_84 = tpu.vector_load %arg8[%swap3A, %swap3A_83] {strides = array<i32>} : memref<128x128xf32, #tpu.memory_space<vmem>>, vector<1x16xf32>,
      %swap3A_85 = vector.shape_cast %swap3A_84 : vector<1x16xf32> to vector<16xf32>
      %swap3A_86 = vector.shape_cast %broadcast_in_dim3A_10 : vector<16xf32> to vector<1x16xf32>
      tpu.vector_store %arg8[%swap3A, %swap3A_83], %swap3A_86 {strides = array<i32>} : memref<128x128xf32, #tpu.memory_space<vmem>>, vector<1x16xf32>,
      %scan3A_87 = arith.constant 0 : i32
      scf.yield %scan3A_87 : i32
    }
    %scan3A_16 = arith.constant 1024 : i32
    %scan3A_17 = arith.constant 0 : i32
    %scan3A_18 = arith.constant 0 : i32
    %scan3A_19 = arith.constant 5 : i32
    %scan3A_20 = arith.addi %scan3A_18, %scan3A_19 : i32
    %scan3A_21 = arith.constant 1 : i32
    %scan3A_22 = scf.for %scan3A_46 = %scan3A_18 to %scan3A_20 step %scan3A_21 iter_args(%scan3A_47 = %scan3A_17) -> (i32)  : i32 {
      %mul3A_48 = arith.constant 128 : i32
      %mul3A_49 = arith.muli %scan3A_46, %mul3A_48 : i32
      %add3A_50 = arith.addi %mul3A_0, %mul3A_49 : i32
      "tpu.region"() ({
        %run_scoped3A = tpu.sem_alloc : memref<!tpu.dma_semaphore, #tpu.memory_space<semaphore_mem>>
        %dma_start3A = arith.constant 0 : i32
        %dma_start3A_52 = tpu.memref_slice %arg10[%add3A_50, %dma_start3A] : memref<10240x128xf32, #tpu.memory_space<vmem_shared>> -> memref<128x128xf32, #tpu.memory_space<vmem_shared>>
        %dma_start3A_53 = arith.constant 0 : i32
        %dma_start3A_54 = tpu.memref_slice %arg10[%add3A_50, %dma_start3A_53] : memref<10240x128xf32, #tpu.memory_space<vmem_shared>> -> memref<128x128xf32, #tpu.memory_space<vmem_shared>>
        tpu.enqueue_dma source(%arg8 : memref<128x128xf32, #tpu.memory_space<vmem>>) target(%dma_start3A_54 : memref<128x128xf32, #tpu.memory_space<vmem_shared>>) target_semaphore(%run_scoped3A : memref<!tpu.dma_semaphore, #tpu.memory_space<semaphore_mem>>)
        %dma_wait3A = arith.constant 0 : i32
        %dma_wait3A_55 = tpu.memref_slice %arg10[%add3A_50, %dma_wait3A] : memref<10240x128xf32, #tpu.memory_space<vmem_shared>> -> memref<128x128xf32, #tpu.memory_space<vmem_shared>>
        %dma_wait3A_56 = arith.constant 0 : i32
        %dma_wait3A_57 = tpu.memref_slice %arg10[%add3A_50, %dma_wait3A_56] : memref<10240x128xf32, #tpu.memory_space<vmem_shared>> -> memref<128x128xf32, #tpu.memory_space<vmem_shared>>
        tpu.wait_dma2 semaphore(%run_scoped3A : memref<!tpu.dma_semaphore, #tpu.memory_space<semaphore_mem>>) src(%arg8 : memref<128x128xf32, #tpu.memory_space<vmem>>) dst(%dma_wait3A_57 : memref<128x128xf32, #tpu.memory_space<vmem_shared>>)
        tpu.yield
      }) : () -> ()
      %scan3A_51 = arith.constant 0 : i32
      scf.yield %scan3A_51 : i32
    }
    %scan3A_23 = arith.constant 5 : i32
    %barrier3A = arith.constant 0 : index
    tpu.barrier barrier_id(%barrier3A)
    %while3A = arith.constant 0 : i32
    %while3A_24 = arith.constant 0 : i32
    %while3A_25 = arith.subi %select_n3A_9, %while3A : i32
    %while3A_26 = arith.addi %while3A, %while3A_25 : i32
    %while3A_27 = arith.constant 1 : i32
    %while3A_28 = arith.divsi %while3A_25, %while3A_27 : i32
    %while3A_29 = arith.muli %while3A_28, %while3A_27 : i32
    %while3A_30 = arith.addi %while3A, %while3A_29 : i32
    %while3A_31 = arith.constant 1 : i32
    %while3A_32 = scf.for %while3A_46 = %while3A to %while3A_30 step %while3A_31 iter_args(%while3A_47 = %while3A_24) -> (i32)  : i32 {
      %mul3A_48 = arith.constant 8 : i32
      %mul3A_49 = arith.muli %while3A_46, %mul3A_48 : i32
      %add3A_50 = arith.addi %add3A, %mul3A_49 : i32
      "tpu.region"() ({
        %run_scoped3A_169 = tpu.sem_alloc : memref<!tpu.dma_semaphore, #tpu.memory_space<semaphore_mem>>
        %dma_start3A_170 = arith.constant 0 : i32
        %dma_start3A_171 = tpu.memref_slice %arg3[%add3A_50, %dma_start3A_170] : memref<2560x128xi32, #tpu.memory_space<hbm>> -> memref<8x128xi32, #tpu.memory_space<hbm>>
        %dma_start3A_172 = arith.constant 0 : i32
        %dma_start3A_173 = tpu.memref_slice %arg3[%add3A_50, %dma_start3A_172] : memref<2560x128xi32, #tpu.memory_space<hbm>> -> memref<8x128xi32, #tpu.memory_space<hbm>>
        tpu.enqueue_dma source(%dma_start3A_173 : memref<8x128xi32, #tpu.memory_space<hbm>>) target(%arg6 : memref<8x128xi32, #tpu.memory_space<vmem>>) target_semaphore(%run_scoped3A_169 : memref<!tpu.dma_semaphore, #tpu.memory_space<semaphore_mem>>)
        %dma_wait3A_174 = arith.constant 0 : i32
        %dma_wait3A_175 = tpu.memref_slice %arg3[%add3A_50, %dma_wait3A_174] : memref<2560x128xi32, #tpu.memory_space<hbm>> -> memref<8x128xi32, #tpu.memory_space<hbm>>
        %dma_wait3A_176 = arith.constant 0 : i32
        %dma_wait3A_177 = tpu.memref_slice %arg3[%add3A_50, %dma_wait3A_176] : memref<2560x128xi32, #tpu.memory_space<hbm>> -> memref<8x128xi32, #tpu.memory_space<hbm>>
        tpu.wait_dma2 semaphore(%run_scoped3A_169 : memref<!tpu.dma_semaphore, #tpu.memory_space<semaphore_mem>>) src(%dma_wait3A_177 : memref<8x128xi32, #tpu.memory_space<hbm>>) dst(%arg6 : memref<8x128xi32, #tpu.memory_space<vmem>>)
        tpu.yield
      }) : () -> ()
      "tpu.region"() ({
        %run_scoped3A_169 = tpu.sem_alloc : memref<!tpu.dma_semaphore, #tpu.memory_space<semaphore_mem>>
        %dma_start3A_170 = arith.constant 0 : i32
        %dma_start3A_171 = tpu.memref_slice %arg4[%add3A_50, %dma_start3A_170] : memref<2560x128xi32, #tpu.memory_space<hbm>> -> memref<8x128xi32, #tpu.memory_space<hbm>>
        %dma_start3A_172 = arith.constant 0 : i32
        %dma_start3A_173 = tpu.memref_slice %arg4[%add3A_50, %dma_start3A_172] : memref<2560x128xi32, #tpu.memory_space<hbm>> -> memref<8x128xi32, #tpu.memory_space<hbm>>
        tpu.enqueue_dma source(%dma_start3A_173 : memref<8x128xi32, #tpu.memory_space<hbm>>) target(%arg7 : memref<8x128xi32, #tpu.memory_space<vmem>>) target_semaphore(%run_scoped3A_169 : memref<!tpu.dma_semaphore, #tpu.memory_space<semaphore_mem>>)
        %dma_wait3A_174 = arith.constant 0 : i32
        %dma_wait3A_175 = tpu.memref_slice %arg4[%add3A_50, %dma_wait3A_174] : memref<2560x128xi32, #tpu.memory_space<hbm>> -> memref<8x128xi32, #tpu.memory_space<hbm>>
        %dma_wait3A_176 = arith.constant 0 : i32
        %dma_wait3A_177 = tpu.memref_slice %arg4[%add3A_50, %dma_wait3A_176] : memref<2560x128xi32, #tpu.memory_space<hbm>> -> memref<8x128xi32, #tpu.memory_space<hbm>>
        tpu.wait_dma2 semaphore(%run_scoped3A_169 : memref<!tpu.dma_semaphore, #tpu.memory_space<semaphore_mem>>) src(%dma_wait3A_177 : memref<8x128xi32, #tpu.memory_space<hbm>>) dst(%arg7 : memref<8x128xi32, #tpu.memory_space<vmem>>)
        tpu.yield
      }) : () -> ()
      %dma_start3A = arith.constant 0 : i32
      %dma_start3A_51 = arith.constant 0 : i32
      %dma_start3A_52 = tpu.memref_slice %arg6[%dma_start3A, %dma_start3A_51] : memref<8x128xi32, #tpu.memory_space<vmem>> -> memref<1x128xi32, #tpu.memory_space<vmem>>
      %dma_start3A_53 = tpu.memref_squeeze %dma_start3A_52 : memref<1x128xi32, #tpu.memory_space<vmem>> -> memref<128xi32, #tpu.memory_space<vmem>>
      %dma_start3A_54 = arith.constant 0 : i32
      %dma_start3A_55 = arith.constant 0 : i32
      %dma_start3A_56 = tpu.memref_slice %arg2[%dma_start3A_54, %dma_start3A_55] : memref<10240x128xf32, #tpu.memory_space<hbm>> -> memref<10240x128xf32, #tpu.memory_space<hbm>>
      tpu.enqueue_indirect_dma source(%dma_start3A_56 : memref<10240x128xf32, #tpu.memory_space<hbm>>) target(%arg8 : memref<128x128xf32, #tpu.memory_space<vmem>>) offsets(%dma_start3A_53 : memref<128xi32, #tpu.memory_space<vmem>>) semaphore(%arg11 : memref<!tpu.dma_semaphore, #tpu.memory_space<semaphore_mem>>)
      %dma_wait3A = arith.constant 0 : i32
      %dma_wait3A_57 = arith.constant 0 : i32
      %dma_wait3A_58 = tpu.memref_slice %arg6[%dma_wait3A, %dma_wait3A_57] : memref<8x128xi32, #tpu.memory_space<vmem>> -> memref<1x128xi32, #tpu.memory_space<vmem>>
      %dma_wait3A_59 = tpu.memref_squeeze %dma_wait3A_58 : memref<1x128xi32, #tpu.memory_space<vmem>> -> memref<128xi32, #tpu.memory_space<vmem>>
      %dma_wait3A_60 = arith.constant 0 : i32
      %dma_wait3A_61 = arith.constant 0 : i32
      %dma_wait3A_62 = tpu.memref_slice %arg2[%dma_wait3A_60, %dma_wait3A_61] : memref<10240x128xf32, #tpu.memory_space<hbm>> -> memref<10240x128xf32, #tpu.memory_space<hbm>>
      tpu.wait_indirect_dma semaphore(%arg11 : memref<!tpu.dma_semaphore, #tpu.memory_space<semaphore_mem>>) src(%dma_wait3A_62 : memref<10240x128xf32, #tpu.memory_space<hbm>>) dst(%arg8 : memref<128x128xf32, #tpu.memory_space<vmem>>)
      %dma_start3A_63 = arith.constant 1 : i32
      %dma_start3A_64 = arith.constant 0 : i32
      %dma_start3A_65 = tpu.memref_slice %arg6[%dma_start3A_63, %dma_start3A_64] : memref<8x128xi32, #tpu.memory_space<vmem>> -> memref<1x128xi32, #tpu.memory_space<vmem>>
      %dma_start3A_66 = tpu.memref_squeeze %dma_start3A_65 : memref<1x128xi32, #tpu.memory_space<vmem>> -> memref<128xi32, #tpu.memory_space<vmem>>
      %dma_start3A_67 = arith.constant 0 : i32
      %dma_start3A_68 = arith.constant 0 : i32
      %dma_start3A_69 = tpu.memref_slice %arg2[%dma_start3A_67, %dma_start3A_68] : memref<10240x128xf32, #tpu.memory_space<hbm>> -> memref<10240x128xf32, #tpu.memory_space<hbm>>
      tpu.enqueue_indirect_dma source(%dma_start3A_69 : memref<10240x128xf32, #tpu.memory_space<hbm>>) target(%arg9 : memref<128x128xf32, #tpu.memory_space<vmem>>) offsets(%dma_start3A_66 : memref<128xi32, #tpu.memory_space<vmem>>) semaphore(%arg12 : memref<!tpu.dma_semaphore, #tpu.memory_space<semaphore_mem>>)
      %run_scoped3A = arith.constant 0 : i32
      "tpu.region"() ({
        %run_scoped3A_169 = tpu.sem_alloc : memref<!tpu.dma_semaphore, #tpu.memory_space<semaphore_mem>>
        %dma_start3A_170 = arith.constant 0 : i32
        %dma_start3A_171 = tpu.memref_slice %arg7[%run_scoped3A, %dma_start3A_170] : memref<8x128xi32, #tpu.memory_space<vmem>> -> memref<1x128xi32, #tpu.memory_space<vmem>>
        %dma_start3A_172 = tpu.memref_squeeze %dma_start3A_171 : memref<1x128xi32, #tpu.memory_space<vmem>> -> memref<128xi32, #tpu.memory_space<vmem>>
        %dma_start3A_173 = arith.constant 0 : i32
        %dma_start3A_174 = arith.constant 0 : i32
        %dma_start3A_175 = tpu.memref_slice %arg10[%dma_start3A_173, %dma_start3A_174] : memref<10240x128xf32, #tpu.memory_space<vmem_shared>> -> memref<10240x128xf32, #tpu.memory_space<vmem_shared>>
        tpu.enqueue_indirect_dma source(%arg8 : memref<128x128xf32, #tpu.memory_space<vmem>>) target(%dma_start3A_175 : memref<10240x128xf32, #tpu.memory_space<vmem_shared>>) offsets(%dma_start3A_172 : memref<128xi32, #tpu.memory_space<vmem>>) semaphore(%run_scoped3A_169 : memref<!tpu.dma_semaphore, #tpu.memory_space<semaphore_mem>>) {add = true}
        %dma_wait3A_176 = arith.constant 0 : i32
        %dma_wait3A_177 = tpu.memref_slice %arg7[%run_scoped3A, %dma_wait3A_176] : memref<8x128xi32, #tpu.memory_space<vmem>> -> memref<1x128xi32, #tpu.memory_space<vmem>>
        %dma_wait3A_178 = tpu.memref_squeeze %dma_wait3A_177 : memref<1x128xi32, #tpu.memory_space<vmem>> -> memref<128xi32, #tpu.memory_space<vmem>>
        %dma_wait3A_179 = arith.constant 0 : i32
        %dma_wait3A_180 = arith.constant 0 : i32
        %dma_wait3A_181 = tpu.memref_slice %arg10[%dma_wait3A_179, %dma_wait3A_180] : memref<10240x128xf32, #tpu.memory_space<vmem_shared>> -> memref<10240x128xf32, #tpu.memory_space<vmem_shared>>
        tpu.wait_indirect_dma semaphore(%run_scoped3A_169 : memref<!tpu.dma_semaphore, #tpu.memory_space<semaphore_mem>>) src(%arg8 : memref<128x128xf32, #tpu.memory_space<vmem>>) dst(%dma_wait3A_181 : memref<10240x128xf32, #tpu.memory_space<vmem_shared>>)
        tpu.yield
      }) : () -> ()
      %dma_wait3A_70 = arith.constant 1 : i32
      %dma_wait3A_71 = arith.constant 0 : i32
      %dma_wait3A_72 = tpu.memref_slice %arg6[%dma_wait3A_70, %dma_wait3A_71] : memref<8x128xi32, #tpu.memory_space<vmem>> -> memref<1x128xi32, #tpu.memory_space<vmem>>
      %dma_wait3A_73 = tpu.memref_squeeze %dma_wait3A_72 : memref<1x128xi32, #tpu.memory_space<vmem>> -> memref<128xi32, #tpu.memory_space<vmem>>
      %dma_wait3A_74 = arith.constant 0 : i32
      %dma_wait3A_75 = arith.constant 0 : i32
      %dma_wait3A_76 = tpu.memref_slice %arg2[%dma_wait3A_74, %dma_wait3A_75] : memref<10240x128xf32, #tpu.memory_space<hbm>> -> memref<10240x128xf32, #tpu.memory_space<hbm>>
      tpu.wait_indirect_dma semaphore(%arg12 : memref<!tpu.dma_semaphore, #tpu.memory_space<semaphore_mem>>) src(%dma_wait3A_76 : memref<10240x128xf32, #tpu.memory_space<hbm>>) dst(%arg9 : memref<128x128xf32, #tpu.memory_space<vmem>>)
      %dma_start3A_77 = arith.constant 2 : i32
      %dma_start3A_78 = arith.constant 0 : i32
      %dma_start3A_79 = tpu.memref_slice %arg6[%dma_start3A_77, %dma_start3A_78] : memref<8x128xi32, #tpu.memory_space<vmem>> -> memref<1x128xi32, #tpu.memory_space<vmem>>
      %dma_start3A_80 = tpu.memref_squeeze %dma_start3A_79 : memref<1x128xi32, #tpu.memory_space<vmem>> -> memref<128xi32, #tpu.memory_space<vmem>>
      %dma_start3A_81 = arith.constant 0 : i32
      %dma_start3A_82 = arith.constant 0 : i32
      %dma_start3A_83 = tpu.memref_slice %arg2[%dma_start3A_81, %dma_start3A_82] : memref<10240x128xf32, #tpu.memory_space<hbm>> -> memref<10240x128xf32, #tpu.memory_space<hbm>>
      tpu.enqueue_indirect_dma source(%dma_start3A_83 : memref<10240x128xf32, #tpu.memory_space<hbm>>) target(%arg8 : memref<128x128xf32, #tpu.memory_space<vmem>>) offsets(%dma_start3A_80 : memref<128xi32, #tpu.memory_space<vmem>>) semaphore(%arg11 : memref<!tpu.dma_semaphore, #tpu.memory_space<semaphore_mem>>)
      %run_scoped3A_84 = arith.constant 1 : i32
      "tpu.region"() ({
        %run_scoped3A_169 = tpu.sem_alloc : memref<!tpu.dma_semaphore, #tpu.memory_space<semaphore_mem>>
        %dma_start3A_170 = arith.constant 0 : i32
        %dma_start3A_171 = tpu.memref_slice %arg7[%run_scoped3A_84, %dma_start3A_170] : memref<8x128xi32, #tpu.memory_space<vmem>> -> memref<1x128xi32, #tpu.memory_space<vmem>>
        %dma_start3A_172 = tpu.memref_squeeze %dma_start3A_171 : memref<1x128xi32, #tpu.memory_space<vmem>> -> memref<128xi32, #tpu.memory_space<vmem>>
        %dma_start3A_173 = arith.constant 0 : i32
        %dma_start3A_174 = arith.constant 0 : i32
        %dma_start3A_175 = tpu.memref_slice %arg10[%dma_start3A_173, %dma_start3A_174] : memref<10240x128xf32, #tpu.memory_space<vmem_shared>> -> memref<10240x128xf32, #tpu.memory_space<vmem_shared>>
        tpu.enqueue_indirect_dma source(%arg9 : memref<128x128xf32, #tpu.memory_space<vmem>>) target(%dma_start3A_175 : memref<10240x128xf32, #tpu.memory_space<vmem_shared>>) offsets(%dma_start3A_172 : memref<128xi32, #tpu.memory_space<vmem>>) semaphore(%run_scoped3A_169 : memref<!tpu.dma_semaphore, #tpu.memory_space<semaphore_mem>>) {add = true}
        %dma_wait3A_176 = arith.constant 0 : i32
        %dma_wait3A_177 = tpu.memref_slice %arg7[%run_scoped3A_84, %dma_wait3A_176] : memref<8x128xi32, #tpu.memory_space<vmem>> -> memref<1x128xi32, #tpu.memory_space<vmem>>
        %dma_wait3A_178 = tpu.memref_squeeze %dma_wait3A_177 : memref<1x128xi32, #tpu.memory_space<vmem>> -> memref<128xi32, #tpu.memory_space<vmem>>
        %dma_wait3A_179 = arith.constant 0 : i32
        %dma_wait3A_180 = arith.constant 0 : i32
        %dma_wait3A_181 = tpu.memref_slice %arg10[%dma_wait3A_179, %dma_wait3A_180] : memref<10240x128xf32, #tpu.memory_space<vmem_shared>> -> memref<10240x128xf32, #tpu.memory_space<vmem_shared>>
        tpu.wait_indirect_dma semaphore(%run_scoped3A_169 : memref<!tpu.dma_semaphore, #tpu.memory_space<semaphore_mem>>) src(%arg9 : memref<128x128xf32, #tpu.memory_space<vmem>>) dst(%dma_wait3A_181 : memref<10240x128xf32, #tpu.memory_space<vmem_shared>>)
        tpu.yield
      }) : () -> ()
      %dma_wait3A_85 = arith.constant 2 : i32
      %dma_wait3A_86 = arith.constant 0 : i32
      %dma_wait3A_87 = tpu.memref_slice %arg6[%dma_wait3A_85, %dma_wait3A_86] : memref<8x128xi32, #tpu.memory_space<vmem>> -> memref<1x128xi32, #tpu.memory_space<vmem>>
      %dma_wait3A_88 = tpu.memref_squeeze %dma_wait3A_87 : memref<1x128xi32, #tpu.memory_space<vmem>> -> memref<128xi32, #tpu.memory_space<vmem>>
      %dma_wait3A_89 = arith.constant 0 : i32
      %dma_wait3A_90 = arith.constant 0 : i32
      %dma_wait3A_91 = tpu.memref_slice %arg2[%dma_wait3A_89, %dma_wait3A_90] : memref<10240x128xf32, #tpu.memory_space<hbm>> -> memref<10240x128xf32, #tpu.memory_space<hbm>>
      tpu.wait_indirect_dma semaphore(%arg11 : memref<!tpu.dma_semaphore, #tpu.memory_space<semaphore_mem>>) src(%dma_wait3A_91 : memref<10240x128xf32, #tpu.memory_space<hbm>>) dst(%arg8 : memref<128x128xf32, #tpu.memory_space<vmem>>)
      %dma_start3A_92 = arith.constant 3 : i32
      %dma_start3A_93 = arith.constant 0 : i32
      %dma_start3A_94 = tpu.memref_slice %arg6[%dma_start3A_92, %dma_start3A_93] : memref<8x128xi32, #tpu.memory_space<vmem>> -> memref<1x128xi32, #tpu.memory_space<vmem>>
      %dma_start3A_95 = tpu.memref_squeeze %dma_start3A_94 : memref<1x128xi32, #tpu.memory_space<vmem>> -> memref<128xi32, #tpu.memory_space<vmem>>
      %dma_start3A_96 = arith.constant 0 : i32
      %dma_start3A_97 = arith.constant 0 : i32
      %dma_start3A_98 = tpu.memref_slice %arg2[%dma_start3A_96, %dma_start3A_97] : memref<10240x128xf32, #tpu.memory_space<hbm>> -> memref<10240x128xf32, #tpu.memory_space<hbm>>
      tpu.enqueue_indirect_dma source(%dma_start3A_98 : memref<10240x128xf32, #tpu.memory_space<hbm>>) target(%arg9 : memref<128x128xf32, #tpu.memory_space<vmem>>) offsets(%dma_start3A_95 : memref<128xi32, #tpu.memory_space<vmem>>) semaphore(%arg12 : memref<!tpu.dma_semaphore, #tpu.memory_space<semaphore_mem>>)
      %run_scoped3A_99 = arith.constant 2 : i32
      "tpu.region"() ({
        %run_scoped3A_169 = tpu.sem_alloc : memref<!tpu.dma_semaphore, #tpu.memory_space<semaphore_mem>>
        %dma_start3A_170 = arith.constant 0 : i32
        %dma_start3A_171 = tpu.memref_slice %arg7[%run_scoped3A_99, %dma_start3A_170] : memref<8x128xi32, #tpu.memory_space<vmem>> -> memref<1x128xi32, #tpu.memory_space<vmem>>
        %dma_start3A_172 = tpu.memref_squeeze %dma_start3A_171 : memref<1x128xi32, #tpu.memory_space<vmem>> -> memref<128xi32, #tpu.memory_space<vmem>>
        %dma_start3A_173 = arith.constant 0 : i32
        %dma_start3A_174 = arith.constant 0 : i32
        %dma_start3A_175 = tpu.memref_slice %arg10[%dma_start3A_173, %dma_start3A_174] : memref<10240x128xf32, #tpu.memory_space<vmem_shared>> -> memref<10240x128xf32, #tpu.memory_space<vmem_shared>>
        tpu.enqueue_indirect_dma source(%arg8 : memref<128x128xf32, #tpu.memory_space<vmem>>) target(%dma_start3A_175 : memref<10240x128xf32, #tpu.memory_space<vmem_shared>>) offsets(%dma_start3A_172 : memref<128xi32, #tpu.memory_space<vmem>>) semaphore(%run_scoped3A_169 : memref<!tpu.dma_semaphore, #tpu.memory_space<semaphore_mem>>) {add = true}
        %dma_wait3A_176 = arith.constant 0 : i32
        %dma_wait3A_177 = tpu.memref_slice %arg7[%run_scoped3A_99, %dma_wait3A_176] : memref<8x128xi32, #tpu.memory_space<vmem>> -> memref<1x128xi32, #tpu.memory_space<vmem>>
        %dma_wait3A_178 = tpu.memref_squeeze %dma_wait3A_177 : memref<1x128xi32, #tpu.memory_space<vmem>> -> memref<128xi32, #tpu.memory_space<vmem>>
        %dma_wait3A_179 = arith.constant 0 : i32
        %dma_wait3A_180 = arith.constant 0 : i32
        %dma_wait3A_181 = tpu.memref_slice %arg10[%dma_wait3A_179, %dma_wait3A_180] : memref<10240x128xf32, #tpu.memory_space<vmem_shared>> -> memref<10240x128xf32, #tpu.memory_space<vmem_shared>>
        tpu.wait_indirect_dma semaphore(%run_scoped3A_169 : memref<!tpu.dma_semaphore, #tpu.memory_space<semaphore_mem>>) src(%arg8 : memref<128x128xf32, #tpu.memory_space<vmem>>) dst(%dma_wait3A_181 : memref<10240x128xf32, #tpu.memory_space<vmem_shared>>)
        tpu.yield
      }) : () -> ()
      %dma_wait3A_100 = arith.constant 3 : i32
      %dma_wait3A_101 = arith.constant 0 : i32
      %dma_wait3A_102 = tpu.memref_slice %arg6[%dma_wait3A_100, %dma_wait3A_101] : memref<8x128xi32, #tpu.memory_space<vmem>> -> memref<1x128xi32, #tpu.memory_space<vmem>>
      %dma_wait3A_103 = tpu.memref_squeeze %dma_wait3A_102 : memref<1x128xi32, #tpu.memory_space<vmem>> -> memref<128xi32, #tpu.memory_space<vmem>>
      %dma_wait3A_104 = arith.constant 0 : i32
      %dma_wait3A_105 = arith.constant 0 : i32
      %dma_wait3A_106 = tpu.memref_slice %arg2[%dma_wait3A_104, %dma_wait3A_105] : memref<10240x128xf32, #tpu.memory_space<hbm>> -> memref<10240x128xf32, #tpu.memory_space<hbm>>
      tpu.wait_indirect_dma semaphore(%arg12 : memref<!tpu.dma_semaphore, #tpu.memory_space<semaphore_mem>>) src(%dma_wait3A_106 : memref<10240x128xf32, #tpu.memory_space<hbm>>) dst(%arg9 : memref<128x128xf32, #tpu.memory_space<vmem>>)
      %dma_start3A_107 = arith.constant 4 : i32
      %dma_start3A_108 = arith.constant 0 : i32
      %dma_start3A_109 = tpu.memref_slice %arg6[%dma_start3A_107, %dma_start3A_108] : memref<8x128xi32, #tpu.memory_space<vmem>> -> memref<1x128xi32, #tpu.memory_space<vmem>>
      %dma_start3A_110 = tpu.memref_squeeze %dma_start3A_109 : memref<1x128xi32, #tpu.memory_space<vmem>> -> memref<128xi32, #tpu.memory_space<vmem>>
      %dma_start3A_111 = arith.constant 0 : i32
      %dma_start3A_112 = arith.constant 0 : i32
      %dma_start3A_113 = tpu.memref_slice %arg2[%dma_start3A_111, %dma_start3A_112] : memref<10240x128xf32, #tpu.memory_space<hbm>> -> memref<10240x128xf32, #tpu.memory_space<hbm>>
      tpu.enqueue_indirect_dma source(%dma_start3A_113 : memref<10240x128xf32, #tpu.memory_space<hbm>>) target(%arg8 : memref<128x128xf32, #tpu.memory_space<vmem>>) offsets(%dma_start3A_110 : memref<128xi32, #tpu.memory_space<vmem>>) semaphore(%arg11 : memref<!tpu.dma_semaphore, #tpu.memory_space<semaphore_mem>>)
      %run_scoped3A_114 = arith.constant 3 : i32
      "tpu.region"() ({
        %run_scoped3A_169 = tpu.sem_alloc : memref<!tpu.dma_semaphore, #tpu.memory_space<semaphore_mem>>
        %dma_start3A_170 = arith.constant 0 : i32
        %dma_start3A_171 = tpu.memref_slice %arg7[%run_scoped3A_114, %dma_start3A_170] : memref<8x128xi32, #tpu.memory_space<vmem>> -> memref<1x128xi32, #tpu.memory_space<vmem>>
        %dma_start3A_172 = tpu.memref_squeeze %dma_start3A_171 : memref<1x128xi32, #tpu.memory_space<vmem>> -> memref<128xi32, #tpu.memory_space<vmem>>
        %dma_start3A_173 = arith.constant 0 : i32
        %dma_start3A_174 = arith.constant 0 : i32
        %dma_start3A_175 = tpu.memref_slice %arg10[%dma_start3A_173, %dma_start3A_174] : memref<10240x128xf32, #tpu.memory_space<vmem_shared>> -> memref<10240x128xf32, #tpu.memory_space<vmem_shared>>
        tpu.enqueue_indirect_dma source(%arg9 : memref<128x128xf32, #tpu.memory_space<vmem>>) target(%dma_start3A_175 : memref<10240x128xf32, #tpu.memory_space<vmem_shared>>) offsets(%dma_start3A_172 : memref<128xi32, #tpu.memory_space<vmem>>) semaphore(%run_scoped3A_169 : memref<!tpu.dma_semaphore, #tpu.memory_space<semaphore_mem>>) {add = true}
        %dma_wait3A_176 = arith.constant 0 : i32
        %dma_wait3A_177 = tpu.memref_slice %arg7[%run_scoped3A_114, %dma_wait3A_176] : memref<8x128xi32, #tpu.memory_space<vmem>> -> memref<1x128xi32, #tpu.memory_space<vmem>>
        %dma_wait3A_178 = tpu.memref_squeeze %dma_wait3A_177 : memref<1x128xi32, #tpu.memory_space<vmem>> -> memref<128xi32, #tpu.memory_space<vmem>>
        %dma_wait3A_179 = arith.constant 0 : i32
        %dma_wait3A_180 = arith.constant 0 : i32
        %dma_wait3A_181 = tpu.memref_slice %arg10[%dma_wait3A_179, %dma_wait3A_180] : memref<10240x128xf32, #tpu.memory_space<vmem_shared>> -> memref<10240x128xf32, #tpu.memory_space<vmem_shared>>
        tpu.wait_indirect_dma semaphore(%run_scoped3A_169 : memref<!tpu.dma_semaphore, #tpu.memory_space<semaphore_mem>>) src(%arg9 : memref<128x128xf32, #tpu.memory_space<vmem>>) dst(%dma_wait3A_181 : memref<10240x128xf32, #tpu.memory_space<vmem_shared>>)
        tpu.yield
      }) : () -> ()
      %dma_wait3A_115 = arith.constant 4 : i32
      %dma_wait3A_116 = arith.constant 0 : i32
      %dma_wait3A_117 = tpu.memref_slice %arg6[%dma_wait3A_115, %dma_wait3A_116] : memref<8x128xi32, #tpu.memory_space<vmem>> -> memref<1x128xi32, #tpu.memory_space<vmem>>
      %dma_wait3A_118 = tpu.memref_squeeze %dma_wait3A_117 : memref<1x128xi32, #tpu.memory_space<vmem>> -> memref<128xi32, #tpu.memory_space<vmem>>
      %dma_wait3A_119 = arith.constant 0 : i32
      %dma_wait3A_120 = arith.constant 0 : i32
      %dma_wait3A_121 = tpu.memref_slice %arg2[%dma_wait3A_119, %dma_wait3A_120] : memref<10240x128xf32, #tpu.memory_space<hbm>> -> memref<10240x128xf32, #tpu.memory_space<hbm>>
      tpu.wait_indirect_dma semaphore(%arg11 : memref<!tpu.dma_semaphore, #tpu.memory_space<semaphore_mem>>) src(%dma_wait3A_121 : memref<10240x128xf32, #tpu.memory_space<hbm>>) dst(%arg8 : memref<128x128xf32, #tpu.memory_space<vmem>>)
      %dma_start3A_122 = arith.constant 5 : i32
      %dma_start3A_123 = arith.constant 0 : i32
      %dma_start3A_124 = tpu.memref_slice %arg6[%dma_start3A_122, %dma_start3A_123] : memref<8x128xi32, #tpu.memory_space<vmem>> -> memref<1x128xi32, #tpu.memory_space<vmem>>
      %dma_start3A_125 = tpu.memref_squeeze %dma_start3A_124 : memref<1x128xi32, #tpu.memory_space<vmem>> -> memref<128xi32, #tpu.memory_space<vmem>>
      %dma_start3A_126 = arith.constant 0 : i32
      %dma_start3A_127 = arith.constant 0 : i32
      %dma_start3A_128 = tpu.memref_slice %arg2[%dma_start3A_126, %dma_start3A_127] : memref<10240x128xf32, #tpu.memory_space<hbm>> -> memref<10240x128xf32, #tpu.memory_space<hbm>>
      tpu.enqueue_indirect_dma source(%dma_start3A_128 : memref<10240x128xf32, #tpu.memory_space<hbm>>) target(%arg9 : memref<128x128xf32, #tpu.memory_space<vmem>>) offsets(%dma_start3A_125 : memref<128xi32, #tpu.memory_space<vmem>>) semaphore(%arg12 : memref<!tpu.dma_semaphore, #tpu.memory_space<semaphore_mem>>)
      %run_scoped3A_129 = arith.constant 4 : i32
      "tpu.region"() ({
        %run_scoped3A_169 = tpu.sem_alloc : memref<!tpu.dma_semaphore, #tpu.memory_space<semaphore_mem>>
        %dma_start3A_170 = arith.constant 0 : i32
        %dma_start3A_171 = tpu.memref_slice %arg7[%run_scoped3A_129, %dma_start3A_170] : memref<8x128xi32, #tpu.memory_space<vmem>> -> memref<1x128xi32, #tpu.memory_space<vmem>>
        %dma_start3A_172 = tpu.memref_squeeze %dma_start3A_171 : memref<1x128xi32, #tpu.memory_space<vmem>> -> memref<128xi32, #tpu.memory_space<vmem>>
        %dma_start3A_173 = arith.constant 0 : i32
        %dma_start3A_174 = arith.constant 0 : i32
        %dma_start3A_175 = tpu.memref_slice %arg10[%dma_start3A_173, %dma_start3A_174] : memref<10240x128xf32, #tpu.memory_space<vmem_shared>> -> memref<10240x128xf32, #tpu.memory_space<vmem_shared>>
        tpu.enqueue_indirect_dma source(%arg8 : memref<128x128xf32, #tpu.memory_space<vmem>>) target(%dma_start3A_175 : memref<10240x128xf32, #tpu.memory_space<vmem_shared>>) offsets(%dma_start3A_172 : memref<128xi32, #tpu.memory_space<vmem>>) semaphore(%run_scoped3A_169 : memref<!tpu.dma_semaphore, #tpu.memory_space<semaphore_mem>>) {add = true}
        %dma_wait3A_176 = arith.constant 0 : i32
        %dma_wait3A_177 = tpu.memref_slice %arg7[%run_scoped3A_129, %dma_wait3A_176] : memref<8x128xi32, #tpu.memory_space<vmem>> -> memref<1x128xi32, #tpu.memory_space<vmem>>
        %dma_wait3A_178 = tpu.memref_squeeze %dma_wait3A_177 : memref<1x128xi32, #tpu.memory_space<vmem>> -> memref<128xi32, #tpu.memory_space<vmem>>
        %dma_wait3A_179 = arith.constant 0 : i32
        %dma_wait3A_180 = arith.constant 0 : i32
        %dma_wait3A_181 = tpu.memref_slice %arg10[%dma_wait3A_179, %dma_wait3A_180] : memref<10240x128xf32, #tpu.memory_space<vmem_shared>> -> memref<10240x128xf32, #tpu.memory_space<vmem_shared>>
        tpu.wait_indirect_dma semaphore(%run_scoped3A_169 : memref<!tpu.dma_semaphore, #tpu.memory_space<semaphore_mem>>) src(%arg8 : memref<128x128xf32, #tpu.memory_space<vmem>>) dst(%dma_wait3A_181 : memref<10240x128xf32, #tpu.memory_space<vmem_shared>>)
        tpu.yield
      }) : () -> ()
      %dma_wait3A_130 = arith.constant 5 : i32
      %dma_wait3A_131 = arith.constant 0 : i32
      %dma_wait3A_132 = tpu.memref_slice %arg6[%dma_wait3A_130, %dma_wait3A_131] : memref<8x128xi32, #tpu.memory_space<vmem>> -> memref<1x128xi32, #tpu.memory_space<vmem>>
      %dma_wait3A_133 = tpu.memref_squeeze %dma_wait3A_132 : memref<1x128xi32, #tpu.memory_space<vmem>> -> memref<128xi32, #tpu.memory_space<vmem>>
      %dma_wait3A_134 = arith.constant 0 : i32
      %dma_wait3A_135 = arith.constant 0 : i32
      %dma_wait3A_136 = tpu.memref_slice %arg2[%dma_wait3A_134, %dma_wait3A_135] : memref<10240x128xf32, #tpu.memory_space<hbm>> -> memref<10240x128xf32, #tpu.memory_space<hbm>>
      tpu.wait_indirect_dma semaphore(%arg12 : memref<!tpu.dma_semaphore, #tpu.memory_space<semaphore_mem>>) src(%dma_wait3A_136 : memref<10240x128xf32, #tpu.memory_space<hbm>>) dst(%arg9 : memref<128x128xf32, #tpu.memory_space<vmem>>)
      %dma_start3A_137 = arith.constant 6 : i32
      %dma_start3A_138 = arith.constant 0 : i32
      %dma_start3A_139 = tpu.memref_slice %arg6[%dma_start3A_137, %dma_start3A_138] : memref<8x128xi32, #tpu.memory_space<vmem>> -> memref<1x128xi32, #tpu.memory_space<vmem>>
      %dma_start3A_140 = tpu.memref_squeeze %dma_start3A_139 : memref<1x128xi32, #tpu.memory_space<vmem>> -> memref<128xi32, #tpu.memory_space<vmem>>
      %dma_start3A_141 = arith.constant 0 : i32
      %dma_start3A_142 = arith.constant 0 : i32
      %dma_start3A_143 = tpu.memref_slice %arg2[%dma_start3A_141, %dma_start3A_142] : memref<10240x128xf32, #tpu.memory_space<hbm>> -> memref<10240x128xf32, #tpu.memory_space<hbm>>
      tpu.enqueue_indirect_dma source(%dma_start3A_143 : memref<10240x128xf32, #tpu.memory_space<hbm>>) target(%arg8 : memref<128x128xf32, #tpu.memory_space<vmem>>) offsets(%dma_start3A_140 : memref<128xi32, #tpu.memory_space<vmem>>) semaphore(%arg11 : memref<!tpu.dma_semaphore, #tpu.memory_space<semaphore_mem>>)
      %run_scoped3A_144 = arith.constant 5 : i32
      "tpu.region"() ({
        %run_scoped3A_169 = tpu.sem_alloc : memref<!tpu.dma_semaphore, #tpu.memory_space<semaphore_mem>>
        %dma_start3A_170 = arith.constant 0 : i32
        %dma_start3A_171 = tpu.memref_slice %arg7[%run_scoped3A_144, %dma_start3A_170] : memref<8x128xi32, #tpu.memory_space<vmem>> -> memref<1x128xi32, #tpu.memory_space<vmem>>
        %dma_start3A_172 = tpu.memref_squeeze %dma_start3A_171 : memref<1x128xi32, #tpu.memory_space<vmem>> -> memref<128xi32, #tpu.memory_space<vmem>>
        %dma_start3A_173 = arith.constant 0 : i32
        %dma_start3A_174 = arith.constant 0 : i32
        %dma_start3A_175 = tpu.memref_slice %arg10[%dma_start3A_173, %dma_start3A_174] : memref<10240x128xf32, #tpu.memory_space<vmem_shared>> -> memref<10240x128xf32, #tpu.memory_space<vmem_shared>>
        tpu.enqueue_indirect_dma source(%arg9 : memref<128x128xf32, #tpu.memory_space<vmem>>) target(%dma_start3A_175 : memref<10240x128xf32, #tpu.memory_space<vmem_shared>>) offsets(%dma_start3A_172 : memref<128xi32, #tpu.memory_space<vmem>>) semaphore(%run_scoped3A_169 : memref<!tpu.dma_semaphore, #tpu.memory_space<semaphore_mem>>) {add = true}
        %dma_wait3A_176 = arith.constant 0 : i32
        %dma_wait3A_177 = tpu.memref_slice %arg7[%run_scoped3A_144, %dma_wait3A_176] : memref<8x128xi32, #tpu.memory_space<vmem>> -> memref<1x128xi32, #tpu.memory_space<vmem>>
        %dma_wait3A_178 = tpu.memref_squeeze %dma_wait3A_177 : memref<1x128xi32, #tpu.memory_space<vmem>> -> memref<128xi32, #tpu.memory_space<vmem>>
        %dma_wait3A_179 = arith.constant 0 : i32
        %dma_wait3A_180 = arith.constant 0 : i32
        %dma_wait3A_181 = tpu.memref_slice %arg10[%dma_wait3A_179, %dma_wait3A_180] : memref<10240x128xf32, #tpu.memory_space<vmem_shared>> -> memref<10240x128xf32, #tpu.memory_space<vmem_shared>>
        tpu.wait_indirect_dma semaphore(%run_scoped3A_169 : memref<!tpu.dma_semaphore, #tpu.memory_space<semaphore_mem>>) src(%arg9 : memref<128x128xf32, #tpu.memory_space<vmem>>) dst(%dma_wait3A_181 : memref<10240x128xf32, #tpu.memory_space<vmem_shared>>)
        tpu.yield
      }) : () -> ()
      %dma_wait3A_145 = arith.constant 6 : i32
      %dma_wait3A_146 = arith.constant 0 : i32
      %dma_wait3A_147 = tpu.memref_slice %arg6[%dma_wait3A_145, %dma_wait3A_146] : memref<8x128xi32, #tpu.memory_space<vmem>> -> memref<1x128xi32, #tpu.memory_space<vmem>>
      %dma_wait3A_148 = tpu.memref_squeeze %dma_wait3A_147 : memref<1x128xi32, #tpu.memory_space<vmem>> -> memref<128xi32, #tpu.memory_space<vmem>>
      %dma_wait3A_149 = arith.constant 0 : i32
      %dma_wait3A_150 = arith.constant 0 : i32
      %dma_wait3A_151 = tpu.memref_slice %arg2[%dma_wait3A_149, %dma_wait3A_150] : memref<10240x128xf32, #tpu.memory_space<hbm>> -> memref<10240x128xf32, #tpu.memory_space<hbm>>
      tpu.wait_indirect_dma semaphore(%arg11 : memref<!tpu.dma_semaphore, #tpu.memory_space<semaphore_mem>>) src(%dma_wait3A_151 : memref<10240x128xf32, #tpu.memory_space<hbm>>) dst(%arg8 : memref<128x128xf32, #tpu.memory_space<vmem>>)
      %dma_start3A_152 = arith.constant 7 : i32
      %dma_start3A_153 = arith.constant 0 : i32
      %dma_start3A_154 = tpu.memref_slice %arg6[%dma_start3A_152, %dma_start3A_153] : memref<8x128xi32, #tpu.memory_space<vmem>> -> memref<1x128xi32, #tpu.memory_space<vmem>>
      %dma_start3A_155 = tpu.memref_squeeze %dma_start3A_154 : memref<1x128xi32, #tpu.memory_space<vmem>> -> memref<128xi32, #tpu.memory_space<vmem>>
      %dma_start3A_156 = arith.constant 0 : i32
      %dma_start3A_157 = arith.constant 0 : i32
      %dma_start3A_158 = tpu.memref_slice %arg2[%dma_start3A_156, %dma_start3A_157] : memref<10240x128xf32, #tpu.memory_space<hbm>> -> memref<10240x128xf32, #tpu.memory_space<hbm>>
      tpu.enqueue_indirect_dma source(%dma_start3A_158 : memref<10240x128xf32, #tpu.memory_space<hbm>>) target(%arg9 : memref<128x128xf32, #tpu.memory_space<vmem>>) offsets(%dma_start3A_155 : memref<128xi32, #tpu.memory_space<vmem>>) semaphore(%arg12 : memref<!tpu.dma_semaphore, #tpu.memory_space<semaphore_mem>>)
      %run_scoped3A_159 = arith.constant 6 : i32
      "tpu.region"() ({
        %run_scoped3A_169 = tpu.sem_alloc : memref<!tpu.dma_semaphore, #tpu.memory_space<semaphore_mem>>
        %dma_start3A_170 = arith.constant 0 : i32
        %dma_start3A_171 = tpu.memref_slice %arg7[%run_scoped3A_159, %dma_start3A_170] : memref<8x128xi32, #tpu.memory_space<vmem>> -> memref<1x128xi32, #tpu.memory_space<vmem>>
        %dma_start3A_172 = tpu.memref_squeeze %dma_start3A_171 : memref<1x128xi32, #tpu.memory_space<vmem>> -> memref<128xi32, #tpu.memory_space<vmem>>
        %dma_start3A_173 = arith.constant 0 : i32
        %dma_start3A_174 = arith.constant 0 : i32
        %dma_start3A_175 = tpu.memref_slice %arg10[%dma_start3A_173, %dma_start3A_174] : memref<10240x128xf32, #tpu.memory_space<vmem_shared>> -> memref<10240x128xf32, #tpu.memory_space<vmem_shared>>
        tpu.enqueue_indirect_dma source(%arg8 : memref<128x128xf32, #tpu.memory_space<vmem>>) target(%dma_start3A_175 : memref<10240x128xf32, #tpu.memory_space<vmem_shared>>) offsets(%dma_start3A_172 : memref<128xi32, #tpu.memory_space<vmem>>) semaphore(%run_scoped3A_169 : memref<!tpu.dma_semaphore, #tpu.memory_space<semaphore_mem>>) {add = true}
        %dma_wait3A_176 = arith.constant 0 : i32
        %dma_wait3A_177 = tpu.memref_slice %arg7[%run_scoped3A_159, %dma_wait3A_176] : memref<8x128xi32, #tpu.memory_space<vmem>> -> memref<1x128xi32, #tpu.memory_space<vmem>>
        %dma_wait3A_178 = tpu.memref_squeeze %dma_wait3A_177 : memref<1x128xi32, #tpu.memory_space<vmem>> -> memref<128xi32, #tpu.memory_space<vmem>>
        %dma_wait3A_179 = arith.constant 0 : i32
        %dma_wait3A_180 = arith.constant 0 : i32
        %dma_wait3A_181 = tpu.memref_slice %arg10[%dma_wait3A_179, %dma_wait3A_180] : memref<10240x128xf32, #tpu.memory_space<vmem_shared>> -> memref<10240x128xf32, #tpu.memory_space<vmem_shared>>
        tpu.wait_indirect_dma semaphore(%run_scoped3A_169 : memref<!tpu.dma_semaphore, #tpu.memory_space<semaphore_mem>>) src(%arg8 : memref<128x128xf32, #tpu.memory_space<vmem>>) dst(%dma_wait3A_181 : memref<10240x128xf32, #tpu.memory_space<vmem_shared>>)
        tpu.yield
      }) : () -> ()
      %dma_wait3A_160 = arith.constant 7 : i32
      %dma_wait3A_161 = arith.constant 0 : i32
      %dma_wait3A_162 = tpu.memref_slice %arg6[%dma_wait3A_160, %dma_wait3A_161] : memref<8x128xi32, #tpu.memory_space<vmem>> -> memref<1x128xi32, #tpu.memory_space<vmem>>
      %dma_wait3A_163 = tpu.memref_squeeze %dma_wait3A_162 : memref<1x128xi32, #tpu.memory_space<vmem>> -> memref<128xi32, #tpu.memory_space<vmem>>
      %dma_wait3A_164 = arith.constant 0 : i32
      %dma_wait3A_165 = arith.constant 0 : i32
      %dma_wait3A_166 = tpu.memref_slice %arg2[%dma_wait3A_164, %dma_wait3A_165] : memref<10240x128xf32, #tpu.memory_space<hbm>> -> memref<10240x128xf32, #tpu.memory_space<hbm>>
      tpu.wait_indirect_dma semaphore(%arg12 : memref<!tpu.dma_semaphore, #tpu.memory_space<semaphore_mem>>) src(%dma_wait3A_166 : memref<10240x128xf32, #tpu.memory_space<hbm>>) dst(%arg9 : memref<128x128xf32, #tpu.memory_space<vmem>>)
      %run_scoped3A_167 = arith.constant 7 : i32
      "tpu.region"() ({
        %run_scoped3A_169 = tpu.sem_alloc : memref<!tpu.dma_semaphore, #tpu.memory_space<semaphore_mem>>
        %dma_start3A_170 = arith.constant 0 : i32
        %dma_start3A_171 = tpu.memref_slice %arg7[%run_scoped3A_167, %dma_start3A_170] : memref<8x128xi32, #tpu.memory_space<vmem>> -> memref<1x128xi32, #tpu.memory_space<vmem>>
        %dma_start3A_172 = tpu.memref_squeeze %dma_start3A_171 : memref<1x128xi32, #tpu.memory_space<vmem>> -> memref<128xi32, #tpu.memory_space<vmem>>
        %dma_start3A_173 = arith.constant 0 : i32
        %dma_start3A_174 = arith.constant 0 : i32
        %dma_start3A_175 = tpu.memref_slice %arg10[%dma_start3A_173, %dma_start3A_174] : memref<10240x128xf32, #tpu.memory_space<vmem_shared>> -> memref<10240x128xf32, #tpu.memory_space<vmem_shared>>
        tpu.enqueue_indirect_dma source(%arg9 : memref<128x128xf32, #tpu.memory_space<vmem>>) target(%dma_start3A_175 : memref<10240x128xf32, #tpu.memory_space<vmem_shared>>) offsets(%dma_start3A_172 : memref<128xi32, #tpu.memory_space<vmem>>) semaphore(%run_scoped3A_169 : memref<!tpu.dma_semaphore, #tpu.memory_space<semaphore_mem>>) {add = true}
        %dma_wait3A_176 = arith.constant 0 : i32
        %dma_wait3A_177 = tpu.memref_slice %arg7[%run_scoped3A_167, %dma_wait3A_176] : memref<8x128xi32, #tpu.memory_space<vmem>> -> memref<1x128xi32, #tpu.memory_space<vmem>>
        %dma_wait3A_178 = tpu.memref_squeeze %dma_wait3A_177 : memref<1x128xi32, #tpu.memory_space<vmem>> -> memref<128xi32, #tpu.memory_space<vmem>>
        %dma_wait3A_179 = arith.constant 0 : i32
        %dma_wait3A_180 = arith.constant 0 : i32
        %dma_wait3A_181 = tpu.memref_slice %arg10[%dma_wait3A_179, %dma_wait3A_180] : memref<10240x128xf32, #tpu.memory_space<vmem_shared>> -> memref<10240x128xf32, #tpu.memory_space<vmem_shared>>
        tpu.wait_indirect_dma semaphore(%run_scoped3A_169 : memref<!tpu.dma_semaphore, #tpu.memory_space<semaphore_mem>>) src(%arg9 : memref<128x128xf32, #tpu.memory_space<vmem>>) dst(%dma_wait3A_181 : memref<10240x128xf32, #tpu.memory_space<vmem_shared>>)
        tpu.yield
      }) : () -> ()
      %while3A_168 = arith.constant 0 : i32
      scf.yield %while3A_168 : i32
    }
    %while3A_33 = arith.constant 1 : i32
    %while3A_34 = scf.for %while3A_46 = %while3A_30 to %while3A_26 step %while3A_33 iter_args(%while3A_47 = %while3A_32) -> (i32)  : i32 {
      %mul3A_48 = arith.constant 8 : i32
      %mul3A_49 = arith.muli %while3A_46, %mul3A_48 : i32
      %add3A_50 = arith.addi %add3A, %mul3A_49 : i32
      "tpu.region"() ({
        %run_scoped3A_169 = tpu.sem_alloc : memref<!tpu.dma_semaphore, #tpu.memory_space<semaphore_mem>>
        %dma_start3A_170 = arith.constant 0 : i32
        %dma_start3A_171 = tpu.memref_slice %arg3[%add3A_50, %dma_start3A_170] : memref<2560x128xi32, #tpu.memory_space<hbm>> -> memref<8x128xi32, #tpu.memory_space<hbm>>
        %dma_start3A_172 = arith.constant 0 : i32
        %dma_start3A_173 = tpu.memref_slice %arg3[%add3A_50, %dma_start3A_172] : memref<2560x128xi32, #tpu.memory_space<hbm>> -> memref<8x128xi32, #tpu.memory_space<hbm>>
        tpu.enqueue_dma source(%dma_start3A_173 : memref<8x128xi32, #tpu.memory_space<hbm>>) target(%arg6 : memref<8x128xi32, #tpu.memory_space<vmem>>) target_semaphore(%run_scoped3A_169 : memref<!tpu.dma_semaphore, #tpu.memory_space<semaphore_mem>>)
        %dma_wait3A_174 = arith.constant 0 : i32
        %dma_wait3A_175 = tpu.memref_slice %arg3[%add3A_50, %dma_wait3A_174] : memref<2560x128xi32, #tpu.memory_space<hbm>> -> memref<8x128xi32, #tpu.memory_space<hbm>>
        %dma_wait3A_176 = arith.constant 0 : i32
        %dma_wait3A_177 = tpu.memref_slice %arg3[%add3A_50, %dma_wait3A_176] : memref<2560x128xi32, #tpu.memory_space<hbm>> -> memref<8x128xi32, #tpu.memory_space<hbm>>
        tpu.wait_dma2 semaphore(%run_scoped3A_169 : memref<!tpu.dma_semaphore, #tpu.memory_space<semaphore_mem>>) src(%dma_wait3A_177 : memref<8x128xi32, #tpu.memory_space<hbm>>) dst(%arg6 : memref<8x128xi32, #tpu.memory_space<vmem>>)
        tpu.yield
      }) : () -> ()
      "tpu.region"() ({
        %run_scoped3A_169 = tpu.sem_alloc : memref<!tpu.dma_semaphore, #tpu.memory_space<semaphore_mem>>
        %dma_start3A_170 = arith.constant 0 : i32
        %dma_start3A_171 = tpu.memref_slice %arg4[%add3A_50, %dma_start3A_170] : memref<2560x128xi32, #tpu.memory_space<hbm>> -> memref<8x128xi32, #tpu.memory_space<hbm>>
        %dma_start3A_172 = arith.constant 0 : i32
        %dma_start3A_173 = tpu.memref_slice %arg4[%add3A_50, %dma_start3A_172] : memref<2560x128xi32, #tpu.memory_space<hbm>> -> memref<8x128xi32, #tpu.memory_space<hbm>>
        tpu.enqueue_dma source(%dma_start3A_173 : memref<8x128xi32, #tpu.memory_space<hbm>>) target(%arg7 : memref<8x128xi32, #tpu.memory_space<vmem>>) target_semaphore(%run_scoped3A_169 : memref<!tpu.dma_semaphore, #tpu.memory_space<semaphore_mem>>)
        %dma_wait3A_174 = arith.constant 0 : i32
        %dma_wait3A_175 = tpu.memref_slice %arg4[%add3A_50, %dma_wait3A_174] : memref<2560x128xi32, #tpu.memory_space<hbm>> -> memref<8x128xi32, #tpu.memory_space<hbm>>
        %dma_wait3A_176 = arith.constant 0 : i32
        %dma_wait3A_177 = tpu.memref_slice %arg4[%add3A_50, %dma_wait3A_176] : memref<2560x128xi32, #tpu.memory_space<hbm>> -> memref<8x128xi32, #tpu.memory_space<hbm>>
        tpu.wait_dma2 semaphore(%run_scoped3A_169 : memref<!tpu.dma_semaphore, #tpu.memory_space<semaphore_mem>>) src(%dma_wait3A_177 : memref<8x128xi32, #tpu.memory_space<hbm>>) dst(%arg7 : memref<8x128xi32, #tpu.memory_space<vmem>>)
        tpu.yield
      }) : () -> ()
      %dma_start3A = arith.constant 0 : i32
      %dma_start3A_51 = arith.constant 0 : i32
      %dma_start3A_52 = tpu.memref_slice %arg6[%dma_start3A, %dma_start3A_51] : memref<8x128xi32, #tpu.memory_space<vmem>> -> memref<1x128xi32, #tpu.memory_space<vmem>>
      %dma_start3A_53 = tpu.memref_squeeze %dma_start3A_52 : memref<1x128xi32, #tpu.memory_space<vmem>> -> memref<128xi32, #tpu.memory_space<vmem>>
      %dma_start3A_54 = arith.constant 0 : i32
      %dma_start3A_55 = arith.constant 0 : i32
      %dma_start3A_56 = tpu.memref_slice %arg2[%dma_start3A_54, %dma_start3A_55] : memref<10240x128xf32, #tpu.memory_space<hbm>> -> memref<10240x128xf32, #tpu.memory_space<hbm>>
      tpu.enqueue_indirect_dma source(%dma_start3A_56 : memref<10240x128xf32, #tpu.memory_space<hbm>>) target(%arg8 : memref<128x128xf32, #tpu.memory_space<vmem>>) offsets(%dma_start3A_53 : memref<128xi32, #tpu.memory_space<vmem>>) semaphore(%arg11 : memref<!tpu.dma_semaphore, #tpu.memory_space<semaphore_mem>>)
      %dma_wait3A = arith.constant 0 : i32
      %dma_wait3A_57 = arith.constant 0 : i32
      %dma_wait3A_58 = tpu.memref_slice %arg6[%dma_wait3A, %dma_wait3A_57] : memref<8x128xi32, #tpu.memory_space<vmem>> -> memref<1x128xi32, #tpu.memory_space<vmem>>
      %dma_wait3A_59 = tpu.memref_squeeze %dma_wait3A_58 : memref<1x128xi32, #tpu.memory_space<vmem>> -> memref<128xi32, #tpu.memory_space<vmem>>
      %dma_wait3A_60 = arith.constant 0 : i32
      %dma_wait3A_61 = arith.constant 0 : i32
      %dma_wait3A_62 = tpu.memref_slice %arg2[%dma_wait3A_60, %dma_wait3A_61] : memref<10240x128xf32, #tpu.memory_space<hbm>> -> memref<10240x128xf32, #tpu.memory_space<hbm>>
      tpu.wait_indirect_dma semaphore(%arg11 : memref<!tpu.dma_semaphore, #tpu.memory_space<semaphore_mem>>) src(%dma_wait3A_62 : memref<10240x128xf32, #tpu.memory_space<hbm>>) dst(%arg8 : memref<128x128xf32, #tpu.memory_space<vmem>>)
      %dma_start3A_63 = arith.constant 1 : i32
      %dma_start3A_64 = arith.constant 0 : i32
      %dma_start3A_65 = tpu.memref_slice %arg6[%dma_start3A_63, %dma_start3A_64] : memref<8x128xi32, #tpu.memory_space<vmem>> -> memref<1x128xi32, #tpu.memory_space<vmem>>
      %dma_start3A_66 = tpu.memref_squeeze %dma_start3A_65 : memref<1x128xi32, #tpu.memory_space<vmem>> -> memref<128xi32, #tpu.memory_space<vmem>>
      %dma_start3A_67 = arith.constant 0 : i32
      %dma_start3A_68 = arith.constant 0 : i32
      %dma_start3A_69 = tpu.memref_slice %arg2[%dma_start3A_67, %dma_start3A_68] : memref<10240x128xf32, #tpu.memory_space<hbm>> -> memref<10240x128xf32, #tpu.memory_space<hbm>>
      tpu.enqueue_indirect_dma source(%dma_start3A_69 : memref<10240x128xf32, #tpu.memory_space<hbm>>) target(%arg9 : memref<128x128xf32, #tpu.memory_space<vmem>>) offsets(%dma_start3A_66 : memref<128xi32, #tpu.memory_space<vmem>>) semaphore(%arg12 : memref<!tpu.dma_semaphore, #tpu.memory_space<semaphore_mem>>)
      %run_scoped3A = arith.constant 0 : i32
      "tpu.region"() ({
        %run_scoped3A_169 = tpu.sem_alloc : memref<!tpu.dma_semaphore, #tpu.memory_space<semaphore_mem>>
        %dma_start3A_170 = arith.constant 0 : i32
        %dma_start3A_171 = tpu.memref_slice %arg7[%run_scoped3A, %dma_start3A_170] : memref<8x128xi32, #tpu.memory_space<vmem>> -> memref<1x128xi32, #tpu.memory_space<vmem>>
        %dma_start3A_172 = tpu.memref_squeeze %dma_start3A_171 : memref<1x128xi32, #tpu.memory_space<vmem>> -> memref<128xi32, #tpu.memory_space<vmem>>
        %dma_start3A_173 = arith.constant 0 : i32
        %dma_start3A_174 = arith.constant 0 : i32
        %dma_start3A_175 = tpu.memref_slice %arg10[%dma_start3A_173, %dma_start3A_174] : memref<10240x128xf32, #tpu.memory_space<vmem_shared>> -> memref<10240x128xf32, #tpu.memory_space<vmem_shared>>
        tpu.enqueue_indirect_dma source(%arg8 : memref<128x128xf32, #tpu.memory_space<vmem>>) target(%dma_start3A_175 : memref<10240x128xf32, #tpu.memory_space<vmem_shared>>) offsets(%dma_start3A_172 : memref<128xi32, #tpu.memory_space<vmem>>) semaphore(%run_scoped3A_169 : memref<!tpu.dma_semaphore, #tpu.memory_space<semaphore_mem>>) {add = true}
        %dma_wait3A_176 = arith.constant 0 : i32
        %dma_wait3A_177 = tpu.memref_slice %arg7[%run_scoped3A, %dma_wait3A_176] : memref<8x128xi32, #tpu.memory_space<vmem>> -> memref<1x128xi32, #tpu.memory_space<vmem>>
        %dma_wait3A_178 = tpu.memref_squeeze %dma_wait3A_177 : memref<1x128xi32, #tpu.memory_space<vmem>> -> memref<128xi32, #tpu.memory_space<vmem>>
        %dma_wait3A_179 = arith.constant 0 : i32
        %dma_wait3A_180 = arith.constant 0 : i32
        %dma_wait3A_181 = tpu.memref_slice %arg10[%dma_wait3A_179, %dma_wait3A_180] : memref<10240x128xf32, #tpu.memory_space<vmem_shared>> -> memref<10240x128xf32, #tpu.memory_space<vmem_shared>>
        tpu.wait_indirect_dma semaphore(%run_scoped3A_169 : memref<!tpu.dma_semaphore, #tpu.memory_space<semaphore_mem>>) src(%arg8 : memref<128x128xf32, #tpu.memory_space<vmem>>) dst(%dma_wait3A_181 : memref<10240x128xf32, #tpu.memory_space<vmem_shared>>)
        tpu.yield
      }) : () -> ()
      %dma_wait3A_70 = arith.constant 1 : i32
      %dma_wait3A_71 = arith.constant 0 : i32
      %dma_wait3A_72 = tpu.memref_slice %arg6[%dma_wait3A_70, %dma_wait3A_71] : memref<8x128xi32, #tpu.memory_space<vmem>> -> memref<1x128xi32, #tpu.memory_space<vmem>>
      %dma_wait3A_73 = tpu.memref_squeeze %dma_wait3A_72 : memref<1x128xi32, #tpu.memory_space<vmem>> -> memref<128xi32, #tpu.memory_space<vmem>>
      %dma_wait3A_74 = arith.constant 0 : i32
      %dma_wait3A_75 = arith.constant 0 : i32
      %dma_wait3A_76 = tpu.memref_slice %arg2[%dma_wait3A_74, %dma_wait3A_75] : memref<10240x128xf32, #tpu.memory_space<hbm>> -> memref<10240x128xf32, #tpu.memory_space<hbm>>
      tpu.wait_indirect_dma semaphore(%arg12 : memref<!tpu.dma_semaphore, #tpu.memory_space<semaphore_mem>>) src(%dma_wait3A_76 : memref<10240x128xf32, #tpu.memory_space<hbm>>) dst(%arg9 : memref<128x128xf32, #tpu.memory_space<vmem>>)
      %dma_start3A_77 = arith.constant 2 : i32
      %dma_start3A_78 = arith.constant 0 : i32
      %dma_start3A_79 = tpu.memref_slice %arg6[%dma_start3A_77, %dma_start3A_78] : memref<8x128xi32, #tpu.memory_space<vmem>> -> memref<1x128xi32, #tpu.memory_space<vmem>>
      %dma_start3A_80 = tpu.memref_squeeze %dma_start3A_79 : memref<1x128xi32, #tpu.memory_space<vmem>> -> memref<128xi32, #tpu.memory_space<vmem>>
      %dma_start3A_81 = arith.constant 0 : i32
      %dma_start3A_82 = arith.constant 0 : i32
      %dma_start3A_83 = tpu.memref_slice %arg2[%dma_start3A_81, %dma_start3A_82] : memref<10240x128xf32, #tpu.memory_space<hbm>> -> memref<10240x128xf32, #tpu.memory_space<hbm>>
      tpu.enqueue_indirect_dma source(%dma_start3A_83 : memref<10240x128xf32, #tpu.memory_space<hbm>>) target(%arg8 : memref<128x128xf32, #tpu.memory_space<vmem>>) offsets(%dma_start3A_80 : memref<128xi32, #tpu.memory_space<vmem>>) semaphore(%arg11 : memref<!tpu.dma_semaphore, #tpu.memory_space<semaphore_mem>>)
      %run_scoped3A_84 = arith.constant 1 : i32
      "tpu.region"() ({
        %run_scoped3A_169 = tpu.sem_alloc : memref<!tpu.dma_semaphore, #tpu.memory_space<semaphore_mem>>
        %dma_start3A_170 = arith.constant 0 : i32
        %dma_start3A_171 = tpu.memref_slice %arg7[%run_scoped3A_84, %dma_start3A_170] : memref<8x128xi32, #tpu.memory_space<vmem>> -> memref<1x128xi32, #tpu.memory_space<vmem>>
        %dma_start3A_172 = tpu.memref_squeeze %dma_start3A_171 : memref<1x128xi32, #tpu.memory_space<vmem>> -> memref<128xi32, #tpu.memory_space<vmem>>
        %dma_start3A_173 = arith.constant 0 : i32
        %dma_start3A_174 = arith.constant 0 : i32
        %dma_start3A_175 = tpu.memref_slice %arg10[%dma_start3A_173, %dma_start3A_174] : memref<10240x128xf32, #tpu.memory_space<vmem_shared>> -> memref<10240x128xf32, #tpu.memory_space<vmem_shared>>
        tpu.enqueue_indirect_dma source(%arg9 : memref<128x128xf32, #tpu.memory_space<vmem>>) target(%dma_start3A_175 : memref<10240x128xf32, #tpu.memory_space<vmem_shared>>) offsets(%dma_start3A_172 : memref<128xi32, #tpu.memory_space<vmem>>) semaphore(%run_scoped3A_169 : memref<!tpu.dma_semaphore, #tpu.memory_space<semaphore_mem>>) {add = true}
        %dma_wait3A_176 = arith.constant 0 : i32
        %dma_wait3A_177 = tpu.memref_slice %arg7[%run_scoped3A_84, %dma_wait3A_176] : memref<8x128xi32, #tpu.memory_space<vmem>> -> memref<1x128xi32, #tpu.memory_space<vmem>>
        %dma_wait3A_178 = tpu.memref_squeeze %dma_wait3A_177 : memref<1x128xi32, #tpu.memory_space<vmem>> -> memref<128xi32, #tpu.memory_space<vmem>>
        %dma_wait3A_179 = arith.constant 0 : i32
        %dma_wait3A_180 = arith.constant 0 : i32
        %dma_wait3A_181 = tpu.memref_slice %arg10[%dma_wait3A_179, %dma_wait3A_180] : memref<10240x128xf32, #tpu.memory_space<vmem_shared>> -> memref<10240x128xf32, #tpu.memory_space<vmem_shared>>
        tpu.wait_indirect_dma semaphore(%run_scoped3A_169 : memref<!tpu.dma_semaphore, #tpu.memory_space<semaphore_mem>>) src(%arg9 : memref<128x128xf32, #tpu.memory_space<vmem>>) dst(%dma_wait3A_181 : memref<10240x128xf32, #tpu.memory_space<vmem_shared>>)
        tpu.yield
      }) : () -> ()
      %dma_wait3A_85 = arith.constant 2 : i32
      %dma_wait3A_86 = arith.constant 0 : i32
      %dma_wait3A_87 = tpu.memref_slice %arg6[%dma_wait3A_85, %dma_wait3A_86] : memref<8x128xi32, #tpu.memory_space<vmem>> -> memref<1x128xi32, #tpu.memory_space<vmem>>
      %dma_wait3A_88 = tpu.memref_squeeze %dma_wait3A_87 : memref<1x128xi32, #tpu.memory_space<vmem>> -> memref<128xi32, #tpu.memory_space<vmem>>
      %dma_wait3A_89 = arith.constant 0 : i32
      %dma_wait3A_90 = arith.constant 0 : i32
      %dma_wait3A_91 = tpu.memref_slice %arg2[%dma_wait3A_89, %dma_wait3A_90] : memref<10240x128xf32, #tpu.memory_space<hbm>> -> memref<10240x128xf32, #tpu.memory_space<hbm>>
      tpu.wait_indirect_dma semaphore(%arg11 : memref<!tpu.dma_semaphore, #tpu.memory_space<semaphore_mem>>) src(%dma_wait3A_91 : memref<10240x128xf32, #tpu.memory_space<hbm>>) dst(%arg8 : memref<128x128xf32, #tpu.memory_space<vmem>>)
      %dma_start3A_92 = arith.constant 3 : i32
      %dma_start3A_93 = arith.constant 0 : i32
      %dma_start3A_94 = tpu.memref_slice %arg6[%dma_start3A_92, %dma_start3A_93] : memref<8x128xi32, #tpu.memory_space<vmem>> -> memref<1x128xi32, #tpu.memory_space<vmem>>
      %dma_start3A_95 = tpu.memref_squeeze %dma_start3A_94 : memref<1x128xi32, #tpu.memory_space<vmem>> -> memref<128xi32, #tpu.memory_space<vmem>>
      %dma_start3A_96 = arith.constant 0 : i32
      %dma_start3A_97 = arith.constant 0 : i32
      %dma_start3A_98 = tpu.memref_slice %arg2[%dma_start3A_96, %dma_start3A_97] : memref<10240x128xf32, #tpu.memory_space<hbm>> -> memref<10240x128xf32, #tpu.memory_space<hbm>>
      tpu.enqueue_indirect_dma source(%dma_start3A_98 : memref<10240x128xf32, #tpu.memory_space<hbm>>) target(%arg9 : memref<128x128xf32, #tpu.memory_space<vmem>>) offsets(%dma_start3A_95 : memref<128xi32, #tpu.memory_space<vmem>>) semaphore(%arg12 : memref<!tpu.dma_semaphore, #tpu.memory_space<semaphore_mem>>)
      %run_scoped3A_99 = arith.constant 2 : i32
      "tpu.region"() ({
        %run_scoped3A_169 = tpu.sem_alloc : memref<!tpu.dma_semaphore, #tpu.memory_space<semaphore_mem>>
        %dma_start3A_170 = arith.constant 0 : i32
        %dma_start3A_171 = tpu.memref_slice %arg7[%run_scoped3A_99, %dma_start3A_170] : memref<8x128xi32, #tpu.memory_space<vmem>> -> memref<1x128xi32, #tpu.memory_space<vmem>>
        %dma_start3A_172 = tpu.memref_squeeze %dma_start3A_171 : memref<1x128xi32, #tpu.memory_space<vmem>> -> memref<128xi32, #tpu.memory_space<vmem>>
        %dma_start3A_173 = arith.constant 0 : i32
        %dma_start3A_174 = arith.constant 0 : i32
        %dma_start3A_175 = tpu.memref_slice %arg10[%dma_start3A_173, %dma_start3A_174] : memref<10240x128xf32, #tpu.memory_space<vmem_shared>> -> memref<10240x128xf32, #tpu.memory_space<vmem_shared>>
        tpu.enqueue_indirect_dma source(%arg8 : memref<128x128xf32, #tpu.memory_space<vmem>>) target(%dma_start3A_175 : memref<10240x128xf32, #tpu.memory_space<vmem_shared>>) offsets(%dma_start3A_172 : memref<128xi32, #tpu.memory_space<vmem>>) semaphore(%run_scoped3A_169 : memref<!tpu.dma_semaphore, #tpu.memory_space<semaphore_mem>>) {add = true}
        %dma_wait3A_176 = arith.constant 0 : i32
        %dma_wait3A_177 = tpu.memref_slice %arg7[%run_scoped3A_99, %dma_wait3A_176] : memref<8x128xi32, #tpu.memory_space<vmem>> -> memref<1x128xi32, #tpu.memory_space<vmem>>
        %dma_wait3A_178 = tpu.memref_squeeze %dma_wait3A_177 : memref<1x128xi32, #tpu.memory_space<vmem>> -> memref<128xi32, #tpu.memory_space<vmem>>
        %dma_wait3A_179 = arith.constant 0 : i32
        %dma_wait3A_180 = arith.constant 0 : i32
        %dma_wait3A_181 = tpu.memref_slice %arg10[%dma_wait3A_179, %dma_wait3A_180] : memref<10240x128xf32, #tpu.memory_space<vmem_shared>> -> memref<10240x128xf32, #tpu.memory_space<vmem_shared>>
        tpu.wait_indirect_dma semaphore(%run_scoped3A_169 : memref<!tpu.dma_semaphore, #tpu.memory_space<semaphore_mem>>) src(%arg8 : memref<128x128xf32, #tpu.memory_space<vmem>>) dst(%dma_wait3A_181 : memref<10240x128xf32, #tpu.memory_space<vmem_shared>>)
        tpu.yield
      }) : () -> ()
      %dma_wait3A_100 = arith.constant 3 : i32
      %dma_wait3A_101 = arith.constant 0 : i32
      %dma_wait3A_102 = tpu.memref_slice %arg6[%dma_wait3A_100, %dma_wait3A_101] : memref<8x128xi32, #tpu.memory_space<vmem>> -> memref<1x128xi32, #tpu.memory_space<vmem>>
      %dma_wait3A_103 = tpu.memref_squeeze %dma_wait3A_102 : memref<1x128xi32, #tpu.memory_space<vmem>> -> memref<128xi32, #tpu.memory_space<vmem>>
      %dma_wait3A_104 = arith.constant 0 : i32
      %dma_wait3A_105 = arith.constant 0 : i32
      %dma_wait3A_106 = tpu.memref_slice %arg2[%dma_wait3A_104, %dma_wait3A_105] : memref<10240x128xf32, #tpu.memory_space<hbm>> -> memref<10240x128xf32, #tpu.memory_space<hbm>>
      tpu.wait_indirect_dma semaphore(%arg12 : memref<!tpu.dma_semaphore, #tpu.memory_space<semaphore_mem>>) src(%dma_wait3A_106 : memref<10240x128xf32, #tpu.memory_space<hbm>>) dst(%arg9 : memref<128x128xf32, #tpu.memory_space<vmem>>)
      %dma_start3A_107 = arith.constant 4 : i32
      %dma_start3A_108 = arith.constant 0 : i32
      %dma_start3A_109 = tpu.memref_slice %arg6[%dma_start3A_107, %dma_start3A_108] : memref<8x128xi32, #tpu.memory_space<vmem>> -> memref<1x128xi32, #tpu.memory_space<vmem>>
      %dma_start3A_110 = tpu.memref_squeeze %dma_start3A_109 : memref<1x128xi32, #tpu.memory_space<vmem>> -> memref<128xi32, #tpu.memory_space<vmem>>
      %dma_start3A_111 = arith.constant 0 : i32
      %dma_start3A_112 = arith.constant 0 : i32
      %dma_start3A_113 = tpu.memref_slice %arg2[%dma_start3A_111, %dma_start3A_112] : memref<10240x128xf32, #tpu.memory_space<hbm>> -> memref<10240x128xf32, #tpu.memory_space<hbm>>
      tpu.enqueue_indirect_dma source(%dma_start3A_113 : memref<10240x128xf32, #tpu.memory_space<hbm>>) target(%arg8 : memref<128x128xf32, #tpu.memory_space<vmem>>) offsets(%dma_start3A_110 : memref<128xi32, #tpu.memory_space<vmem>>) semaphore(%arg11 : memref<!tpu.dma_semaphore, #tpu.memory_space<semaphore_mem>>)
      %run_scoped3A_114 = arith.constant 3 : i32
      "tpu.region"() ({
        %run_scoped3A_169 = tpu.sem_alloc : memref<!tpu.dma_semaphore, #tpu.memory_space<semaphore_mem>>
        %dma_start3A_170 = arith.constant 0 : i32
        %dma_start3A_171 = tpu.memref_slice %arg7[%run_scoped3A_114, %dma_start3A_170] : memref<8x128xi32, #tpu.memory_space<vmem>> -> memref<1x128xi32, #tpu.memory_space<vmem>>
        %dma_start3A_172 = tpu.memref_squeeze %dma_start3A_171 : memref<1x128xi32, #tpu.memory_space<vmem>> -> memref<128xi32, #tpu.memory_space<vmem>>
        %dma_start3A_173 = arith.constant 0 : i32
        %dma_start3A_174 = arith.constant 0 : i32
        %dma_start3A_175 = tpu.memref_slice %arg10[%dma_start3A_173, %dma_start3A_174] : memref<10240x128xf32, #tpu.memory_space<vmem_shared>> -> memref<10240x128xf32, #tpu.memory_space<vmem_shared>>
        tpu.enqueue_indirect_dma source(%arg9 : memref<128x128xf32, #tpu.memory_space<vmem>>) target(%dma_start3A_175 : memref<10240x128xf32, #tpu.memory_space<vmem_shared>>) offsets(%dma_start3A_172 : memref<128xi32, #tpu.memory_space<vmem>>) semaphore(%run_scoped3A_169 : memref<!tpu.dma_semaphore, #tpu.memory_space<semaphore_mem>>) {add = true}
        %dma_wait3A_176 = arith.constant 0 : i32
        %dma_wait3A_177 = tpu.memref_slice %arg7[%run_scoped3A_114, %dma_wait3A_176] : memref<8x128xi32, #tpu.memory_space<vmem>> -> memref<1x128xi32, #tpu.memory_space<vmem>>
        %dma_wait3A_178 = tpu.memref_squeeze %dma_wait3A_177 : memref<1x128xi32, #tpu.memory_space<vmem>> -> memref<128xi32, #tpu.memory_space<vmem>>
        %dma_wait3A_179 = arith.constant 0 : i32
        %dma_wait3A_180 = arith.constant 0 : i32
        %dma_wait3A_181 = tpu.memref_slice %arg10[%dma_wait3A_179, %dma_wait3A_180] : memref<10240x128xf32, #tpu.memory_space<vmem_shared>> -> memref<10240x128xf32, #tpu.memory_space<vmem_shared>>
        tpu.wait_indirect_dma semaphore(%run_scoped3A_169 : memref<!tpu.dma_semaphore, #tpu.memory_space<semaphore_mem>>) src(%arg9 : memref<128x128xf32, #tpu.memory_space<vmem>>) dst(%dma_wait3A_181 : memref<10240x128xf32, #tpu.memory_space<vmem_shared>>)
        tpu.yield
      }) : () -> ()
      %dma_wait3A_115 = arith.constant 4 : i32
      %dma_wait3A_116 = arith.constant 0 : i32
      %dma_wait3A_117 = tpu.memref_slice %arg6[%dma_wait3A_115, %dma_wait3A_116] : memref<8x128xi32, #tpu.memory_space<vmem>> -> memref<1x128xi32, #tpu.memory_space<vmem>>
      %dma_wait3A_118 = tpu.memref_squeeze %dma_wait3A_117 : memref<1x128xi32, #tpu.memory_space<vmem>> -> memref<128xi32, #tpu.memory_space<vmem>>
      %dma_wait3A_119 = arith.constant 0 : i32
      %dma_wait3A_120 = arith.constant 0 : i32
      %dma_wait3A_121 = tpu.memref_slice %arg2[%dma_wait3A_119, %dma_wait3A_120] : memref<10240x128xf32, #tpu.memory_space<hbm>> -> memref<10240x128xf32, #tpu.memory_space<hbm>>
      tpu.wait_indirect_dma semaphore(%arg11 : memref<!tpu.dma_semaphore, #tpu.memory_space<semaphore_mem>>) src(%dma_wait3A_121 : memref<10240x128xf32, #tpu.memory_space<hbm>>) dst(%arg8 : memref<128x128xf32, #tpu.memory_space<vmem>>)
      %dma_start3A_122 = arith.constant 5 : i32
      %dma_start3A_123 = arith.constant 0 : i32
      %dma_start3A_124 = tpu.memref_slice %arg6[%dma_start3A_122, %dma_start3A_123] : memref<8x128xi32, #tpu.memory_space<vmem>> -> memref<1x128xi32, #tpu.memory_space<vmem>>
      %dma_start3A_125 = tpu.memref_squeeze %dma_start3A_124 : memref<1x128xi32, #tpu.memory_space<vmem>> -> memref<128xi32, #tpu.memory_space<vmem>>
      %dma_start3A_126 = arith.constant 0 : i32
      %dma_start3A_127 = arith.constant 0 : i32
      %dma_start3A_128 = tpu.memref_slice %arg2[%dma_start3A_126, %dma_start3A_127] : memref<10240x128xf32, #tpu.memory_space<hbm>> -> memref<10240x128xf32, #tpu.memory_space<hbm>>
      tpu.enqueue_indirect_dma source(%dma_start3A_128 : memref<10240x128xf32, #tpu.memory_space<hbm>>) target(%arg9 : memref<128x128xf32, #tpu.memory_space<vmem>>) offsets(%dma_start3A_125 : memref<128xi32, #tpu.memory_space<vmem>>) semaphore(%arg12 : memref<!tpu.dma_semaphore, #tpu.memory_space<semaphore_mem>>)
      %run_scoped3A_129 = arith.constant 4 : i32
      "tpu.region"() ({
        %run_scoped3A_169 = tpu.sem_alloc : memref<!tpu.dma_semaphore, #tpu.memory_space<semaphore_mem>>
        %dma_start3A_170 = arith.constant 0 : i32
        %dma_start3A_171 = tpu.memref_slice %arg7[%run_scoped3A_129, %dma_start3A_170] : memref<8x128xi32, #tpu.memory_space<vmem>> -> memref<1x128xi32, #tpu.memory_space<vmem>>
        %dma_start3A_172 = tpu.memref_squeeze %dma_start3A_171 : memref<1x128xi32, #tpu.memory_space<vmem>> -> memref<128xi32, #tpu.memory_space<vmem>>
        %dma_start3A_173 = arith.constant 0 : i32
        %dma_start3A_174 = arith.constant 0 : i32
        %dma_start3A_175 = tpu.memref_slice %arg10[%dma_start3A_173, %dma_start3A_174] : memref<10240x128xf32, #tpu.memory_space<vmem_shared>> -> memref<10240x128xf32, #tpu.memory_space<vmem_shared>>
        tpu.enqueue_indirect_dma source(%arg8 : memref<128x128xf32, #tpu.memory_space<vmem>>) target(%dma_start3A_175 : memref<10240x128xf32, #tpu.memory_space<vmem_shared>>) offsets(%dma_start3A_172 : memref<128xi32, #tpu.memory_space<vmem>>) semaphore(%run_scoped3A_169 : memref<!tpu.dma_semaphore, #tpu.memory_space<semaphore_mem>>) {add = true}
        %dma_wait3A_176 = arith.constant 0 : i32
        %dma_wait3A_177 = tpu.memref_slice %arg7[%run_scoped3A_129, %dma_wait3A_176] : memref<8x128xi32, #tpu.memory_space<vmem>> -> memref<1x128xi32, #tpu.memory_space<vmem>>
        %dma_wait3A_178 = tpu.memref_squeeze %dma_wait3A_177 : memref<1x128xi32, #tpu.memory_space<vmem>> -> memref<128xi32, #tpu.memory_space<vmem>>
        %dma_wait3A_179 = arith.constant 0 : i32
        %dma_wait3A_180 = arith.constant 0 : i32
        %dma_wait3A_181 = tpu.memref_slice %arg10[%dma_wait3A_179, %dma_wait3A_180] : memref<10240x128xf32, #tpu.memory_space<vmem_shared>> -> memref<10240x128xf32, #tpu.memory_space<vmem_shared>>
        tpu.wait_indirect_dma semaphore(%run_scoped3A_169 : memref<!tpu.dma_semaphore, #tpu.memory_space<semaphore_mem>>) src(%arg8 : memref<128x128xf32, #tpu.memory_space<vmem>>) dst(%dma_wait3A_181 : memref<10240x128xf32, #tpu.memory_space<vmem_shared>>)
        tpu.yield
      }) : () -> ()
      %dma_wait3A_130 = arith.constant 5 : i32
      %dma_wait3A_131 = arith.constant 0 : i32
      %dma_wait3A_132 = tpu.memref_slice %arg6[%dma_wait3A_130, %dma_wait3A_131] : memref<8x128xi32, #tpu.memory_space<vmem>> -> memref<1x128xi32, #tpu.memory_space<vmem>>
      %dma_wait3A_133 = tpu.memref_squeeze %dma_wait3A_132 : memref<1x128xi32, #tpu.memory_space<vmem>> -> memref<128xi32, #tpu.memory_space<vmem>>
      %dma_wait3A_134 = arith.constant 0 : i32
      %dma_wait3A_135 = arith.constant 0 : i32
      %dma_wait3A_136 = tpu.memref_slice %arg2[%dma_wait3A_134, %dma_wait3A_135] : memref<10240x128xf32, #tpu.memory_space<hbm>> -> memref<10240x128xf32, #tpu.memory_space<hbm>>
      tpu.wait_indirect_dma semaphore(%arg12 : memref<!tpu.dma_semaphore, #tpu.memory_space<semaphore_mem>>) src(%dma_wait3A_136 : memref<10240x128xf32, #tpu.memory_space<hbm>>) dst(%arg9 : memref<128x128xf32, #tpu.memory_space<vmem>>)
      %dma_start3A_137 = arith.constant 6 : i32
      %dma_start3A_138 = arith.constant 0 : i32
      %dma_start3A_139 = tpu.memref_slice %arg6[%dma_start3A_137, %dma_start3A_138] : memref<8x128xi32, #tpu.memory_space<vmem>> -> memref<1x128xi32, #tpu.memory_space<vmem>>
      %dma_start3A_140 = tpu.memref_squeeze %dma_start3A_139 : memref<1x128xi32, #tpu.memory_space<vmem>> -> memref<128xi32, #tpu.memory_space<vmem>>
      %dma_start3A_141 = arith.constant 0 : i32
      %dma_start3A_142 = arith.constant 0 : i32
      %dma_start3A_143 = tpu.memref_slice %arg2[%dma_start3A_141, %dma_start3A_142] : memref<10240x128xf32, #tpu.memory_space<hbm>> -> memref<10240x128xf32, #tpu.memory_space<hbm>>
      tpu.enqueue_indirect_dma source(%dma_start3A_143 : memref<10240x128xf32, #tpu.memory_space<hbm>>) target(%arg8 : memref<128x128xf32, #tpu.memory_space<vmem>>) offsets(%dma_start3A_140 : memref<128xi32, #tpu.memory_space<vmem>>) semaphore(%arg11 : memref<!tpu.dma_semaphore, #tpu.memory_space<semaphore_mem>>)
      %run_scoped3A_144 = arith.constant 5 : i32
      "tpu.region"() ({
        %run_scoped3A_169 = tpu.sem_alloc : memref<!tpu.dma_semaphore, #tpu.memory_space<semaphore_mem>>
        %dma_start3A_170 = arith.constant 0 : i32
        %dma_start3A_171 = tpu.memref_slice %arg7[%run_scoped3A_144, %dma_start3A_170] : memref<8x128xi32, #tpu.memory_space<vmem>> -> memref<1x128xi32, #tpu.memory_space<vmem>>
        %dma_start3A_172 = tpu.memref_squeeze %dma_start3A_171 : memref<1x128xi32, #tpu.memory_space<vmem>> -> memref<128xi32, #tpu.memory_space<vmem>>
        %dma_start3A_173 = arith.constant 0 : i32
        %dma_start3A_174 = arith.constant 0 : i32
        %dma_start3A_175 = tpu.memref_slice %arg10[%dma_start3A_173, %dma_start3A_174] : memref<10240x128xf32, #tpu.memory_space<vmem_shared>> -> memref<10240x128xf32, #tpu.memory_space<vmem_shared>>
        tpu.enqueue_indirect_dma source(%arg9 : memref<128x128xf32, #tpu.memory_space<vmem>>) target(%dma_start3A_175 : memref<10240x128xf32, #tpu.memory_space<vmem_shared>>) offsets(%dma_start3A_172 : memref<128xi32, #tpu.memory_space<vmem>>) semaphore(%run_scoped3A_169 : memref<!tpu.dma_semaphore, #tpu.memory_space<semaphore_mem>>) {add = true}
        %dma_wait3A_176 = arith.constant 0 : i32
        %dma_wait3A_177 = tpu.memref_slice %arg7[%run_scoped3A_144, %dma_wait3A_176] : memref<8x128xi32, #tpu.memory_space<vmem>> -> memref<1x128xi32, #tpu.memory_space<vmem>>
        %dma_wait3A_178 = tpu.memref_squeeze %dma_wait3A_177 : memref<1x128xi32, #tpu.memory_space<vmem>> -> memref<128xi32, #tpu.memory_space<vmem>>
        %dma_wait3A_179 = arith.constant 0 : i32
        %dma_wait3A_180 = arith.constant 0 : i32
        %dma_wait3A_181 = tpu.memref_slice %arg10[%dma_wait3A_179, %dma_wait3A_180] : memref<10240x128xf32, #tpu.memory_space<vmem_shared>> -> memref<10240x128xf32, #tpu.memory_space<vmem_shared>>
        tpu.wait_indirect_dma semaphore(%run_scoped3A_169 : memref<!tpu.dma_semaphore, #tpu.memory_space<semaphore_mem>>) src(%arg9 : memref<128x128xf32, #tpu.memory_space<vmem>>) dst(%dma_wait3A_181 : memref<10240x128xf32, #tpu.memory_space<vmem_shared>>)
        tpu.yield
      }) : () -> ()
      %dma_wait3A_145 = arith.constant 6 : i32
      %dma_wait3A_146 = arith.constant 0 : i32
      %dma_wait3A_147 = tpu.memref_slice %arg6[%dma_wait3A_145, %dma_wait3A_146] : memref<8x128xi32, #tpu.memory_space<vmem>> -> memref<1x128xi32, #tpu.memory_space<vmem>>
      %dma_wait3A_148 = tpu.memref_squeeze %dma_wait3A_147 : memref<1x128xi32, #tpu.memory_space<vmem>> -> memref<128xi32, #tpu.memory_space<vmem>>
      %dma_wait3A_149 = arith.constant 0 : i32
      %dma_wait3A_150 = arith.constant 0 : i32
      %dma_wait3A_151 = tpu.memref_slice %arg2[%dma_wait3A_149, %dma_wait3A_150] : memref<10240x128xf32, #tpu.memory_space<hbm>> -> memref<10240x128xf32, #tpu.memory_space<hbm>>
      tpu.wait_indirect_dma semaphore(%arg11 : memref<!tpu.dma_semaphore, #tpu.memory_space<semaphore_mem>>) src(%dma_wait3A_151 : memref<10240x128xf32, #tpu.memory_space<hbm>>) dst(%arg8 : memref<128x128xf32, #tpu.memory_space<vmem>>)
      %dma_start3A_152 = arith.constant 7 : i32
      %dma_start3A_153 = arith.constant 0 : i32
      %dma_start3A_154 = tpu.memref_slice %arg6[%dma_start3A_152, %dma_start3A_153] : memref<8x128xi32, #tpu.memory_space<vmem>> -> memref<1x128xi32, #tpu.memory_space<vmem>>
      %dma_start3A_155 = tpu.memref_squeeze %dma_start3A_154 : memref<1x128xi32, #tpu.memory_space<vmem>> -> memref<128xi32, #tpu.memory_space<vmem>>
      %dma_start3A_156 = arith.constant 0 : i32
      %dma_start3A_157 = arith.constant 0 : i32
      %dma_start3A_158 = tpu.memref_slice %arg2[%dma_start3A_156, %dma_start3A_157] : memref<10240x128xf32, #tpu.memory_space<hbm>> -> memref<10240x128xf32, #tpu.memory_space<hbm>>
      tpu.enqueue_indirect_dma source(%dma_start3A_158 : memref<10240x128xf32, #tpu.memory_space<hbm>>) target(%arg9 : memref<128x128xf32, #tpu.memory_space<vmem>>) offsets(%dma_start3A_155 : memref<128xi32, #tpu.memory_space<vmem>>) semaphore(%arg12 : memref<!tpu.dma_semaphore, #tpu.memory_space<semaphore_mem>>)
      %run_scoped3A_159 = arith.constant 6 : i32
      "tpu.region"() ({
        %run_scoped3A_169 = tpu.sem_alloc : memref<!tpu.dma_semaphore, #tpu.memory_space<semaphore_mem>>
        %dma_start3A_170 = arith.constant 0 : i32
        %dma_start3A_171 = tpu.memref_slice %arg7[%run_scoped3A_159, %dma_start3A_170] : memref<8x128xi32, #tpu.memory_space<vmem>> -> memref<1x128xi32, #tpu.memory_space<vmem>>
        %dma_start3A_172 = tpu.memref_squeeze %dma_start3A_171 : memref<1x128xi32, #tpu.memory_space<vmem>> -> memref<128xi32, #tpu.memory_space<vmem>>
        %dma_start3A_173 = arith.constant 0 : i32
        %dma_start3A_174 = arith.constant 0 : i32
        %dma_start3A_175 = tpu.memref_slice %arg10[%dma_start3A_173, %dma_start3A_174] : memref<10240x128xf32, #tpu.memory_space<vmem_shared>> -> memref<10240x128xf32, #tpu.memory_space<vmem_shared>>
        tpu.enqueue_indirect_dma source(%arg8 : memref<128x128xf32, #tpu.memory_space<vmem>>) target(%dma_start3A_175 : memref<10240x128xf32, #tpu.memory_space<vmem_shared>>) offsets(%dma_start3A_172 : memref<128xi32, #tpu.memory_space<vmem>>) semaphore(%run_scoped3A_169 : memref<!tpu.dma_semaphore, #tpu.memory_space<semaphore_mem>>) {add = true}
        %dma_wait3A_176 = arith.constant 0 : i32
        %dma_wait3A_177 = tpu.memref_slice %arg7[%run_scoped3A_159, %dma_wait3A_176] : memref<8x128xi32, #tpu.memory_space<vmem>> -> memref<1x128xi32, #tpu.memory_space<vmem>>
        %dma_wait3A_178 = tpu.memref_squeeze %dma_wait3A_177 : memref<1x128xi32, #tpu.memory_space<vmem>> -> memref<128xi32, #tpu.memory_space<vmem>>
        %dma_wait3A_179 = arith.constant 0 : i32
        %dma_wait3A_180 = arith.constant 0 : i32
        %dma_wait3A_181 = tpu.memref_slice %arg10[%dma_wait3A_179, %dma_wait3A_180] : memref<10240x128xf32, #tpu.memory_space<vmem_shared>> -> memref<10240x128xf32, #tpu.memory_space<vmem_shared>>
        tpu.wait_indirect_dma semaphore(%run_scoped3A_169 : memref<!tpu.dma_semaphore, #tpu.memory_space<semaphore_mem>>) src(%arg8 : memref<128x128xf32, #tpu.memory_space<vmem>>) dst(%dma_wait3A_181 : memref<10240x128xf32, #tpu.memory_space<vmem_shared>>)
        tpu.yield
      }) : () -> ()
      %dma_wait3A_160 = arith.constant 7 : i32
      %dma_wait3A_161 = arith.constant 0 : i32
      %dma_wait3A_162 = tpu.memref_slice %arg6[%dma_wait3A_160, %dma_wait3A_161] : memref<8x128xi32, #tpu.memory_space<vmem>> -> memref<1x128xi32, #tpu.memory_space<vmem>>
      %dma_wait3A_163 = tpu.memref_squeeze %dma_wait3A_162 : memref<1x128xi32, #tpu.memory_space<vmem>> -> memref<128xi32, #tpu.memory_space<vmem>>
      %dma_wait3A_164 = arith.constant 0 : i32
      %dma_wait3A_165 = arith.constant 0 : i32
      %dma_wait3A_166 = tpu.memref_slice %arg2[%dma_wait3A_164, %dma_wait3A_165] : memref<10240x128xf32, #tpu.memory_space<hbm>> -> memref<10240x128xf32, #tpu.memory_space<hbm>>
      tpu.wait_indirect_dma semaphore(%arg12 : memref<!tpu.dma_semaphore, #tpu.memory_space<semaphore_mem>>) src(%dma_wait3A_166 : memref<10240x128xf32, #tpu.memory_space<hbm>>) dst(%arg9 : memref<128x128xf32, #tpu.memory_space<vmem>>)
      %run_scoped3A_167 = arith.constant 7 : i32
      "tpu.region"() ({
        %run_scoped3A_169 = tpu.sem_alloc : memref<!tpu.dma_semaphore, #tpu.memory_space<semaphore_mem>>
        %dma_start3A_170 = arith.constant 0 : i32
        %dma_start3A_171 = tpu.memref_slice %arg7[%run_scoped3A_167, %dma_start3A_170] : memref<8x128xi32, #tpu.memory_space<vmem>> -> memref<1x128xi32, #tpu.memory_space<vmem>>
        %dma_start3A_172 = tpu.memref_squeeze %dma_start3A_171 : memref<1x128xi32, #tpu.memory_space<vmem>> -> memref<128xi32, #tpu.memory_space<vmem>>
        %dma_start3A_173 = arith.constant 0 : i32
        %dma_start3A_174 = arith.constant 0 : i32
        %dma_start3A_175 = tpu.memref_slice %arg10[%dma_start3A_173, %dma_start3A_174] : memref<10240x128xf32, #tpu.memory_space<vmem_shared>> -> memref<10240x128xf32, #tpu.memory_space<vmem_shared>>
        tpu.enqueue_indirect_dma source(%arg9 : memref<128x128xf32, #tpu.memory_space<vmem>>) target(%dma_start3A_175 : memref<10240x128xf32, #tpu.memory_space<vmem_shared>>) offsets(%dma_start3A_172 : memref<128xi32, #tpu.memory_space<vmem>>) semaphore(%run_scoped3A_169 : memref<!tpu.dma_semaphore, #tpu.memory_space<semaphore_mem>>) {add = true}
        %dma_wait3A_176 = arith.constant 0 : i32
        %dma_wait3A_177 = tpu.memref_slice %arg7[%run_scoped3A_167, %dma_wait3A_176] : memref<8x128xi32, #tpu.memory_space<vmem>> -> memref<1x128xi32, #tpu.memory_space<vmem>>
        %dma_wait3A_178 = tpu.memref_squeeze %dma_wait3A_177 : memref<1x128xi32, #tpu.memory_space<vmem>> -> memref<128xi32, #tpu.memory_space<vmem>>
        %dma_wait3A_179 = arith.constant 0 : i32
        %dma_wait3A_180 = arith.constant 0 : i32
        %dma_wait3A_181 = tpu.memref_slice %arg10[%dma_wait3A_179, %dma_wait3A_180] : memref<10240x128xf32, #tpu.memory_space<vmem_shared>> -> memref<10240x128xf32, #tpu.memory_space<vmem_shared>>
        tpu.wait_indirect_dma semaphore(%run_scoped3A_169 : memref<!tpu.dma_semaphore, #tpu.memory_space<semaphore_mem>>) src(%arg9 : memref<128x128xf32, #tpu.memory_space<vmem>>) dst(%dma_wait3A_181 : memref<10240x128xf32, #tpu.memory_space<vmem_shared>>)
        tpu.yield
      }) : () -> ()
      %while3A_168 = arith.constant 0 : i32
      scf.yield %while3A_168 : i32
    }
    %barrier3A_35 = arith.constant 0 : index
    tpu.barrier barrier_id(%barrier3A_35)
    %mul3A_36 = arith.constant 10240 : i32
    %mul3A_37 = arith.muli %arg0, %mul3A_36 : i32
    %add3A_38 = arith.addi %mul3A_37, %mul3A_0 : i32
    %scan3A_39 = arith.constant 0 : i32
    %scan3A_40 = arith.constant 0 : i32
    %scan3A_41 = arith.constant 5 : i32
    %scan3A_42 = arith.addi %scan3A_40, %scan3A_41 : i32
    %scan3A_43 = arith.constant 1 : i32
    %scan3A_44 = scf.for %scan3A_46 = %scan3A_40 to %scan3A_42 step %scan3A_43 iter_args(%scan3A_47 = %scan3A_39) -> (i32)  : i32 {
      %mul3A_48 = arith.constant 128 : i32
      %mul3A_49 = arith.muli %scan3A_46, %mul3A_48 : i32
      %add3A_50 = arith.addi %mul3A_0, %mul3A_49 : i32
      "tpu.region"() ({
        %run_scoped3A = tpu.sem_alloc : memref<!tpu.dma_semaphore, #tpu.memory_space<semaphore_mem>>
        %dma_start3A = arith.constant 0 : i32
        %dma_start3A_55 = tpu.memref_slice %arg10[%add3A_50, %dma_start3A] : memref<10240x128xf32, #tpu.memory_space<vmem_shared>> -> memref<128x128xf32, #tpu.memory_space<vmem_shared>>
        %dma_start3A_56 = arith.constant 0 : i32
        %dma_start3A_57 = tpu.memref_slice %arg10[%add3A_50, %dma_start3A_56] : memref<10240x128xf32, #tpu.memory_space<vmem_shared>> -> memref<128x128xf32, #tpu.memory_space<vmem_shared>>
        tpu.enqueue_dma source(%dma_start3A_57 : memref<128x128xf32, #tpu.memory_space<vmem_shared>>) target(%arg8 : memref<128x128xf32, #tpu.memory_space<vmem>>) target_semaphore(%run_scoped3A : memref<!tpu.dma_semaphore, #tpu.memory_space<semaphore_mem>>)
        %dma_wait3A = arith.constant 0 : i32
        %dma_wait3A_58 = tpu.memref_slice %arg10[%add3A_50, %dma_wait3A] : memref<10240x128xf32, #tpu.memory_space<vmem_shared>> -> memref<128x128xf32, #tpu.memory_space<vmem_shared>>
        %dma_wait3A_59 = arith.constant 0 : i32
        %dma_wait3A_60 = tpu.memref_slice %arg10[%add3A_50, %dma_wait3A_59] : memref<10240x128xf32, #tpu.memory_space<vmem_shared>> -> memref<128x128xf32, #tpu.memory_space<vmem_shared>>
        tpu.wait_dma2 semaphore(%run_scoped3A : memref<!tpu.dma_semaphore, #tpu.memory_space<semaphore_mem>>) src(%dma_wait3A_60 : memref<128x128xf32, #tpu.memory_space<vmem_shared>>) dst(%arg8 : memref<128x128xf32, #tpu.memory_space<vmem>>)
        tpu.yield
      }) : () -> ()
      %mul3A_51 = arith.constant 128 : i32
      %mul3A_52 = arith.muli %scan3A_46, %mul3A_51 : i32
      %add3A_53 = arith.addi %add3A_38, %mul3A_52 : i32
      "tpu.region"() ({
        %run_scoped3A = tpu.sem_alloc : memref<!tpu.dma_semaphore, #tpu.memory_space<semaphore_mem>>
        %dma_start3A = arith.constant 0 : i32
        %dma_start3A_55 = tpu.memref_slice %arg5[%add3A_53, %dma_start3A] : memref<20480x128xf32, #tpu.memory_space<hbm>> -> memref<128x128xf32, #tpu.memory_space<hbm>>
        %dma_start3A_56 = arith.constant 0 : i32
        %dma_start3A_57 = tpu.memref_slice %arg5[%add3A_53, %dma_start3A_56] : memref<20480x128xf32, #tpu.memory_space<hbm>> -> memref<128x128xf32, #tpu.memory_space<hbm>>
        tpu.enqueue_dma source(%arg8 : memref<128x128xf32, #tpu.memory_space<vmem>>) target(%dma_start3A_57 : memref<128x128xf32, #tpu.memory_space<hbm>>) target_semaphore(%run_scoped3A : memref<!tpu.dma_semaphore, #tpu.memory_space<semaphore_mem>>)
        %dma_wait3A = arith.constant 0 : i32
        %dma_wait3A_58 = tpu.memref_slice %arg5[%add3A_53, %dma_wait3A] : memref<20480x128xf32, #tpu.memory_space<hbm>> -> memref<128x128xf32, #tpu.memory_space<hbm>>
        %dma_wait3A_59 = arith.constant 0 : i32
        %dma_wait3A_60 = tpu.memref_slice %arg5[%add3A_53, %dma_wait3A_59] : memref<20480x128xf32, #tpu.memory_space<hbm>> -> memref<128x128xf32, #tpu.memory_space<hbm>>
        tpu.wait_dma2 semaphore(%run_scoped3A : memref<!tpu.dma_semaphore, #tpu.memory_space<semaphore_mem>>) src(%arg8 : memref<128x128xf32, #tpu.memory_space<vmem>>) dst(%dma_wait3A_60 : memref<128x128xf32, #tpu.memory_space<hbm>>)
        tpu.yield
      }) : () -> ()
      %scan3A_54 = arith.constant 0 : i32
      scf.yield %scan3A_54 : i32
    }
    %scan3A_45 = arith.constant 5 : i32
    return
  }
}

#map = affine_map<(d0, d1) -> (0, 0)>
module attributes {stable_mosaic.version = 14 : i64} {
  func.func @_sc_body(%arg0: i32, %arg1: i32, %arg2: memref<10240x128xf32, #tpu.memory_space<hbm>>, %arg3: memref<2560x128xi32, #tpu.memory_space<hbm>>, %arg4: memref<2560x128xi32, #tpu.memory_space<hbm>>, %arg5: memref<20480x128xf32, #tpu.memory_space<hbm>>, %arg6: memref<8x128xi32, #tpu.memory_space<vmem>>, %arg7: memref<8x128xi32, #tpu.memory_space<vmem>>, %arg8: memref<128x128xf32, #tpu.memory_space<vmem>>, %arg9: memref<128x128xf32, #tpu.memory_space<vmem>>, %arg10: memref<10240x128xf32, #tpu.memory_space<vmem_shared>>, %arg11: memref<!tpu.dma_semaphore, #tpu.memory_space<semaphore_mem>>, %arg12: memref<!tpu.dma_semaphore, #tpu.memory_space<semaphore_mem>>) attributes {dimension_semantics = [#tpu.dimension_semantics<core_parallel>, #tpu.dimension_semantics<subcore_parallel>], iteration_bounds = array<i64: 2, 16>, scalar_prefetch = 0 : i64, scratch_operands = 7 : i64, tpu.core_type = #tpu.core_type<sc_vector_subcore>, window_params = [{transform_indices = #map}, {transform_indices = #map}, {transform_indices = #map}, {transform_indices = #map}]} {
    %mul3A = arith.constant 640 : i32
    %mul3A_0 = arith.muli %arg1, %mul3A : i32
    %mul3A_1 = arith.constant 160 : i32
    %mul3A_2 = arith.muli %arg1, %mul3A_1 : i32
    %eq3A = arith.constant 0 : i32
    %eq3A_3 = arith.cmpi eq, %arg0, %eq3A : i32
    %jit3A = arith.constant 0 : i32
    %jit3A_4 = arith.constant 120 : i32
    %select_n3A = arith.select %eq3A_3, %jit3A, %jit3A_4 : i32
    %add3A = arith.addi %mul3A_2, %select_n3A : i32
    %eq3A_5 = arith.constant 0 : i32
    %eq3A_6 = arith.cmpi eq, %arg0, %eq3A_5 : i32
    %jit3A_7 = arith.constant 15 : i32
    %jit3A_8 = arith.constant 5 : i32
    %select_n3A_9 = arith.select %eq3A_6, %jit3A_7, %jit3A_8 : i32
    %broadcast_in_dim3A = arith.constant 0.000000e+00 : f32
    %broadcast_in_dim3A_10 = vector.broadcast %broadcast_in_dim3A : f32 to vector<16xf32>
    %scan3A = arith.constant 0 : i32
    %scan3A_11 = arith.constant 0 : i32
    %scan3A_12 = arith.constant 1024 : i32
    %scan3A_13 = arith.addi %scan3A_11, %scan3A_12 : i32
    %scan3A_14 = arith.constant 1 : i32
    %scan3A_15 = scf.for %scan3A_46 = %scan3A_11 to %scan3A_13 step %scan3A_14 iter_args(%scan3A_47 = %scan3A) -> (i32)  : i32 {
      %jit3A_48 = arith.constant 8 : i32
      %div3A = arith.divsi %scan3A_46, %jit3A_48 : i32
      %sign3A = arith.constant 0 : i32
      %sign3A_49 = arith.cmpi sgt, %scan3A_46, %sign3A : i32
      %sign3A_50 = arith.extui %sign3A_49 : i1 to i32
      %sign3A_51 = arith.constant 0 : i32
      %sign3A_52 = arith.cmpi slt, %scan3A_46, %sign3A_51 : i32
      %sign3A_53 = arith.extui %sign3A_52 : i1 to i32
      %sign3A_54 = arith.subi %sign3A_50, %sign3A_53 : i32
      %sign3A_55 = arith.constant 0 : i32
      %sign3A_56 = arith.cmpi sgt, %jit3A_48, %sign3A_55 : i32
      %sign3A_57 = arith.extui %sign3A_56 : i1 to i32
      %sign3A_58 = arith.constant 0 : i32
      %sign3A_59 = arith.cmpi slt, %jit3A_48, %sign3A_58 : i32
      %sign3A_60 = arith.extui %sign3A_59 : i1 to i32
      %sign3A_61 = arith.subi %sign3A_57, %sign3A_60 : i32
      %ne3A = arith.cmpi ne, %sign3A_54, %sign3A_61 : i32
      %rem3A = arith.remsi %scan3A_46, %jit3A_48 : i32
      %ne3A_62 = arith.constant 0 : i32
      %ne3A_63 = arith.cmpi ne, %rem3A, %ne3A_62 : i32
      %and3A = arith.andi %ne3A, %ne3A_63 : i1
      %sub3A = arith.constant 1 : i32
      %sub3A_64 = arith.subi %div3A, %sub3A : i32
      %select_n3A_65 = arith.select %and3A, %sub3A_64, %div3A : i32
      %jit3A_66 = arith.constant 8 : i32
      %eq3A_67 = arith.constant 0 : i32
      %eq3A_68 = arith.cmpi eq, %jit3A_66, %eq3A_67 : i32
      %jit3A_69 = arith.constant 1 : i32
      %select_n3A_70 = arith.select %eq3A_68, %jit3A_69, %jit3A_66 : i32
      %rem3A_71 = arith.remsi %scan3A_46, %select_n3A_70 : i32
      %ne3A_72 = arith.constant 0 : i32
      %ne3A_73 = arith.cmpi ne, %rem3A_71, %ne3A_72 : i32
      %lt3A = arith.constant 0 : i32
      %lt3A_74 = arith.cmpi slt, %rem3A_71, %lt3A : i32
      %lt3A_75 = arith.constant 0 : i32
      %lt3A_76 = arith.cmpi slt, %select_n3A_70, %lt3A_75 : i32
      %ne3A_77 = arith.xori %lt3A_74, %lt3A_76 : i1
      %and3A_78 = arith.andi %ne3A_77, %ne3A_73 : i1
      %add3A_79 = arith.addi %rem3A_71, %select_n3A_70 : i32
      %select_n3A_80 = arith.select %and3A_78, %add3A_79, %rem3A_71 : i32
      %mul3A_81 = arith.constant 16 : i32
      %mul3A_82 = arith.muli %select_n3A_80, %mul3A_81 : i32
      %swap3A = arith.index_cast %select_n3A_65 : i32 to index
      %swap3A_83 = arith.index_cast %mul3A_82 : i32 to index
      %swap3A_84 = tpu.vector_load %arg8[%swap3A, %swap3A_83] {strides = array<i32>} : memref<128x128xf32, #tpu.memory_space<vmem>>, vector<1x16xf32>,
      %swap3A_85 = vector.shape_cast %swap3A_84 : vector<1x16xf32> to vector<16xf32>
      %swap3A_86 = vector.shape_cast %broadcast_in_dim3A_10 : vector<16xf32> to vector<1x16xf32>
      tpu.vector_store %arg8[%swap3A, %swap3A_83], %swap3A_86 {strides = array<i32>} : memref<128x128xf32, #tpu.memory_space<vmem>>, vector<1x16xf32>,
      %scan3A_87 = arith.constant 0 : i32
      scf.yield %scan3A_87 : i32
    }
    %scan3A_16 = arith.constant 1024 : i32
    %scan3A_17 = arith.constant 0 : i32
    %scan3A_18 = arith.constant 0 : i32
    %scan3A_19 = arith.constant 5 : i32
    %scan3A_20 = arith.addi %scan3A_18, %scan3A_19 : i32
    %scan3A_21 = arith.constant 1 : i32
    %scan3A_22 = scf.for %scan3A_46 = %scan3A_18 to %scan3A_20 step %scan3A_21 iter_args(%scan3A_47 = %scan3A_17) -> (i32)  : i32 {
      %mul3A_48 = arith.constant 128 : i32
      %mul3A_49 = arith.muli %scan3A_46, %mul3A_48 : i32
      %add3A_50 = arith.addi %mul3A_0, %mul3A_49 : i32
      "tpu.region"() ({
        %run_scoped3A = tpu.sem_alloc : memref<!tpu.dma_semaphore, #tpu.memory_space<semaphore_mem>>
        %dma_start3A = arith.constant 0 : i32
        %dma_start3A_52 = tpu.memref_slice %arg10[%add3A_50, %dma_start3A] : memref<10240x128xf32, #tpu.memory_space<vmem_shared>> -> memref<128x128xf32, #tpu.memory_space<vmem_shared>>
        %dma_start3A_53 = arith.constant 0 : i32
        %dma_start3A_54 = tpu.memref_slice %arg10[%add3A_50, %dma_start3A_53] : memref<10240x128xf32, #tpu.memory_space<vmem_shared>> -> memref<128x128xf32, #tpu.memory_space<vmem_shared>>
        tpu.enqueue_dma source(%arg8 : memref<128x128xf32, #tpu.memory_space<vmem>>) target(%dma_start3A_54 : memref<128x128xf32, #tpu.memory_space<vmem_shared>>) target_semaphore(%run_scoped3A : memref<!tpu.dma_semaphore, #tpu.memory_space<semaphore_mem>>)
        %dma_wait3A = arith.constant 0 : i32
        %dma_wait3A_55 = tpu.memref_slice %arg10[%add3A_50, %dma_wait3A] : memref<10240x128xf32, #tpu.memory_space<vmem_shared>> -> memref<128x128xf32, #tpu.memory_space<vmem_shared>>
        %dma_wait3A_56 = arith.constant 0 : i32
        %dma_wait3A_57 = tpu.memref_slice %arg10[%add3A_50, %dma_wait3A_56] : memref<10240x128xf32, #tpu.memory_space<vmem_shared>> -> memref<128x128xf32, #tpu.memory_space<vmem_shared>>
        tpu.wait_dma2 semaphore(%run_scoped3A : memref<!tpu.dma_semaphore, #tpu.memory_space<semaphore_mem>>) src(%arg8 : memref<128x128xf32, #tpu.memory_space<vmem>>) dst(%dma_wait3A_57 : memref<128x128xf32, #tpu.memory_space<vmem_shared>>)
        tpu.yield
      }) : () -> ()
      %scan3A_51 = arith.constant 0 : i32
      scf.yield %scan3A_51 : i32
    }
    %scan3A_23 = arith.constant 5 : i32
    %barrier3A = arith.constant 0 : index
    tpu.barrier barrier_id(%barrier3A)
    %while3A = arith.constant 0 : i32
    %while3A_24 = arith.constant 0 : i32
    %while3A_25 = arith.subi %select_n3A_9, %while3A : i32
    %while3A_26 = arith.addi %while3A, %while3A_25 : i32
    %while3A_27 = arith.constant 1 : i32
    %while3A_28 = arith.divsi %while3A_25, %while3A_27 : i32
    %while3A_29 = arith.muli %while3A_28, %while3A_27 : i32
    %while3A_30 = arith.addi %while3A, %while3A_29 : i32
    %while3A_31 = arith.constant 1 : i32
    %while3A_32 = scf.for %while3A_46 = %while3A to %while3A_30 step %while3A_31 iter_args(%while3A_47 = %while3A_24) -> (i32)  : i32 {
      %mul3A_48 = arith.constant 8 : i32
      %mul3A_49 = arith.muli %while3A_46, %mul3A_48 : i32
      %add3A_50 = arith.addi %add3A, %mul3A_49 : i32
      "tpu.region"() ({
        %run_scoped3A_169 = tpu.sem_alloc : memref<!tpu.dma_semaphore, #tpu.memory_space<semaphore_mem>>
        %dma_start3A_170 = arith.constant 0 : i32
        %dma_start3A_171 = tpu.memref_slice %arg3[%add3A_50, %dma_start3A_170] : memref<2560x128xi32, #tpu.memory_space<hbm>> -> memref<8x128xi32, #tpu.memory_space<hbm>>
        %dma_start3A_172 = arith.constant 0 : i32
        %dma_start3A_173 = tpu.memref_slice %arg3[%add3A_50, %dma_start3A_172] : memref<2560x128xi32, #tpu.memory_space<hbm>> -> memref<8x128xi32, #tpu.memory_space<hbm>>
        tpu.enqueue_dma source(%dma_start3A_173 : memref<8x128xi32, #tpu.memory_space<hbm>>) target(%arg6 : memref<8x128xi32, #tpu.memory_space<vmem>>) target_semaphore(%run_scoped3A_169 : memref<!tpu.dma_semaphore, #tpu.memory_space<semaphore_mem>>)
        %dma_wait3A_174 = arith.constant 0 : i32
        %dma_wait3A_175 = tpu.memref_slice %arg3[%add3A_50, %dma_wait3A_174] : memref<2560x128xi32, #tpu.memory_space<hbm>> -> memref<8x128xi32, #tpu.memory_space<hbm>>
        %dma_wait3A_176 = arith.constant 0 : i32
        %dma_wait3A_177 = tpu.memref_slice %arg3[%add3A_50, %dma_wait3A_176] : memref<2560x128xi32, #tpu.memory_space<hbm>> -> memref<8x128xi32, #tpu.memory_space<hbm>>
        tpu.wait_dma2 semaphore(%run_scoped3A_169 : memref<!tpu.dma_semaphore, #tpu.memory_space<semaphore_mem>>) src(%dma_wait3A_177 : memref<8x128xi32, #tpu.memory_space<hbm>>) dst(%arg6 : memref<8x128xi32, #tpu.memory_space<vmem>>)
        tpu.yield
      }) : () -> ()
      "tpu.region"() ({
        %run_scoped3A_169 = tpu.sem_alloc : memref<!tpu.dma_semaphore, #tpu.memory_space<semaphore_mem>>
        %dma_start3A_170 = arith.constant 0 : i32
        %dma_start3A_171 = tpu.memref_slice %arg4[%add3A_50, %dma_start3A_170] : memref<2560x128xi32, #tpu.memory_space<hbm>> -> memref<8x128xi32, #tpu.memory_space<hbm>>
        %dma_start3A_172 = arith.constant 0 : i32
        %dma_start3A_173 = tpu.memref_slice %arg4[%add3A_50, %dma_start3A_172] : memref<2560x128xi32, #tpu.memory_space<hbm>> -> memref<8x128xi32, #tpu.memory_space<hbm>>
        tpu.enqueue_dma source(%dma_start3A_173 : memref<8x128xi32, #tpu.memory_space<hbm>>) target(%arg7 : memref<8x128xi32, #tpu.memory_space<vmem>>) target_semaphore(%run_scoped3A_169 : memref<!tpu.dma_semaphore, #tpu.memory_space<semaphore_mem>>)
        %dma_wait3A_174 = arith.constant 0 : i32
        %dma_wait3A_175 = tpu.memref_slice %arg4[%add3A_50, %dma_wait3A_174] : memref<2560x128xi32, #tpu.memory_space<hbm>> -> memref<8x128xi32, #tpu.memory_space<hbm>>
        %dma_wait3A_176 = arith.constant 0 : i32
        %dma_wait3A_177 = tpu.memref_slice %arg4[%add3A_50, %dma_wait3A_176] : memref<2560x128xi32, #tpu.memory_space<hbm>> -> memref<8x128xi32, #tpu.memory_space<hbm>>
        tpu.wait_dma2 semaphore(%run_scoped3A_169 : memref<!tpu.dma_semaphore, #tpu.memory_space<semaphore_mem>>) src(%dma_wait3A_177 : memref<8x128xi32, #tpu.memory_space<hbm>>) dst(%arg7 : memref<8x128xi32, #tpu.memory_space<vmem>>)
        tpu.yield
      }) : () -> ()
      %dma_start3A = arith.constant 0 : i32
      %dma_start3A_51 = arith.constant 0 : i32
      %dma_start3A_52 = tpu.memref_slice %arg6[%dma_start3A, %dma_start3A_51] : memref<8x128xi32, #tpu.memory_space<vmem>> -> memref<1x128xi32, #tpu.memory_space<vmem>>
      %dma_start3A_53 = tpu.memref_squeeze %dma_start3A_52 : memref<1x128xi32, #tpu.memory_space<vmem>> -> memref<128xi32, #tpu.memory_space<vmem>>
      %dma_start3A_54 = arith.constant 0 : i32
      %dma_start3A_55 = arith.constant 0 : i32
      %dma_start3A_56 = tpu.memref_slice %arg2[%dma_start3A_54, %dma_start3A_55] : memref<10240x128xf32, #tpu.memory_space<hbm>> -> memref<10240x128xf32, #tpu.memory_space<hbm>>
      tpu.enqueue_indirect_dma source(%dma_start3A_56 : memref<10240x128xf32, #tpu.memory_space<hbm>>) target(%arg8 : memref<128x128xf32, #tpu.memory_space<vmem>>) offsets(%dma_start3A_53 : memref<128xi32, #tpu.memory_space<vmem>>) semaphore(%arg11 : memref<!tpu.dma_semaphore, #tpu.memory_space<semaphore_mem>>)
      %dma_wait3A = arith.constant 0 : i32
      %dma_wait3A_57 = arith.constant 0 : i32
      %dma_wait3A_58 = tpu.memref_slice %arg6[%dma_wait3A, %dma_wait3A_57] : memref<8x128xi32, #tpu.memory_space<vmem>> -> memref<1x128xi32, #tpu.memory_space<vmem>>
      %dma_wait3A_59 = tpu.memref_squeeze %dma_wait3A_58 : memref<1x128xi32, #tpu.memory_space<vmem>> -> memref<128xi32, #tpu.memory_space<vmem>>
      %dma_wait3A_60 = arith.constant 0 : i32
      %dma_wait3A_61 = arith.constant 0 : i32
      %dma_wait3A_62 = tpu.memref_slice %arg2[%dma_wait3A_60, %dma_wait3A_61] : memref<10240x128xf32, #tpu.memory_space<hbm>> -> memref<10240x128xf32, #tpu.memory_space<hbm>>
      tpu.wait_indirect_dma semaphore(%arg11 : memref<!tpu.dma_semaphore, #tpu.memory_space<semaphore_mem>>) src(%dma_wait3A_62 : memref<10240x128xf32, #tpu.memory_space<hbm>>) dst(%arg8 : memref<128x128xf32, #tpu.memory_space<vmem>>)
      %dma_start3A_63 = arith.constant 1 : i32
      %dma_start3A_64 = arith.constant 0 : i32
      %dma_start3A_65 = tpu.memref_slice %arg6[%dma_start3A_63, %dma_start3A_64] : memref<8x128xi32, #tpu.memory_space<vmem>> -> memref<1x128xi32, #tpu.memory_space<vmem>>
      %dma_start3A_66 = tpu.memref_squeeze %dma_start3A_65 : memref<1x128xi32, #tpu.memory_space<vmem>> -> memref<128xi32, #tpu.memory_space<vmem>>
      %dma_start3A_67 = arith.constant 0 : i32
      %dma_start3A_68 = arith.constant 0 : i32
      %dma_start3A_69 = tpu.memref_slice %arg2[%dma_start3A_67, %dma_start3A_68] : memref<10240x128xf32, #tpu.memory_space<hbm>> -> memref<10240x128xf32, #tpu.memory_space<hbm>>
      tpu.enqueue_indirect_dma source(%dma_start3A_69 : memref<10240x128xf32, #tpu.memory_space<hbm>>) target(%arg9 : memref<128x128xf32, #tpu.memory_space<vmem>>) offsets(%dma_start3A_66 : memref<128xi32, #tpu.memory_space<vmem>>) semaphore(%arg12 : memref<!tpu.dma_semaphore, #tpu.memory_space<semaphore_mem>>)
      %run_scoped3A = arith.constant 0 : i32
      "tpu.region"() ({
        %run_scoped3A_169 = tpu.sem_alloc : memref<!tpu.dma_semaphore, #tpu.memory_space<semaphore_mem>>
        %dma_start3A_170 = arith.constant 0 : i32
        %dma_start3A_171 = tpu.memref_slice %arg7[%run_scoped3A, %dma_start3A_170] : memref<8x128xi32, #tpu.memory_space<vmem>> -> memref<1x128xi32, #tpu.memory_space<vmem>>
        %dma_start3A_172 = tpu.memref_squeeze %dma_start3A_171 : memref<1x128xi32, #tpu.memory_space<vmem>> -> memref<128xi32, #tpu.memory_space<vmem>>
        %dma_start3A_173 = arith.constant 0 : i32
        %dma_start3A_174 = arith.constant 0 : i32
        %dma_start3A_175 = tpu.memref_slice %arg10[%dma_start3A_173, %dma_start3A_174] : memref<10240x128xf32, #tpu.memory_space<vmem_shared>> -> memref<10240x128xf32, #tpu.memory_space<vmem_shared>>
        tpu.enqueue_indirect_dma source(%arg8 : memref<128x128xf32, #tpu.memory_space<vmem>>) target(%dma_start3A_175 : memref<10240x128xf32, #tpu.memory_space<vmem_shared>>) offsets(%dma_start3A_172 : memref<128xi32, #tpu.memory_space<vmem>>) semaphore(%run_scoped3A_169 : memref<!tpu.dma_semaphore, #tpu.memory_space<semaphore_mem>>) {add = true}
        %dma_wait3A_176 = arith.constant 0 : i32
        %dma_wait3A_177 = tpu.memref_slice %arg7[%run_scoped3A, %dma_wait3A_176] : memref<8x128xi32, #tpu.memory_space<vmem>> -> memref<1x128xi32, #tpu.memory_space<vmem>>
        %dma_wait3A_178 = tpu.memref_squeeze %dma_wait3A_177 : memref<1x128xi32, #tpu.memory_space<vmem>> -> memref<128xi32, #tpu.memory_space<vmem>>
        %dma_wait3A_179 = arith.constant 0 : i32
        %dma_wait3A_180 = arith.constant 0 : i32
        %dma_wait3A_181 = tpu.memref_slice %arg10[%dma_wait3A_179, %dma_wait3A_180] : memref<10240x128xf32, #tpu.memory_space<vmem_shared>> -> memref<10240x128xf32, #tpu.memory_space<vmem_shared>>
        tpu.wait_indirect_dma semaphore(%run_scoped3A_169 : memref<!tpu.dma_semaphore, #tpu.memory_space<semaphore_mem>>) src(%arg8 : memref<128x128xf32, #tpu.memory_space<vmem>>) dst(%dma_wait3A_181 : memref<10240x128xf32, #tpu.memory_space<vmem_shared>>)
        tpu.yield
      }) : () -> ()
      %dma_wait3A_70 = arith.constant 1 : i32
      %dma_wait3A_71 = arith.constant 0 : i32
      %dma_wait3A_72 = tpu.memref_slice %arg6[%dma_wait3A_70, %dma_wait3A_71] : memref<8x128xi32, #tpu.memory_space<vmem>> -> memref<1x128xi32, #tpu.memory_space<vmem>>
      %dma_wait3A_73 = tpu.memref_squeeze %dma_wait3A_72 : memref<1x128xi32, #tpu.memory_space<vmem>> -> memref<128xi32, #tpu.memory_space<vmem>>
      %dma_wait3A_74 = arith.constant 0 : i32
      %dma_wait3A_75 = arith.constant 0 : i32
      %dma_wait3A_76 = tpu.memref_slice %arg2[%dma_wait3A_74, %dma_wait3A_75] : memref<10240x128xf32, #tpu.memory_space<hbm>> -> memref<10240x128xf32, #tpu.memory_space<hbm>>
      tpu.wait_indirect_dma semaphore(%arg12 : memref<!tpu.dma_semaphore, #tpu.memory_space<semaphore_mem>>) src(%dma_wait3A_76 : memref<10240x128xf32, #tpu.memory_space<hbm>>) dst(%arg9 : memref<128x128xf32, #tpu.memory_space<vmem>>)
      %dma_start3A_77 = arith.constant 2 : i32
      %dma_start3A_78 = arith.constant 0 : i32
      %dma_start3A_79 = tpu.memref_slice %arg6[%dma_start3A_77, %dma_start3A_78] : memref<8x128xi32, #tpu.memory_space<vmem>> -> memref<1x128xi32, #tpu.memory_space<vmem>>
      %dma_start3A_80 = tpu.memref_squeeze %dma_start3A_79 : memref<1x128xi32, #tpu.memory_space<vmem>> -> memref<128xi32, #tpu.memory_space<vmem>>
      %dma_start3A_81 = arith.constant 0 : i32
      %dma_start3A_82 = arith.constant 0 : i32
      %dma_start3A_83 = tpu.memref_slice %arg2[%dma_start3A_81, %dma_start3A_82] : memref<10240x128xf32, #tpu.memory_space<hbm>> -> memref<10240x128xf32, #tpu.memory_space<hbm>>
      tpu.enqueue_indirect_dma source(%dma_start3A_83 : memref<10240x128xf32, #tpu.memory_space<hbm>>) target(%arg8 : memref<128x128xf32, #tpu.memory_space<vmem>>) offsets(%dma_start3A_80 : memref<128xi32, #tpu.memory_space<vmem>>) semaphore(%arg11 : memref<!tpu.dma_semaphore, #tpu.memory_space<semaphore_mem>>)
      %run_scoped3A_84 = arith.constant 1 : i32
      "tpu.region"() ({
        %run_scoped3A_169 = tpu.sem_alloc : memref<!tpu.dma_semaphore, #tpu.memory_space<semaphore_mem>>
        %dma_start3A_170 = arith.constant 0 : i32
        %dma_start3A_171 = tpu.memref_slice %arg7[%run_scoped3A_84, %dma_start3A_170] : memref<8x128xi32, #tpu.memory_space<vmem>> -> memref<1x128xi32, #tpu.memory_space<vmem>>
        %dma_start3A_172 = tpu.memref_squeeze %dma_start3A_171 : memref<1x128xi32, #tpu.memory_space<vmem>> -> memref<128xi32, #tpu.memory_space<vmem>>
        %dma_start3A_173 = arith.constant 0 : i32
        %dma_start3A_174 = arith.constant 0 : i32
        %dma_start3A_175 = tpu.memref_slice %arg10[%dma_start3A_173, %dma_start3A_174] : memref<10240x128xf32, #tpu.memory_space<vmem_shared>> -> memref<10240x128xf32, #tpu.memory_space<vmem_shared>>
        tpu.enqueue_indirect_dma source(%arg9 : memref<128x128xf32, #tpu.memory_space<vmem>>) target(%dma_start3A_175 : memref<10240x128xf32, #tpu.memory_space<vmem_shared>>) offsets(%dma_start3A_172 : memref<128xi32, #tpu.memory_space<vmem>>) semaphore(%run_scoped3A_169 : memref<!tpu.dma_semaphore, #tpu.memory_space<semaphore_mem>>) {add = true}
        %dma_wait3A_176 = arith.constant 0 : i32
        %dma_wait3A_177 = tpu.memref_slice %arg7[%run_scoped3A_84, %dma_wait3A_176] : memref<8x128xi32, #tpu.memory_space<vmem>> -> memref<1x128xi32, #tpu.memory_space<vmem>>
        %dma_wait3A_178 = tpu.memref_squeeze %dma_wait3A_177 : memref<1x128xi32, #tpu.memory_space<vmem>> -> memref<128xi32, #tpu.memory_space<vmem>>
        %dma_wait3A_179 = arith.constant 0 : i32
        %dma_wait3A_180 = arith.constant 0 : i32
        %dma_wait3A_181 = tpu.memref_slice %arg10[%dma_wait3A_179, %dma_wait3A_180] : memref<10240x128xf32, #tpu.memory_space<vmem_shared>> -> memref<10240x128xf32, #tpu.memory_space<vmem_shared>>
        tpu.wait_indirect_dma semaphore(%run_scoped3A_169 : memref<!tpu.dma_semaphore, #tpu.memory_space<semaphore_mem>>) src(%arg9 : memref<128x128xf32, #tpu.memory_space<vmem>>) dst(%dma_wait3A_181 : memref<10240x128xf32, #tpu.memory_space<vmem_shared>>)
        tpu.yield
      }) : () -> ()
      %dma_wait3A_85 = arith.constant 2 : i32
      %dma_wait3A_86 = arith.constant 0 : i32
      %dma_wait3A_87 = tpu.memref_slice %arg6[%dma_wait3A_85, %dma_wait3A_86] : memref<8x128xi32, #tpu.memory_space<vmem>> -> memref<1x128xi32, #tpu.memory_space<vmem>>
      %dma_wait3A_88 = tpu.memref_squeeze %dma_wait3A_87 : memref<1x128xi32, #tpu.memory_space<vmem>> -> memref<128xi32, #tpu.memory_space<vmem>>
      %dma_wait3A_89 = arith.constant 0 : i32
      %dma_wait3A_90 = arith.constant 0 : i32
      %dma_wait3A_91 = tpu.memref_slice %arg2[%dma_wait3A_89, %dma_wait3A_90] : memref<10240x128xf32, #tpu.memory_space<hbm>> -> memref<10240x128xf32, #tpu.memory_space<hbm>>
      tpu.wait_indirect_dma semaphore(%arg11 : memref<!tpu.dma_semaphore, #tpu.memory_space<semaphore_mem>>) src(%dma_wait3A_91 : memref<10240x128xf32, #tpu.memory_space<hbm>>) dst(%arg8 : memref<128x128xf32, #tpu.memory_space<vmem>>)
      %dma_start3A_92 = arith.constant 3 : i32
      %dma_start3A_93 = arith.constant 0 : i32
      %dma_start3A_94 = tpu.memref_slice %arg6[%dma_start3A_92, %dma_start3A_93] : memref<8x128xi32, #tpu.memory_space<vmem>> -> memref<1x128xi32, #tpu.memory_space<vmem>>
      %dma_start3A_95 = tpu.memref_squeeze %dma_start3A_94 : memref<1x128xi32, #tpu.memory_space<vmem>> -> memref<128xi32, #tpu.memory_space<vmem>>
      %dma_start3A_96 = arith.constant 0 : i32
      %dma_start3A_97 = arith.constant 0 : i32
      %dma_start3A_98 = tpu.memref_slice %arg2[%dma_start3A_96, %dma_start3A_97] : memref<10240x128xf32, #tpu.memory_space<hbm>> -> memref<10240x128xf32, #tpu.memory_space<hbm>>
      tpu.enqueue_indirect_dma source(%dma_start3A_98 : memref<10240x128xf32, #tpu.memory_space<hbm>>) target(%arg9 : memref<128x128xf32, #tpu.memory_space<vmem>>) offsets(%dma_start3A_95 : memref<128xi32, #tpu.memory_space<vmem>>) semaphore(%arg12 : memref<!tpu.dma_semaphore, #tpu.memory_space<semaphore_mem>>)
      %run_scoped3A_99 = arith.constant 2 : i32
      "tpu.region"() ({
        %run_scoped3A_169 = tpu.sem_alloc : memref<!tpu.dma_semaphore, #tpu.memory_space<semaphore_mem>>
        %dma_start3A_170 = arith.constant 0 : i32
        %dma_start3A_171 = tpu.memref_slice %arg7[%run_scoped3A_99, %dma_start3A_170] : memref<8x128xi32, #tpu.memory_space<vmem>> -> memref<1x128xi32, #tpu.memory_space<vmem>>
        %dma_start3A_172 = tpu.memref_squeeze %dma_start3A_171 : memref<1x128xi32, #tpu.memory_space<vmem>> -> memref<128xi32, #tpu.memory_space<vmem>>
        %dma_start3A_173 = arith.constant 0 : i32
        %dma_start3A_174 = arith.constant 0 : i32
        %dma_start3A_175 = tpu.memref_slice %arg10[%dma_start3A_173, %dma_start3A_174] : memref<10240x128xf32, #tpu.memory_space<vmem_shared>> -> memref<10240x128xf32, #tpu.memory_space<vmem_shared>>
        tpu.enqueue_indirect_dma source(%arg8 : memref<128x128xf32, #tpu.memory_space<vmem>>) target(%dma_start3A_175 : memref<10240x128xf32, #tpu.memory_space<vmem_shared>>) offsets(%dma_start3A_172 : memref<128xi32, #tpu.memory_space<vmem>>) semaphore(%run_scoped3A_169 : memref<!tpu.dma_semaphore, #tpu.memory_space<semaphore_mem>>) {add = true}
        %dma_wait3A_176 = arith.constant 0 : i32
        %dma_wait3A_177 = tpu.memref_slice %arg7[%run_scoped3A_99, %dma_wait3A_176] : memref<8x128xi32, #tpu.memory_space<vmem>> -> memref<1x128xi32, #tpu.memory_space<vmem>>
        %dma_wait3A_178 = tpu.memref_squeeze %dma_wait3A_177 : memref<1x128xi32, #tpu.memory_space<vmem>> -> memref<128xi32, #tpu.memory_space<vmem>>
        %dma_wait3A_179 = arith.constant 0 : i32
        %dma_wait3A_180 = arith.constant 0 : i32
        %dma_wait3A_181 = tpu.memref_slice %arg10[%dma_wait3A_179, %dma_wait3A_180] : memref<10240x128xf32, #tpu.memory_space<vmem_shared>> -> memref<10240x128xf32, #tpu.memory_space<vmem_shared>>
        tpu.wait_indirect_dma semaphore(%run_scoped3A_169 : memref<!tpu.dma_semaphore, #tpu.memory_space<semaphore_mem>>) src(%arg8 : memref<128x128xf32, #tpu.memory_space<vmem>>) dst(%dma_wait3A_181 : memref<10240x128xf32, #tpu.memory_space<vmem_shared>>)
        tpu.yield
      }) : () -> ()
      %dma_wait3A_100 = arith.constant 3 : i32
      %dma_wait3A_101 = arith.constant 0 : i32
      %dma_wait3A_102 = tpu.memref_slice %arg6[%dma_wait3A_100, %dma_wait3A_101] : memref<8x128xi32, #tpu.memory_space<vmem>> -> memref<1x128xi32, #tpu.memory_space<vmem>>
      %dma_wait3A_103 = tpu.memref_squeeze %dma_wait3A_102 : memref<1x128xi32, #tpu.memory_space<vmem>> -> memref<128xi32, #tpu.memory_space<vmem>>
      %dma_wait3A_104 = arith.constant 0 : i32
      %dma_wait3A_105 = arith.constant 0 : i32
      %dma_wait3A_106 = tpu.memref_slice %arg2[%dma_wait3A_104, %dma_wait3A_105] : memref<10240x128xf32, #tpu.memory_space<hbm>> -> memref<10240x128xf32, #tpu.memory_space<hbm>>
      tpu.wait_indirect_dma semaphore(%arg12 : memref<!tpu.dma_semaphore, #tpu.memory_space<semaphore_mem>>) src(%dma_wait3A_106 : memref<10240x128xf32, #tpu.memory_space<hbm>>) dst(%arg9 : memref<128x128xf32, #tpu.memory_space<vmem>>)
      %dma_start3A_107 = arith.constant 4 : i32
      %dma_start3A_108 = arith.constant 0 : i32
      %dma_start3A_109 = tpu.memref_slice %arg6[%dma_start3A_107, %dma_start3A_108] : memref<8x128xi32, #tpu.memory_space<vmem>> -> memref<1x128xi32, #tpu.memory_space<vmem>>
      %dma_start3A_110 = tpu.memref_squeeze %dma_start3A_109 : memref<1x128xi32, #tpu.memory_space<vmem>> -> memref<128xi32, #tpu.memory_space<vmem>>
      %dma_start3A_111 = arith.constant 0 : i32
      %dma_start3A_112 = arith.constant 0 : i32
      %dma_start3A_113 = tpu.memref_slice %arg2[%dma_start3A_111, %dma_start3A_112] : memref<10240x128xf32, #tpu.memory_space<hbm>> -> memref<10240x128xf32, #tpu.memory_space<hbm>>
      tpu.enqueue_indirect_dma source(%dma_start3A_113 : memref<10240x128xf32, #tpu.memory_space<hbm>>) target(%arg8 : memref<128x128xf32, #tpu.memory_space<vmem>>) offsets(%dma_start3A_110 : memref<128xi32, #tpu.memory_space<vmem>>) semaphore(%arg11 : memref<!tpu.dma_semaphore, #tpu.memory_space<semaphore_mem>>)
      %run_scoped3A_114 = arith.constant 3 : i32
      "tpu.region"() ({
        %run_scoped3A_169 = tpu.sem_alloc : memref<!tpu.dma_semaphore, #tpu.memory_space<semaphore_mem>>
        %dma_start3A_170 = arith.constant 0 : i32
        %dma_start3A_171 = tpu.memref_slice %arg7[%run_scoped3A_114, %dma_start3A_170] : memref<8x128xi32, #tpu.memory_space<vmem>> -> memref<1x128xi32, #tpu.memory_space<vmem>>
        %dma_start3A_172 = tpu.memref_squeeze %dma_start3A_171 : memref<1x128xi32, #tpu.memory_space<vmem>> -> memref<128xi32, #tpu.memory_space<vmem>>
        %dma_start3A_173 = arith.constant 0 : i32
        %dma_start3A_174 = arith.constant 0 : i32
        %dma_start3A_175 = tpu.memref_slice %arg10[%dma_start3A_173, %dma_start3A_174] : memref<10240x128xf32, #tpu.memory_space<vmem_shared>> -> memref<10240x128xf32, #tpu.memory_space<vmem_shared>>
        tpu.enqueue_indirect_dma source(%arg9 : memref<128x128xf32, #tpu.memory_space<vmem>>) target(%dma_start3A_175 : memref<10240x128xf32, #tpu.memory_space<vmem_shared>>) offsets(%dma_start3A_172 : memref<128xi32, #tpu.memory_space<vmem>>) semaphore(%run_scoped3A_169 : memref<!tpu.dma_semaphore, #tpu.memory_space<semaphore_mem>>) {add = true}
        %dma_wait3A_176 = arith.constant 0 : i32
        %dma_wait3A_177 = tpu.memref_slice %arg7[%run_scoped3A_114, %dma_wait3A_176] : memref<8x128xi32, #tpu.memory_space<vmem>> -> memref<1x128xi32, #tpu.memory_space<vmem>>
        %dma_wait3A_178 = tpu.memref_squeeze %dma_wait3A_177 : memref<1x128xi32, #tpu.memory_space<vmem>> -> memref<128xi32, #tpu.memory_space<vmem>>
        %dma_wait3A_179 = arith.constant 0 : i32
        %dma_wait3A_180 = arith.constant 0 : i32
        %dma_wait3A_181 = tpu.memref_slice %arg10[%dma_wait3A_179, %dma_wait3A_180] : memref<10240x128xf32, #tpu.memory_space<vmem_shared>> -> memref<10240x128xf32, #tpu.memory_space<vmem_shared>>
        tpu.wait_indirect_dma semaphore(%run_scoped3A_169 : memref<!tpu.dma_semaphore, #tpu.memory_space<semaphore_mem>>) src(%arg9 : memref<128x128xf32, #tpu.memory_space<vmem>>) dst(%dma_wait3A_181 : memref<10240x128xf32, #tpu.memory_space<vmem_shared>>)
        tpu.yield
      }) : () -> ()
      %dma_wait3A_115 = arith.constant 4 : i32
      %dma_wait3A_116 = arith.constant 0 : i32
      %dma_wait3A_117 = tpu.memref_slice %arg6[%dma_wait3A_115, %dma_wait3A_116] : memref<8x128xi32, #tpu.memory_space<vmem>> -> memref<1x128xi32, #tpu.memory_space<vmem>>
      %dma_wait3A_118 = tpu.memref_squeeze %dma_wait3A_117 : memref<1x128xi32, #tpu.memory_space<vmem>> -> memref<128xi32, #tpu.memory_space<vmem>>
      %dma_wait3A_119 = arith.constant 0 : i32
      %dma_wait3A_120 = arith.constant 0 : i32
      %dma_wait3A_121 = tpu.memref_slice %arg2[%dma_wait3A_119, %dma_wait3A_120] : memref<10240x128xf32, #tpu.memory_space<hbm>> -> memref<10240x128xf32, #tpu.memory_space<hbm>>
      tpu.wait_indirect_dma semaphore(%arg11 : memref<!tpu.dma_semaphore, #tpu.memory_space<semaphore_mem>>) src(%dma_wait3A_121 : memref<10240x128xf32, #tpu.memory_space<hbm>>) dst(%arg8 : memref<128x128xf32, #tpu.memory_space<vmem>>)
      %dma_start3A_122 = arith.constant 5 : i32
      %dma_start3A_123 = arith.constant 0 : i32
      %dma_start3A_124 = tpu.memref_slice %arg6[%dma_start3A_122, %dma_start3A_123] : memref<8x128xi32, #tpu.memory_space<vmem>> -> memref<1x128xi32, #tpu.memory_space<vmem>>
      %dma_start3A_125 = tpu.memref_squeeze %dma_start3A_124 : memref<1x128xi32, #tpu.memory_space<vmem>> -> memref<128xi32, #tpu.memory_space<vmem>>
      %dma_start3A_126 = arith.constant 0 : i32
      %dma_start3A_127 = arith.constant 0 : i32
      %dma_start3A_128 = tpu.memref_slice %arg2[%dma_start3A_126, %dma_start3A_127] : memref<10240x128xf32, #tpu.memory_space<hbm>> -> memref<10240x128xf32, #tpu.memory_space<hbm>>
      tpu.enqueue_indirect_dma source(%dma_start3A_128 : memref<10240x128xf32, #tpu.memory_space<hbm>>) target(%arg9 : memref<128x128xf32, #tpu.memory_space<vmem>>) offsets(%dma_start3A_125 : memref<128xi32, #tpu.memory_space<vmem>>) semaphore(%arg12 : memref<!tpu.dma_semaphore, #tpu.memory_space<semaphore_mem>>)
      %run_scoped3A_129 = arith.constant 4 : i32
      "tpu.region"() ({
        %run_scoped3A_169 = tpu.sem_alloc : memref<!tpu.dma_semaphore, #tpu.memory_space<semaphore_mem>>
        %dma_start3A_170 = arith.constant 0 : i32
        %dma_start3A_171 = tpu.memref_slice %arg7[%run_scoped3A_129, %dma_start3A_170] : memref<8x128xi32, #tpu.memory_space<vmem>> -> memref<1x128xi32, #tpu.memory_space<vmem>>
        %dma_start3A_172 = tpu.memref_squeeze %dma_start3A_171 : memref<1x128xi32, #tpu.memory_space<vmem>> -> memref<128xi32, #tpu.memory_space<vmem>>
        %dma_start3A_173 = arith.constant 0 : i32
        %dma_start3A_174 = arith.constant 0 : i32
        %dma_start3A_175 = tpu.memref_slice %arg10[%dma_start3A_173, %dma_start3A_174] : memref<10240x128xf32, #tpu.memory_space<vmem_shared>> -> memref<10240x128xf32, #tpu.memory_space<vmem_shared>>
        tpu.enqueue_indirect_dma source(%arg8 : memref<128x128xf32, #tpu.memory_space<vmem>>) target(%dma_start3A_175 : memref<10240x128xf32, #tpu.memory_space<vmem_shared>>) offsets(%dma_start3A_172 : memref<128xi32, #tpu.memory_space<vmem>>) semaphore(%run_scoped3A_169 : memref<!tpu.dma_semaphore, #tpu.memory_space<semaphore_mem>>) {add = true}
        %dma_wait3A_176 = arith.constant 0 : i32
        %dma_wait3A_177 = tpu.memref_slice %arg7[%run_scoped3A_129, %dma_wait3A_176] : memref<8x128xi32, #tpu.memory_space<vmem>> -> memref<1x128xi32, #tpu.memory_space<vmem>>
        %dma_wait3A_178 = tpu.memref_squeeze %dma_wait3A_177 : memref<1x128xi32, #tpu.memory_space<vmem>> -> memref<128xi32, #tpu.memory_space<vmem>>
        %dma_wait3A_179 = arith.constant 0 : i32
        %dma_wait3A_180 = arith.constant 0 : i32
        %dma_wait3A_181 = tpu.memref_slice %arg10[%dma_wait3A_179, %dma_wait3A_180] : memref<10240x128xf32, #tpu.memory_space<vmem_shared>> -> memref<10240x128xf32, #tpu.memory_space<vmem_shared>>
        tpu.wait_indirect_dma semaphore(%run_scoped3A_169 : memref<!tpu.dma_semaphore, #tpu.memory_space<semaphore_mem>>) src(%arg8 : memref<128x128xf32, #tpu.memory_space<vmem>>) dst(%dma_wait3A_181 : memref<10240x128xf32, #tpu.memory_space<vmem_shared>>)
        tpu.yield
      }) : () -> ()
      %dma_wait3A_130 = arith.constant 5 : i32
      %dma_wait3A_131 = arith.constant 0 : i32
      %dma_wait3A_132 = tpu.memref_slice %arg6[%dma_wait3A_130, %dma_wait3A_131] : memref<8x128xi32, #tpu.memory_space<vmem>> -> memref<1x128xi32, #tpu.memory_space<vmem>>
      %dma_wait3A_133 = tpu.memref_squeeze %dma_wait3A_132 : memref<1x128xi32, #tpu.memory_space<vmem>> -> memref<128xi32, #tpu.memory_space<vmem>>
      %dma_wait3A_134 = arith.constant 0 : i32
      %dma_wait3A_135 = arith.constant 0 : i32
      %dma_wait3A_136 = tpu.memref_slice %arg2[%dma_wait3A_134, %dma_wait3A_135] : memref<10240x128xf32, #tpu.memory_space<hbm>> -> memref<10240x128xf32, #tpu.memory_space<hbm>>
      tpu.wait_indirect_dma semaphore(%arg12 : memref<!tpu.dma_semaphore, #tpu.memory_space<semaphore_mem>>) src(%dma_wait3A_136 : memref<10240x128xf32, #tpu.memory_space<hbm>>) dst(%arg9 : memref<128x128xf32, #tpu.memory_space<vmem>>)
      %dma_start3A_137 = arith.constant 6 : i32
      %dma_start3A_138 = arith.constant 0 : i32
      %dma_start3A_139 = tpu.memref_slice %arg6[%dma_start3A_137, %dma_start3A_138] : memref<8x128xi32, #tpu.memory_space<vmem>> -> memref<1x128xi32, #tpu.memory_space<vmem>>
      %dma_start3A_140 = tpu.memref_squeeze %dma_start3A_139 : memref<1x128xi32, #tpu.memory_space<vmem>> -> memref<128xi32, #tpu.memory_space<vmem>>
      %dma_start3A_141 = arith.constant 0 : i32
      %dma_start3A_142 = arith.constant 0 : i32
      %dma_start3A_143 = tpu.memref_slice %arg2[%dma_start3A_141, %dma_start3A_142] : memref<10240x128xf32, #tpu.memory_space<hbm>> -> memref<10240x128xf32, #tpu.memory_space<hbm>>
      tpu.enqueue_indirect_dma source(%dma_start3A_143 : memref<10240x128xf32, #tpu.memory_space<hbm>>) target(%arg8 : memref<128x128xf32, #tpu.memory_space<vmem>>) offsets(%dma_start3A_140 : memref<128xi32, #tpu.memory_space<vmem>>) semaphore(%arg11 : memref<!tpu.dma_semaphore, #tpu.memory_space<semaphore_mem>>)
      %run_scoped3A_144 = arith.constant 5 : i32
      "tpu.region"() ({
        %run_scoped3A_169 = tpu.sem_alloc : memref<!tpu.dma_semaphore, #tpu.memory_space<semaphore_mem>>
        %dma_start3A_170 = arith.constant 0 : i32
        %dma_start3A_171 = tpu.memref_slice %arg7[%run_scoped3A_144, %dma_start3A_170] : memref<8x128xi32, #tpu.memory_space<vmem>> -> memref<1x128xi32, #tpu.memory_space<vmem>>
        %dma_start3A_172 = tpu.memref_squeeze %dma_start3A_171 : memref<1x128xi32, #tpu.memory_space<vmem>> -> memref<128xi32, #tpu.memory_space<vmem>>
        %dma_start3A_173 = arith.constant 0 : i32
        %dma_start3A_174 = arith.constant 0 : i32
        %dma_start3A_175 = tpu.memref_slice %arg10[%dma_start3A_173, %dma_start3A_174] : memref<10240x128xf32, #tpu.memory_space<vmem_shared>> -> memref<10240x128xf32, #tpu.memory_space<vmem_shared>>
        tpu.enqueue_indirect_dma source(%arg9 : memref<128x128xf32, #tpu.memory_space<vmem>>) target(%dma_start3A_175 : memref<10240x128xf32, #tpu.memory_space<vmem_shared>>) offsets(%dma_start3A_172 : memref<128xi32, #tpu.memory_space<vmem>>) semaphore(%run_scoped3A_169 : memref<!tpu.dma_semaphore, #tpu.memory_space<semaphore_mem>>) {add = true}
        %dma_wait3A_176 = arith.constant 0 : i32
        %dma_wait3A_177 = tpu.memref_slice %arg7[%run_scoped3A_144, %dma_wait3A_176] : memref<8x128xi32, #tpu.memory_space<vmem>> -> memref<1x128xi32, #tpu.memory_space<vmem>>
        %dma_wait3A_178 = tpu.memref_squeeze %dma_wait3A_177 : memref<1x128xi32, #tpu.memory_space<vmem>> -> memref<128xi32, #tpu.memory_space<vmem>>
        %dma_wait3A_179 = arith.constant 0 : i32
        %dma_wait3A_180 = arith.constant 0 : i32
        %dma_wait3A_181 = tpu.memref_slice %arg10[%dma_wait3A_179, %dma_wait3A_180] : memref<10240x128xf32, #tpu.memory_space<vmem_shared>> -> memref<10240x128xf32, #tpu.memory_space<vmem_shared>>
        tpu.wait_indirect_dma semaphore(%run_scoped3A_169 : memref<!tpu.dma_semaphore, #tpu.memory_space<semaphore_mem>>) src(%arg9 : memref<128x128xf32, #tpu.memory_space<vmem>>) dst(%dma_wait3A_181 : memref<10240x128xf32, #tpu.memory_space<vmem_shared>>)
        tpu.yield
      }) : () -> ()
      %dma_wait3A_145 = arith.constant 6 : i32
      %dma_wait3A_146 = arith.constant 0 : i32
      %dma_wait3A_147 = tpu.memref_slice %arg6[%dma_wait3A_145, %dma_wait3A_146] : memref<8x128xi32, #tpu.memory_space<vmem>> -> memref<1x128xi32, #tpu.memory_space<vmem>>
      %dma_wait3A_148 = tpu.memref_squeeze %dma_wait3A_147 : memref<1x128xi32, #tpu.memory_space<vmem>> -> memref<128xi32, #tpu.memory_space<vmem>>
      %dma_wait3A_149 = arith.constant 0 : i32
      %dma_wait3A_150 = arith.constant 0 : i32
      %dma_wait3A_151 = tpu.memref_slice %arg2[%dma_wait3A_149, %dma_wait3A_150] : memref<10240x128xf32, #tpu.memory_space<hbm>> -> memref<10240x128xf32, #tpu.memory_space<hbm>>
      tpu.wait_indirect_dma semaphore(%arg11 : memref<!tpu.dma_semaphore, #tpu.memory_space<semaphore_mem>>) src(%dma_wait3A_151 : memref<10240x128xf32, #tpu.memory_space<hbm>>) dst(%arg8 : memref<128x128xf32, #tpu.memory_space<vmem>>)
      %dma_start3A_152 = arith.constant 7 : i32
      %dma_start3A_153 = arith.constant 0 : i32
      %dma_start3A_154 = tpu.memref_slice %arg6[%dma_start3A_152, %dma_start3A_153] : memref<8x128xi32, #tpu.memory_space<vmem>> -> memref<1x128xi32, #tpu.memory_space<vmem>>
      %dma_start3A_155 = tpu.memref_squeeze %dma_start3A_154 : memref<1x128xi32, #tpu.memory_space<vmem>> -> memref<128xi32, #tpu.memory_space<vmem>>
      %dma_start3A_156 = arith.constant 0 : i32
      %dma_start3A_157 = arith.constant 0 : i32
      %dma_start3A_158 = tpu.memref_slice %arg2[%dma_start3A_156, %dma_start3A_157] : memref<10240x128xf32, #tpu.memory_space<hbm>> -> memref<10240x128xf32, #tpu.memory_space<hbm>>
      tpu.enqueue_indirect_dma source(%dma_start3A_158 : memref<10240x128xf32, #tpu.memory_space<hbm>>) target(%arg9 : memref<128x128xf32, #tpu.memory_space<vmem>>) offsets(%dma_start3A_155 : memref<128xi32, #tpu.memory_space<vmem>>) semaphore(%arg12 : memref<!tpu.dma_semaphore, #tpu.memory_space<semaphore_mem>>)
      %run_scoped3A_159 = arith.constant 6 : i32
      "tpu.region"() ({
        %run_scoped3A_169 = tpu.sem_alloc : memref<!tpu.dma_semaphore, #tpu.memory_space<semaphore_mem>>
        %dma_start3A_170 = arith.constant 0 : i32
        %dma_start3A_171 = tpu.memref_slice %arg7[%run_scoped3A_159, %dma_start3A_170] : memref<8x128xi32, #tpu.memory_space<vmem>> -> memref<1x128xi32, #tpu.memory_space<vmem>>
        %dma_start3A_172 = tpu.memref_squeeze %dma_start3A_171 : memref<1x128xi32, #tpu.memory_space<vmem>> -> memref<128xi32, #tpu.memory_space<vmem>>
        %dma_start3A_173 = arith.constant 0 : i32
        %dma_start3A_174 = arith.constant 0 : i32
        %dma_start3A_175 = tpu.memref_slice %arg10[%dma_start3A_173, %dma_start3A_174] : memref<10240x128xf32, #tpu.memory_space<vmem_shared>> -> memref<10240x128xf32, #tpu.memory_space<vmem_shared>>
        tpu.enqueue_indirect_dma source(%arg8 : memref<128x128xf32, #tpu.memory_space<vmem>>) target(%dma_start3A_175 : memref<10240x128xf32, #tpu.memory_space<vmem_shared>>) offsets(%dma_start3A_172 : memref<128xi32, #tpu.memory_space<vmem>>) semaphore(%run_scoped3A_169 : memref<!tpu.dma_semaphore, #tpu.memory_space<semaphore_mem>>) {add = true}
        %dma_wait3A_176 = arith.constant 0 : i32
        %dma_wait3A_177 = tpu.memref_slice %arg7[%run_scoped3A_159, %dma_wait3A_176] : memref<8x128xi32, #tpu.memory_space<vmem>> -> memref<1x128xi32, #tpu.memory_space<vmem>>
        %dma_wait3A_178 = tpu.memref_squeeze %dma_wait3A_177 : memref<1x128xi32, #tpu.memory_space<vmem>> -> memref<128xi32, #tpu.memory_space<vmem>>
        %dma_wait3A_179 = arith.constant 0 : i32
        %dma_wait3A_180 = arith.constant 0 : i32
        %dma_wait3A_181 = tpu.memref_slice %arg10[%dma_wait3A_179, %dma_wait3A_180] : memref<10240x128xf32, #tpu.memory_space<vmem_shared>> -> memref<10240x128xf32, #tpu.memory_space<vmem_shared>>
        tpu.wait_indirect_dma semaphore(%run_scoped3A_169 : memref<!tpu.dma_semaphore, #tpu.memory_space<semaphore_mem>>) src(%arg8 : memref<128x128xf32, #tpu.memory_space<vmem>>) dst(%dma_wait3A_181 : memref<10240x128xf32, #tpu.memory_space<vmem_shared>>)
        tpu.yield
      }) : () -> ()
      %dma_wait3A_160 = arith.constant 7 : i32
      %dma_wait3A_161 = arith.constant 0 : i32
      %dma_wait3A_162 = tpu.memref_slice %arg6[%dma_wait3A_160, %dma_wait3A_161] : memref<8x128xi32, #tpu.memory_space<vmem>> -> memref<1x128xi32, #tpu.memory_space<vmem>>
      %dma_wait3A_163 = tpu.memref_squeeze %dma_wait3A_162 : memref<1x128xi32, #tpu.memory_space<vmem>> -> memref<128xi32, #tpu.memory_space<vmem>>
      %dma_wait3A_164 = arith.constant 0 : i32
      %dma_wait3A_165 = arith.constant 0 : i32
      %dma_wait3A_166 = tpu.memref_slice %arg2[%dma_wait3A_164, %dma_wait3A_165] : memref<10240x128xf32, #tpu.memory_space<hbm>> -> memref<10240x128xf32, #tpu.memory_space<hbm>>
      tpu.wait_indirect_dma semaphore(%arg12 : memref<!tpu.dma_semaphore, #tpu.memory_space<semaphore_mem>>) src(%dma_wait3A_166 : memref<10240x128xf32, #tpu.memory_space<hbm>>) dst(%arg9 : memref<128x128xf32, #tpu.memory_space<vmem>>)
      %run_scoped3A_167 = arith.constant 7 : i32
      "tpu.region"() ({
        %run_scoped3A_169 = tpu.sem_alloc : memref<!tpu.dma_semaphore, #tpu.memory_space<semaphore_mem>>
        %dma_start3A_170 = arith.constant 0 : i32
        %dma_start3A_171 = tpu.memref_slice %arg7[%run_scoped3A_167, %dma_start3A_170] : memref<8x128xi32, #tpu.memory_space<vmem>> -> memref<1x128xi32, #tpu.memory_space<vmem>>
        %dma_start3A_172 = tpu.memref_squeeze %dma_start3A_171 : memref<1x128xi32, #tpu.memory_space<vmem>> -> memref<128xi32, #tpu.memory_space<vmem>>
        %dma_start3A_173 = arith.constant 0 : i32
        %dma_start3A_174 = arith.constant 0 : i32
        %dma_start3A_175 = tpu.memref_slice %arg10[%dma_start3A_173, %dma_start3A_174] : memref<10240x128xf32, #tpu.memory_space<vmem_shared>> -> memref<10240x128xf32, #tpu.memory_space<vmem_shared>>
        tpu.enqueue_indirect_dma source(%arg9 : memref<128x128xf32, #tpu.memory_space<vmem>>) target(%dma_start3A_175 : memref<10240x128xf32, #tpu.memory_space<vmem_shared>>) offsets(%dma_start3A_172 : memref<128xi32, #tpu.memory_space<vmem>>) semaphore(%run_scoped3A_169 : memref<!tpu.dma_semaphore, #tpu.memory_space<semaphore_mem>>) {add = true}
        %dma_wait3A_176 = arith.constant 0 : i32
        %dma_wait3A_177 = tpu.memref_slice %arg7[%run_scoped3A_167, %dma_wait3A_176] : memref<8x128xi32, #tpu.memory_space<vmem>> -> memref<1x128xi32, #tpu.memory_space<vmem>>
        %dma_wait3A_178 = tpu.memref_squeeze %dma_wait3A_177 : memref<1x128xi32, #tpu.memory_space<vmem>> -> memref<128xi32, #tpu.memory_space<vmem>>
        %dma_wait3A_179 = arith.constant 0 : i32
        %dma_wait3A_180 = arith.constant 0 : i32
        %dma_wait3A_181 = tpu.memref_slice %arg10[%dma_wait3A_179, %dma_wait3A_180] : memref<10240x128xf32, #tpu.memory_space<vmem_shared>> -> memref<10240x128xf32, #tpu.memory_space<vmem_shared>>
        tpu.wait_indirect_dma semaphore(%run_scoped3A_169 : memref<!tpu.dma_semaphore, #tpu.memory_space<semaphore_mem>>) src(%arg9 : memref<128x128xf32, #tpu.memory_space<vmem>>) dst(%dma_wait3A_181 : memref<10240x128xf32, #tpu.memory_space<vmem_shared>>)
        tpu.yield
      }) : () -> ()
      %while3A_168 = arith.constant 0 : i32
      scf.yield %while3A_168 : i32
    }
    %while3A_33 = arith.constant 1 : i32
    %while3A_34 = scf.for %while3A_46 = %while3A_30 to %while3A_26 step %while3A_33 iter_args(%while3A_47 = %while3A_32) -> (i32)  : i32 {
      %mul3A_48 = arith.constant 8 : i32
      %mul3A_49 = arith.muli %while3A_46, %mul3A_48 : i32
      %add3A_50 = arith.addi %add3A, %mul3A_49 : i32
      "tpu.region"() ({
        %run_scoped3A_169 = tpu.sem_alloc : memref<!tpu.dma_semaphore, #tpu.memory_space<semaphore_mem>>
        %dma_start3A_170 = arith.constant 0 : i32
        %dma_start3A_171 = tpu.memref_slice %arg3[%add3A_50, %dma_start3A_170] : memref<2560x128xi32, #tpu.memory_space<hbm>> -> memref<8x128xi32, #tpu.memory_space<hbm>>
        %dma_start3A_172 = arith.constant 0 : i32
        %dma_start3A_173 = tpu.memref_slice %arg3[%add3A_50, %dma_start3A_172] : memref<2560x128xi32, #tpu.memory_space<hbm>> -> memref<8x128xi32, #tpu.memory_space<hbm>>
        tpu.enqueue_dma source(%dma_start3A_173 : memref<8x128xi32, #tpu.memory_space<hbm>>) target(%arg6 : memref<8x128xi32, #tpu.memory_space<vmem>>) target_semaphore(%run_scoped3A_169 : memref<!tpu.dma_semaphore, #tpu.memory_space<semaphore_mem>>)
        %dma_wait3A_174 = arith.constant 0 : i32
        %dma_wait3A_175 = tpu.memref_slice %arg3[%add3A_50, %dma_wait3A_174] : memref<2560x128xi32, #tpu.memory_space<hbm>> -> memref<8x128xi32, #tpu.memory_space<hbm>>
        %dma_wait3A_176 = arith.constant 0 : i32
        %dma_wait3A_177 = tpu.memref_slice %arg3[%add3A_50, %dma_wait3A_176] : memref<2560x128xi32, #tpu.memory_space<hbm>> -> memref<8x128xi32, #tpu.memory_space<hbm>>
        tpu.wait_dma2 semaphore(%run_scoped3A_169 : memref<!tpu.dma_semaphore, #tpu.memory_space<semaphore_mem>>) src(%dma_wait3A_177 : memref<8x128xi32, #tpu.memory_space<hbm>>) dst(%arg6 : memref<8x128xi32, #tpu.memory_space<vmem>>)
        tpu.yield
      }) : () -> ()
      "tpu.region"() ({
        %run_scoped3A_169 = tpu.sem_alloc : memref<!tpu.dma_semaphore, #tpu.memory_space<semaphore_mem>>
        %dma_start3A_170 = arith.constant 0 : i32
        %dma_start3A_171 = tpu.memref_slice %arg4[%add3A_50, %dma_start3A_170] : memref<2560x128xi32, #tpu.memory_space<hbm>> -> memref<8x128xi32, #tpu.memory_space<hbm>>
        %dma_start3A_172 = arith.constant 0 : i32
        %dma_start3A_173 = tpu.memref_slice %arg4[%add3A_50, %dma_start3A_172] : memref<2560x128xi32, #tpu.memory_space<hbm>> -> memref<8x128xi32, #tpu.memory_space<hbm>>
        tpu.enqueue_dma source(%dma_start3A_173 : memref<8x128xi32, #tpu.memory_space<hbm>>) target(%arg7 : memref<8x128xi32, #tpu.memory_space<vmem>>) target_semaphore(%run_scoped3A_169 : memref<!tpu.dma_semaphore, #tpu.memory_space<semaphore_mem>>)
        %dma_wait3A_174 = arith.constant 0 : i32
        %dma_wait3A_175 = tpu.memref_slice %arg4[%add3A_50, %dma_wait3A_174] : memref<2560x128xi32, #tpu.memory_space<hbm>> -> memref<8x128xi32, #tpu.memory_space<hbm>>
        %dma_wait3A_176 = arith.constant 0 : i32
        %dma_wait3A_177 = tpu.memref_slice %arg4[%add3A_50, %dma_wait3A_176] : memref<2560x128xi32, #tpu.memory_space<hbm>> -> memref<8x128xi32, #tpu.memory_space<hbm>>
        tpu.wait_dma2 semaphore(%run_scoped3A_169 : memref<!tpu.dma_semaphore, #tpu.memory_space<semaphore_mem>>) src(%dma_wait3A_177 : memref<8x128xi32, #tpu.memory_space<hbm>>) dst(%arg7 : memref<8x128xi32, #tpu.memory_space<vmem>>)
        tpu.yield
      }) : () -> ()
      %dma_start3A = arith.constant 0 : i32
      %dma_start3A_51 = arith.constant 0 : i32
      %dma_start3A_52 = tpu.memref_slice %arg6[%dma_start3A, %dma_start3A_51] : memref<8x128xi32, #tpu.memory_space<vmem>> -> memref<1x128xi32, #tpu.memory_space<vmem>>
      %dma_start3A_53 = tpu.memref_squeeze %dma_start3A_52 : memref<1x128xi32, #tpu.memory_space<vmem>> -> memref<128xi32, #tpu.memory_space<vmem>>
      %dma_start3A_54 = arith.constant 0 : i32
      %dma_start3A_55 = arith.constant 0 : i32
      %dma_start3A_56 = tpu.memref_slice %arg2[%dma_start3A_54, %dma_start3A_55] : memref<10240x128xf32, #tpu.memory_space<hbm>> -> memref<10240x128xf32, #tpu.memory_space<hbm>>
      tpu.enqueue_indirect_dma source(%dma_start3A_56 : memref<10240x128xf32, #tpu.memory_space<hbm>>) target(%arg8 : memref<128x128xf32, #tpu.memory_space<vmem>>) offsets(%dma_start3A_53 : memref<128xi32, #tpu.memory_space<vmem>>) semaphore(%arg11 : memref<!tpu.dma_semaphore, #tpu.memory_space<semaphore_mem>>)
      %dma_wait3A = arith.constant 0 : i32
      %dma_wait3A_57 = arith.constant 0 : i32
      %dma_wait3A_58 = tpu.memref_slice %arg6[%dma_wait3A, %dma_wait3A_57] : memref<8x128xi32, #tpu.memory_space<vmem>> -> memref<1x128xi32, #tpu.memory_space<vmem>>
      %dma_wait3A_59 = tpu.memref_squeeze %dma_wait3A_58 : memref<1x128xi32, #tpu.memory_space<vmem>> -> memref<128xi32, #tpu.memory_space<vmem>>
      %dma_wait3A_60 = arith.constant 0 : i32
      %dma_wait3A_61 = arith.constant 0 : i32
      %dma_wait3A_62 = tpu.memref_slice %arg2[%dma_wait3A_60, %dma_wait3A_61] : memref<10240x128xf32, #tpu.memory_space<hbm>> -> memref<10240x128xf32, #tpu.memory_space<hbm>>
      tpu.wait_indirect_dma semaphore(%arg11 : memref<!tpu.dma_semaphore, #tpu.memory_space<semaphore_mem>>) src(%dma_wait3A_62 : memref<10240x128xf32, #tpu.memory_space<hbm>>) dst(%arg8 : memref<128x128xf32, #tpu.memory_space<vmem>>)
      %dma_start3A_63 = arith.constant 1 : i32
      %dma_start3A_64 = arith.constant 0 : i32
      %dma_start3A_65 = tpu.memref_slice %arg6[%dma_start3A_63, %dma_start3A_64] : memref<8x128xi32, #tpu.memory_space<vmem>> -> memref<1x128xi32, #tpu.memory_space<vmem>>
      %dma_start3A_66 = tpu.memref_squeeze %dma_start3A_65 : memref<1x128xi32, #tpu.memory_space<vmem>> -> memref<128xi32, #tpu.memory_space<vmem>>
      %dma_start3A_67 = arith.constant 0 : i32
      %dma_start3A_68 = arith.constant 0 : i32
      %dma_start3A_69 = tpu.memref_slice %arg2[%dma_start3A_67, %dma_start3A_68] : memref<10240x128xf32, #tpu.memory_space<hbm>> -> memref<10240x128xf32, #tpu.memory_space<hbm>>
      tpu.enqueue_indirect_dma source(%dma_start3A_69 : memref<10240x128xf32, #tpu.memory_space<hbm>>) target(%arg9 : memref<128x128xf32, #tpu.memory_space<vmem>>) offsets(%dma_start3A_66 : memref<128xi32, #tpu.memory_space<vmem>>) semaphore(%arg12 : memref<!tpu.dma_semaphore, #tpu.memory_space<semaphore_mem>>)
      %run_scoped3A = arith.constant 0 : i32
      "tpu.region"() ({
        %run_scoped3A_169 = tpu.sem_alloc : memref<!tpu.dma_semaphore, #tpu.memory_space<semaphore_mem>>
        %dma_start3A_170 = arith.constant 0 : i32
        %dma_start3A_171 = tpu.memref_slice %arg7[%run_scoped3A, %dma_start3A_170] : memref<8x128xi32, #tpu.memory_space<vmem>> -> memref<1x128xi32, #tpu.memory_space<vmem>>
        %dma_start3A_172 = tpu.memref_squeeze %dma_start3A_171 : memref<1x128xi32, #tpu.memory_space<vmem>> -> memref<128xi32, #tpu.memory_space<vmem>>
        %dma_start3A_173 = arith.constant 0 : i32
        %dma_start3A_174 = arith.constant 0 : i32
        %dma_start3A_175 = tpu.memref_slice %arg10[%dma_start3A_173, %dma_start3A_174] : memref<10240x128xf32, #tpu.memory_space<vmem_shared>> -> memref<10240x128xf32, #tpu.memory_space<vmem_shared>>
        tpu.enqueue_indirect_dma source(%arg8 : memref<128x128xf32, #tpu.memory_space<vmem>>) target(%dma_start3A_175 : memref<10240x128xf32, #tpu.memory_space<vmem_shared>>) offsets(%dma_start3A_172 : memref<128xi32, #tpu.memory_space<vmem>>) semaphore(%run_scoped3A_169 : memref<!tpu.dma_semaphore, #tpu.memory_space<semaphore_mem>>) {add = true}
        %dma_wait3A_176 = arith.constant 0 : i32
        %dma_wait3A_177 = tpu.memref_slice %arg7[%run_scoped3A, %dma_wait3A_176] : memref<8x128xi32, #tpu.memory_space<vmem>> -> memref<1x128xi32, #tpu.memory_space<vmem>>
        %dma_wait3A_178 = tpu.memref_squeeze %dma_wait3A_177 : memref<1x128xi32, #tpu.memory_space<vmem>> -> memref<128xi32, #tpu.memory_space<vmem>>
        %dma_wait3A_179 = arith.constant 0 : i32
        %dma_wait3A_180 = arith.constant 0 : i32
        %dma_wait3A_181 = tpu.memref_slice %arg10[%dma_wait3A_179, %dma_wait3A_180] : memref<10240x128xf32, #tpu.memory_space<vmem_shared>> -> memref<10240x128xf32, #tpu.memory_space<vmem_shared>>
        tpu.wait_indirect_dma semaphore(%run_scoped3A_169 : memref<!tpu.dma_semaphore, #tpu.memory_space<semaphore_mem>>) src(%arg8 : memref<128x128xf32, #tpu.memory_space<vmem>>) dst(%dma_wait3A_181 : memref<10240x128xf32, #tpu.memory_space<vmem_shared>>)
        tpu.yield
      }) : () -> ()
      %dma_wait3A_70 = arith.constant 1 : i32
      %dma_wait3A_71 = arith.constant 0 : i32
      %dma_wait3A_72 = tpu.memref_slice %arg6[%dma_wait3A_70, %dma_wait3A_71] : memref<8x128xi32, #tpu.memory_space<vmem>> -> memref<1x128xi32, #tpu.memory_space<vmem>>
      %dma_wait3A_73 = tpu.memref_squeeze %dma_wait3A_72 : memref<1x128xi32, #tpu.memory_space<vmem>> -> memref<128xi32, #tpu.memory_space<vmem>>
      %dma_wait3A_74 = arith.constant 0 : i32
      %dma_wait3A_75 = arith.constant 0 : i32
      %dma_wait3A_76 = tpu.memref_slice %arg2[%dma_wait3A_74, %dma_wait3A_75] : memref<10240x128xf32, #tpu.memory_space<hbm>> -> memref<10240x128xf32, #tpu.memory_space<hbm>>
      tpu.wait_indirect_dma semaphore(%arg12 : memref<!tpu.dma_semaphore, #tpu.memory_space<semaphore_mem>>) src(%dma_wait3A_76 : memref<10240x128xf32, #tpu.memory_space<hbm>>) dst(%arg9 : memref<128x128xf32, #tpu.memory_space<vmem>>)
      %dma_start3A_77 = arith.constant 2 : i32
      %dma_start3A_78 = arith.constant 0 : i32
      %dma_start3A_79 = tpu.memref_slice %arg6[%dma_start3A_77, %dma_start3A_78] : memref<8x128xi32, #tpu.memory_space<vmem>> -> memref<1x128xi32, #tpu.memory_space<vmem>>
      %dma_start3A_80 = tpu.memref_squeeze %dma_start3A_79 : memref<1x128xi32, #tpu.memory_space<vmem>> -> memref<128xi32, #tpu.memory_space<vmem>>
      %dma_start3A_81 = arith.constant 0 : i32
      %dma_start3A_82 = arith.constant 0 : i32
      %dma_start3A_83 = tpu.memref_slice %arg2[%dma_start3A_81, %dma_start3A_82] : memref<10240x128xf32, #tpu.memory_space<hbm>> -> memref<10240x128xf32, #tpu.memory_space<hbm>>
      tpu.enqueue_indirect_dma source(%dma_start3A_83 : memref<10240x128xf32, #tpu.memory_space<hbm>>) target(%arg8 : memref<128x128xf32, #tpu.memory_space<vmem>>) offsets(%dma_start3A_80 : memref<128xi32, #tpu.memory_space<vmem>>) semaphore(%arg11 : memref<!tpu.dma_semaphore, #tpu.memory_space<semaphore_mem>>)
      %run_scoped3A_84 = arith.constant 1 : i32
      "tpu.region"() ({
        %run_scoped3A_169 = tpu.sem_alloc : memref<!tpu.dma_semaphore, #tpu.memory_space<semaphore_mem>>
        %dma_start3A_170 = arith.constant 0 : i32
        %dma_start3A_171 = tpu.memref_slice %arg7[%run_scoped3A_84, %dma_start3A_170] : memref<8x128xi32, #tpu.memory_space<vmem>> -> memref<1x128xi32, #tpu.memory_space<vmem>>
        %dma_start3A_172 = tpu.memref_squeeze %dma_start3A_171 : memref<1x128xi32, #tpu.memory_space<vmem>> -> memref<128xi32, #tpu.memory_space<vmem>>
        %dma_start3A_173 = arith.constant 0 : i32
        %dma_start3A_174 = arith.constant 0 : i32
        %dma_start3A_175 = tpu.memref_slice %arg10[%dma_start3A_173, %dma_start3A_174] : memref<10240x128xf32, #tpu.memory_space<vmem_shared>> -> memref<10240x128xf32, #tpu.memory_space<vmem_shared>>
        tpu.enqueue_indirect_dma source(%arg9 : memref<128x128xf32, #tpu.memory_space<vmem>>) target(%dma_start3A_175 : memref<10240x128xf32, #tpu.memory_space<vmem_shared>>) offsets(%dma_start3A_172 : memref<128xi32, #tpu.memory_space<vmem>>) semaphore(%run_scoped3A_169 : memref<!tpu.dma_semaphore, #tpu.memory_space<semaphore_mem>>) {add = true}
        %dma_wait3A_176 = arith.constant 0 : i32
        %dma_wait3A_177 = tpu.memref_slice %arg7[%run_scoped3A_84, %dma_wait3A_176] : memref<8x128xi32, #tpu.memory_space<vmem>> -> memref<1x128xi32, #tpu.memory_space<vmem>>
        %dma_wait3A_178 = tpu.memref_squeeze %dma_wait3A_177 : memref<1x128xi32, #tpu.memory_space<vmem>> -> memref<128xi32, #tpu.memory_space<vmem>>
        %dma_wait3A_179 = arith.constant 0 : i32
        %dma_wait3A_180 = arith.constant 0 : i32
        %dma_wait3A_181 = tpu.memref_slice %arg10[%dma_wait3A_179, %dma_wait3A_180] : memref<10240x128xf32, #tpu.memory_space<vmem_shared>> -> memref<10240x128xf32, #tpu.memory_space<vmem_shared>>
        tpu.wait_indirect_dma semaphore(%run_scoped3A_169 : memref<!tpu.dma_semaphore, #tpu.memory_space<semaphore_mem>>) src(%arg9 : memref<128x128xf32, #tpu.memory_space<vmem>>) dst(%dma_wait3A_181 : memref<10240x128xf32, #tpu.memory_space<vmem_shared>>)
        tpu.yield
      }) : () -> ()
      %dma_wait3A_85 = arith.constant 2 : i32
      %dma_wait3A_86 = arith.constant 0 : i32
      %dma_wait3A_87 = tpu.memref_slice %arg6[%dma_wait3A_85, %dma_wait3A_86] : memref<8x128xi32, #tpu.memory_space<vmem>> -> memref<1x128xi32, #tpu.memory_space<vmem>>
      %dma_wait3A_88 = tpu.memref_squeeze %dma_wait3A_87 : memref<1x128xi32, #tpu.memory_space<vmem>> -> memref<128xi32, #tpu.memory_space<vmem>>
      %dma_wait3A_89 = arith.constant 0 : i32
      %dma_wait3A_90 = arith.constant 0 : i32
      %dma_wait3A_91 = tpu.memref_slice %arg2[%dma_wait3A_89, %dma_wait3A_90] : memref<10240x128xf32, #tpu.memory_space<hbm>> -> memref<10240x128xf32, #tpu.memory_space<hbm>>
      tpu.wait_indirect_dma semaphore(%arg11 : memref<!tpu.dma_semaphore, #tpu.memory_space<semaphore_mem>>) src(%dma_wait3A_91 : memref<10240x128xf32, #tpu.memory_space<hbm>>) dst(%arg8 : memref<128x128xf32, #tpu.memory_space<vmem>>)
      %dma_start3A_92 = arith.constant 3 : i32
      %dma_start3A_93 = arith.constant 0 : i32
      %dma_start3A_94 = tpu.memref_slice %arg6[%dma_start3A_92, %dma_start3A_93] : memref<8x128xi32, #tpu.memory_space<vmem>> -> memref<1x128xi32, #tpu.memory_space<vmem>>
      %dma_start3A_95 = tpu.memref_squeeze %dma_start3A_94 : memref<1x128xi32, #tpu.memory_space<vmem>> -> memref<128xi32, #tpu.memory_space<vmem>>
      %dma_start3A_96 = arith.constant 0 : i32
      %dma_start3A_97 = arith.constant 0 : i32
      %dma_start3A_98 = tpu.memref_slice %arg2[%dma_start3A_96, %dma_start3A_97] : memref<10240x128xf32, #tpu.memory_space<hbm>> -> memref<10240x128xf32, #tpu.memory_space<hbm>>
      tpu.enqueue_indirect_dma source(%dma_start3A_98 : memref<10240x128xf32, #tpu.memory_space<hbm>>) target(%arg9 : memref<128x128xf32, #tpu.memory_space<vmem>>) offsets(%dma_start3A_95 : memref<128xi32, #tpu.memory_space<vmem>>) semaphore(%arg12 : memref<!tpu.dma_semaphore, #tpu.memory_space<semaphore_mem>>)
      %run_scoped3A_99 = arith.constant 2 : i32
      "tpu.region"() ({
        %run_scoped3A_169 = tpu.sem_alloc : memref<!tpu.dma_semaphore, #tpu.memory_space<semaphore_mem>>
        %dma_start3A_170 = arith.constant 0 : i32
        %dma_start3A_171 = tpu.memref_slice %arg7[%run_scoped3A_99, %dma_start3A_170] : memref<8x128xi32, #tpu.memory_space<vmem>> -> memref<1x128xi32, #tpu.memory_space<vmem>>
        %dma_start3A_172 = tpu.memref_squeeze %dma_start3A_171 : memref<1x128xi32, #tpu.memory_space<vmem>> -> memref<128xi32, #tpu.memory_space<vmem>>
        %dma_start3A_173 = arith.constant 0 : i32
        %dma_start3A_174 = arith.constant 0 : i32
        %dma_start3A_175 = tpu.memref_slice %arg10[%dma_start3A_173, %dma_start3A_174] : memref<10240x128xf32, #tpu.memory_space<vmem_shared>> -> memref<10240x128xf32, #tpu.memory_space<vmem_shared>>
        tpu.enqueue_indirect_dma source(%arg8 : memref<128x128xf32, #tpu.memory_space<vmem>>) target(%dma_start3A_175 : memref<10240x128xf32, #tpu.memory_space<vmem_shared>>) offsets(%dma_start3A_172 : memref<128xi32, #tpu.memory_space<vmem>>) semaphore(%run_scoped3A_169 : memref<!tpu.dma_semaphore, #tpu.memory_space<semaphore_mem>>) {add = true}
        %dma_wait3A_176 = arith.constant 0 : i32
        %dma_wait3A_177 = tpu.memref_slice %arg7[%run_scoped3A_99, %dma_wait3A_176] : memref<8x128xi32, #tpu.memory_space<vmem>> -> memref<1x128xi32, #tpu.memory_space<vmem>>
        %dma_wait3A_178 = tpu.memref_squeeze %dma_wait3A_177 : memref<1x128xi32, #tpu.memory_space<vmem>> -> memref<128xi32, #tpu.memory_space<vmem>>
        %dma_wait3A_179 = arith.constant 0 : i32
        %dma_wait3A_180 = arith.constant 0 : i32
        %dma_wait3A_181 = tpu.memref_slice %arg10[%dma_wait3A_179, %dma_wait3A_180] : memref<10240x128xf32, #tpu.memory_space<vmem_shared>> -> memref<10240x128xf32, #tpu.memory_space<vmem_shared>>
        tpu.wait_indirect_dma semaphore(%run_scoped3A_169 : memref<!tpu.dma_semaphore, #tpu.memory_space<semaphore_mem>>) src(%arg8 : memref<128x128xf32, #tpu.memory_space<vmem>>) dst(%dma_wait3A_181 : memref<10240x128xf32, #tpu.memory_space<vmem_shared>>)
        tpu.yield
      }) : () -> ()
      %dma_wait3A_100 = arith.constant 3 : i32
      %dma_wait3A_101 = arith.constant 0 : i32
      %dma_wait3A_102 = tpu.memref_slice %arg6[%dma_wait3A_100, %dma_wait3A_101] : memref<8x128xi32, #tpu.memory_space<vmem>> -> memref<1x128xi32, #tpu.memory_space<vmem>>
      %dma_wait3A_103 = tpu.memref_squeeze %dma_wait3A_102 : memref<1x128xi32, #tpu.memory_space<vmem>> -> memref<128xi32, #tpu.memory_space<vmem>>
      %dma_wait3A_104 = arith.constant 0 : i32
      %dma_wait3A_105 = arith.constant 0 : i32
      %dma_wait3A_106 = tpu.memref_slice %arg2[%dma_wait3A_104, %dma_wait3A_105] : memref<10240x128xf32, #tpu.memory_space<hbm>> -> memref<10240x128xf32, #tpu.memory_space<hbm>>
      tpu.wait_indirect_dma semaphore(%arg12 : memref<!tpu.dma_semaphore, #tpu.memory_space<semaphore_mem>>) src(%dma_wait3A_106 : memref<10240x128xf32, #tpu.memory_space<hbm>>) dst(%arg9 : memref<128x128xf32, #tpu.memory_space<vmem>>)
      %dma_start3A_107 = arith.constant 4 : i32
      %dma_start3A_108 = arith.constant 0 : i32
      %dma_start3A_109 = tpu.memref_slice %arg6[%dma_start3A_107, %dma_start3A_108] : memref<8x128xi32, #tpu.memory_space<vmem>> -> memref<1x128xi32, #tpu.memory_space<vmem>>
      %dma_start3A_110 = tpu.memref_squeeze %dma_start3A_109 : memref<1x128xi32, #tpu.memory_space<vmem>> -> memref<128xi32, #tpu.memory_space<vmem>>
      %dma_start3A_111 = arith.constant 0 : i32
      %dma_start3A_112 = arith.constant 0 : i32
      %dma_start3A_113 = tpu.memref_slice %arg2[%dma_start3A_111, %dma_start3A_112] : memref<10240x128xf32, #tpu.memory_space<hbm>> -> memref<10240x128xf32, #tpu.memory_space<hbm>>
      tpu.enqueue_indirect_dma source(%dma_start3A_113 : memref<10240x128xf32, #tpu.memory_space<hbm>>) target(%arg8 : memref<128x128xf32, #tpu.memory_space<vmem>>) offsets(%dma_start3A_110 : memref<128xi32, #tpu.memory_space<vmem>>) semaphore(%arg11 : memref<!tpu.dma_semaphore, #tpu.memory_space<semaphore_mem>>)
      %run_scoped3A_114 = arith.constant 3 : i32
      "tpu.region"() ({
        %run_scoped3A_169 = tpu.sem_alloc : memref<!tpu.dma_semaphore, #tpu.memory_space<semaphore_mem>>
        %dma_start3A_170 = arith.constant 0 : i32
        %dma_start3A_171 = tpu.memref_slice %arg7[%run_scoped3A_114, %dma_start3A_170] : memref<8x128xi32, #tpu.memory_space<vmem>> -> memref<1x128xi32, #tpu.memory_space<vmem>>
        %dma_start3A_172 = tpu.memref_squeeze %dma_start3A_171 : memref<1x128xi32, #tpu.memory_space<vmem>> -> memref<128xi32, #tpu.memory_space<vmem>>
        %dma_start3A_173 = arith.constant 0 : i32
        %dma_start3A_174 = arith.constant 0 : i32
        %dma_start3A_175 = tpu.memref_slice %arg10[%dma_start3A_173, %dma_start3A_174] : memref<10240x128xf32, #tpu.memory_space<vmem_shared>> -> memref<10240x128xf32, #tpu.memory_space<vmem_shared>>
        tpu.enqueue_indirect_dma source(%arg9 : memref<128x128xf32, #tpu.memory_space<vmem>>) target(%dma_start3A_175 : memref<10240x128xf32, #tpu.memory_space<vmem_shared>>) offsets(%dma_start3A_172 : memref<128xi32, #tpu.memory_space<vmem>>) semaphore(%run_scoped3A_169 : memref<!tpu.dma_semaphore, #tpu.memory_space<semaphore_mem>>) {add = true}
        %dma_wait3A_176 = arith.constant 0 : i32
        %dma_wait3A_177 = tpu.memref_slice %arg7[%run_scoped3A_114, %dma_wait3A_176] : memref<8x128xi32, #tpu.memory_space<vmem>> -> memref<1x128xi32, #tpu.memory_space<vmem>>
        %dma_wait3A_178 = tpu.memref_squeeze %dma_wait3A_177 : memref<1x128xi32, #tpu.memory_space<vmem>> -> memref<128xi32, #tpu.memory_space<vmem>>
        %dma_wait3A_179 = arith.constant 0 : i32
        %dma_wait3A_180 = arith.constant 0 : i32
        %dma_wait3A_181 = tpu.memref_slice %arg10[%dma_wait3A_179, %dma_wait3A_180] : memref<10240x128xf32, #tpu.memory_space<vmem_shared>> -> memref<10240x128xf32, #tpu.memory_space<vmem_shared>>
        tpu.wait_indirect_dma semaphore(%run_scoped3A_169 : memref<!tpu.dma_semaphore, #tpu.memory_space<semaphore_mem>>) src(%arg9 : memref<128x128xf32, #tpu.memory_space<vmem>>) dst(%dma_wait3A_181 : memref<10240x128xf32, #tpu.memory_space<vmem_shared>>)
        tpu.yield
      }) : () -> ()
      %dma_wait3A_115 = arith.constant 4 : i32
      %dma_wait3A_116 = arith.constant 0 : i32
      %dma_wait3A_117 = tpu.memref_slice %arg6[%dma_wait3A_115, %dma_wait3A_116] : memref<8x128xi32, #tpu.memory_space<vmem>> -> memref<1x128xi32, #tpu.memory_space<vmem>>
      %dma_wait3A_118 = tpu.memref_squeeze %dma_wait3A_117 : memref<1x128xi32, #tpu.memory_space<vmem>> -> memref<128xi32, #tpu.memory_space<vmem>>
      %dma_wait3A_119 = arith.constant 0 : i32
      %dma_wait3A_120 = arith.constant 0 : i32
      %dma_wait3A_121 = tpu.memref_slice %arg2[%dma_wait3A_119, %dma_wait3A_120] : memref<10240x128xf32, #tpu.memory_space<hbm>> -> memref<10240x128xf32, #tpu.memory_space<hbm>>
      tpu.wait_indirect_dma semaphore(%arg11 : memref<!tpu.dma_semaphore, #tpu.memory_space<semaphore_mem>>) src(%dma_wait3A_121 : memref<10240x128xf32, #tpu.memory_space<hbm>>) dst(%arg8 : memref<128x128xf32, #tpu.memory_space<vmem>>)
      %dma_start3A_122 = arith.constant 5 : i32
      %dma_start3A_123 = arith.constant 0 : i32
      %dma_start3A_124 = tpu.memref_slice %arg6[%dma_start3A_122, %dma_start3A_123] : memref<8x128xi32, #tpu.memory_space<vmem>> -> memref<1x128xi32, #tpu.memory_space<vmem>>
      %dma_start3A_125 = tpu.memref_squeeze %dma_start3A_124 : memref<1x128xi32, #tpu.memory_space<vmem>> -> memref<128xi32, #tpu.memory_space<vmem>>
      %dma_start3A_126 = arith.constant 0 : i32
      %dma_start3A_127 = arith.constant 0 : i32
      %dma_start3A_128 = tpu.memref_slice %arg2[%dma_start3A_126, %dma_start3A_127] : memref<10240x128xf32, #tpu.memory_space<hbm>> -> memref<10240x128xf32, #tpu.memory_space<hbm>>
      tpu.enqueue_indirect_dma source(%dma_start3A_128 : memref<10240x128xf32, #tpu.memory_space<hbm>>) target(%arg9 : memref<128x128xf32, #tpu.memory_space<vmem>>) offsets(%dma_start3A_125 : memref<128xi32, #tpu.memory_space<vmem>>) semaphore(%arg12 : memref<!tpu.dma_semaphore, #tpu.memory_space<semaphore_mem>>)
      %run_scoped3A_129 = arith.constant 4 : i32
      "tpu.region"() ({
        %run_scoped3A_169 = tpu.sem_alloc : memref<!tpu.dma_semaphore, #tpu.memory_space<semaphore_mem>>
        %dma_start3A_170 = arith.constant 0 : i32
        %dma_start3A_171 = tpu.memref_slice %arg7[%run_scoped3A_129, %dma_start3A_170] : memref<8x128xi32, #tpu.memory_space<vmem>> -> memref<1x128xi32, #tpu.memory_space<vmem>>
        %dma_start3A_172 = tpu.memref_squeeze %dma_start3A_171 : memref<1x128xi32, #tpu.memory_space<vmem>> -> memref<128xi32, #tpu.memory_space<vmem>>
        %dma_start3A_173 = arith.constant 0 : i32
        %dma_start3A_174 = arith.constant 0 : i32
        %dma_start3A_175 = tpu.memref_slice %arg10[%dma_start3A_173, %dma_start3A_174] : memref<10240x128xf32, #tpu.memory_space<vmem_shared>> -> memref<10240x128xf32, #tpu.memory_space<vmem_shared>>
        tpu.enqueue_indirect_dma source(%arg8 : memref<128x128xf32, #tpu.memory_space<vmem>>) target(%dma_start3A_175 : memref<10240x128xf32, #tpu.memory_space<vmem_shared>>) offsets(%dma_start3A_172 : memref<128xi32, #tpu.memory_space<vmem>>) semaphore(%run_scoped3A_169 : memref<!tpu.dma_semaphore, #tpu.memory_space<semaphore_mem>>) {add = true}
        %dma_wait3A_176 = arith.constant 0 : i32
        %dma_wait3A_177 = tpu.memref_slice %arg7[%run_scoped3A_129, %dma_wait3A_176] : memref<8x128xi32, #tpu.memory_space<vmem>> -> memref<1x128xi32, #tpu.memory_space<vmem>>
        %dma_wait3A_178 = tpu.memref_squeeze %dma_wait3A_177 : memref<1x128xi32, #tpu.memory_space<vmem>> -> memref<128xi32, #tpu.memory_space<vmem>>
        %dma_wait3A_179 = arith.constant 0 : i32
        %dma_wait3A_180 = arith.constant 0 : i32
        %dma_wait3A_181 = tpu.memref_slice %arg10[%dma_wait3A_179, %dma_wait3A_180] : memref<10240x128xf32, #tpu.memory_space<vmem_shared>> -> memref<10240x128xf32, #tpu.memory_space<vmem_shared>>
        tpu.wait_indirect_dma semaphore(%run_scoped3A_169 : memref<!tpu.dma_semaphore, #tpu.memory_space<semaphore_mem>>) src(%arg8 : memref<128x128xf32, #tpu.memory_space<vmem>>) dst(%dma_wait3A_181 : memref<10240x128xf32, #tpu.memory_space<vmem_shared>>)
        tpu.yield
      }) : () -> ()
      %dma_wait3A_130 = arith.constant 5 : i32
      %dma_wait3A_131 = arith.constant 0 : i32
      %dma_wait3A_132 = tpu.memref_slice %arg6[%dma_wait3A_130, %dma_wait3A_131] : memref<8x128xi32, #tpu.memory_space<vmem>> -> memref<1x128xi32, #tpu.memory_space<vmem>>
      %dma_wait3A_133 = tpu.memref_squeeze %dma_wait3A_132 : memref<1x128xi32, #tpu.memory_space<vmem>> -> memref<128xi32, #tpu.memory_space<vmem>>
      %dma_wait3A_134 = arith.constant 0 : i32
      %dma_wait3A_135 = arith.constant 0 : i32
      %dma_wait3A_136 = tpu.memref_slice %arg2[%dma_wait3A_134, %dma_wait3A_135] : memref<10240x128xf32, #tpu.memory_space<hbm>> -> memref<10240x128xf32, #tpu.memory_space<hbm>>
      tpu.wait_indirect_dma semaphore(%arg12 : memref<!tpu.dma_semaphore, #tpu.memory_space<semaphore_mem>>) src(%dma_wait3A_136 : memref<10240x128xf32, #tpu.memory_space<hbm>>) dst(%arg9 : memref<128x128xf32, #tpu.memory_space<vmem>>)
      %dma_start3A_137 = arith.constant 6 : i32
      %dma_start3A_138 = arith.constant 0 : i32
      %dma_start3A_139 = tpu.memref_slice %arg6[%dma_start3A_137, %dma_start3A_138] : memref<8x128xi32, #tpu.memory_space<vmem>> -> memref<1x128xi32, #tpu.memory_space<vmem>>
      %dma_start3A_140 = tpu.memref_squeeze %dma_start3A_139 : memref<1x128xi32, #tpu.memory_space<vmem>> -> memref<128xi32, #tpu.memory_space<vmem>>
      %dma_start3A_141 = arith.constant 0 : i32
      %dma_start3A_142 = arith.constant 0 : i32
      %dma_start3A_143 = tpu.memref_slice %arg2[%dma_start3A_141, %dma_start3A_142] : memref<10240x128xf32, #tpu.memory_space<hbm>> -> memref<10240x128xf32, #tpu.memory_space<hbm>>
      tpu.enqueue_indirect_dma source(%dma_start3A_143 : memref<10240x128xf32, #tpu.memory_space<hbm>>) target(%arg8 : memref<128x128xf32, #tpu.memory_space<vmem>>) offsets(%dma_start3A_140 : memref<128xi32, #tpu.memory_space<vmem>>) semaphore(%arg11 : memref<!tpu.dma_semaphore, #tpu.memory_space<semaphore_mem>>)
      %run_scoped3A_144 = arith.constant 5 : i32
      "tpu.region"() ({
        %run_scoped3A_169 = tpu.sem_alloc : memref<!tpu.dma_semaphore, #tpu.memory_space<semaphore_mem>>
        %dma_start3A_170 = arith.constant 0 : i32
        %dma_start3A_171 = tpu.memref_slice %arg7[%run_scoped3A_144, %dma_start3A_170] : memref<8x128xi32, #tpu.memory_space<vmem>> -> memref<1x128xi32, #tpu.memory_space<vmem>>
        %dma_start3A_172 = tpu.memref_squeeze %dma_start3A_171 : memref<1x128xi32, #tpu.memory_space<vmem>> -> memref<128xi32, #tpu.memory_space<vmem>>
        %dma_start3A_173 = arith.constant 0 : i32
        %dma_start3A_174 = arith.constant 0 : i32
        %dma_start3A_175 = tpu.memref_slice %arg10[%dma_start3A_173, %dma_start3A_174] : memref<10240x128xf32, #tpu.memory_space<vmem_shared>> -> memref<10240x128xf32, #tpu.memory_space<vmem_shared>>
        tpu.enqueue_indirect_dma source(%arg9 : memref<128x128xf32, #tpu.memory_space<vmem>>) target(%dma_start3A_175 : memref<10240x128xf32, #tpu.memory_space<vmem_shared>>) offsets(%dma_start3A_172 : memref<128xi32, #tpu.memory_space<vmem>>) semaphore(%run_scoped3A_169 : memref<!tpu.dma_semaphore, #tpu.memory_space<semaphore_mem>>) {add = true}
        %dma_wait3A_176 = arith.constant 0 : i32
        %dma_wait3A_177 = tpu.memref_slice %arg7[%run_scoped3A_144, %dma_wait3A_176] : memref<8x128xi32, #tpu.memory_space<vmem>> -> memref<1x128xi32, #tpu.memory_space<vmem>>
        %dma_wait3A_178 = tpu.memref_squeeze %dma_wait3A_177 : memref<1x128xi32, #tpu.memory_space<vmem>> -> memref<128xi32, #tpu.memory_space<vmem>>
        %dma_wait3A_179 = arith.constant 0 : i32
        %dma_wait3A_180 = arith.constant 0 : i32
        %dma_wait3A_181 = tpu.memref_slice %arg10[%dma_wait3A_179, %dma_wait3A_180] : memref<10240x128xf32, #tpu.memory_space<vmem_shared>> -> memref<10240x128xf32, #tpu.memory_space<vmem_shared>>
        tpu.wait_indirect_dma semaphore(%run_scoped3A_169 : memref<!tpu.dma_semaphore, #tpu.memory_space<semaphore_mem>>) src(%arg9 : memref<128x128xf32, #tpu.memory_space<vmem>>) dst(%dma_wait3A_181 : memref<10240x128xf32, #tpu.memory_space<vmem_shared>>)
        tpu.yield
      }) : () -> ()
      %dma_wait3A_145 = arith.constant 6 : i32
      %dma_wait3A_146 = arith.constant 0 : i32
      %dma_wait3A_147 = tpu.memref_slice %arg6[%dma_wait3A_145, %dma_wait3A_146] : memref<8x128xi32, #tpu.memory_space<vmem>> -> memref<1x128xi32, #tpu.memory_space<vmem>>
      %dma_wait3A_148 = tpu.memref_squeeze %dma_wait3A_147 : memref<1x128xi32, #tpu.memory_space<vmem>> -> memref<128xi32, #tpu.memory_space<vmem>>
      %dma_wait3A_149 = arith.constant 0 : i32
      %dma_wait3A_150 = arith.constant 0 : i32
      %dma_wait3A_151 = tpu.memref_slice %arg2[%dma_wait3A_149, %dma_wait3A_150] : memref<10240x128xf32, #tpu.memory_space<hbm>> -> memref<10240x128xf32, #tpu.memory_space<hbm>>
      tpu.wait_indirect_dma semaphore(%arg11 : memref<!tpu.dma_semaphore, #tpu.memory_space<semaphore_mem>>) src(%dma_wait3A_151 : memref<10240x128xf32, #tpu.memory_space<hbm>>) dst(%arg8 : memref<128x128xf32, #tpu.memory_space<vmem>>)
      %dma_start3A_152 = arith.constant 7 : i32
      %dma_start3A_153 = arith.constant 0 : i32
      %dma_start3A_154 = tpu.memref_slice %arg6[%dma_start3A_152, %dma_start3A_153] : memref<8x128xi32, #tpu.memory_space<vmem>> -> memref<1x128xi32, #tpu.memory_space<vmem>>
      %dma_start3A_155 = tpu.memref_squeeze %dma_start3A_154 : memref<1x128xi32, #tpu.memory_space<vmem>> -> memref<128xi32, #tpu.memory_space<vmem>>
      %dma_start3A_156 = arith.constant 0 : i32
      %dma_start3A_157 = arith.constant 0 : i32
      %dma_start3A_158 = tpu.memref_slice %arg2[%dma_start3A_156, %dma_start3A_157] : memref<10240x128xf32, #tpu.memory_space<hbm>> -> memref<10240x128xf32, #tpu.memory_space<hbm>>
      tpu.enqueue_indirect_dma source(%dma_start3A_158 : memref<10240x128xf32, #tpu.memory_space<hbm>>) target(%arg9 : memref<128x128xf32, #tpu.memory_space<vmem>>) offsets(%dma_start3A_155 : memref<128xi32, #tpu.memory_space<vmem>>) semaphore(%arg12 : memref<!tpu.dma_semaphore, #tpu.memory_space<semaphore_mem>>)
      %run_scoped3A_159 = arith.constant 6 : i32
      "tpu.region"() ({
        %run_scoped3A_169 = tpu.sem_alloc : memref<!tpu.dma_semaphore, #tpu.memory_space<semaphore_mem>>
        %dma_start3A_170 = arith.constant 0 : i32
        %dma_start3A_171 = tpu.memref_slice %arg7[%run_scoped3A_159, %dma_start3A_170] : memref<8x128xi32, #tpu.memory_space<vmem>> -> memref<1x128xi32, #tpu.memory_space<vmem>>
        %dma_start3A_172 = tpu.memref_squeeze %dma_start3A_171 : memref<1x128xi32, #tpu.memory_space<vmem>> -> memref<128xi32, #tpu.memory_space<vmem>>
        %dma_start3A_173 = arith.constant 0 : i32
        %dma_start3A_174 = arith.constant 0 : i32
        %dma_start3A_175 = tpu.memref_slice %arg10[%dma_start3A_173, %dma_start3A_174] : memref<10240x128xf32, #tpu.memory_space<vmem_shared>> -> memref<10240x128xf32, #tpu.memory_space<vmem_shared>>
        tpu.enqueue_indirect_dma source(%arg8 : memref<128x128xf32, #tpu.memory_space<vmem>>) target(%dma_start3A_175 : memref<10240x128xf32, #tpu.memory_space<vmem_shared>>) offsets(%dma_start3A_172 : memref<128xi32, #tpu.memory_space<vmem>>) semaphore(%run_scoped3A_169 : memref<!tpu.dma_semaphore, #tpu.memory_space<semaphore_mem>>) {add = true}
        %dma_wait3A_176 = arith.constant 0 : i32
        %dma_wait3A_177 = tpu.memref_slice %arg7[%run_scoped3A_159, %dma_wait3A_176] : memref<8x128xi32, #tpu.memory_space<vmem>> -> memref<1x128xi32, #tpu.memory_space<vmem>>
        %dma_wait3A_178 = tpu.memref_squeeze %dma_wait3A_177 : memref<1x128xi32, #tpu.memory_space<vmem>> -> memref<128xi32, #tpu.memory_space<vmem>>
        %dma_wait3A_179 = arith.constant 0 : i32
        %dma_wait3A_180 = arith.constant 0 : i32
        %dma_wait3A_181 = tpu.memref_slice %arg10[%dma_wait3A_179, %dma_wait3A_180] : memref<10240x128xf32, #tpu.memory_space<vmem_shared>> -> memref<10240x128xf32, #tpu.memory_space<vmem_shared>>
        tpu.wait_indirect_dma semaphore(%run_scoped3A_169 : memref<!tpu.dma_semaphore, #tpu.memory_space<semaphore_mem>>) src(%arg8 : memref<128x128xf32, #tpu.memory_space<vmem>>) dst(%dma_wait3A_181 : memref<10240x128xf32, #tpu.memory_space<vmem_shared>>)
        tpu.yield
      }) : () -> ()
      %dma_wait3A_160 = arith.constant 7 : i32
      %dma_wait3A_161 = arith.constant 0 : i32
      %dma_wait3A_162 = tpu.memref_slice %arg6[%dma_wait3A_160, %dma_wait3A_161] : memref<8x128xi32, #tpu.memory_space<vmem>> -> memref<1x128xi32, #tpu.memory_space<vmem>>
      %dma_wait3A_163 = tpu.memref_squeeze %dma_wait3A_162 : memref<1x128xi32, #tpu.memory_space<vmem>> -> memref<128xi32, #tpu.memory_space<vmem>>
      %dma_wait3A_164 = arith.constant 0 : i32
      %dma_wait3A_165 = arith.constant 0 : i32
      %dma_wait3A_166 = tpu.memref_slice %arg2[%dma_wait3A_164, %dma_wait3A_165] : memref<10240x128xf32, #tpu.memory_space<hbm>> -> memref<10240x128xf32, #tpu.memory_space<hbm>>
      tpu.wait_indirect_dma semaphore(%arg12 : memref<!tpu.dma_semaphore, #tpu.memory_space<semaphore_mem>>) src(%dma_wait3A_166 : memref<10240x128xf32, #tpu.memory_space<hbm>>) dst(%arg9 : memref<128x128xf32, #tpu.memory_space<vmem>>)
      %run_scoped3A_167 = arith.constant 7 : i32
      "tpu.region"() ({
        %run_scoped3A_169 = tpu.sem_alloc : memref<!tpu.dma_semaphore, #tpu.memory_space<semaphore_mem>>
        %dma_start3A_170 = arith.constant 0 : i32
        %dma_start3A_171 = tpu.memref_slice %arg7[%run_scoped3A_167, %dma_start3A_170] : memref<8x128xi32, #tpu.memory_space<vmem>> -> memref<1x128xi32, #tpu.memory_space<vmem>>
        %dma_start3A_172 = tpu.memref_squeeze %dma_start3A_171 : memref<1x128xi32, #tpu.memory_space<vmem>> -> memref<128xi32, #tpu.memory_space<vmem>>
        %dma_start3A_173 = arith.constant 0 : i32
        %dma_start3A_174 = arith.constant 0 : i32
        %dma_start3A_175 = tpu.memref_slice %arg10[%dma_start3A_173, %dma_start3A_174] : memref<10240x128xf32, #tpu.memory_space<vmem_shared>> -> memref<10240x128xf32, #tpu.memory_space<vmem_shared>>
        tpu.enqueue_indirect_dma source(%arg9 : memref<128x128xf32, #tpu.memory_space<vmem>>) target(%dma_start3A_175 : memref<10240x128xf32, #tpu.memory_space<vmem_shared>>) offsets(%dma_start3A_172 : memref<128xi32, #tpu.memory_space<vmem>>) semaphore(%run_scoped3A_169 : memref<!tpu.dma_semaphore, #tpu.memory_space<semaphore_mem>>) {add = true}
        %dma_wait3A_176 = arith.constant 0 : i32
        %dma_wait3A_177 = tpu.memref_slice %arg7[%run_scoped3A_167, %dma_wait3A_176] : memref<8x128xi32, #tpu.memory_space<vmem>> -> memref<1x128xi32, #tpu.memory_space<vmem>>
        %dma_wait3A_178 = tpu.memref_squeeze %dma_wait3A_177 : memref<1x128xi32, #tpu.memory_space<vmem>> -> memref<128xi32, #tpu.memory_space<vmem>>
        %dma_wait3A_179 = arith.constant 0 : i32
        %dma_wait3A_180 = arith.constant 0 : i32
        %dma_wait3A_181 = tpu.memref_slice %arg10[%dma_wait3A_179, %dma_wait3A_180] : memref<10240x128xf32, #tpu.memory_space<vmem_shared>> -> memref<10240x128xf32, #tpu.memory_space<vmem_shared>>
        tpu.wait_indirect_dma semaphore(%run_scoped3A_169 : memref<!tpu.dma_semaphore, #tpu.memory_space<semaphore_mem>>) src(%arg9 : memref<128x128xf32, #tpu.memory_space<vmem>>) dst(%dma_wait3A_181 : memref<10240x128xf32, #tpu.memory_space<vmem_shared>>)
        tpu.yield
      }) : () -> ()
      %while3A_168 = arith.constant 0 : i32
      scf.yield %while3A_168 : i32
    }
    %barrier3A_35 = arith.constant 0 : index
    tpu.barrier barrier_id(%barrier3A_35)
    %mul3A_36 = arith.constant 10240 : i32
    %mul3A_37 = arith.muli %arg0, %mul3A_36 : i32
    %add3A_38 = arith.addi %mul3A_37, %mul3A_0 : i32
    %scan3A_39 = arith.constant 0 : i32
    %scan3A_40 = arith.constant 0 : i32
    %scan3A_41 = arith.constant 5 : i32
    %scan3A_42 = arith.addi %scan3A_40, %scan3A_41 : i32
    %scan3A_43 = arith.constant 1 : i32
    %scan3A_44 = scf.for %scan3A_46 = %scan3A_40 to %scan3A_42 step %scan3A_43 iter_args(%scan3A_47 = %scan3A_39) -> (i32)  : i32 {
      %mul3A_48 = arith.constant 128 : i32
      %mul3A_49 = arith.muli %scan3A_46, %mul3A_48 : i32
      %add3A_50 = arith.addi %mul3A_0, %mul3A_49 : i32
      "tpu.region"() ({
        %run_scoped3A = tpu.sem_alloc : memref<!tpu.dma_semaphore, #tpu.memory_space<semaphore_mem>>
        %dma_start3A = arith.constant 0 : i32
        %dma_start3A_55 = tpu.memref_slice %arg10[%add3A_50, %dma_start3A] : memref<10240x128xf32, #tpu.memory_space<vmem_shared>> -> memref<128x128xf32, #tpu.memory_space<vmem_shared>>
        %dma_start3A_56 = arith.constant 0 : i32
        %dma_start3A_57 = tpu.memref_slice %arg10[%add3A_50, %dma_start3A_56] : memref<10240x128xf32, #tpu.memory_space<vmem_shared>> -> memref<128x128xf32, #tpu.memory_space<vmem_shared>>
        tpu.enqueue_dma source(%dma_start3A_57 : memref<128x128xf32, #tpu.memory_space<vmem_shared>>) target(%arg8 : memref<128x128xf32, #tpu.memory_space<vmem>>) target_semaphore(%run_scoped3A : memref<!tpu.dma_semaphore, #tpu.memory_space<semaphore_mem>>)
        %dma_wait3A = arith.constant 0 : i32
        %dma_wait3A_58 = tpu.memref_slice %arg10[%add3A_50, %dma_wait3A] : memref<10240x128xf32, #tpu.memory_space<vmem_shared>> -> memref<128x128xf32, #tpu.memory_space<vmem_shared>>
        %dma_wait3A_59 = arith.constant 0 : i32
        %dma_wait3A_60 = tpu.memref_slice %arg10[%add3A_50, %dma_wait3A_59] : memref<10240x128xf32, #tpu.memory_space<vmem_shared>> -> memref<128x128xf32, #tpu.memory_space<vmem_shared>>
        tpu.wait_dma2 semaphore(%run_scoped3A : memref<!tpu.dma_semaphore, #tpu.memory_space<semaphore_mem>>) src(%dma_wait3A_60 : memref<128x128xf32, #tpu.memory_space<vmem_shared>>) dst(%arg8 : memref<128x128xf32, #tpu.memory_space<vmem>>)
        tpu.yield
      }) : () -> ()
      %mul3A_51 = arith.constant 128 : i32
      %mul3A_52 = arith.muli %scan3A_46, %mul3A_51 : i32
      %add3A_53 = arith.addi %add3A_38, %mul3A_52 : i32
      "tpu.region"() ({
        %run_scoped3A = tpu.sem_alloc : memref<!tpu.dma_semaphore, #tpu.memory_space<semaphore_mem>>
        %dma_start3A = arith.constant 0 : i32
        %dma_start3A_55 = tpu.memref_slice %arg5[%add3A_53, %dma_start3A] : memref<20480x128xf32, #tpu.memory_space<hbm>> -> memref<128x128xf32, #tpu.memory_space<hbm>>
        %dma_start3A_56 = arith.constant 0 : i32
        %dma_start3A_57 = tpu.memref_slice %arg5[%add3A_53, %dma_start3A_56] : memref<20480x128xf32, #tpu.memory_space<hbm>> -> memref<128x128xf32, #tpu.memory_space<hbm>>
        tpu.enqueue_dma source(%arg8 : memref<128x128xf32, #tpu.memory_space<vmem>>) target(%dma_start3A_57 : memref<128x128xf32, #tpu.memory_space<hbm>>) target_semaphore(%run_scoped3A : memref<!tpu.dma_semaphore, #tpu.memory_space<semaphore_mem>>)
        %dma_wait3A = arith.constant 0 : i32
        %dma_wait3A_58 = tpu.memref_slice %arg5[%add3A_53, %dma_wait3A] : memref<20480x128xf32, #tpu.memory_space<hbm>> -> memref<128x128xf32, #tpu.memory_space<hbm>>
        %dma_wait3A_59 = arith.constant 0 : i32
        %dma_wait3A_60 = tpu.memref_slice %arg5[%add3A_53, %dma_wait3A_59] : memref<20480x128xf32, #tpu.memory_space<hbm>> -> memref<128x128xf32, #tpu.memory_space<hbm>>
        tpu.wait_dma2 semaphore(%run_scoped3A : memref<!tpu.dma_semaphore, #tpu.memory_space<semaphore_mem>>) src(%arg8 : memref<128x128xf32, #tpu.memory_space<vmem>>) dst(%dma_wait3A_60 : memref<128x128xf32, #tpu.memory_space<hbm>>)
        tpu.yield
      }) : () -> ()
      %scan3A_54 = arith.constant 0 : i32
      scf.yield %scan3A_54 : i32
    }
    %scan3A_45 = arith.constant 5 : i32
    return
  }
}

module attributes {stable_mosaic.version = 14 : i64} {
  func.func @_layer_body(%arg0: i32, %arg1: memref<1024x128xf32, #tpu.memory_space<vmem>>, %arg2: memref<1024x128xf32, #tpu.memory_space<vmem>>, %arg3: memref<1024x128xf32, #tpu.memory_space<vmem>>, %arg4: memref<1024x128xf32, #tpu.memory_space<vmem>>, %arg5: memref<1024x128xf32, #tpu.memory_space<vmem>>, %arg6: memref<128x128xf32, #tpu.memory_space<vmem>>, %arg7: memref<1x128xf32, #tpu.memory_space<vmem>>, %arg8: memref<128x128xf32, #tpu.memory_space<vmem>>, %arg9: memref<1024x128xf32, #tpu.memory_space<vmem>>) attributes {dimension_semantics = [#tpu.dimension_semantics<arbitrary>], iteration_bounds = array<i64: 10>, scalar_prefetch = 0 : i64, scratch_operands = 0 : i64, tpu.core_type = #tpu.core_type<tc>, window_params = [{transform_indices = @transform_0, window_bounds = array<i64: 1024, 128>}, {transform_indices = @transform_1, window_bounds = array<i64: 1024, 128>}, {transform_indices = @transform_2, window_bounds = array<i64: 1024, 128>}, {transform_indices = @transform_3, window_bounds = array<i64: 1024, 128>}, {transform_indices = @transform_4, window_bounds = array<i64: 1024, 128>}, {pipeline_mode = #tpu.pipeline_mode<synchronous>, transform_indices = @transform_5, window_bounds = array<i64: 128, 128>}, {pipeline_mode = #tpu.pipeline_mode<synchronous>, transform_indices = @transform_6, window_bounds = array<i64: 1, 128>}, {pipeline_mode = #tpu.pipeline_mode<synchronous>, transform_indices = @transform_7, window_bounds = array<i64: 128, 128>}, {transform_indices = @transform_8, window_bounds = array<i64: 1024, 128>}]} {
    %get3A = arith.constant 0 : index
    %get3A_0 = arith.constant 0 : index
    %get3A_1 = vector.load %arg3[%get3A, %get3A_0] : memref<1024x128xf32, #tpu.memory_space<vmem>>, vector<1024x1xf32>
    %get3A_2 = arith.constant 0 : index
    %get3A_3 = arith.constant 0 : index
    %get3A_4 = vector.load %arg4[%get3A_2, %get3A_3] : memref<1024x128xf32, #tpu.memory_space<vmem>>, vector<1024x1xf32>
    %add3A = arith.addf %get3A_1, %get3A_4 : vector<1024x1xf32>
    %get3A_5 = arith.constant 0 : index
    %get3A_6 = arith.constant 0 : index
    %get3A_7 = vector.load %arg1[%get3A_5, %get3A_6] : memref<1024x128xf32, #tpu.memory_space<vmem>>, vector<1024x128xf32>
    %get3A_8 = arith.constant 0 : index
    %get3A_9 = arith.constant 0 : index
    %get3A_10 = vector.load %arg2[%get3A_8, %get3A_9] : memref<1024x128xf32, #tpu.memory_space<vmem>>, vector<1024x128xf32>
    %add3A_11 = arith.addf %get3A_7, %get3A_10 : vector<1024x128xf32>
    %max3A = arith.constant 1.000000e+00 : f32
    %max3A_12 = vector.broadcast %max3A : f32 to vector<1024x1xf32>
    %max3A_13 = arith.maximumf %add3A, %max3A_12 : vector<1024x1xf32>
    %div3A = vector.broadcast %max3A_13 : vector<1024x1xf32> to vector<1024x128xf32>
    %div3A_14 = arith.divf %add3A_11, %div3A : vector<1024x128xf32>
    %get3A_15 = arith.constant 0 : index
    %get3A_16 = arith.constant 0 : index
    %get3A_17 = vector.load %arg6[%get3A_15, %get3A_16] : memref<128x128xf32, #tpu.memory_space<vmem>>, vector<128x128xf32>
    %convert_element_type3A = arith.truncf %div3A_14 : vector<1024x128xf32> to vector<1024x128xbf16>
    %convert_element_type3A_18 = arith.truncf %get3A_17 : vector<128x128xf32> to vector<128x128xbf16>
    %dot_general3A = arith.constant dense<0.000000e+00> : vector<1024x128xf32>
    %dot_general3A_19 = tpu.matmul %convert_element_type3A, %convert_element_type3A_18, %dot_general3A {dimension_numbers = #tpu.dot_dimension_numbers<[1], [0], [0], [1], [0, 0, 1, 1], [], []>, transpose_lhs_hint = false} : vector<1024x128xbf16>, vector<128x128xbf16>, vector<1024x128xf32> -> vector<1024x128xf32>
    %get3A_20 = arith.constant 0 : index
    %get3A_21 = arith.constant 0 : index
    %get3A_22 = vector.load %arg7[%get3A_20, %get3A_21] : memref<1x128xf32, #tpu.memory_space<vmem>>, vector<1x128xf32>
    %add3A_23 = vector.broadcast %get3A_22 : vector<1x128xf32> to vector<1024x128xf32>
    %add3A_24 = arith.addf %dot_general3A_19, %add3A_23 : vector<1024x128xf32>
    %get3A_25 = arith.constant 0 : index
    %get3A_26 = arith.constant 0 : index
    %get3A_27 = vector.load %arg5[%get3A_25, %get3A_26] : memref<1024x128xf32, #tpu.memory_space<vmem>>, vector<1024x128xf32>
    %get3A_28 = arith.constant 0 : index
    %get3A_29 = arith.constant 0 : index
    %get3A_30 = vector.load %arg8[%get3A_28, %get3A_29] : memref<128x128xf32, #tpu.memory_space<vmem>>, vector<128x128xf32>
    %convert_element_type3A_31 = arith.truncf %get3A_27 : vector<1024x128xf32> to vector<1024x128xbf16>
    %convert_element_type3A_32 = arith.truncf %get3A_30 : vector<128x128xf32> to vector<128x128xbf16>
    %dot_general3A_33 = arith.constant dense<0.000000e+00> : vector<1024x128xf32>
    %dot_general3A_34 = tpu.matmul %convert_element_type3A_31, %convert_element_type3A_32, %dot_general3A_33 {dimension_numbers = #tpu.dot_dimension_numbers<[1], [0], [0], [1], [0, 0, 1, 1], [], []>, transpose_lhs_hint = false} : vector<1024x128xbf16>, vector<128x128xbf16>, vector<1024x128xf32> -> vector<1024x128xf32>
    %add3A_35 = arith.addf %add3A_24, %dot_general3A_34 : vector<1024x128xf32>
    %max3A_36 = arith.constant 0.000000e+00 : f32
    %max3A_37 = vector.broadcast %max3A_36 : f32 to vector<1024x128xf32>
    %max3A_38 = arith.maximumf %add3A_35, %max3A_37 : vector<1024x128xf32>
    %swap3A = arith.constant 0 : index
    %swap3A_39 = arith.constant 0 : index
    %swap3A_40 = vector.load %arg9[%swap3A, %swap3A_39] : memref<1024x128xf32, #tpu.memory_space<vmem>>, vector<1024x128xf32>
    tpu.vector_store %arg9[%swap3A, %swap3A_39], %max3A_38 {strides = array<i32>} : memref<1024x128xf32, #tpu.memory_space<vmem>>, vector<1024x128xf32>,
    return
  }
  func.func @transform_0(%arg0: i32) -> (i32, i32) {
    %c0_i32 = arith.constant 0 : i32
    %c0_i32_0 = arith.constant 0 : i32
    return %arg0, %c0_i32 : i32, i32
  }
  func.func @transform_1(%arg0: i32) -> (i32, i32) {
    %c0_i32 = arith.constant 0 : i32
    %c0_i32_0 = arith.constant 0 : i32
    return %arg0, %c0_i32 : i32, i32
  }
  func.func @transform_2(%arg0: i32) -> (i32, i32) {
    %c0_i32 = arith.constant 0 : i32
    %c0_i32_0 = arith.constant 0 : i32
    return %arg0, %c0_i32 : i32, i32
  }
  func.func @transform_3(%arg0: i32) -> (i32, i32) {
    %c0_i32 = arith.constant 0 : i32
    %c0_i32_0 = arith.constant 0 : i32
    return %arg0, %c0_i32 : i32, i32
  }
  func.func @transform_4(%arg0: i32) -> (i32, i32) {
    %c0_i32 = arith.constant 0 : i32
    %c0_i32_0 = arith.constant 0 : i32
    return %arg0, %c0_i32 : i32, i32
  }
  func.func @transform_5(%arg0: i32) -> (i32, i32) {
    %c0_i32 = arith.constant 0 : i32
    %c0_i32_0 = arith.constant 0 : i32
    %c0_i32_1 = arith.constant 0 : i32
    return %c0_i32, %c0_i32_0 : i32, i32
  }
  func.func @transform_6(%arg0: i32) -> (i32, i32) {
    %c0_i32 = arith.constant 0 : i32
    %c0_i32_0 = arith.constant 0 : i32
    %c0_i32_1 = arith.constant 0 : i32
    return %c0_i32, %c0_i32_0 : i32, i32
  }
  func.func @transform_7(%arg0: i32) -> (i32, i32) {
    %c0_i32 = arith.constant 0 : i32
    %c0_i32_0 = arith.constant 0 : i32
    %c0_i32_1 = arith.constant 0 : i32
    return %c0_i32, %c0_i32_0 : i32, i32
  }
  func.func @transform_8(%arg0: i32) -> (i32, i32) {
    %c0_i32 = arith.constant 0 : i32
    %c0_i32_0 = arith.constant 0 : i32
    return %arg0, %c0_i32 : i32, i32
  }
}

module attributes {stable_mosaic.version = 14 : i64} {
  func.func @_final_body(%arg0: i32, %arg1: memref<1024x128xf32, #tpu.memory_space<vmem>>, %arg2: memref<1024x128xf32, #tpu.memory_space<vmem>>, %arg3: memref<1024x128xf32, #tpu.memory_space<vmem>>, %arg4: memref<1024x128xf32, #tpu.memory_space<vmem>>, %arg5: memref<1024x128xf32, #tpu.memory_space<vmem>>, %arg6: memref<128x128xf32, #tpu.memory_space<vmem>>, %arg7: memref<1x128xf32, #tpu.memory_space<vmem>>, %arg8: memref<128x128xf32, #tpu.memory_space<vmem>>, %arg9: memref<1x128xf32, #tpu.memory_space<vmem>>, %arg10: memref<1024x1xi32, #tpu.memory_space<vmem>>, %arg11: memref<1x1xf32, #tpu.memory_space<vmem>>, %arg12: memref<64x128xf32, #tpu.memory_space<vmem>>, %arg13: memref<64x128xf32, #tpu.memory_space<vmem>>, %arg14: memref<64x1xf32, #tpu.memory_space<vmem>>) attributes {dimension_semantics = [#tpu.dimension_semantics<arbitrary>], iteration_bounds = array<i64: 10>, scalar_prefetch = 0 : i64, scratch_operands = 0 : i64, tpu.core_type = #tpu.core_type<tc>, window_params = [{transform_indices = @transform_0, window_bounds = array<i64: 1024, 128>}, {transform_indices = @transform_1, window_bounds = array<i64: 1024, 128>}, {transform_indices = @transform_2, window_bounds = array<i64: 1024, 128>}, {transform_indices = @transform_3, window_bounds = array<i64: 1024, 128>}, {transform_indices = @transform_4, window_bounds = array<i64: 1024, 128>}, {pipeline_mode = #tpu.pipeline_mode<synchronous>, transform_indices = @transform_5, window_bounds = array<i64: 128, 128>}, {pipeline_mode = #tpu.pipeline_mode<synchronous>, transform_indices = @transform_6, window_bounds = array<i64: 1, 128>}, {pipeline_mode = #tpu.pipeline_mode<synchronous>, transform_indices = @transform_7, window_bounds = array<i64: 128, 128>}, {pipeline_mode = #tpu.pipeline_mode<synchronous>, transform_indices = @transform_8, window_bounds = array<i64: 1, 128>}, {transform_indices = @transform_9, window_bounds = array<i64: 1024, 1>}, {pipeline_mode = #tpu.pipeline_mode<synchronous>, transform_indices = @transform_10, window_bounds = array<i64: 1, 1>}, {pipeline_mode = #tpu.pipeline_mode<synchronous>, transform_indices = @transform_11, window_bounds = array<i64: 64, 128>}, {pipeline_mode = #tpu.pipeline_mode<synchronous>, transform_indices = @transform_12, window_bounds = array<i64: 64, 128>}, {pipeline_mode = #tpu.pipeline_mode<synchronous>, transform_indices = @transform_13, window_bounds = array<i64: 64, 1>}]} {
    %get3A = arith.constant 0 : index
    %get3A_0 = arith.constant 0 : index
    %get3A_1 = vector.load %arg3[%get3A, %get3A_0] : memref<1024x128xf32, #tpu.memory_space<vmem>>, vector<1024x1xf32>
    %get3A_2 = arith.constant 0 : index
    %get3A_3 = arith.constant 0 : index
    %get3A_4 = vector.load %arg4[%get3A_2, %get3A_3] : memref<1024x128xf32, #tpu.memory_space<vmem>>, vector<1024x1xf32>
    %add3A = arith.addf %get3A_1, %get3A_4 : vector<1024x1xf32>
    %get3A_5 = arith.constant 0 : index
    %get3A_6 = arith.constant 0 : index
    %get3A_7 = vector.load %arg1[%get3A_5, %get3A_6] : memref<1024x128xf32, #tpu.memory_space<vmem>>, vector<1024x128xf32>
    %get3A_8 = arith.constant 0 : index
    %get3A_9 = arith.constant 0 : index
    %get3A_10 = vector.load %arg2[%get3A_8, %get3A_9] : memref<1024x128xf32, #tpu.memory_space<vmem>>, vector<1024x128xf32>
    %add3A_11 = arith.addf %get3A_7, %get3A_10 : vector<1024x128xf32>
    %max3A = arith.constant 1.000000e+00 : f32
    %max3A_12 = vector.broadcast %max3A : f32 to vector<1024x1xf32>
    %max3A_13 = arith.maximumf %add3A, %max3A_12 : vector<1024x1xf32>
    %div3A = vector.broadcast %max3A_13 : vector<1024x1xf32> to vector<1024x128xf32>
    %div3A_14 = arith.divf %add3A_11, %div3A : vector<1024x128xf32>
    %get3A_15 = arith.constant 0 : index
    %get3A_16 = arith.constant 0 : index
    %get3A_17 = vector.load %arg6[%get3A_15, %get3A_16] : memref<128x128xf32, #tpu.memory_space<vmem>>, vector<128x128xf32>
    %convert_element_type3A = arith.truncf %div3A_14 : vector<1024x128xf32> to vector<1024x128xbf16>
    %convert_element_type3A_18 = arith.truncf %get3A_17 : vector<128x128xf32> to vector<128x128xbf16>
    %dot_general3A = arith.constant dense<0.000000e+00> : vector<1024x128xf32>
    %dot_general3A_19 = tpu.matmul %convert_element_type3A, %convert_element_type3A_18, %dot_general3A {dimension_numbers = #tpu.dot_dimension_numbers<[1], [0], [0], [1], [0, 0, 1, 1], [], []>, transpose_lhs_hint = false} : vector<1024x128xbf16>, vector<128x128xbf16>, vector<1024x128xf32> -> vector<1024x128xf32>
    %get3A_20 = arith.constant 0 : index
    %get3A_21 = arith.constant 0 : index
    %get3A_22 = vector.load %arg7[%get3A_20, %get3A_21] : memref<1x128xf32, #tpu.memory_space<vmem>>, vector<1x128xf32>
    %add3A_23 = vector.broadcast %get3A_22 : vector<1x128xf32> to vector<1024x128xf32>
    %add3A_24 = arith.addf %dot_general3A_19, %add3A_23 : vector<1024x128xf32>
    %get3A_25 = arith.constant 0 : index
    %get3A_26 = arith.constant 0 : index
    %get3A_27 = vector.load %arg5[%get3A_25, %get3A_26] : memref<1024x128xf32, #tpu.memory_space<vmem>>, vector<1024x128xf32>
    %get3A_28 = arith.constant 0 : index
    %get3A_29 = arith.constant 0 : index
    %get3A_30 = vector.load %arg8[%get3A_28, %get3A_29] : memref<128x128xf32, #tpu.memory_space<vmem>>, vector<128x128xf32>
    %convert_element_type3A_31 = arith.truncf %get3A_27 : vector<1024x128xf32> to vector<1024x128xbf16>
    %convert_element_type3A_32 = arith.truncf %get3A_30 : vector<128x128xf32> to vector<128x128xbf16>
    %dot_general3A_33 = arith.constant dense<0.000000e+00> : vector<1024x128xf32>
    %dot_general3A_34 = tpu.matmul %convert_element_type3A_31, %convert_element_type3A_32, %dot_general3A_33 {dimension_numbers = #tpu.dot_dimension_numbers<[1], [0], [0], [1], [0, 0, 1, 1], [], []>, transpose_lhs_hint = false} : vector<1024x128xbf16>, vector<128x128xbf16>, vector<1024x128xf32> -> vector<1024x128xf32>
    %add3A_35 = arith.addf %add3A_24, %dot_general3A_34 : vector<1024x128xf32>
    %max3A_36 = arith.constant 0.000000e+00 : f32
    %max3A_37 = vector.broadcast %max3A_36 : f32 to vector<1024x128xf32>
    %max3A_38 = arith.maximumf %add3A_35, %max3A_37 : vector<1024x128xf32>
    %iota3A = tpu.iota {dimensions = array<i32: 1>} : vector<1024x64xi32>
    %get3A_39 = arith.constant 0 : index
    %get3A_40 = arith.constant 0 : index
    %get3A_41 = vector.load %arg10[%get3A_39, %get3A_40] : memref<1024x1xi32, #tpu.memory_space<vmem>>, vector<1024x1xi32>
    %eq3A = vector.broadcast %get3A_41 : vector<1024x1xi32> to vector<1024x64xi32>
    %eq3A_42 = arith.cmpi eq, %eq3A, %iota3A : vector<1024x64xi32>
    %convert_element_type3A_43 = arith.extui %eq3A_42 : vector<1024x64xi1> to vector<1024x64xi32>
    %convert_element_type3A_44 = arith.sitofp %convert_element_type3A_43 : vector<1024x64xi32> to vector<1024x64xf32>
    %dot_general3A_45 = arith.constant dense<0.000000e+00> : vector<64x128xf32>
    %dot_general3A_46 = tpu.matmul %convert_element_type3A_44, %max3A_38, %dot_general3A_45 {dimension_numbers = #tpu.dot_dimension_numbers<[0], [0], [1], [1], [0, 1, 1, 1], [], []>, precision = #tpu.contract_precision<fp32>, transpose_lhs_hint = false} : vector<1024x64xf32>, vector<1024x128xf32>, vector<64x128xf32> -> vector<64x128xf32>
    %broadcast_in_dim3A = arith.constant 1.000000e+00 : f32
    %broadcast_in_dim3A_47 = vector.broadcast %broadcast_in_dim3A : f32 to vector<1024x128xf32>
    %dot_general3A_48 = arith.constant dense<0.000000e+00> : vector<64x128xf32>
    %dot_general3A_49 = tpu.matmul %convert_element_type3A_44, %broadcast_in_dim3A_47, %dot_general3A_48 {dimension_numbers = #tpu.dot_dimension_numbers<[0], [0], [1], [1], [0, 1, 1, 1], [], []>, precision = #tpu.contract_precision<fp32>, transpose_lhs_hint = false} : vector<1024x64xf32>, vector<1024x128xf32>, vector<64x128xf32> -> vector<64x128xf32>
    %eq3A_50 = arith.constant 0 : i32
    %eq3A_51 = arith.cmpi eq, %arg0, %eq3A_50 : i32
    %convert_element_type3A_52 = arith.extui %eq3A_51 : i1 to i32
    %cond3A = arith.constant 0 : i32
    %cond3A_53 = arith.cmpi ne, %convert_element_type3A_52, %cond3A : i32
    scf.if %cond3A_53 {
      %broadcast_in_dim3A_72 = arith.constant 0.000000e+00 : f32
      %broadcast_in_dim3A_73 = vector.broadcast %broadcast_in_dim3A_72 : f32 to vector<64x128xf32>
      %swap3A_74 = arith.constant 0 : index
      %swap3A_75 = arith.constant 0 : index
      %swap3A_76 = vector.load %arg12[%swap3A_74, %swap3A_75] : memref<64x128xf32, #tpu.memory_space<vmem>>, vector<64x128xf32>
      tpu.vector_store %arg12[%swap3A_74, %swap3A_75], %broadcast_in_dim3A_73 {strides = array<i32>} : memref<64x128xf32, #tpu.memory_space<vmem>>, vector<64x128xf32>,
      %broadcast_in_dim3A_77 = arith.constant 0.000000e+00 : f32
      %broadcast_in_dim3A_78 = vector.broadcast %broadcast_in_dim3A_77 : f32 to vector<64x128xf32>
      %swap3A_79 = arith.constant 0 : index
      %swap3A_80 = arith.constant 0 : index
      %swap3A_81 = vector.load %arg13[%swap3A_79, %swap3A_80] : memref<64x128xf32, #tpu.memory_space<vmem>>, vector<64x128xf32>
      tpu.vector_store %arg13[%swap3A_79, %swap3A_80], %broadcast_in_dim3A_78 {strides = array<i32>} : memref<64x128xf32, #tpu.memory_space<vmem>>, vector<64x128xf32>,
    } else {
    }
    %get3A_54 = arith.constant 0 : index
    %get3A_55 = arith.constant 0 : index
    %get3A_56 = vector.load %arg12[%get3A_54, %get3A_55] : memref<64x128xf32, #tpu.memory_space<vmem>>, vector<64x128xf32>
    %add3A_57 = arith.addf %get3A_56, %dot_general3A_46 : vector<64x128xf32>
    %swap3A = arith.constant 0 : index
    %swap3A_58 = arith.constant 0 : index
    %swap3A_59 = vector.load %arg12[%swap3A, %swap3A_58] : memref<64x128xf32, #tpu.memory_space<vmem>>, vector<64x128xf32>
    tpu.vector_store %arg12[%swap3A, %swap3A_58], %add3A_57 {strides = array<i32>} : memref<64x128xf32, #tpu.memory_space<vmem>>, vector<64x128xf32>,
    %get3A_60 = arith.constant 0 : index
    %get3A_61 = arith.constant 0 : index
    %get3A_62 = vector.load %arg13[%get3A_60, %get3A_61] : memref<64x128xf32, #tpu.memory_space<vmem>>, vector<64x128xf32>
    %add3A_63 = arith.addf %get3A_62, %dot_general3A_49 : vector<64x128xf32>
    %swap3A_64 = arith.constant 0 : index
    %swap3A_65 = arith.constant 0 : index
    %swap3A_66 = vector.load %arg13[%swap3A_64, %swap3A_65] : memref<64x128xf32, #tpu.memory_space<vmem>>, vector<64x128xf32>
    tpu.vector_store %arg13[%swap3A_64, %swap3A_65], %add3A_63 {strides = array<i32>} : memref<64x128xf32, #tpu.memory_space<vmem>>, vector<64x128xf32>,
    %eq3A_67 = arith.constant 9 : i32
    %eq3A_68 = arith.cmpi eq, %arg0, %eq3A_67 : i32
    %convert_element_type3A_69 = arith.extui %eq3A_68 : i1 to i32
    %cond3A_70 = arith.constant 0 : i32
    %cond3A_71 = arith.cmpi ne, %convert_element_type3A_69, %cond3A_70 : i32
    scf.if %cond3A_71 {
      %get3A_72 = arith.constant 0 : index
      %get3A_73 = arith.constant 0 : index
      %get3A_74 = vector.load %arg12[%get3A_72, %get3A_73] : memref<64x128xf32, #tpu.memory_space<vmem>>, vector<64x128xf32>
      %get3A_75 = arith.constant 0 : index
      %get3A_76 = arith.constant 0 : index
      %get3A_77 = vector.load %arg13[%get3A_75, %get3A_76] : memref<64x128xf32, #tpu.memory_space<vmem>>, vector<64x128xf32>
      %max3A_78 = arith.constant 1.000000e+00 : f32
      %max3A_79 = vector.broadcast %max3A_78 : f32 to vector<64x128xf32>
      %max3A_80 = arith.maximumf %get3A_77, %max3A_79 : vector<64x128xf32>
      %div3A_81 = arith.divf %get3A_74, %max3A_80 : vector<64x128xf32>
      %convert_element_type3A_82 = arith.truncf %div3A_81 : vector<64x128xf32> to vector<64x128xbf16>
      %convert_element_type3A_83 = arith.extf %convert_element_type3A_82 : vector<64x128xbf16> to vector<64x128xf32>
      %get3A_84 = arith.constant 0 : index
      %get3A_85 = arith.constant 0 : index
      %get3A_86 = vector.load %arg9[%get3A_84, %get3A_85] : memref<1x128xf32, #tpu.memory_space<vmem>>, vector<1x128xf32>
      %convert_element_type3A_87 = arith.truncf %get3A_86 : vector<1x128xf32> to vector<1x128xbf16>
      %convert_element_type3A_88 = arith.extf %convert_element_type3A_87 : vector<1x128xbf16> to vector<1x128xf32>
      %mul3A = vector.broadcast %convert_element_type3A_88 : vector<1x128xf32> to vector<64x128xf32>
      %mul3A_89 = arith.mulf %convert_element_type3A_83, %mul3A : vector<64x128xf32>
      %reduce_sum3A = arith.constant dense<0.000000e+00> : vector<64xf32>
      %reduce_sum3A_90 = vector.multi_reduction <add>, %mul3A_89, %reduce_sum3A [1] : vector<64x128xf32> to vector<64xf32>
      %broadcast_in_dim3A_91 = vector.shape_cast %reduce_sum3A_90 : vector<64xf32> to vector<64x1xf32>
      %get3A_92 = arith.constant 0 : index
      %get3A_93 = arith.constant 0 : index
      %get3A_94 = vector.load %arg11[%get3A_92, %get3A_93] : memref<1x1xf32, #tpu.memory_space<vmem>>, vector<1x1xf32>
      %add3A_95 = vector.broadcast %get3A_94 : vector<1x1xf32> to vector<64x1xf32>
      %add3A_96 = arith.addf %broadcast_in_dim3A_91, %add3A_95 : vector<64x1xf32>
      %swap3A_97 = arith.constant 0 : index
      %swap3A_98 = arith.constant 0 : index
      %swap3A_99 = vector.load %arg14[%swap3A_97, %swap3A_98] : memref<64x1xf32, #tpu.memory_space<vmem>>, vector<64x1xf32>
      tpu.vector_store %arg14[%swap3A_97, %swap3A_98], %add3A_96 {strides = array<i32>} : memref<64x1xf32, #tpu.memory_space<vmem>>, vector<64x1xf32>,
    } else {
    }
    return
  }
  func.func @transform_0(%arg0: i32) -> (i32, i32) {
    %c0_i32 = arith.constant 0 : i32
    %c0_i32_0 = arith.constant 0 : i32
    return %arg0, %c0_i32 : i32, i32
  }
  func.func @transform_1(%arg0: i32) -> (i32, i32) {
    %c0_i32 = arith.constant 0 : i32
    %c0_i32_0 = arith.constant 0 : i32
    return %arg0, %c0_i32 : i32, i32
  }
  func.func @transform_2(%arg0: i32) -> (i32, i32) {
    %c0_i32 = arith.constant 0 : i32
    %c0_i32_0 = arith.constant 0 : i32
    return %arg0, %c0_i32 : i32, i32
  }
  func.func @transform_3(%arg0: i32) -> (i32, i32) {
    %c0_i32 = arith.constant 0 : i32
    %c0_i32_0 = arith.constant 0 : i32
    return %arg0, %c0_i32 : i32, i32
  }
  func.func @transform_4(%arg0: i32) -> (i32, i32) {
    %c0_i32 = arith.constant 0 : i32
    %c0_i32_0 = arith.constant 0 : i32
    return %arg0, %c0_i32 : i32, i32
  }
  func.func @transform_5(%arg0: i32) -> (i32, i32) {
    %c0_i32 = arith.constant 0 : i32
    %c0_i32_0 = arith.constant 0 : i32
    %c0_i32_1 = arith.constant 0 : i32
    return %c0_i32, %c0_i32_0 : i32, i32
  }
  func.func @transform_6(%arg0: i32) -> (i32, i32) {
    %c0_i32 = arith.constant 0 : i32
    %c0_i32_0 = arith.constant 0 : i32
    %c0_i32_1 = arith.constant 0 : i32
    return %c0_i32, %c0_i32_0 : i32, i32
  }
  func.func @transform_7(%arg0: i32) -> (i32, i32) {
    %c0_i32 = arith.constant 0 : i32
    %c0_i32_0 = arith.constant 0 : i32
    %c0_i32_1 = arith.constant 0 : i32
    return %c0_i32, %c0_i32_0 : i32, i32
  }
  func.func @transform_8(%arg0: i32) -> (i32, i32) {
    %c0_i32 = arith.constant 0 : i32
    %c0_i32_0 = arith.constant 0 : i32
    %c0_i32_1 = arith.constant 0 : i32
    return %c0_i32, %c0_i32_0 : i32, i32
  }
  func.func @transform_9(%arg0: i32) -> (i32, i32) {
    %c0_i32 = arith.constant 0 : i32
    %c0_i32_0 = arith.constant 0 : i32
    return %arg0, %c0_i32 : i32, i32
  }
  func.func @transform_10(%arg0: i32) -> (i32, i32) {
    %c0_i32 = arith.constant 0 : i32
    %c0_i32_0 = arith.constant 0 : i32
    %c0_i32_1 = arith.constant 0 : i32
    return %c0_i32, %c0_i32_0 : i32, i32
  }
  func.func @transform_11(%arg0: i32) -> (i32, i32) {
    %c0_i32 = arith.constant 0 : i32
    %c0_i32_0 = arith.constant 0 : i32
    %c0_i32_1 = arith.constant 0 : i32
    return %c0_i32, %c0_i32_0 : i32, i32
  }
  func.func @transform_12(%arg0: i32) -> (i32, i32) {
    %c0_i32 = arith.constant 0 : i32
    %c0_i32_0 = arith.constant 0 : i32
    %c0_i32_1 = arith.constant 0 : i32
    return %c0_i32, %c0_i32_0 : i32, i32
  }
  func.func @transform_13(%arg0: i32) -> (i32, i32) {
    %c0_i32 = arith.constant 0 : i32
    %c0_i32_0 = arith.constant 0 : i32
    %c0_i32_1 = arith.constant 0 : i32
    return %c0_i32, %c0_i32_0 : i32, i32
  }
}

</mosaic_0001>

<sc_bundles>
// kernel: kernel.10.cloned.1.call-start
scs
__scs_entry_jumppad:
0x0: {  	(pc) =	sbr.rel $0x88, $3  }
0x1: {  	(tag) =	ssettag $0x0;
	lr =	simm.s32 $0x1  }
0x2: {  	[smem:$0x3F96] =	sst lr;
	_ =	strace $0xD0000000  }
0x3: {  	_ = 	snop  }
0x4: {  	_ = 	snop  }
0x5: {  	_ = 	snop  }
0x6: {  	_ = 	snop  }
0x7: {  	_ = 	snop  }
__scs_overlays_trampoline_lowered:
0x8: {  	[smem:$0x3FA5] =	sst s0  }
0x9: {  	[smem:$0x3FA6] =	sst s1  }
0xa: {  	[smem:$0x3FA7] =	sst s2  }
0xb: {  	[smem:$0x3FA8] =	sst s3  }
0xc: {  	[smem:$0x3FA9] =	sst s4  }
0xd: {  	[smem:$0x3FAA] =	sst s5  }
0xe: {  	[smem:$0x3FAB] =	sst s6  }
0xf: {  	[smem:$0x3FAC] =	sst s7  }
0x10: {  	[smem:$0x3FAD] =	sst s8  }
0x11: {  	[smem:$0x3FAE] =	sst s9;
	s0 =	simm.s32 @!p0 $0x0  }
0x12: {  	s1 =	sld [smem:$0x3F94];
	s0 =	simm.s32 @p0 $0x1  }
0x13: {  	[smem:$0x3FAF] =	sst s0;
	s0 =	simm.s32 @!p1 $0x0  }
0x14: {  	s2 =	sld [smem:$0x3F93];
	s0 =	simm.s32 @p1 $0x1  }
0x15: {  	[smem:$0x3FB0] =	sst s0;
	s0 =	simm.s32 @!p2 $0x0  }
0x16: {  	s3 =	sld [smem:$0x3FDB];
	s0 =	simm.s32 @p2 $0x1  }
0x17: {  	s4 =	simm.s32 $0x1BF5;
	[smem:$0x3FB2] =	sst s0  }
0x18: {  	s0 =	sld [smem:$0x3F95];
	_ =	swait.ge [sflag:s4], $0x0  }
0x19: {  	s7 =	sld [smem:$0x3F96]  }
0x1a: {  	s8 =	sadd.s32 $0xFFFFE003, lr  }
0x1b: {  	s9 =	sadd.s32 $0xFFFFFEF7, lr;
	s5 =	simm.s32 $0xFFFFFFFF;
	p2 =	slt.u32 s8, $0xFFFFF086  }
0x1c: {  	p1 =	slt.u32 s9, $0xF7A;
	s5 =	simm.s32 @!p2 $0x0  }
0x1d: {  	s5 =	simm.s32 @p1 $0x1;
	p0 =	seq.s32 s7, s2  }
0x1e: {  	s7 =	smul.u32 @!p0 $0xF7A, s2;
	p2 =	seq.s32 @!p0 s5, $0x0  }
0x1f: {  	s9 =	smul.u32 $0xF7A, s1;
	s8 =	simm.s32 @!p0 $0x1BF5;
	p2 =	por !p2, p0  }
0x20: {  	[sflag:s8] =	ssyncset.s32 @!p0 $0xFFFFF086;
	s6 =	sadd.s32 @!p0 s3, s7;
	s7 =	simm.s32 @!p0 $0x108  }
0x21: {  	s3 =	sadd.s32 s3, s9;
	s6 =	sadd.s32 @!p0 $0x88, s6;
	s7 =	simm.s32 @p2 $0x1082  }
0x22: {  	[simem:s7], [sflag:s8] =	dma.local @!p0 [hbm:s6], $0xF7A  }
0x23: {  	s9 =	sor.u32 $0xD0000000, s2;
	s6 =	simm.s32 $0x108;
	_ =	swait.ge @!p0 [sflag:s8], $0x0  }
0x24: {  	s3 =	sadd.s32 $0x88, s3;
	s6 =	simm.s32 @!p1 $0x1082;
	[sflag:s4] =	ssyncset.s32 $0xFFFFF086  }
0x25: {  	[simem:s6], [sflag:s4] =	dma.local [hbm:s3], $0xF7A  }
0x26: {  	[smem:$0x3F96] =	sst s1;
	(tag) =	ssettag s2;
	_ =	strace s9  }
0x27: {  	s1 =	sld [smem:$0x3FA6]  }
0x28: {  	s2 =	sld [smem:$0x3FA7]  }
0x29: {  	s4 =	sld [smem:$0x3FA9]  }
0x2a: {  	p0 =	seq.s32 s5, $0x0;
	s5 =	sld [smem:$0x3FAA]  }
0x2b: {  	s6 =	sld [smem:$0x3FAB]  }
0x2c: {  	s7 =	sld [smem:$0x3FAC]  }
0x2d: {  	s3 =	simm.s32 $0x108;
	s8 =	sld [smem:$0x3FAD]  }
0x2e: {  	s3 =	simm.s32 @!p0 $0x1082;
	s9 =	sld [smem:$0x3FAE]  }
0x2f: {  	lr =	sadd.s32 s0, s3;
	s0 =	sld [smem:$0x3FA5]  }
0x30: {  	s3 =	sld [smem:$0x3FA8]  }
0x31: {  	[smem:$0x3FB1] =	sst s10  }
0x32: {  	s10 =	sld [smem:$0x3FAF];
	_ =	sdelay $0x3  }
0x33: {  	p0 =	seq.s32 s10, $0x1;
	s10 =	sld [smem:$0x3FB1];
	_ =	sdelay $0x3  }
0x34: {  	[smem:$0x3FB1] =	sst s10  }
0x35: {  	s10 =	sld [smem:$0x3FB0];
	_ =	sdelay $0x3  }
0x36: {  	p1 =	seq.s32 s10, $0x1;
	s10 =	sld [smem:$0x3FB1];
	_ =	sdelay $0x3  }
0x37: {  	[smem:$0x3FB1] =	sst s10  }
0x38: {  	s10 =	sld [smem:$0x3FB2]  }
0x39: {  	_ = 	snop;
	(pc) =	sbr.ind lr, $3  }
0x3a: {  	_ = 	snop  }
0x3b: {  	_ = 	snop  }
0x3c: {  	p2 =	seq.s32 s10, $0x1;
	s10 =	sld [smem:$0x3FB1]  }
0x3d: {  	_ =	shalt  }
0x3e: {  	_ =	shalt  }
0x3f: {  	_ =	shalt  }
0x40: {  	_ =	shalt  }
0x41: {  	_ =	shalt  }
0x42: {  	_ =	shalt  }
0x43: {  	_ =	shalt  }
0x44: {  	_ =	shalt  }
0x45: {  	_ =	shalt  }
0x46: {  	_ =	shalt  }
0x47: {  	_ =	shalt  }
0x48: {  	_ =	shalt  }
0x49: {  	_ =	shalt  }
0x4a: {  	_ =	shalt  }
0x4b: {  	_ =	shalt  }
0x4c: {  	_ =	shalt  }
0x4d: {  	_ =	shalt  }
0x4e: {  	_ =	shalt  }
0x4f: {  	_ =	shalt  }
0x50: {  	_ =	shalt  }
0x51: {  	_ =	shalt  }
0x52: {  	_ =	shalt  }
0x53: {  	_ =	shalt  }
0x54: {  	_ =	shalt  }
0x55: {  	_ =	shalt  }
0x56: {  	_ =	shalt  }
0x57: {  	_ =	shalt  }
0x58: {  	_ =	shalt  }
0x59: {  	_ =	shalt  }
0x5a: {  	_ =	shalt  }
0x5b: {  	_ =	shalt  }
0x5c: {  	_ =	shalt  }
0x5d: {  	_ =	shalt  }
0x5e: {  	_ =	shalt  }
0x5f: {  	_ =	shalt  }
0x60: {  	_ =	shalt  }
0x61: {  	_ =	shalt  }
0x62: {  	_ =	shalt  }
0x63: {  	_ =	shalt  }
0x64: {  	_ =	shalt  }
0x65: {  	_ =	shalt  }
0x66: {  	_ =	shalt  }
0x67: {  	_ =	shalt  }
0x68: {  	_ =	shalt  }
0x69: {  	_ =	shalt  }
0x6a: {  	_ =	shalt  }
0x6b: {  	_ =	shalt  }
0x6c: {  	_ =	shalt  }
0x6d: {  	_ =	shalt  }
0x6e: {  	_ =	shalt  }
0x6f: {  	_ =	shalt  }
0x70: {  	_ =	shalt  }
0x71: {  	_ =	shalt  }
0x72: {  	_ =	shalt  }
0x73: {  	_ =	shalt  }
0x74: {  	_ =	shalt  }
0x75: {  	_ =	shalt  }
0x76: {  	_ =	shalt  }
0x77: {  	_ =	shalt  }
0x78: {  	_ =	shalt  }
0x79: {  	_ =	shalt  }
0x7a: {  	_ =	shalt  }
0x7b: {  	_ =	shalt  }
0x7c: {  	_ =	shalt  }
0x7d: {  	_ =	shalt  }
0x7e: {  	_ =	shalt  }
0x7f: {  	_ =	shalt  }
0x80: {  	_ =	shalt  }
0x81: {  	_ =	shalt  }
0x82: {  	_ =	shalt  }
0x83: {  	_ =	shalt  }
0x84: {  	_ =	shalt  }
0x85: {  	_ =	shalt  }
0x86: {  	_ =	shalt  }
0x87: {  	_ =	shalt  }
.Lfunc_end0:
.L_simem_size_0:
called_computation.1_lowered:
.L_overlay_start_0:
0x88: {  	s2 =	sld [smem:$0x3FD9]  }
0x89: {  	s3 =	sld [smem:$0x3FFE];
	_ =	sdelay $0x1  }
0x8a: {  	s1 =	srdreg.scid  }
0x8b: {  	s0 =	sand.u32 $0x1, s1  }
0x8c: {  	s17 =	sshll.u32 s0, $0xA;
	s2 =	sadd.s32 s3, s2  }
0x8d: {  	s2 =	sadd.s32 s2, s17  }
0x8e: {  	[smem:$0x3FBD] =	sst s2  }
0x8f: {  	_ = 	snop  }
0x90: {  	(tm) =	ssettm $0x1  }
0x91: {  	s18 =	sld [smem:$0x3FFB];
	_ =	sdelay $0x3  }
0x92: {  	_ =	strace s18  }
0x93: {  	s2 =	sld [smem:$0x3FFC];
	_ =	sdelay $0x3  }
0x94: {  	_ =	strace s2  }
0x95: {  	s2 =	sld [smem:$0x3FFD];
	_ =	sdelay $0x3  }
0x96: {  	_ =	strace s2  }
0x97: {  	_ =	strace $0x8FFFFFFF  }
0x98: {  	s19 =	sld [smem:$0x3FDB];
	_ =	sdelay $0x1  }
0x99: {  	s20 =	simm.s32 $_scs_section_size  }
0x9a: {  	s4 =	simm.s32 $_size__tile_overlayer_lowered;
	s5 =	simm.s32 $_tile_overlayer_lowered  }
0x9b: {  	s6 =	simm.s32 $0x1BFF;
	s21 =	sshll.u32 s5, $0x1;
	s3 =	sadd.s32 s20, s19  }
0x9c: {  	s22 =	simm.s32 $0x0;
	s4 =	sshll.u32 s4, $0x1;
	s5 =	sadd.s32 s21, s3  }
0x9d: {  	[timem:s22], [sflag:s6] =	dma.local [hbm:s5], s4  }
0x9e: {  	_ =	swait.ge [sflag:s6], s4  }
0x9f: {  	s4 =	ssub.s32 $0x0, s4;
	[sflag:s6] =	ssyncset.done $0x0  }
0xa0: {  	[sflag:s6] =	ssyncadd.s32 s4;
	_ =	sdelay $0x1  }
0xa1: {  	s23 =	simm.s32 $0x1B8B  }
0xa2: {  	_ =	swait.ge [sflag:s23], $0x1  }
0xa3: {  	[sflag:s23] =	ssyncset.done $0x0  }
0xa4: {  	[sflag:s23] =	ssyncadd.s32 $0xFFFFFFFF  }
0xa5: {  	s4 =	sld [smem:$0x0]  }
0xa6: {  	s5 =	sand.u32 $0xFFFFFFFE, s1  }
0xa7: {  	p0 =	sne.s32 s1, s5  }
0xa8: {  	s5 =	sshll.u32 @p0 s5, $0xE  }
0xa9: {  	s5 =	sadd.s32 @p0 $0x11B8D, s5;
	s6 =	sshll.u32 @p0 s4, $0x11  }
0xaa: {  	s5 =	sor.u32 @p0 s6, s5  }
0xab: {  	[sflag:s5] =	ssyncadd.remote.s32 @p0 $0x1;
	_ =	sdelay $0x1  }
0xac: {  	s5 =	simm.s32 @p0 $0x1B8D  }
0xad: {  	_ =	swait.eq @p0 [sflag:s5], $0x1  }
0xae: {  	[sflag:s5] =	ssyncadd.s32 @p0 $0xFFFFFFFF  }
0xaf: {  	s6 =	sshll.u32 @!p0 s1, $0xE  }
0xb0: {  	s6 =	sor.u32 @!p0 $0x4000, s6;
	s5 =	simm.s32 @!p0 $0x1B8D  }
0xb1: {  	s4 =	sshll.u32 @!p0 s4, $0x11;
	s6 =	sadd.s32 @!p0 $0x11B8D, s6;
	_ =	swait.eq @!p0 [sflag:s5], $0x1  }
0xb2: {  	s4 =	sor.u32 @!p0 s4, s6;
	[sflag:s5] =	ssyncadd.s32 @!p0 $0xFFFFFFFF  }
0xb3: {  	s25 =	simm.s32 $0x1B8E;
	s24 =	sld [smem:$0x3FFE];
	[sflag:s4] =	ssyncadd.remote.s32 @!p0 $0x1  }
0xb4: {  	s26 =	simm.s32 $execute0_lowered;
	[smem:$0x3FD2] =	sst s25  }
0xb5: {  	s5 =	sshll.u32 s26, $0x1;
	_ =	strace $0x80000049;
	[dreg:$0x1] =	wrdreg $0xFFFFFFFF  }
0xb6: {  	s28 =	simm.s32 $_size_execute0_lowered;
	s3 =	sadd.s32 s3, s5;
	[dreg:$0x0] =	wrdreg $0x0  }
0xb7: {  	s5 =	sshll.u32 s28, $0x1;
	[dreg:$0x2] =	wrdreg s3  }
0xb8: {  	[dreg:$0x3] =	wrdreg s5  }
0xb9: {  	[dreg:$0x4] =	wrdreg $0xC0  }
0xba: {  	_ =	task [dreg:s22], $0x5FFFF  }
0xbb: {  	[dreg:$0x1] =	wrdreg $0xFFFFFFFF  }
0xbc: {  	[dreg:$0x0] =	wrdreg $0x60  }
0xbd: {  	[dreg:$0x2] =	wrdreg s24  }
0xbe: {  	[dreg:$0x3] =	wrdreg $0x88000  }
0xbf: {  	[dreg:$0x4] =	wrdreg $0xA  }
0xc0: {  	_ =	task.clear_ibuf [dreg:s22], $0x5FFFF;
	_ =	strace $0x90000049  }
0xc1: {  	s29 =	simm.s32 $0xA;
	_ =	strace $0x8000004B  }
0xc2: {  	_ =	swait.ge [sflag:s29], $0x1  }
0xc3: {  	[sflag:s29] =	ssyncadd.s32 $0xFFFFFFFF  }
0xc4: {  	_ =	strace $0x9000004B  }
0xc5: {  	_ =	sfence  }
0xc6: {  	s30 =	sld [smem:$0x0];
	_ =	sdelay $0x2  }
0xc7: {  	s31 =	sshll.u32 s1, $0xD;
	s1 =	sshrl.u32 s1, $0x2  }
0xc8: {  	s4 =	sand.u32 $0x4000, s31;
	s1 =	sadd.s32 s1, s30  }
0xc9: {  	s0 =	sor.u32 s4, s0;
	s1 =	sshll.u32 s1, $0x11  }
0xca: {  	s0 =	sor.u32 s1, s0  }
0xcb: {  	s0 =	sadd.s32 $0x8F2B, s0  }
0xcc: {  	[sflag:s0] =	ssyncadd.remote.s32 $0x1  }
0xcd: {  	_ =	sfence.sel $0xFFFF  }
0xce: {  	[dreg:$0x0] =	wrdreg $0xFFFFFFFF;
	(pc) =	sbr.abs _section_cstart, $3  }
0xcf: {  	[dreg:$0x1] =	wrdreg $0xFFFFFFFF  }
0xd0: {  	_ =	task.clear_ibuf [dreg:s22], $0x2FFFF;
	_ =	strace $0x9FFFFFFF  }
0xd1: {  	(tm) =	ssettm $0x7FFFFFFF  }
tec
execute0_lowered:
.L_overlay_start_1:
0x0: {  	(tag) =	ssettag $0x1  }
0x1: {  	s0 =	rddreg [dreg:$0x0]  }
0x2: {  	s2 =	rddreg [dreg:$0x1]  }
0x3: {  	s1 =	srdreg.scid;
	s8 =	stileid.u32  }
0x4: {  	s3 =	simm.s32 $0x0;
	s28 =	simm.s32 $0x480;
	s4 =	smul.u32 $0xA0, s8  }
0x5: {  	s29 =	simm.s32 $0x180;
	s30 =	simm.s32 $0x500;
	s6 =	smul.u32 $0x280, s8  }
0x6: {  	s1 =	sand.u32 $0x1, s1;
	[smem:$0x7FF] =	sst s3;
	s8 =	smul.u32 $0x50000, s8  }
0x7: {  	s5 =	ssub.s32 $0x0, s1;
	s7 =	smul.u32 $0x2800, s1;
	_ =	strace $0x8000004A  }
0x8: {  	s15 =	ssub.s32 $0x2, s1;
	p0 =	seq.s32 s1, $0x0;
	s5 =	sand.u32 $0x78, s5  }
0x9: {  	s16 =	sshrl.u32 s15, $0x1;
	s17 =	sshrl.u32 s8, $0x2;
	s5 =	sadd.s32 s4, s5  }
0xa: {  	s4 =	sadd.s32 $0x67000, s0;
	s6 =	sadd.s32 s6, s7;
	s7 =	ssub.s32 s15, s16  }
0xb: {  	s5 =	sshll.u32 s5, $0x4;
	s6 =	sshll.u32 s6, $0x4;
	s18 =	smax.u32 s7, $0x1  }
0xc: {  	s9 =	sadd.s32 s5, s0;
	s0 =	sadd.s32 s6, s0;
	s5 =	simm.s32 $0xF  }
0xd: {  	s6 =	sadd.s32 s17, s2;
	[dreg:$0x4] =	wrdreg s18;
	s5 =	simm.s32 @!p0 $0x5  }
0xe: {  	s31 =	simm.s32 $0x200;
	s19 =	sadd.s32 $0x4000, s6;
	[dreg:$0x3] =	wrdreg s5  }
0xf: {  	s12 =	simm.s32 $0x300;
	s20 =	sadd.s32 $0x8000, s6;
	[dreg:$0x5] =	wrdreg s19  }
0x10: {  	s13 =	simm.s32 $0x680;
	s21 =	sadd.s32 $0xC000, s6;
	[dreg:$0x6] =	wrdreg s20  }
0x11: {  	s14 =	simm.s32 $0x380;
	s22 =	sadd.s32 $0x10000, s6;
	[dreg:$0x7] =	wrdreg s21  }
0x12: {  	s1 =	simm.s32 $0x280;
	s23 =	sadd.s32 $0x8F000, s0;
	[dreg:$0x8] =	wrdreg s22  }
0x13: {  	s8 =	simm.s32 $0x0;
	s24 =	sadd.s32 $0x8F800, s0;
	[dreg:$0x9] =	wrdreg s23  }
0x14: {  	s15 =	simm.s32 $0x700;
	s25 =	sadd.s32 $0x90000, s0;
	[dreg:$0xa] =	wrdreg s24  }
0x15: {  	s16 =	simm.s32 $0x780;
	s26 =	sadd.s32 $0x90800, s0;
	[dreg:$0xb] =	wrdreg s25  }
0x16: {  	s7 =	simm.s32 $0x600;
	s0 =	sadd.s32 $0x91000, s0;
	[dreg:$0xc] =	wrdreg s26  }
0x17: {  	s10 =	sadd.s32 $0x3000, s9;
	s11 =	sadd.s32 $0xD000, s9;
	[dreg:$0xd] =	wrdreg s0  }
0x18: {  	s19 =	simm.s32 $0x800;
	s20 =	simm.s32 $0x3;
	s21 =	simm.s32 $0x400  }
0x19: {  	s22 =	simm.s32 $0x80;
	s23 =	simm.s32 $0x1;
	s24 =	simm.s32 $0x4800  }
0x1a: {  	v0 =	vimm.f32 $0.0e+00;
	s25 =	simm.s32 $0x2;
	s26 =	simm.s32 $0x100;
	s0 =	simm.s32 $0x580  }
.LBB2_1:
0x1b: {  	s9 =	sand.u32 $0xFE00, s3  }
0x1c: {  	s17 =	sand.u32 $0x70, s3;
	s18 =	sshrl.u32 s9, $0x2  }
0x1d: {  	s9 =	simm.s32 $0x40;
	s18 =	sor.u32 s17, s18;
	s17 =	simm.s32 $0x0  }
.LBB2_2:
0x1e: {  	p0 =	sne.s32 s9, $0xFFC0  }
0x1f: {  	[tilespmem:s18+$0x800] =	vst v0;
	s17 =	sadd.s32 $0x10, s17;
	s18 =	smov.u32 s9;
	s9 =	sadd.s32 $0x40, s9  }
.Ltmp0:
0x20: {  	(pc) =	sbr.rel @p0 .LBB2_2-.Ltmp0, $4  }
0x21: {  	_ = 	snop  }
0x22: {  	s18 =	sand.u32 $0xFE00, s18  }
0x23: {  	s5 =	sand.u32 $0x70, s17;
	s18 =	sshrl.u32 s18, $0x2  }
0x24: {  	s18 =	sor.u32 s5, s18  }
0x25: {  	[tilespmem:s18+$0x800] =	vst v0  }
0x26: {  	[spmem:s6] =	stream.linear.scatter [tilespmem:s19], [sflag:$0x3], $0x4000, $0x38;
	[tilespmem:$0x1C800] =	vst v63  }
0x27: {  	_ =	swait.ge [sflag:s20], $0x4000  }
0x28: {  	[sflag:s20] =	ssyncset.done $0x0  }
0x29: {  	s5 =	rddreg [dreg:$0x5];
	[sflag:s20] =	ssyncadd.s32 $0xFFFFC000  }
0x2a: {  	[spmem:s5] =	stream.linear.scatter [tilespmem:s19], [sflag:$0x3], $0x4000, $0x38;
	[tilespmem:$0x1C800] =	vst v63  }
0x2b: {  	_ =	swait.ge [sflag:s20], $0x4000  }
0x2c: {  	[sflag:s20] =	ssyncset.done $0x0  }
0x2d: {  	s18 =	rddreg [dreg:$0x6];
	[sflag:s20] =	ssyncadd.s32 $0xFFFFC000  }
0x2e: {  	[spmem:s18] =	stream.linear.scatter [tilespmem:s19], [sflag:$0x3], $0x4000, $0x38;
	[tilespmem:$0x1C800] =	vst v63  }
0x2f: {  	_ =	swait.ge [sflag:s20], $0x4000  }
0x30: {  	[sflag:s20] =	ssyncset.done $0x0  }
0x31: {  	s9 =	rddreg [dreg:$0x7];
	[sflag:s20] =	ssyncadd.s32 $0xFFFFC000  }
0x32: {  	[spmem:s9] =	stream.linear.scatter [tilespmem:s19], [sflag:$0x3], $0x4000, $0x38;
	[tilespmem:$0x1C800] =	vst v63  }
0x33: {  	_ =	swait.ge [sflag:s20], $0x4000  }
0x34: {  	[sflag:s20] =	ssyncset.done $0x0  }
0x35: {  	s17 =	rddreg [dreg:$0x8];
	[sflag:s20] =	ssyncadd.s32 $0xFFFFC000  }
0x36: {  	[spmem:s17] =	stream.linear.scatter [tilespmem:s19], [sflag:$0x3], $0x4000, $0x38;
	[tilespmem:$0x1C800] =	vst v63  }
0x37: {  	_ =	swait.ge [sflag:s20], $0x4000  }
0x38: {  	[sflag:s20] =	ssyncset.done $0x0  }
0x39: {  	[sflag:s20] =	ssyncadd.s32 $0xFFFFC000  }
0x3a: {  	[bflag:$0x0] =	sbarrier.arrive $0xFFFF  }
0x3b: {  	[tilespmem:s3], [sflag:$0x3] =	stream.linear.gather [hbm4b:s11+s3], $0x400, $0x38;
	[tilespmem:$0x1C800] =	vst v63  }
0x3c: {  	_ =	swait.ge [sflag:s20], $0x400  }
0x3d: {  	[sflag:s20] =	ssyncset.done $0x0  }
0x3e: {  	[sflag:s20] =	ssyncadd.s32 $0xFFFFFC00  }
0x3f: {  	[tilespmem:s21], [sflag:$0x3] =	stream.linear.gather [hbm4b:s10+s3], $0x400, $0x38;
	[tilespmem:$0x1C800] =	vst v63  }
0x40: {  	_ =	swait.ge [sflag:s20], $0x400  }
0x41: {  	[sflag:s20] =	ssyncset.done $0x0  }
0x42: {  	[sflag:s20] =	ssyncadd.s32 $0xFFFFFC00  }
0x43: {  	[tilespmem:s19], [sflag:$0x1] =	stream.indirect.gather [hbm4b:s4+s22], $0x80, s3, s22, $0xb8;
	[tilespmem:$0x1C800] =	vst v63  }
0x44: {  	_ =	swait.ge [sflag:s23], $0x4000  }
0x45: {  	[sflag:s23] =	ssyncset.done $0x0  }
0x46: {  	[sflag:s23] =	ssyncadd.s32 $0xFFFFC000  }
0x47: {  	[tilespmem:s24], [sflag:$0x2] =	stream.indirect.gather [hbm4b:s4+s22], $0x80, s22, s22, $0xb8;
	[tilespmem:$0x1C800] =	vst v63  }
0x48: {  	_ = 	snop  }
0x49: {  	[spmem:s2] =	stream.indirect.scatter.add.f32 [tilespmem:s19], [sflag:$0x3], $0x80, s21, s22, $0xb8;
	[tilespmem:$0x1C800] =	vst v63  }
0x4a: {  	_ =	swait.ge [sflag:s20], $0x4000  }
0x4b: {  	[sflag:s20] =	ssyncset.done $0x0  }
0x4c: {  	[sflag:s20] =	ssyncadd.s32 $0xFFFFC000  }
0x4d: {  	_ =	swait.ge [sflag:s25], $0x4000  }
0x4e: {  	[sflag:s25] =	ssyncset.done $0x0  }
0x4f: {  	[sflag:s25] =	ssyncadd.s32 $0xFFFFC000  }
0x50: {  	[tilespmem:s19], [sflag:$0x1] =	stream.indirect.gather [hbm4b:s4+s22], $0x80, s26, s22, $0xb8;
	[tilespmem:$0x1C800] =	vst v63  }
0x51: {  	_ = 	snop  }
0x52: {  	[spmem:s2] =	stream.indirect.scatter.add.f32 [tilespmem:s24], [sflag:$0x3], $0x80, s28, s22, $0xb8;
	[tilespmem:$0x1C800] =	vst v63  }
0x53: {  	_ =	swait.ge [sflag:s20], $0x4000  }
0x54: {  	[sflag:s20] =	ssyncset.done $0x0  }
0x55: {  	[sflag:s20] =	ssyncadd.s32 $0xFFFFC000  }
0x56: {  	_ =	swait.ge [sflag:s23], $0x4000  }
0x57: {  	[sflag:s23] =	ssyncset.done $0x0  }
0x58: {  	[sflag:s23] =	ssyncadd.s32 $0xFFFFC000  }
0x59: {  	[tilespmem:s24], [sflag:$0x2] =	stream.indirect.gather [hbm4b:s4+s22], $0x80, s29, s22, $0xb8;
	[tilespmem:$0x1C800] =	vst v63  }
0x5a: {  	_ = 	snop  }
0x5b: {  	[spmem:s2] =	stream.indirect.scatter.add.f32 [tilespmem:s19], [sflag:$0x3], $0x80, s30, s22, $0xb8;
	[tilespmem:$0x1C800] =	vst v63  }
0x5c: {  	_ =	swait.ge [sflag:s20], $0x4000  }
0x5d: {  	[sflag:s20] =	ssyncset.done $0x0  }
0x5e: {  	[sflag:s20] =	ssyncadd.s32 $0xFFFFC000  }
0x5f: {  	_ =	swait.ge [sflag:s25], $0x4000  }
0x60: {  	[sflag:s25] =	ssyncset.done $0x0  }
0x61: {  	[sflag:s25] =	ssyncadd.s32 $0xFFFFC000  }
0x62: {  	[tilespmem:s19], [sflag:$0x1] =	stream.indirect.gather [hbm4b:s4+s22], $0x80, s31, s22, $0xb8;
	[tilespmem:$0x1C800] =	vst v63  }
0x63: {  	_ = 	snop  }
0x64: {  	[spmem:s2] =	stream.indirect.scatter.add.f32 [tilespmem:s24], [sflag:$0x3], $0x80, s0, s22, $0xb8;
	[tilespmem:$0x1C800] =	vst v63  }
0x65: {  	_ =	swait.ge [sflag:s20], $0x4000  }
0x66: {  	[sflag:s20] =	ssyncset.done $0x0  }
0x67: {  	[sflag:s20] =	ssyncadd.s32 $0xFFFFC000  }
0x68: {  	_ =	swait.ge [sflag:s23], $0x4000  }
0x69: {  	[sflag:s23] =	ssyncset.done $0x0  }
0x6a: {  	[sflag:s23] =	ssyncadd.s32 $0xFFFFC000  }
0x6b: {  	[tilespmem:s24], [sflag:$0x2] =	stream.indirect.gather [hbm4b:s4+s22], $0x80, s1, s22, $0xb8;
	[tilespmem:$0x1C800] =	vst v63  }
0x6c: {  	_ = 	snop  }
0x6d: {  	[spmem:s2] =	stream.indirect.scatter.add.f32 [tilespmem:s19], [sflag:$0x3], $0x80, s7, s22, $0xb8;
	[tilespmem:$0x1C800] =	vst v63  }
0x6e: {  	_ =	swait.ge [sflag:s20], $0x4000  }
0x6f: {  	[sflag:s20] =	ssyncset.done $0x0  }
0x70: {  	[sflag:s20] =	ssyncadd.s32 $0xFFFFC000  }
0x71: {  	_ =	swait.ge [sflag:s25], $0x4000  }
0x72: {  	[sflag:s25] =	ssyncset.done $0x0  }
0x73: {  	[sflag:s25] =	ssyncadd.s32 $0xFFFFC000  }
0x74: {  	[tilespmem:s19], [sflag:$0x1] =	stream.indirect.gather [hbm4b:s4+s22], $0x80, s12, s22, $0xb8;
	[tilespmem:$0x1C800] =	vst v63  }
0x75: {  	_ = 	snop  }
0x76: {  	[spmem:s2] =	stream.indirect.scatter.add.f32 [tilespmem:s24], [sflag:$0x3], $0x80, s13, s22, $0xb8;
	[tilespmem:$0x1C800] =	vst v63  }
0x77: {  	_ =	swait.ge [sflag:s20], $0x4000  }
0x78: {  	[sflag:s20] =	ssyncset.done $0x0  }
0x79: {  	[sflag:s20] =	ssyncadd.s32 $0xFFFFC000  }
0x7a: {  	_ =	swait.ge [sflag:s23], $0x4000  }
0x7b: {  	[sflag:s23] =	ssyncset.done $0x0  }
0x7c: {  	[sflag:s23] =	ssyncadd.s32 $0xFFFFC000  }
0x7d: {  	[tilespmem:s24], [sflag:$0x2] =	stream.indirect.gather [hbm4b:s4+s22], $0x80, s14, s22, $0xb8;
	[tilespmem:$0x1C800] =	vst v63  }
0x7e: {  	_ = 	snop  }
0x7f: {  	[spmem:s2] =	stream.indirect.scatter.add.f32 [tilespmem:s19], [sflag:$0x3], $0x80, s15, s22, $0xb8;
	[tilespmem:$0x1C800] =	vst v63  }
0x80: {  	_ =	swait.ge [sflag:s20], $0x4000  }
0x81: {  	[sflag:s20] =	ssyncset.done $0x0  }
0x82: {  	[sflag:s20] =	ssyncadd.s32 $0xFFFFC000  }
0x83: {  	_ =	swait.ge [sflag:s25], $0x4000  }
0x84: {  	s18 =	rddreg [dreg:$0x3]  }
0x85: {  	p0 =	sne.s32 s18, $0x1  }
.Ltmp1:
0x86: {  	[sflag:s25] =	ssyncset.done $0x0;
	(pc) =	sbr.rel @!p0 .LBB2_5-.Ltmp1, $4  }
0x87: {  	[sflag:s25] =	ssyncadd.s32 $0xFFFFC000  }
0x88: {  	[spmem:s2] =	stream.indirect.scatter.add.f32 [tilespmem:s24], [sflag:$0x3], $0x80, s16, s22, $0xb8;
	[tilespmem:$0x1C800] =	vst v63  }
0x89: {  	s17 =	smov.u32 s10;
	_ =	swait.ge [sflag:s20], $0x4000  }
0x8a: {  	s9 =	sadd.s32 $0xFFFFFFFF, s18;
	s18 =	smov.u32 s11;
	[sflag:s20] =	ssyncset.done $0x0  }
.LBB2_4:
0x8b: {  	[sflag:s20] =	ssyncadd.s32 $0xFFFFC000;
	s17 =	sadd.s32 $0x80, s17;
	s18 =	sadd.s32 $0x80, s18  }
0x8c: {  	[tilespmem:s3], [sflag:$0x3] =	stream.linear.gather [hbm4b:s18+s3], $0x400, $0x38;
	[tilespmem:$0x1C800] =	vst v63  }
0x8d: {  	p0 =	sne.s32 s9, $0x1;
	s9 =	sadd.s32 $0xFFFFFFFF, s9;
	_ =	swait.ge [sflag:s20], $0x400  }
0x8e: {  	[sflag:s20] =	ssyncset.done $0x0  }
0x8f: {  	[sflag:s20] =	ssyncadd.s32 $0xFFFFFC00  }
0x90: {  	[tilespmem:s21], [sflag:$0x3] =	stream.linear.gather [hbm4b:s17+s3], $0x400, $0x38;
	[tilespmem:$0x1C800] =	vst v63  }
0x91: {  	_ =	swait.ge [sflag:s20], $0x400  }
0x92: {  	[sflag:s20] =	ssyncset.done $0x0  }
0x93: {  	[sflag:s20] =	ssyncadd.s32 $0xFFFFFC00  }
0x94: {  	[tilespmem:s19], [sflag:$0x1] =	stream.indirect.gather [hbm4b:s4+s22], $0x80, s3, s22, $0xb8;
	[tilespmem:$0x1C800] =	vst v63  }
0x95: {  	_ =	swait.ge [sflag:s23], $0x4000  }
0x96: {  	[sflag:s23] =	ssyncset.done $0x0  }
0x97: {  	[sflag:s23] =	ssyncadd.s32 $0xFFFFC000  }
0x98: {  	[tilespmem:s24], [sflag:$0x2] =	stream.indirect.gather [hbm4b:s4+s22], $0x80, s22, s22, $0xb8;
	[tilespmem:$0x1C800] =	vst v63  }
0x99: {  	_ = 	snop  }
0x9a: {  	[spmem:s2] =	stream.indirect.scatter.add.f32 [tilespmem:s19], [sflag:$0x3], $0x80, s21, s22, $0xb8;
	[tilespmem:$0x1C800] =	vst v63  }
0x9b: {  	_ =	swait.ge [sflag:s20], $0x4000  }
0x9c: {  	[sflag:s20] =	ssyncset.done $0x0  }
0x9d: {  	[sflag:s20] =	ssyncadd.s32 $0xFFFFC000  }
0x9e: {  	_ =	swait.ge [sflag:s25], $0x4000  }
0x9f: {  	[sflag:s25] =	ssyncset.done $0x0  }
0xa0: {  	[sflag:s25] =	ssyncadd.s32 $0xFFFFC000  }
0xa1: {  	[tilespmem:s19], [sflag:$0x1] =	stream.indirect.gather [hbm4b:s4+s22], $0x80, s26, s22, $0xb8;
	[tilespmem:$0x1C800] =	vst v63  }
0xa2: {  	_ = 	snop  }
0xa3: {  	[spmem:s2] =	stream.indirect.scatter.add.f32 [tilespmem:s24], [sflag:$0x3], $0x80, s28, s22, $0xb8;
	[tilespmem:$0x1C800] =	vst v63  }
0xa4: {  	_ =	swait.ge [sflag:s20], $0x4000  }
0xa5: {  	[sflag:s20] =	ssyncset.done $0x0  }
0xa6: {  	[sflag:s20] =	ssyncadd.s32 $0xFFFFC000  }
0xa7: {  	_ =	swait.ge [sflag:s23], $0x4000  }
0xa8: {  	[sflag:s23] =	ssyncset.done $0x0  }
0xa9: {  	[sflag:s23] =	ssyncadd.s32 $0xFFFFC000  }
0xaa: {  	[tilespmem:s24], [sflag:$0x2] =	stream.indirect.gather [hbm4b:s4+s22], $0x80, s29, s22, $0xb8;
	[tilespmem:$0x1C800] =	vst v63  }
0xab: {  	_ = 	snop  }
0xac: {  	[spmem:s2] =	stream.indirect.scatter.add.f32 [tilespmem:s19], [sflag:$0x3], $0x80, s30, s22, $0xb8;
	[tilespmem:$0x1C800] =	vst v63  }
0xad: {  	_ =	swait.ge [sflag:s20], $0x4000  }
0xae: {  	[sflag:s20] =	ssyncset.done $0x0  }
0xaf: {  	[sflag:s20] =	ssyncadd.s32 $0xFFFFC000  }
0xb0: {  	_ =	swait.ge [sflag:s25], $0x4000  }
0xb1: {  	[sflag:s25] =	ssyncset.done $0x0  }
0xb2: {  	[sflag:s25] =	ssyncadd.s32 $0xFFFFC000  }
0xb3: {  	[tilespmem:s19], [sflag:$0x1] =	stream.indirect.gather [hbm4b:s4+s22], $0x80, s31, s22, $0xb8;
	[tilespmem:$0x1C800] =	vst v63  }
0xb4: {  	_ = 	snop  }
0xb5: {  	[spmem:s2] =	stream.indirect.scatter.add.f32 [tilespmem:s24], [sflag:$0x3], $0x80, s0, s22, $0xb8;
	[tilespmem:$0x1C800] =	vst v63  }
0xb6: {  	_ =	swait.ge [sflag:s20], $0x4000  }
0xb7: {  	[sflag:s20] =	ssyncset.done $0x0  }
0xb8: {  	[sflag:s20] =	ssyncadd.s32 $0xFFFFC000  }
0xb9: {  	_ =	swait.ge [sflag:s23], $0x4000  }
0xba: {  	[sflag:s23] =	ssyncset.done $0x0  }
0xbb: {  	[sflag:s23] =	ssyncadd.s32 $0xFFFFC000  }
0xbc: {  	[tilespmem:s24], [sflag:$0x2] =	stream.indirect.gather [hbm4b:s4+s22], $0x80, s1, s22, $0xb8;
	[tilespmem:$0x1C800] =	vst v63  }
0xbd: {  	_ = 	snop  }
0xbe: {  	[spmem:s2] =	stream.indirect.scatter.add.f32 [tilespmem:s19], [sflag:$0x3], $0x80, s7, s22, $0xb8;
	[tilespmem:$0x1C800] =	vst v63  }
0xbf: {  	_ =	swait.ge [sflag:s20], $0x4000  }
0xc0: {  	[sflag:s20] =	ssyncset.done $0x0  }
0xc1: {  	[sflag:s20] =	ssyncadd.s32 $0xFFFFC000  }
0xc2: {  	_ =	swait.ge [sflag:s25], $0x4000  }
0xc3: {  	[sflag:s25] =	ssyncset.done $0x0  }
0xc4: {  	[sflag:s25] =	ssyncadd.s32 $0xFFFFC000  }
0xc5: {  	[tilespmem:s19], [sflag:$0x1] =	stream.indirect.gather [hbm4b:s4+s22], $0x80, s12, s22, $0xb8;
	[tilespmem:$0x1C800] =	vst v63  }
0xc6: {  	_ = 	snop  }
0xc7: {  	[spmem:s2] =	stream.indirect.scatter.add.f32 [tilespmem:s24], [sflag:$0x3], $0x80, s13, s22, $0xb8;
	[tilespmem:$0x1C800] =	vst v63  }
0xc8: {  	_ =	swait.ge [sflag:s20], $0x4000  }
0xc9: {  	[sflag:s20] =	ssyncset.done $0x0  }
0xca: {  	[sflag:s20] =	ssyncadd.s32 $0xFFFFC000  }
0xcb: {  	_ =	swait.ge [sflag:s23], $0x4000  }
0xcc: {  	[sflag:s23] =	ssyncset.done $0x0  }
0xcd: {  	[sflag:s23] =	ssyncadd.s32 $0xFFFFC000  }
0xce: {  	[tilespmem:s24], [sflag:$0x2] =	stream.indirect.gather [hbm4b:s4+s22], $0x80, s14, s22, $0xb8;
	[tilespmem:$0x1C800] =	vst v63  }
0xcf: {  	_ = 	snop  }
0xd0: {  	[spmem:s2] =	stream.indirect.scatter.add.f32 [tilespmem:s19], [sflag:$0x3], $0x80, s15, s22, $0xb8;
	[tilespmem:$0x1C800] =	vst v63  }
0xd1: {  	_ =	swait.ge [sflag:s20], $0x4000  }
0xd2: {  	[sflag:s20] =	ssyncset.done $0x0  }
0xd3: {  	[sflag:s20] =	ssyncadd.s32 $0xFFFFC000  }
0xd4: {  	_ =	swait.ge [sflag:s25], $0x4000  }
.Ltmp2:
0xd5: {  	[sflag:s25] =	ssyncset.done $0x0;
	(pc) =	sbr.rel @p0 .LBB2_4-.Ltmp2, $4  }
0xd6: {  	[sflag:s25] =	ssyncadd.s32 $0xFFFFC000  }
0xd7: {  	[spmem:s2] =	stream.indirect.scatter.add.f32 [tilespmem:s24], [sflag:$0x3], $0x80, s16, s22, $0xb8;
	[tilespmem:$0x1C800] =	vst v63  }
0xd8: {  	_ =	swait.ge [sflag:s20], $0x4000  }
0xd9: {  	[sflag:s20] =	ssyncset.done $0x0  }
.LBB2_5:
0xda: {  	[sflag:s20] =	ssyncadd.s32 $0xFFFFC000  }
0xdb: {  	[bflag:$0x0] =	sbarrier.arrive $0xFFFF  }
0xdc: {  	[tilespmem:s19], [sflag:$0x3] =	stream.linear.gather [spmem:s6], $0x4000, $0x38;
	[tilespmem:$0x1C800] =	vst v63  }
0xdd: {  	_ =	swait.ge [sflag:s20], $0x4000  }
0xde: {  	[sflag:s20] =	ssyncset.done $0x0  }
0xdf: {  	s5 =	rddreg [dreg:$0x9];
	[sflag:s20] =	ssyncadd.s32 $0xFFFFC000  }
0xe0: {  	[hbm4b:s5+s3] =	stream.linear.scatter [tilespmem:s19], [sflag:$0x3], $0x4000, $0x38;
	[tilespmem:$0x1C800] =	vst v63  }
0xe1: {  	_ =	swait.ge [sflag:s20], $0x4000  }
0xe2: {  	[sflag:s20] =	ssyncset.done $0x0  }
0xe3: {  	s9 =	rddreg [dreg:$0x5];
	[sflag:s20] =	ssyncadd.s32 $0xFFFFC000  }
0xe4: {  	[tilespmem:s19], [sflag:$0x3] =	stream.linear.gather [spmem:s9], $0x4000, $0x38;
	[tilespmem:$0x1C800] =	vst v63  }
0xe5: {  	_ =	swait.ge [sflag:s20], $0x4000  }
0xe6: {  	[sflag:s20] =	ssyncset.done $0x0  }
0xe7: {  	s17 =	rddreg [dreg:$0xa];
	[sflag:s20] =	ssyncadd.s32 $0xFFFFC000  }
0xe8: {  	[hbm4b:s17+s3] =	stream.linear.scatter [tilespmem:s19], [sflag:$0x3], $0x4000, $0x38;
	[tilespmem:$0x1C800] =	vst v63  }
0xe9: {  	_ =	swait.ge [sflag:s20], $0x4000  }
0xea: {  	[sflag:s20] =	ssyncset.done $0x0  }
0xeb: {  	s18 =	rddreg [dreg:$0x6];
	[sflag:s20] =	ssyncadd.s32 $0xFFFFC000  }
0xec: {  	[tilespmem:s19], [sflag:$0x3] =	stream.linear.gather [spmem:s18], $0x4000, $0x38;
	[tilespmem:$0x1C800] =	vst v63  }
0xed: {  	_ =	swait.ge [sflag:s20], $0x4000  }
0xee: {  	[sflag:s20] =	ssyncset.done $0x0  }
0xef: {  	s9 =	rddreg [dreg:$0xb];
	[sflag:s20] =	ssyncadd.s32 $0xFFFFC000  }
0xf0: {  	[hbm4b:s9+s3] =	stream.linear.scatter [tilespmem:s19], [sflag:$0x3], $0x4000, $0x38;
	[tilespmem:$0x1C800] =	vst v63  }
0xf1: {  	_ =	swait.ge [sflag:s20], $0x4000  }
0xf2: {  	[sflag:s20] =	ssyncset.done $0x0  }
0xf3: {  	s17 =	rddreg [dreg:$0x7];
	[sflag:s20] =	ssyncadd.s32 $0xFFFFC000  }
0xf4: {  	[tilespmem:s19], [sflag:$0x3] =	stream.linear.gather [spmem:s17], $0x4000, $0x38;
	[tilespmem:$0x1C800] =	vst v63  }
0xf5: {  	_ =	swait.ge [sflag:s20], $0x4000  }
0xf6: {  	[sflag:s20] =	ssyncset.done $0x0  }
0xf7: {  	s18 =	rddreg [dreg:$0xc];
	[sflag:s20] =	ssyncadd.s32 $0xFFFFC000  }
0xf8: {  	[hbm4b:s18+s3] =	stream.linear.scatter [tilespmem:s19], [sflag:$0x3], $0x4000, $0x38;
	[tilespmem:$0x1C800] =	vst v63  }
0xf9: {  	_ =	swait.ge [sflag:s20], $0x4000  }
0xfa: {  	[sflag:s20] =	ssyncset.done $0x0  }
0xfb: {  	s9 =	rddreg [dreg:$0x8];
	[sflag:s20] =	ssyncadd.s32 $0xFFFFC000  }
0xfc: {  	[tilespmem:s19], [sflag:$0x3] =	stream.linear.gather [spmem:s9], $0x4000, $0x38;
	[tilespmem:$0x1C800] =	vst v63  }
0xfd: {  	_ =	swait.ge [sflag:s20], $0x4000  }
0xfe: {  	[sflag:s20] =	ssyncset.done $0x0  }
0xff: {  	s17 =	rddreg [dreg:$0xd];
	[sflag:s20] =	ssyncadd.s32 $0xFFFFC000  }
0x100: {  	[hbm4b:s17+s3] =	stream.linear.scatter [tilespmem:s19], [sflag:$0x3], $0x4000, $0x38;
	[tilespmem:$0x1C800] =	vst v63  }
0x101: {  	_ =	swait.ge [sflag:s20], $0x4000  }
0x102: {  	s8 =	sadd.s32 $0x1, s8;
	s18 =	rddreg [dreg:$0x4]  }
0x103: {  	p0 =	sne.s32 s8, s18  }
.Ltmp3:
0x104: {  	_ = 	snop;
	(pc) =	sbr.rel @p0 .LBB2_1-.Ltmp3, $3  }
0x105: {  	_ =	sdelay $0x1  }
0x106: {  	[sflag:s20] =	ssyncset.done $0x0  }
0x107: {  	[sflag:s20] =	ssyncadd.s32 $0xFFFFC000  }
0x108: {  	_ =	sfence.sel $0x180000  }
0x109: {  	[bflag:$0x0] =	sbarrier.arrive $0xFFFF  }
0x10a: {  	_ =	strace $0x9000004A  }
0x10b: {  	s0 =	stileid.u32;
	[bflag:$0x2] =	sbarrier.arrive $0xFFFF  }
0x10c: {  	p0 =	sne.s32 s0, $0x0;
	s0 =	rddreg [dreg:$0x2]  }
0x10d: {  	s0 =	sadd.s32 @!p0 $0x100000, s0  }
0x10e: {  	[sflag:s0] =	ssyncadd.tile.s32 @!p0 $0x1;
	_ =	shalt  }
.Lfunc_end2:
_tile_overlayer_lowered:
.L_overlay_start_2:
0x10f: {  	(tag) =	ssettag $0x2  }
0x110: {  	s0 =	rddreg [dreg:$0x0];
	s2 =	stileid.u32  }
0x111: {  	s1 =	rddreg [dreg:$0x1];
	p0 =	sne.s32 s2, $0x0  }
0x112: {  	s3 =	rddreg [dreg:$0x2];
	[bflag:$0x3] =	sbarrier.arrive $0xFFFF;
	s2 =	simm.s32 @!p0 $0x1C03  }
0x113: {  	[timem:s3], [sflag:s2] =	dma.local @!p0 [hbm:s0], s1  }
0x114: {  	s0 =	simm.s32 @!p0 $0x3  }
0x115: {  	_ =	swait.ge @!p0 [sflag:s0], s1  }
0x116: {  	s1 =	ssub.s32 @!p0 $0x0, s1;
	[sflag:s0] =	ssyncset.done @!p0 $0x0  }
0x117: {  	[sflag:s0] =	ssyncadd.s32 @!p0 s1  }
0x118: {  	[bflag:$0x3] =	sbarrier.arrive $0xFFFF  }
0x119: {  	_ =	shalt  }

// kernel: kernel.13.cloned.1.call-start
scs
__scs_entry_jumppad:
0x0: {  	(pc) =	sbr.rel $0x88, $3  }
0x1: {  	(tag) =	ssettag $0x0;
	lr =	simm.s32 $0x1  }
0x2: {  	[smem:$0x3F96] =	sst lr;
	_ =	strace $0xD0000000  }
0x3: {  	_ = 	snop  }
0x4: {  	_ = 	snop  }
0x5: {  	_ = 	snop  }
0x6: {  	_ = 	snop  }
0x7: {  	_ = 	snop  }
__scs_overlays_trampoline_lowered:
0x8: {  	[smem:$0x3FA5] =	sst s0  }
0x9: {  	[smem:$0x3FA6] =	sst s1  }
0xa: {  	[smem:$0x3FA7] =	sst s2  }
0xb: {  	[smem:$0x3FA8] =	sst s3  }
0xc: {  	[smem:$0x3FA9] =	sst s4  }
0xd: {  	[smem:$0x3FAA] =	sst s5  }
0xe: {  	[smem:$0x3FAB] =	sst s6  }
0xf: {  	[smem:$0x3FAC] =	sst s7  }
0x10: {  	[smem:$0x3FAD] =	sst s8  }
0x11: {  	[smem:$0x3FAE] =	sst s9;
	s0 =	simm.s32 @!p0 $0x0  }
0x12: {  	s1 =	sld [smem:$0x3F94];
	s0 =	simm.s32 @p0 $0x1  }
0x13: {  	[smem:$0x3FAF] =	sst s0;
	s0 =	simm.s32 @!p1 $0x0  }
0x14: {  	s2 =	sld [smem:$0x3F93];
	s0 =	simm.s32 @p1 $0x1  }
0x15: {  	[smem:$0x3FB0] =	sst s0;
	s0 =	simm.s32 @!p2 $0x0  }
0x16: {  	s3 =	sld [smem:$0x3FDB];
	s0 =	simm.s32 @p2 $0x1  }
0x17: {  	s4 =	simm.s32 $0x1BF5;
	[smem:$0x3FB2] =	sst s0  }
0x18: {  	s0 =	sld [smem:$0x3F95];
	_ =	swait.ge [sflag:s4], $0x0  }
0x19: {  	s7 =	sld [smem:$0x3F96]  }
0x1a: {  	s8 =	sadd.s32 $0xFFFFE003, lr  }
0x1b: {  	s9 =	sadd.s32 $0xFFFFFEF7, lr;
	s5 =	simm.s32 $0xFFFFFFFF;
	p2 =	slt.u32 s8, $0xFFFFF086  }
0x1c: {  	p1 =	slt.u32 s9, $0xF7A;
	s5 =	simm.s32 @!p2 $0x0  }
0x1d: {  	s5 =	simm.s32 @p1 $0x1;
	p0 =	seq.s32 s7, s2  }
0x1e: {  	s7 =	smul.u32 @!p0 $0xF7A, s2;
	p2 =	seq.s32 @!p0 s5, $0x0  }
0x1f: {  	s9 =	smul.u32 $0xF7A, s1;
	s8 =	simm.s32 @!p0 $0x1BF5;
	p2 =	por !p2, p0  }
0x20: {  	[sflag:s8] =	ssyncset.s32 @!p0 $0xFFFFF086;
	s6 =	sadd.s32 @!p0 s3, s7;
	s7 =	simm.s32 @!p0 $0x108  }
0x21: {  	s3 =	sadd.s32 s3, s9;
	s6 =	sadd.s32 @!p0 $0x88, s6;
	s7 =	simm.s32 @p2 $0x1082  }
0x22: {  	[simem:s7], [sflag:s8] =	dma.local @!p0 [hbm:s6], $0xF7A  }
0x23: {  	s9 =	sor.u32 $0xD0000000, s2;
	s6 =	simm.s32 $0x108;
	_ =	swait.ge @!p0 [sflag:s8], $0x0  }
0x24: {  	s3 =	sadd.s32 $0x88, s3;
	s6 =	simm.s32 @!p1 $0x1082;
	[sflag:s4] =	ssyncset.s32 $0xFFFFF086  }
0x25: {  	[simem:s6], [sflag:s4] =	dma.local [hbm:s3], $0xF7A  }
0x26: {  	[smem:$0x3F96] =	sst s1;
	(tag) =	ssettag s2;
	_ =	strace s9  }
0x27: {  	s1 =	sld [smem:$0x3FA6]  }
0x28: {  	s2 =	sld [smem:$0x3FA7]  }
0x29: {  	s4 =	sld [smem:$0x3FA9]  }
0x2a: {  	p0 =	seq.s32 s5, $0x0;
	s5 =	sld [smem:$0x3FAA]  }
0x2b: {  	s6 =	sld [smem:$0x3FAB]  }
0x2c: {  	s7 =	sld [smem:$0x3FAC]  }
0x2d: {  	s3 =	simm.s32 $0x108;
	s8 =	sld [smem:$0x3FAD]  }
0x2e: {  	s3 =	simm.s32 @!p0 $0x1082;
	s9 =	sld [smem:$0x3FAE]  }
0x2f: {  	lr =	sadd.s32 s0, s3;
	s0 =	sld [smem:$0x3FA5]  }
0x30: {  	s3 =	sld [smem:$0x3FA8]  }
0x31: {  	[smem:$0x3FB1] =	sst s10  }
0x32: {  	s10 =	sld [smem:$0x3FAF];
	_ =	sdelay $0x3  }
0x33: {  	p0 =	seq.s32 s10, $0x1;
	s10 =	sld [smem:$0x3FB1];
	_ =	sdelay $0x3  }
0x34: {  	[smem:$0x3FB1] =	sst s10  }
0x35: {  	s10 =	sld [smem:$0x3FB0];
	_ =	sdelay $0x3  }
0x36: {  	p1 =	seq.s32 s10, $0x1;
	s10 =	sld [smem:$0x3FB1];
	_ =	sdelay $0x3  }
0x37: {  	[smem:$0x3FB1] =	sst s10  }
0x38: {  	s10 =	sld [smem:$0x3FB2]  }
0x39: {  	_ = 	snop;
	(pc) =	sbr.ind lr, $3  }
0x3a: {  	_ = 	snop  }
0x3b: {  	_ = 	snop  }
0x3c: {  	p2 =	seq.s32 s10, $0x1;
	s10 =	sld [smem:$0x3FB1]  }
0x3d: {  	_ =	shalt  }
0x3e: {  	_ =	shalt  }
0x3f: {  	_ =	shalt  }
0x40: {  	_ =	shalt  }
0x41: {  	_ =	shalt  }
0x42: {  	_ =	shalt  }
0x43: {  	_ =	shalt  }
0x44: {  	_ =	shalt  }
0x45: {  	_ =	shalt  }
0x46: {  	_ =	shalt  }
0x47: {  	_ =	shalt  }
0x48: {  	_ =	shalt  }
0x49: {  	_ =	shalt  }
0x4a: {  	_ =	shalt  }
0x4b: {  	_ =	shalt  }
0x4c: {  	_ =	shalt  }
0x4d: {  	_ =	shalt  }
0x4e: {  	_ =	shalt  }
0x4f: {  	_ =	shalt  }
0x50: {  	_ =	shalt  }
0x51: {  	_ =	shalt  }
0x52: {  	_ =	shalt  }
0x53: {  	_ =	shalt  }
0x54: {  	_ =	shalt  }
0x55: {  	_ =	shalt  }
0x56: {  	_ =	shalt  }
0x57: {  	_ =	shalt  }
0x58: {  	_ =	shalt  }
0x59: {  	_ =	shalt  }
0x5a: {  	_ =	shalt  }
0x5b: {  	_ =	shalt  }
0x5c: {  	_ =	shalt  }
0x5d: {  	_ =	shalt  }
0x5e: {  	_ =	shalt  }
0x5f: {  	_ =	shalt  }
0x60: {  	_ =	shalt  }
0x61: {  	_ =	shalt  }
0x62: {  	_ =	shalt  }
0x63: {  	_ =	shalt  }
0x64: {  	_ =	shalt  }
0x65: {  	_ =	shalt  }
0x66: {  	_ =	shalt  }
0x67: {  	_ =	shalt  }
0x68: {  	_ =	shalt  }
0x69: {  	_ =	shalt  }
0x6a: {  	_ =	shalt  }
0x6b: {  	_ =	shalt  }
0x6c: {  	_ =	shalt  }
0x6d: {  	_ =	shalt  }
0x6e: {  	_ =	shalt  }
0x6f: {  	_ =	shalt  }
0x70: {  	_ =	shalt  }
0x71: {  	_ =	shalt  }
0x72: {  	_ =	shalt  }
0x73: {  	_ =	shalt  }
0x74: {  	_ =	shalt  }
0x75: {  	_ =	shalt  }
0x76: {  	_ =	shalt  }
0x77: {  	_ =	shalt  }
0x78: {  	_ =	shalt  }
0x79: {  	_ =	shalt  }
0x7a: {  	_ =	shalt  }
0x7b: {  	_ =	shalt  }
0x7c: {  	_ =	shalt  }
0x7d: {  	_ =	shalt  }
0x7e: {  	_ =	shalt  }
0x7f: {  	_ =	shalt  }
0x80: {  	_ =	shalt  }
0x81: {  	_ =	shalt  }
0x82: {  	_ =	shalt  }
0x83: {  	_ =	shalt  }
0x84: {  	_ =	shalt  }
0x85: {  	_ =	shalt  }
0x86: {  	_ =	shalt  }
0x87: {  	_ =	shalt  }
.Lfunc_end0:
.L_simem_size_0:
called_computation.2_lowered:
.L_overlay_start_0:
0x88: {  	s2 =	sld [smem:$0x3FD9]  }
0x89: {  	s3 =	sld [smem:$0x3FFE];
	_ =	sdelay $0x1  }
0x8a: {  	s1 =	srdreg.scid  }
0x8b: {  	s0 =	sand.u32 $0x1, s1  }
0x8c: {  	s16 =	sshll.u32 s0, $0xA;
	s2 =	sadd.s32 s3, s2  }
0x8d: {  	s2 =	sadd.s32 s2, s16  }
0x8e: {  	[smem:$0x3FBD] =	sst s2  }
0x8f: {  	_ = 	snop  }
0x90: {  	(tm) =	ssettm $0x1  }
0x91: {  	s17 =	sld [smem:$0x3FFB];
	_ =	sdelay $0x3  }
0x92: {  	_ =	strace s17  }
0x93: {  	s2 =	sld [smem:$0x3FFC];
	_ =	sdelay $0x3  }
0x94: {  	_ =	strace s2  }
0x95: {  	s2 =	sld [smem:$0x3FFD];
	_ =	sdelay $0x3  }
0x96: {  	_ =	strace s2  }
0x97: {  	_ =	strace $0x8FFFFFFF  }
0x98: {  	s18 =	sld [smem:$0x3FDB];
	_ =	sdelay $0x1  }
0x99: {  	s19 =	simm.s32 $_scs_section_size  }
0x9a: {  	s4 =	simm.s32 $_size__tile_overlayer_lowered;
	s5 =	simm.s32 $_tile_overlayer_lowered  }
0x9b: {  	s22 =	simm.s32 $0x1BFF;
	s21 =	sshll.u32 s5, $0x1;
	s2 =	sadd.s32 s19, s18  }
0x9c: {  	s6 =	simm.s32 $0x0;
	s20 =	sshll.u32 s4, $0x1;
	s4 =	sadd.s32 s21, s2  }
0x9d: {  	[timem:s6], [sflag:s22] =	dma.local [hbm:s4], s20  }
0x9e: {  	_ =	swait.ge [sflag:s22], s20  }
0x9f: {  	s3 =	ssub.s32 $0x0, s20;
	[sflag:s22] =	ssyncset.done $0x0  }
0xa0: {  	[sflag:s22] =	ssyncadd.s32 s3;
	_ =	sdelay $0x1  }
0xa1: {  	s23 =	simm.s32 $0x1B8B  }
0xa2: {  	_ =	swait.ge [sflag:s23], $0x1  }
0xa3: {  	[sflag:s23] =	ssyncset.done $0x0  }
0xa4: {  	s25 =	simm.s32 $0x1B8E;
	s24 =	sld [smem:$0x3FFE];
	[sflag:s23] =	ssyncadd.s32 $0xFFFFFFFF  }
0xa5: {  	s26 =	simm.s32 $execute0_lowered;
	[smem:$0x3FD2] =	sst s25  }
0xa6: {  	s4 =	sshll.u32 s26, $0x1;
	_ =	strace $0x8000004C;
	[dreg:$0x1] =	wrdreg $0xFFFFFFFF  }
0xa7: {  	s28 =	simm.s32 $_size_execute0_lowered;
	s2 =	sadd.s32 s2, s4;
	[dreg:$0x0] =	wrdreg $0x0  }
0xa8: {  	s4 =	sshll.u32 s28, $0x1;
	[dreg:$0x2] =	wrdreg s2  }
0xa9: {  	[dreg:$0x3] =	wrdreg s4  }
0xaa: {  	[dreg:$0x4] =	wrdreg $0xC0  }
0xab: {  	_ =	task [dreg:s6], $0x5FFFF  }
0xac: {  	[dreg:$0x1] =	wrdreg $0xFFFFFFFF  }
0xad: {  	[dreg:$0x0] =	wrdreg $0x60  }
0xae: {  	[dreg:$0x2] =	wrdreg s24  }
0xaf: {  	[dreg:$0x3] =	wrdreg $0x88000  }
0xb0: {  	[dreg:$0x4] =	wrdreg $0x9  }
0xb1: {  	_ =	task.clear_ibuf [dreg:s6], $0x5FFFF;
	_ =	strace $0x9000004C  }
0xb2: {  	s29 =	simm.s32 $0x9;
	_ =	strace $0x8000004E  }
0xb3: {  	_ =	swait.ge [sflag:s29], $0x1  }
0xb4: {  	[sflag:s29] =	ssyncadd.s32 $0xFFFFFFFF  }
0xb5: {  	_ =	strace $0x9000004E  }
0xb6: {  	_ =	sfence  }
0xb7: {  	s30 =	sld [smem:$0x0];
	_ =	sdelay $0x2  }
0xb8: {  	s31 =	sshll.u32 s1, $0xD;
	s1 =	sshrl.u32 s1, $0x2  }
0xb9: {  	s3 =	sand.u32 $0x4000, s31;
	s1 =	sadd.s32 s1, s30  }
0xba: {  	s0 =	sor.u32 s3, s0;
	s1 =	sshll.u32 s1, $0x11  }
0xbb: {  	s0 =	sor.u32 s1, s0  }
0xbc: {  	s0 =	sadd.s32 $0x8F2B, s0  }
0xbd: {  	[sflag:s0] =	ssyncadd.remote.s32 $0x1  }
0xbe: {  	_ =	sfence.sel $0xFFFF  }
0xbf: {  	[dreg:$0x0] =	wrdreg $0xFFFFFFFF;
	(pc) =	sbr.abs _section_cstart, $3  }
0xc0: {  	[dreg:$0x1] =	wrdreg $0xFFFFFFFF  }
0xc1: {  	_ =	task.clear_ibuf [dreg:s6], $0x2FFFF;
	_ =	strace $0x9FFFFFFF  }
0xc2: {  	(tm) =	ssettm $0x7FFFFFFF  }
0xc3: {  	_ =	shalt  }
tec
execute0_lowered:
.L_overlay_start_1:
0x0: {  	(tag) =	ssettag $0x1  }
0x1: {  	s0 =	rddreg [dreg:$0x0]  }
0x2: {  	s2 =	rddreg [dreg:$0x1]  }
0x3: {  	s1 =	srdreg.scid;
	s8 =	stileid.u32  }
0x4: {  	s3 =	simm.s32 $0x0;
	s28 =	simm.s32 $0x480;
	s4 =	smul.u32 $0xA0, s8  }
0x5: {  	s29 =	simm.s32 $0x180;
	s30 =	simm.s32 $0x500;
	s6 =	smul.u32 $0x280, s8  }
0x6: {  	s1 =	sand.u32 $0x1, s1;
	[smem:$0x7FF] =	sst s3;
	s8 =	smul.u32 $0x50000, s8  }
0x7: {  	s5 =	ssub.s32 $0x0, s1;
	s7 =	smul.u32 $0x2800, s1;
	_ =	strace $0x8000004D  }
0x8: {  	s15 =	ssub.s32 $0x2, s1;
	p0 =	seq.s32 s1, $0x0;
	s5 =	sand.u32 $0x78, s5  }
0x9: {  	s16 =	sshrl.u32 s15, $0x1;
	s17 =	sshrl.u32 s8, $0x2;
	s5 =	sadd.s32 s4, s5  }
0xa: {  	s4 =	sadd.s32 $0x17000, s0;
	s6 =	sadd.s32 s6, s7;
	s7 =	ssub.s32 s15, s16  }
0xb: {  	s5 =	sshll.u32 s5, $0x4;
	s6 =	sshll.u32 s6, $0x4;
	s18 =	smax.u32 s7, $0x1  }
0xc: {  	s9 =	sadd.s32 s5, s0;
	s0 =	sadd.s32 s6, s0;
	s5 =	simm.s32 $0xF  }
0xd: {  	s6 =	sadd.s32 s17, s2;
	[dreg:$0x4] =	wrdreg s18;
	s5 =	simm.s32 @!p0 $0x5  }
0xe: {  	s31 =	simm.s32 $0x200;
	s19 =	sadd.s32 $0x4000, s6;
	[dreg:$0x3] =	wrdreg s5  }
0xf: {  	s12 =	simm.s32 $0x300;
	s20 =	sadd.s32 $0x8000, s6;
	[dreg:$0x5] =	wrdreg s19  }
0x10: {  	s13 =	simm.s32 $0x680;
	s21 =	sadd.s32 $0xC000, s6;
	[dreg:$0x6] =	wrdreg s20  }
0x11: {  	s14 =	simm.s32 $0x380;
	s22 =	sadd.s32 $0x10000, s6;
	[dreg:$0x7] =	wrdreg s21  }
0x12: {  	s1 =	simm.s32 $0x280;
	s23 =	sadd.s32 $0x3F000, s0;
	[dreg:$0x8] =	wrdreg s22  }
0x13: {  	s8 =	simm.s32 $0x0;
	s24 =	sadd.s32 $0x3F800, s0;
	[dreg:$0x9] =	wrdreg s23  }
0x14: {  	s15 =	simm.s32 $0x700;
	s25 =	sadd.s32 $0x40000, s0;
	[dreg:$0xa] =	wrdreg s24  }
0x15: {  	s16 =	simm.s32 $0x780;
	s26 =	sadd.s32 $0x40800, s0;
	[dreg:$0xb] =	wrdreg s25  }
0x16: {  	s7 =	simm.s32 $0x600;
	s0 =	sadd.s32 $0x41000, s0;
	[dreg:$0xc] =	wrdreg s26  }
0x17: {  	s10 =	sadd.s32 $0x3000, s9;
	s11 =	sadd.s32 $0xD000, s9;
	[dreg:$0xd] =	wrdreg s0  }
0x18: {  	s19 =	simm.s32 $0x800;
	s20 =	simm.s32 $0x3;
	s21 =	simm.s32 $0x400  }
0x19: {  	s22 =	simm.s32 $0x80;
	s23 =	simm.s32 $0x1;
	s24 =	simm.s32 $0x4800  }
0x1a: {  	v0 =	vimm.f32 $0.0e+00;
	s25 =	simm.s32 $0x2;
	s26 =	simm.s32 $0x100;
	s0 =	simm.s32 $0x580  }
.LBB2_1:
0x1b: {  	s9 =	sand.u32 $0xFE00, s3  }
0x1c: {  	s17 =	sand.u32 $0x70, s3;
	s18 =	sshrl.u32 s9, $0x2  }
0x1d: {  	s9 =	simm.s32 $0x40;
	s18 =	sor.u32 s17, s18;
	s17 =	simm.s32 $0x0  }
.LBB2_2:
0x1e: {  	p0 =	sne.s32 s9, $0xFFC0  }
0x1f: {  	[tilespmem:s18+$0x800] =	vst v0;
	s17 =	sadd.s32 $0x10, s17;
	s18 =	smov.u32 s9;
	s9 =	sadd.s32 $0x40, s9  }
.Ltmp0:
0x20: {  	(pc) =	sbr.rel @p0 .LBB2_2-.Ltmp0, $4  }
0x21: {  	_ = 	snop  }
0x22: {  	s18 =	sand.u32 $0xFE00, s18  }
0x23: {  	s5 =	sand.u32 $0x70, s17;
	s18 =	sshrl.u32 s18, $0x2  }
0x24: {  	s18 =	sor.u32 s5, s18  }
0x25: {  	[tilespmem:s18+$0x800] =	vst v0  }
0x26: {  	[spmem:s6] =	stream.linear.scatter [tilespmem:s19], [sflag:$0x3], $0x4000, $0x38;
	[tilespmem:$0x1C800] =	vst v63  }
0x27: {  	_ =	swait.ge [sflag:s20], $0x4000  }
0x28: {  	[sflag:s20] =	ssyncset.done $0x0  }
0x29: {  	s5 =	rddreg [dreg:$0x5];
	[sflag:s20] =	ssyncadd.s32 $0xFFFFC000  }
0x2a: {  	[spmem:s5] =	stream.linear.scatter [tilespmem:s19], [sflag:$0x3], $0x4000, $0x38;
	[tilespmem:$0x1C800] =	vst v63  }
0x2b: {  	_ =	swait.ge [sflag:s20], $0x4000  }
0x2c: {  	[sflag:s20] =	ssyncset.done $0x0  }
0x2d: {  	s18 =	rddreg [dreg:$0x6];
	[sflag:s20] =	ssyncadd.s32 $0xFFFFC000  }
0x2e: {  	[spmem:s18] =	stream.linear.scatter [tilespmem:s19], [sflag:$0x3], $0x4000, $0x38;
	[tilespmem:$0x1C800] =	vst v63  }
0x2f: {  	_ =	swait.ge [sflag:s20], $0x4000  }
0x30: {  	[sflag:s20] =	ssyncset.done $0x0  }
0x31: {  	s9 =	rddreg [dreg:$0x7];
	[sflag:s20] =	ssyncadd.s32 $0xFFFFC000  }
0x32: {  	[spmem:s9] =	stream.linear.scatter [tilespmem:s19], [sflag:$0x3], $0x4000, $0x38;
	[tilespmem:$0x1C800] =	vst v63  }
0x33: {  	_ =	swait.ge [sflag:s20], $0x4000  }
0x34: {  	[sflag:s20] =	ssyncset.done $0x0  }
0x35: {  	s17 =	rddreg [dreg:$0x8];
	[sflag:s20] =	ssyncadd.s32 $0xFFFFC000  }
0x36: {  	[spmem:s17] =	stream.linear.scatter [tilespmem:s19], [sflag:$0x3], $0x4000, $0x38;
	[tilespmem:$0x1C800] =	vst v63  }
0x37: {  	_ =	swait.ge [sflag:s20], $0x4000  }
0x38: {  	[sflag:s20] =	ssyncset.done $0x0  }
0x39: {  	[sflag:s20] =	ssyncadd.s32 $0xFFFFC000  }
0x3a: {  	[bflag:$0x0] =	sbarrier.arrive $0xFFFF  }
0x3b: {  	[tilespmem:s3], [sflag:$0x3] =	stream.linear.gather [hbm4b:s11+s3], $0x400, $0x38;
	[tilespmem:$0x1C800] =	vst v63  }
0x3c: {  	_ =	swait.ge [sflag:s20], $0x400  }
0x3d: {  	[sflag:s20] =	ssyncset.done $0x0  }
0x3e: {  	[sflag:s20] =	ssyncadd.s32 $0xFFFFFC00  }
0x3f: {  	[tilespmem:s21], [sflag:$0x3] =	stream.linear.gather [hbm4b:s10+s3], $0x400, $0x38;
	[tilespmem:$0x1C800] =	vst v63  }
0x40: {  	_ =	swait.ge [sflag:s20], $0x400  }
0x41: {  	[sflag:s20] =	ssyncset.done $0x0  }
0x42: {  	[sflag:s20] =	ssyncadd.s32 $0xFFFFFC00  }
0x43: {  	[tilespmem:s19], [sflag:$0x1] =	stream.indirect.gather [hbm4b:s4+s22], $0x80, s3, s22, $0xb8;
	[tilespmem:$0x1C800] =	vst v63  }
0x44: {  	_ =	swait.ge [sflag:s23], $0x4000  }
0x45: {  	[sflag:s23] =	ssyncset.done $0x0  }
0x46: {  	[sflag:s23] =	ssyncadd.s32 $0xFFFFC000  }
0x47: {  	[tilespmem:s24], [sflag:$0x2] =	stream.indirect.gather [hbm4b:s4+s22], $0x80, s22, s22, $0xb8;
	[tilespmem:$0x1C800] =	vst v63  }
0x48: {  	_ = 	snop  }
0x49: {  	[spmem:s2] =	stream.indirect.scatter.add.f32 [tilespmem:s19], [sflag:$0x3], $0x80, s21, s22, $0xb8;
	[tilespmem:$0x1C800] =	vst v63  }
0x4a: {  	_ =	swait.ge [sflag:s20], $0x4000  }
0x4b: {  	[sflag:s20] =	ssyncset.done $0x0  }
0x4c: {  	[sflag:s20] =	ssyncadd.s32 $0xFFFFC000  }
0x4d: {  	_ =	swait.ge [sflag:s25], $0x4000  }
0x4e: {  	[sflag:s25] =	ssyncset.done $0x0  }
0x4f: {  	[sflag:s25] =	ssyncadd.s32 $0xFFFFC000  }
0x50: {  	[tilespmem:s19], [sflag:$0x1] =	stream.indirect.gather [hbm4b:s4+s22], $0x80, s26, s22, $0xb8;
	[tilespmem:$0x1C800] =	vst v63  }
0x51: {  	_ = 	snop  }
0x52: {  	[spmem:s2] =	stream.indirect.scatter.add.f32 [tilespmem:s24], [sflag:$0x3], $0x80, s28, s22, $0xb8;
	[tilespmem:$0x1C800] =	vst v63  }
0x53: {  	_ =	swait.ge [sflag:s20], $0x4000  }
0x54: {  	[sflag:s20] =	ssyncset.done $0x0  }
0x55: {  	[sflag:s20] =	ssyncadd.s32 $0xFFFFC000  }
0x56: {  	_ =	swait.ge [sflag:s23], $0x4000  }
0x57: {  	[sflag:s23] =	ssyncset.done $0x0  }
0x58: {  	[sflag:s23] =	ssyncadd.s32 $0xFFFFC000  }
0x59: {  	[tilespmem:s24], [sflag:$0x2] =	stream.indirect.gather [hbm4b:s4+s22], $0x80, s29, s22, $0xb8;
	[tilespmem:$0x1C800] =	vst v63  }
0x5a: {  	_ = 	snop  }
0x5b: {  	[spmem:s2] =	stream.indirect.scatter.add.f32 [tilespmem:s19], [sflag:$0x3], $0x80, s30, s22, $0xb8;
	[tilespmem:$0x1C800] =	vst v63  }
0x5c: {  	_ =	swait.ge [sflag:s20], $0x4000  }
0x5d: {  	[sflag:s20] =	ssyncset.done $0x0  }
0x5e: {  	[sflag:s20] =	ssyncadd.s32 $0xFFFFC000  }
0x5f: {  	_ =	swait.ge [sflag:s25], $0x4000  }
0x60: {  	[sflag:s25] =	ssyncset.done $0x0  }
0x61: {  	[sflag:s25] =	ssyncadd.s32 $0xFFFFC000  }
0x62: {  	[tilespmem:s19], [sflag:$0x1] =	stream.indirect.gather [hbm4b:s4+s22], $0x80, s31, s22, $0xb8;
	[tilespmem:$0x1C800] =	vst v63  }
0x63: {  	_ = 	snop  }
0x64: {  	[spmem:s2] =	stream.indirect.scatter.add.f32 [tilespmem:s24], [sflag:$0x3], $0x80, s0, s22, $0xb8;
	[tilespmem:$0x1C800] =	vst v63  }
0x65: {  	_ =	swait.ge [sflag:s20], $0x4000  }
0x66: {  	[sflag:s20] =	ssyncset.done $0x0  }
0x67: {  	[sflag:s20] =	ssyncadd.s32 $0xFFFFC000  }
0x68: {  	_ =	swait.ge [sflag:s23], $0x4000  }
0x69: {  	[sflag:s23] =	ssyncset.done $0x0  }
0x6a: {  	[sflag:s23] =	ssyncadd.s32 $0xFFFFC000  }
0x6b: {  	[tilespmem:s24], [sflag:$0x2] =	stream.indirect.gather [hbm4b:s4+s22], $0x80, s1, s22, $0xb8;
	[tilespmem:$0x1C800] =	vst v63  }
0x6c: {  	_ = 	snop  }
0x6d: {  	[spmem:s2] =	stream.indirect.scatter.add.f32 [tilespmem:s19], [sflag:$0x3], $0x80, s7, s22, $0xb8;
	[tilespmem:$0x1C800] =	vst v63  }
0x6e: {  	_ =	swait.ge [sflag:s20], $0x4000  }
0x6f: {  	[sflag:s20] =	ssyncset.done $0x0  }
0x70: {  	[sflag:s20] =	ssyncadd.s32 $0xFFFFC000  }
0x71: {  	_ =	swait.ge [sflag:s25], $0x4000  }
0x72: {  	[sflag:s25] =	ssyncset.done $0x0  }
0x73: {  	[sflag:s25] =	ssyncadd.s32 $0xFFFFC000  }
0x74: {  	[tilespmem:s19], [sflag:$0x1] =	stream.indirect.gather [hbm4b:s4+s22], $0x80, s12, s22, $0xb8;
	[tilespmem:$0x1C800] =	vst v63  }
0x75: {  	_ = 	snop  }
0x76: {  	[spmem:s2] =	stream.indirect.scatter.add.f32 [tilespmem:s24], [sflag:$0x3], $0x80, s13, s22, $0xb8;
	[tilespmem:$0x1C800] =	vst v63  }
0x77: {  	_ =	swait.ge [sflag:s20], $0x4000  }
0x78: {  	[sflag:s20] =	ssyncset.done $0x0  }
0x79: {  	[sflag:s20] =	ssyncadd.s32 $0xFFFFC000  }
0x7a: {  	_ =	swait.ge [sflag:s23], $0x4000  }
0x7b: {  	[sflag:s23] =	ssyncset.done $0x0  }
0x7c: {  	[sflag:s23] =	ssyncadd.s32 $0xFFFFC000  }
0x7d: {  	[tilespmem:s24], [sflag:$0x2] =	stream.indirect.gather [hbm4b:s4+s22], $0x80, s14, s22, $0xb8;
	[tilespmem:$0x1C800] =	vst v63  }
0x7e: {  	_ = 	snop  }
0x7f: {  	[spmem:s2] =	stream.indirect.scatter.add.f32 [tilespmem:s19], [sflag:$0x3], $0x80, s15, s22, $0xb8;
	[tilespmem:$0x1C800] =	vst v63  }
0x80: {  	_ =	swait.ge [sflag:s20], $0x4000  }
0x81: {  	[sflag:s20] =	ssyncset.done $0x0  }
0x82: {  	[sflag:s20] =	ssyncadd.s32 $0xFFFFC000  }
0x83: {  	_ =	swait.ge [sflag:s25], $0x4000  }
0x84: {  	s18 =	rddreg [dreg:$0x3]  }
0x85: {  	p0 =	sne.s32 s18, $0x1  }
.Ltmp1:
0x86: {  	[sflag:s25] =	ssyncset.done $0x0;
	(pc) =	sbr.rel @!p0 .LBB2_5-.Ltmp1, $4  }
0x87: {  	[sflag:s25] =	ssyncadd.s32 $0xFFFFC000  }
0x88: {  	[spmem:s2] =	stream.indirect.scatter.add.f32 [tilespmem:s24], [sflag:$0x3], $0x80, s16, s22, $0xb8;
	[tilespmem:$0x1C800] =	vst v63  }
0x89: {  	s17 =	smov.u32 s10;
	_ =	swait.ge [sflag:s20], $0x4000  }
0x8a: {  	s9 =	sadd.s32 $0xFFFFFFFF, s18;
	s18 =	smov.u32 s11;
	[sflag:s20] =	ssyncset.done $0x0  }
.LBB2_4:
0x8b: {  	[sflag:s20] =	ssyncadd.s32 $0xFFFFC000;
	s17 =	sadd.s32 $0x80, s17;
	s18 =	sadd.s32 $0x80, s18  }
0x8c: {  	[tilespmem:s3], [sflag:$0x3] =	stream.linear.gather [hbm4b:s18+s3], $0x400, $0x38;
	[tilespmem:$0x1C800] =	vst v63  }
0x8d: {  	p0 =	sne.s32 s9, $0x1;
	s9 =	sadd.s32 $0xFFFFFFFF, s9;
	_ =	swait.ge [sflag:s20], $0x400  }
0x8e: {  	[sflag:s20] =	ssyncset.done $0x0  }
0x8f: {  	[sflag:s20] =	ssyncadd.s32 $0xFFFFFC00  }
0x90: {  	[tilespmem:s21], [sflag:$0x3] =	stream.linear.gather [hbm4b:s17+s3], $0x400, $0x38;
	[tilespmem:$0x1C800] =	vst v63  }
0x91: {  	_ =	swait.ge [sflag:s20], $0x400  }
0x92: {  	[sflag:s20] =	ssyncset.done $0x0  }
0x93: {  	[sflag:s20] =	ssyncadd.s32 $0xFFFFFC00  }
0x94: {  	[tilespmem:s19], [sflag:$0x1] =	stream.indirect.gather [hbm4b:s4+s22], $0x80, s3, s22, $0xb8;
	[tilespmem:$0x1C800] =	vst v63  }
0x95: {  	_ =	swait.ge [sflag:s23], $0x4000  }
0x96: {  	[sflag:s23] =	ssyncset.done $0x0  }
0x97: {  	[sflag:s23] =	ssyncadd.s32 $0xFFFFC000  }
0x98: {  	[tilespmem:s24], [sflag:$0x2] =	stream.indirect.gather [hbm4b:s4+s22], $0x80, s22, s22, $0xb8;
	[tilespmem:$0x1C800] =	vst v63  }
0x99: {  	_ = 	snop  }
0x9a: {  	[spmem:s2] =	stream.indirect.scatter.add.f32 [tilespmem:s19], [sflag:$0x3], $0x80, s21, s22, $0xb8;
	[tilespmem:$0x1C800] =	vst v63  }
0x9b: {  	_ =	swait.ge [sflag:s20], $0x4000  }
0x9c: {  	[sflag:s20] =	ssyncset.done $0x0  }
0x9d: {  	[sflag:s20] =	ssyncadd.s32 $0xFFFFC000  }
0x9e: {  	_ =	swait.ge [sflag:s25], $0x4000  }
0x9f: {  	[sflag:s25] =	ssyncset.done $0x0  }
0xa0: {  	[sflag:s25] =	ssyncadd.s32 $0xFFFFC000  }
0xa1: {  	[tilespmem:s19], [sflag:$0x1] =	stream.indirect.gather [hbm4b:s4+s22], $0x80, s26, s22, $0xb8;
	[tilespmem:$0x1C800] =	vst v63  }
0xa2: {  	_ = 	snop  }
0xa3: {  	[spmem:s2] =	stream.indirect.scatter.add.f32 [tilespmem:s24], [sflag:$0x3], $0x80, s28, s22, $0xb8;
	[tilespmem:$0x1C800] =	vst v63  }
0xa4: {  	_ =	swait.ge [sflag:s20], $0x4000  }
0xa5: {  	[sflag:s20] =	ssyncset.done $0x0  }
0xa6: {  	[sflag:s20] =	ssyncadd.s32 $0xFFFFC000  }
0xa7: {  	_ =	swait.ge [sflag:s23], $0x4000  }
0xa8: {  	[sflag:s23] =	ssyncset.done $0x0  }
0xa9: {  	[sflag:s23] =	ssyncadd.s32 $0xFFFFC000  }
0xaa: {  	[tilespmem:s24], [sflag:$0x2] =	stream.indirect.gather [hbm4b:s4+s22], $0x80, s29, s22, $0xb8;
	[tilespmem:$0x1C800] =	vst v63  }
0xab: {  	_ = 	snop  }
0xac: {  	[spmem:s2] =	stream.indirect.scatter.add.f32 [tilespmem:s19], [sflag:$0x3], $0x80, s30, s22, $0xb8;
	[tilespmem:$0x1C800] =	vst v63  }
0xad: {  	_ =	swait.ge [sflag:s20], $0x4000  }
0xae: {  	[sflag:s20] =	ssyncset.done $0x0  }
0xaf: {  	[sflag:s20] =	ssyncadd.s32 $0xFFFFC000  }
0xb0: {  	_ =	swait.ge [sflag:s25], $0x4000  }
0xb1: {  	[sflag:s25] =	ssyncset.done $0x0  }
0xb2: {  	[sflag:s25] =	ssyncadd.s32 $0xFFFFC000  }
0xb3: {  	[tilespmem:s19], [sflag:$0x1] =	stream.indirect.gather [hbm4b:s4+s22], $0x80, s31, s22, $0xb8;
	[tilespmem:$0x1C800] =	vst v63  }
0xb4: {  	_ = 	snop  }
0xb5: {  	[spmem:s2] =	stream.indirect.scatter.add.f32 [tilespmem:s24], [sflag:$0x3], $0x80, s0, s22, $0xb8;
	[tilespmem:$0x1C800] =	vst v63  }
0xb6: {  	_ =	swait.ge [sflag:s20], $0x4000  }
0xb7: {  	[sflag:s20] =	ssyncset.done $0x0  }
0xb8: {  	[sflag:s20] =	ssyncadd.s32 $0xFFFFC000  }
0xb9: {  	_ =	swait.ge [sflag:s23], $0x4000  }
0xba: {  	[sflag:s23] =	ssyncset.done $0x0  }
0xbb: {  	[sflag:s23] =	ssyncadd.s32 $0xFFFFC000  }
0xbc: {  	[tilespmem:s24], [sflag:$0x2] =	stream.indirect.gather [hbm4b:s4+s22], $0x80, s1, s22, $0xb8;
	[tilespmem:$0x1C800] =	vst v63  }
0xbd: {  	_ = 	snop  }
0xbe: {  	[spmem:s2] =	stream.indirect.scatter.add.f32 [tilespmem:s19], [sflag:$0x3], $0x80, s7, s22, $0xb8;
	[tilespmem:$0x1C800] =	vst v63  }
0xbf: {  	_ =	swait.ge [sflag:s20], $0x4000  }
0xc0: {  	[sflag:s20] =	ssyncset.done $0x0  }
0xc1: {  	[sflag:s20] =	ssyncadd.s32 $0xFFFFC000  }
0xc2: {  	_ =	swait.ge [sflag:s25], $0x4000  }
0xc3: {  	[sflag:s25] =	ssyncset.done $0x0  }
0xc4: {  	[sflag:s25] =	ssyncadd.s32 $0xFFFFC000  }
0xc5: {  	[tilespmem:s19], [sflag:$0x1] =	stream.indirect.gather [hbm4b:s4+s22], $0x80, s12, s22, $0xb8;
	[tilespmem:$0x1C800] =	vst v63  }
0xc6: {  	_ = 	snop  }
0xc7: {  	[spmem:s2] =	stream.indirect.scatter.add.f32 [tilespmem:s24], [sflag:$0x3], $0x80, s13, s22, $0xb8;
	[tilespmem:$0x1C800] =	vst v63  }
0xc8: {  	_ =	swait.ge [sflag:s20], $0x4000  }
0xc9: {  	[sflag:s20] =	ssyncset.done $0x0  }
0xca: {  	[sflag:s20] =	ssyncadd.s32 $0xFFFFC000  }
0xcb: {  	_ =	swait.ge [sflag:s23], $0x4000  }
0xcc: {  	[sflag:s23] =	ssyncset.done $0x0  }
0xcd: {  	[sflag:s23] =	ssyncadd.s32 $0xFFFFC000  }
0xce: {  	[tilespmem:s24], [sflag:$0x2] =	stream.indirect.gather [hbm4b:s4+s22], $0x80, s14, s22, $0xb8;
	[tilespmem:$0x1C800] =	vst v63  }
0xcf: {  	_ = 	snop  }
0xd0: {  	[spmem:s2] =	stream.indirect.scatter.add.f32 [tilespmem:s19], [sflag:$0x3], $0x80, s15, s22, $0xb8;
	[tilespmem:$0x1C800] =	vst v63  }
0xd1: {  	_ =	swait.ge [sflag:s20], $0x4000  }
0xd2: {  	[sflag:s20] =	ssyncset.done $0x0  }
0xd3: {  	[sflag:s20] =	ssyncadd.s32 $0xFFFFC000  }
0xd4: {  	_ =	swait.ge [sflag:s25], $0x4000  }
.Ltmp2:
0xd5: {  	[sflag:s25] =	ssyncset.done $0x0;
	(pc) =	sbr.rel @p0 .LBB2_4-.Ltmp2, $4  }
0xd6: {  	[sflag:s25] =	ssyncadd.s32 $0xFFFFC000  }
0xd7: {  	[spmem:s2] =	stream.indirect.scatter.add.f32 [tilespmem:s24], [sflag:$0x3], $0x80, s16, s22, $0xb8;
	[tilespmem:$0x1C800] =	vst v63  }
0xd8: {  	_ =	swait.ge [sflag:s20], $0x4000  }
0xd9: {  	[sflag:s20] =	ssyncset.done $0x0  }
.LBB2_5:
0xda: {  	[sflag:s20] =	ssyncadd.s32 $0xFFFFC000  }
0xdb: {  	[bflag:$0x0] =	sbarrier.arrive $0xFFFF  }
0xdc: {  	[tilespmem:s19], [sflag:$0x3] =	stream.linear.gather [spmem:s6], $0x4000, $0x38;
	[tilespmem:$0x1C800] =	vst v63  }
0xdd: {  	_ =	swait.ge [sflag:s20], $0x4000  }
0xde: {  	[sflag:s20] =	ssyncset.done $0x0  }
0xdf: {  	s5 =	rddreg [dreg:$0x9];
	[sflag:s20] =	ssyncadd.s32 $0xFFFFC000  }
0xe0: {  	[hbm4b:s5+s3] =	stream.linear.scatter [tilespmem:s19], [sflag:$0x3], $0x4000, $0x38;
	[tilespmem:$0x1C800] =	vst v63  }
0xe1: {  	_ =	swait.ge [sflag:s20], $0x4000  }
0xe2: {  	[sflag:s20] =	ssyncset.done $0x0  }
0xe3: {  	s9 =	rddreg [dreg:$0x5];
	[sflag:s20] =	ssyncadd.s32 $0xFFFFC000  }
0xe4: {  	[tilespmem:s19], [sflag:$0x3] =	stream.linear.gather [spmem:s9], $0x4000, $0x38;
	[tilespmem:$0x1C800] =	vst v63  }
0xe5: {  	_ =	swait.ge [sflag:s20], $0x4000  }
0xe6: {  	[sflag:s20] =	ssyncset.done $0x0  }
0xe7: {  	s17 =	rddreg [dreg:$0xa];
	[sflag:s20] =	ssyncadd.s32 $0xFFFFC000  }
0xe8: {  	[hbm4b:s17+s3] =	stream.linear.scatter [tilespmem:s19], [sflag:$0x3], $0x4000, $0x38;
	[tilespmem:$0x1C800] =	vst v63  }
0xe9: {  	_ =	swait.ge [sflag:s20], $0x4000  }
0xea: {  	[sflag:s20] =	ssyncset.done $0x0  }
0xeb: {  	s18 =	rddreg [dreg:$0x6];
	[sflag:s20] =	ssyncadd.s32 $0xFFFFC000  }
0xec: {  	[tilespmem:s19], [sflag:$0x3] =	stream.linear.gather [spmem:s18], $0x4000, $0x38;
	[tilespmem:$0x1C800] =	vst v63  }
0xed: {  	_ =	swait.ge [sflag:s20], $0x4000  }
0xee: {  	[sflag:s20] =	ssyncset.done $0x0  }
0xef: {  	s9 =	rddreg [dreg:$0xb];
	[sflag:s20] =	ssyncadd.s32 $0xFFFFC000  }
0xf0: {  	[hbm4b:s9+s3] =	stream.linear.scatter [tilespmem:s19], [sflag:$0x3], $0x4000, $0x38;
	[tilespmem:$0x1C800] =	vst v63  }
0xf1: {  	_ =	swait.ge [sflag:s20], $0x4000  }
0xf2: {  	[sflag:s20] =	ssyncset.done $0x0  }
0xf3: {  	s17 =	rddreg [dreg:$0x7];
	[sflag:s20] =	ssyncadd.s32 $0xFFFFC000  }
0xf4: {  	[tilespmem:s19], [sflag:$0x3] =	stream.linear.gather [spmem:s17], $0x4000, $0x38;
	[tilespmem:$0x1C800] =	vst v63  }
0xf5: {  	_ =	swait.ge [sflag:s20], $0x4000  }
0xf6: {  	[sflag:s20] =	ssyncset.done $0x0  }
0xf7: {  	s18 =	rddreg [dreg:$0xc];
	[sflag:s20] =	ssyncadd.s32 $0xFFFFC000  }
0xf8: {  	[hbm4b:s18+s3] =	stream.linear.scatter [tilespmem:s19], [sflag:$0x3], $0x4000, $0x38;
	[tilespmem:$0x1C800] =	vst v63  }
0xf9: {  	_ =	swait.ge [sflag:s20], $0x4000  }
0xfa: {  	[sflag:s20] =	ssyncset.done $0x0  }
0xfb: {  	s9 =	rddreg [dreg:$0x8];
	[sflag:s20] =	ssyncadd.s32 $0xFFFFC000  }
0xfc: {  	[tilespmem:s19], [sflag:$0x3] =	stream.linear.gather [spmem:s9], $0x4000, $0x38;
	[tilespmem:$0x1C800] =	vst v63  }
0xfd: {  	_ =	swait.ge [sflag:s20], $0x4000  }
0xfe: {  	[sflag:s20] =	ssyncset.done $0x0  }
0xff: {  	s17 =	rddreg [dreg:$0xd];
	[sflag:s20] =	ssyncadd.s32 $0xFFFFC000  }
0x100: {  	[hbm4b:s17+s3] =	stream.linear.scatter [tilespmem:s19], [sflag:$0x3], $0x4000, $0x38;
	[tilespmem:$0x1C800] =	vst v63  }
0x101: {  	_ =	swait.ge [sflag:s20], $0x4000  }
0x102: {  	s8 =	sadd.s32 $0x1, s8;
	s18 =	rddreg [dreg:$0x4]  }
0x103: {  	p0 =	sne.s32 s8, s18  }
.Ltmp3:
0x104: {  	_ = 	snop;
	(pc) =	sbr.rel @p0 .LBB2_1-.Ltmp3, $3  }
0x105: {  	_ =	sdelay $0x1  }
0x106: {  	[sflag:s20] =	ssyncset.done $0x0  }
0x107: {  	[sflag:s20] =	ssyncadd.s32 $0xFFFFC000  }
0x108: {  	_ =	sfence.sel $0x180000  }
0x109: {  	[bflag:$0x0] =	sbarrier.arrive $0xFFFF  }
0x10a: {  	_ =	strace $0x9000004D  }
0x10b: {  	s0 =	stileid.u32;
	[bflag:$0x2] =	sbarrier.arrive $0xFFFF  }
0x10c: {  	p0 =	sne.s32 s0, $0x0;
	s0 =	rddreg [dreg:$0x2]  }
0x10d: {  	s0 =	sadd.s32 @!p0 $0x100000, s0  }
0x10e: {  	[sflag:s0] =	ssyncadd.tile.s32 @!p0 $0x1;
	_ =	shalt  }
.Lfunc_end2:
_tile_overlayer_lowered:
.L_overlay_start_2:
0x10f: {  	(tag) =	ssettag $0x2  }
0x110: {  	s0 =	rddreg [dreg:$0x0];
	s2 =	stileid.u32  }
0x111: {  	s1 =	rddreg [dreg:$0x1];
	p0 =	sne.s32 s2, $0x0  }
0x112: {  	s3 =	rddreg [dreg:$0x2];
	[bflag:$0x3] =	sbarrier.arrive $0xFFFF;
	s2 =	simm.s32 @!p0 $0x1C03  }
0x113: {  	[timem:s3], [sflag:s2] =	dma.local @!p0 [hbm:s0], s1  }
0x114: {  	s0 =	simm.s32 @!p0 $0x3  }
0x115: {  	_ =	swait.ge @!p0 [sflag:s0], s1  }
0x116: {  	s1 =	ssub.s32 @!p0 $0x0, s1;
	[sflag:s0] =	ssyncset.done @!p0 $0x0  }
0x117: {  	[sflag:s0] =	ssyncadd.s32 @!p0 s1  }
0x118: {  	[bflag:$0x3] =	sbarrier.arrive $0xFFFF  }
0x119: {  	_ =	shalt  }

// kernel: kernel.7.cloned.1.call-start
scs
__scs_entry_jumppad:
0x0: {  	(pc) =	sbr.rel $0x88, $3  }
0x1: {  	(tag) =	ssettag $0x0;
	lr =	simm.s32 $0x1  }
0x2: {  	[smem:$0x3F96] =	sst lr;
	_ =	strace $0xD0000000  }
0x3: {  	_ = 	snop  }
0x4: {  	_ = 	snop  }
0x5: {  	_ = 	snop  }
0x6: {  	_ = 	snop  }
0x7: {  	_ = 	snop  }
__scs_overlays_trampoline_lowered:
0x8: {  	[smem:$0x3FA5] =	sst s0  }
0x9: {  	[smem:$0x3FA6] =	sst s1  }
0xa: {  	[smem:$0x3FA7] =	sst s2  }
0xb: {  	[smem:$0x3FA8] =	sst s3  }
0xc: {  	[smem:$0x3FA9] =	sst s4  }
0xd: {  	[smem:$0x3FAA] =	sst s5  }
0xe: {  	[smem:$0x3FAB] =	sst s6  }
0xf: {  	[smem:$0x3FAC] =	sst s7  }
0x10: {  	[smem:$0x3FAD] =	sst s8  }
0x11: {  	[smem:$0x3FAE] =	sst s9;
	s0 =	simm.s32 @!p0 $0x0  }
0x12: {  	s1 =	sld [smem:$0x3F94];
	s0 =	simm.s32 @p0 $0x1  }
0x13: {  	[smem:$0x3FAF] =	sst s0;
	s0 =	simm.s32 @!p1 $0x0  }
0x14: {  	s2 =	sld [smem:$0x3F93];
	s0 =	simm.s32 @p1 $0x1  }
0x15: {  	[smem:$0x3FB0] =	sst s0;
	s0 =	simm.s32 @!p2 $0x0  }
0x16: {  	s3 =	sld [smem:$0x3FDB];
	s0 =	simm.s32 @p2 $0x1  }
0x17: {  	s4 =	simm.s32 $0x1BF5;
	[smem:$0x3FB2] =	sst s0  }
0x18: {  	s0 =	sld [smem:$0x3F95];
	_ =	swait.ge [sflag:s4], $0x0  }
0x19: {  	s7 =	sld [smem:$0x3F96]  }
0x1a: {  	s8 =	sadd.s32 $0xFFFFE003, lr  }
0x1b: {  	s9 =	sadd.s32 $0xFFFFFEF7, lr;
	s5 =	simm.s32 $0xFFFFFFFF;
	p2 =	slt.u32 s8, $0xFFFFF086  }
0x1c: {  	p1 =	slt.u32 s9, $0xF7A;
	s5 =	simm.s32 @!p2 $0x0  }
0x1d: {  	s5 =	simm.s32 @p1 $0x1;
	p0 =	seq.s32 s7, s2  }
0x1e: {  	s7 =	smul.u32 @!p0 $0xF7A, s2;
	p2 =	seq.s32 @!p0 s5, $0x0  }
0x1f: {  	s9 =	smul.u32 $0xF7A, s1;
	s8 =	simm.s32 @!p0 $0x1BF5;
	p2 =	por !p2, p0  }
0x20: {  	[sflag:s8] =	ssyncset.s32 @!p0 $0xFFFFF086;
	s6 =	sadd.s32 @!p0 s3, s7;
	s7 =	simm.s32 @!p0 $0x108  }
0x21: {  	s3 =	sadd.s32 s3, s9;
	s6 =	sadd.s32 @!p0 $0x88, s6;
	s7 =	simm.s32 @p2 $0x1082  }
0x22: {  	[simem:s7], [sflag:s8] =	dma.local @!p0 [hbm:s6], $0xF7A  }
0x23: {  	s9 =	sor.u32 $0xD0000000, s2;
	s6 =	simm.s32 $0x108;
	_ =	swait.ge @!p0 [sflag:s8], $0x0  }
0x24: {  	s3 =	sadd.s32 $0x88, s3;
	s6 =	simm.s32 @!p1 $0x1082;
	[sflag:s4] =	ssyncset.s32 $0xFFFFF086  }
0x25: {  	[simem:s6], [sflag:s4] =	dma.local [hbm:s3], $0xF7A  }
0x26: {  	[smem:$0x3F96] =	sst s1;
	(tag) =	ssettag s2;
	_ =	strace s9  }
0x27: {  	s1 =	sld [smem:$0x3FA6]  }
0x28: {  	s2 =	sld [smem:$0x3FA7]  }
0x29: {  	s4 =	sld [smem:$0x3FA9]  }
0x2a: {  	p0 =	seq.s32 s5, $0x0;
	s5 =	sld [smem:$0x3FAA]  }
0x2b: {  	s6 =	sld [smem:$0x3FAB]  }
0x2c: {  	s7 =	sld [smem:$0x3FAC]  }
0x2d: {  	s3 =	simm.s32 $0x108;
	s8 =	sld [smem:$0x3FAD]  }
0x2e: {  	s3 =	simm.s32 @!p0 $0x1082;
	s9 =	sld [smem:$0x3FAE]  }
0x2f: {  	lr =	sadd.s32 s0, s3;
	s0 =	sld [smem:$0x3FA5]  }
0x30: {  	s3 =	sld [smem:$0x3FA8]  }
0x31: {  	[smem:$0x3FB1] =	sst s10  }
0x32: {  	s10 =	sld [smem:$0x3FAF];
	_ =	sdelay $0x3  }
0x33: {  	p0 =	seq.s32 s10, $0x1;
	s10 =	sld [smem:$0x3FB1];
	_ =	sdelay $0x3  }
0x34: {  	[smem:$0x3FB1] =	sst s10  }
0x35: {  	s10 =	sld [smem:$0x3FB0];
	_ =	sdelay $0x3  }
0x36: {  	p1 =	seq.s32 s10, $0x1;
	s10 =	sld [smem:$0x3FB1];
	_ =	sdelay $0x3  }
0x37: {  	[smem:$0x3FB1] =	sst s10  }
0x38: {  	s10 =	sld [smem:$0x3FB2]  }
0x39: {  	_ = 	snop;
	(pc) =	sbr.ind lr, $3  }
0x3a: {  	_ = 	snop  }
0x3b: {  	_ = 	snop  }
0x3c: {  	p2 =	seq.s32 s10, $0x1;
	s10 =	sld [smem:$0x3FB1]  }
0x3d: {  	_ =	shalt  }
0x3e: {  	_ =	shalt  }
0x3f: {  	_ =	shalt  }
0x40: {  	_ =	shalt  }
0x41: {  	_ =	shalt  }
0x42: {  	_ =	shalt  }
0x43: {  	_ =	shalt  }
0x44: {  	_ =	shalt  }
0x45: {  	_ =	shalt  }
0x46: {  	_ =	shalt  }
0x47: {  	_ =	shalt  }
0x48: {  	_ =	shalt  }
0x49: {  	_ =	shalt  }
0x4a: {  	_ =	shalt  }
0x4b: {  	_ =	shalt  }
0x4c: {  	_ =	shalt  }
0x4d: {  	_ =	shalt  }
0x4e: {  	_ =	shalt  }
0x4f: {  	_ =	shalt  }
0x50: {  	_ =	shalt  }
0x51: {  	_ =	shalt  }
0x52: {  	_ =	shalt  }
0x53: {  	_ =	shalt  }
0x54: {  	_ =	shalt  }
0x55: {  	_ =	shalt  }
0x56: {  	_ =	shalt  }
0x57: {  	_ =	shalt  }
0x58: {  	_ =	shalt  }
0x59: {  	_ =	shalt  }
0x5a: {  	_ =	shalt  }
0x5b: {  	_ =	shalt  }
0x5c: {  	_ =	shalt  }
0x5d: {  	_ =	shalt  }
0x5e: {  	_ =	shalt  }
0x5f: {  	_ =	shalt  }
0x60: {  	_ =	shalt  }
0x61: {  	_ =	shalt  }
0x62: {  	_ =	shalt  }
0x63: {  	_ =	shalt  }
0x64: {  	_ =	shalt  }
0x65: {  	_ =	shalt  }
0x66: {  	_ =	shalt  }
0x67: {  	_ =	shalt  }
0x68: {  	_ =	shalt  }
0x69: {  	_ =	shalt  }
0x6a: {  	_ =	shalt  }
0x6b: {  	_ =	shalt  }
0x6c: {  	_ =	shalt  }
0x6d: {  	_ =	shalt  }
0x6e: {  	_ =	shalt  }
0x6f: {  	_ =	shalt  }
0x70: {  	_ =	shalt  }
0x71: {  	_ =	shalt  }
0x72: {  	_ =	shalt  }
0x73: {  	_ =	shalt  }
0x74: {  	_ =	shalt  }
0x75: {  	_ =	shalt  }
0x76: {  	_ =	shalt  }
0x77: {  	_ =	shalt  }
0x78: {  	_ =	shalt  }
0x79: {  	_ =	shalt  }
0x7a: {  	_ =	shalt  }
0x7b: {  	_ =	shalt  }
0x7c: {  	_ =	shalt  }
0x7d: {  	_ =	shalt  }
0x7e: {  	_ =	shalt  }
0x7f: {  	_ =	shalt  }
0x80: {  	_ =	shalt  }
0x81: {  	_ =	shalt  }
0x82: {  	_ =	shalt  }
0x83: {  	_ =	shalt  }
0x84: {  	_ =	shalt  }
0x85: {  	_ =	shalt  }
0x86: {  	_ =	shalt  }
0x87: {  	_ =	shalt  }
.Lfunc_end0:
.L_simem_size_0:
called_computation_lowered:
.L_overlay_start_0:
0x88: {  	s2 =	sld [smem:$0x3FD9]  }
0x89: {  	s3 =	sld [smem:$0x3FFE];
	_ =	sdelay $0x1  }
0x8a: {  	s1 =	srdreg.scid  }
0x8b: {  	s0 =	sand.u32 $0x1, s1  }
0x8c: {  	s16 =	sshll.u32 s0, $0xA;
	s2 =	sadd.s32 s3, s2  }
0x8d: {  	s2 =	sadd.s32 s2, s16  }
0x8e: {  	[smem:$0x3FBD] =	sst s2  }
0x8f: {  	_ = 	snop  }
0x90: {  	(tm) =	ssettm $0x1  }
0x91: {  	s17 =	sld [smem:$0x3FFB];
	_ =	sdelay $0x3  }
0x92: {  	_ =	strace s17  }
0x93: {  	s2 =	sld [smem:$0x3FFC];
	_ =	sdelay $0x3  }
0x94: {  	_ =	strace s2  }
0x95: {  	s2 =	sld [smem:$0x3FFD];
	_ =	sdelay $0x3  }
0x96: {  	_ =	strace s2  }
0x97: {  	_ =	strace $0x8FFFFFFF  }
0x98: {  	s18 =	sld [smem:$0x3FDB];
	_ =	sdelay $0x1  }
0x99: {  	s19 =	simm.s32 $_scs_section_size  }
0x9a: {  	s4 =	simm.s32 $_size__tile_overlayer_lowered;
	s5 =	simm.s32 $_tile_overlayer_lowered  }
0x9b: {  	s22 =	simm.s32 $0x1BFF;
	s21 =	sshll.u32 s5, $0x1;
	s2 =	sadd.s32 s19, s18  }
0x9c: {  	s6 =	simm.s32 $0x0;
	s20 =	sshll.u32 s4, $0x1;
	s4 =	sadd.s32 s21, s2  }
0x9d: {  	[timem:s6], [sflag:s22] =	dma.local [hbm:s4], s20  }
0x9e: {  	_ =	swait.ge [sflag:s22], s20  }
0x9f: {  	s3 =	ssub.s32 $0x0, s20;
	[sflag:s22] =	ssyncset.done $0x0  }
0xa0: {  	[sflag:s22] =	ssyncadd.s32 s3;
	_ =	sdelay $0x1  }
0xa1: {  	s23 =	simm.s32 $0x1B8B  }
0xa2: {  	_ =	swait.ge [sflag:s23], $0x1  }
0xa3: {  	[sflag:s23] =	ssyncset.done $0x0  }
0xa4: {  	s25 =	simm.s32 $0x1B8E;
	s24 =	sld [smem:$0x3FFE];
	[sflag:s23] =	ssyncadd.s32 $0xFFFFFFFF  }
0xa5: {  	s26 =	simm.s32 $execute0_lowered;
	[smem:$0x3FD2] =	sst s25  }
0xa6: {  	s4 =	sshll.u32 s26, $0x1;
	_ =	strace $0x80000046;
	[dreg:$0x1] =	wrdreg $0xFFFFFFFF  }
0xa7: {  	s28 =	simm.s32 $_size_execute0_lowered;
	s2 =	sadd.s32 s2, s4;
	[dreg:$0x0] =	wrdreg $0x0  }
0xa8: {  	s4 =	sshll.u32 s28, $0x1;
	[dreg:$0x2] =	wrdreg s2  }
0xa9: {  	[dreg:$0x3] =	wrdreg s4  }
0xaa: {  	[dreg:$0x4] =	wrdreg $0xC0  }
0xab: {  	_ =	task [dreg:s6], $0x5FFFF  }
0xac: {  	[dreg:$0x1] =	wrdreg $0xFFFFFFFF  }
0xad: {  	[dreg:$0x0] =	wrdreg $0x60  }
0xae: {  	[dreg:$0x2] =	wrdreg s24  }
0xaf: {  	[dreg:$0x3] =	wrdreg $0x44000  }
0xb0: {  	[dreg:$0x4] =	wrdreg $0x9  }
0xb1: {  	_ =	task.clear_ibuf [dreg:s6], $0x5FFFF;
	_ =	strace $0x90000046  }
0xb2: {  	s29 =	simm.s32 $0x9;
	_ =	strace $0x80000048  }
0xb3: {  	_ =	swait.ge [sflag:s29], $0x1  }
0xb4: {  	[sflag:s29] =	ssyncadd.s32 $0xFFFFFFFF  }
0xb5: {  	_ =	strace $0x90000048  }
0xb6: {  	_ =	sfence  }
0xb7: {  	s30 =	sld [smem:$0x0];
	_ =	sdelay $0x2  }
0xb8: {  	s31 =	sshll.u32 s1, $0xD;
	s1 =	sshrl.u32 s1, $0x2  }
0xb9: {  	s3 =	sand.u32 $0x4000, s31;
	s1 =	sadd.s32 s1, s30  }
0xba: {  	s0 =	sor.u32 s3, s0;
	s1 =	sshll.u32 s1, $0x11  }
0xbb: {  	s0 =	sor.u32 s1, s0  }
0xbc: {  	s0 =	sadd.s32 $0x8F2B, s0  }
0xbd: {  	[sflag:s0] =	ssyncadd.remote.s32 $0x1  }
0xbe: {  	_ =	sfence.sel $0xFFFF  }
0xbf: {  	[dreg:$0x0] =	wrdreg $0xFFFFFFFF;
	(pc) =	sbr.abs _section_cstart, $3  }
0xc0: {  	[dreg:$0x1] =	wrdreg $0xFFFFFFFF  }
0xc1: {  	_ =	task.clear_ibuf [dreg:s6], $0x2FFFF;
	_ =	strace $0x9FFFFFFF  }
0xc2: {  	(tm) =	ssettm $0x7FFFFFFF  }
0xc3: {  	_ =	shalt  }
tec
execute0_lowered:
.L_overlay_start_1:
0x0: {  	(tag) =	ssettag $0x1  }
0x1: {  	s4 =	rddreg [dreg:$0x0];
	s0 =	srdreg.scid  }
0x2: {  	s2 =	rddreg [dreg:$0x1];
	s1 =	stileid.u32;
	s3 =	simm.s32 $0x0  }
0x3: {  	s16 =	simm.s32 $0x400;
	s17 =	simm.s32 $0x1;
	s18 =	simm.s32 $0x80  }
0x4: {  	s19 =	simm.s32 $0x100;
	s20 =	simm.s32 $0x180;
	s21 =	simm.s32 $0x200  }
0x5: {  	s22 =	simm.s32 $0x280;
	s23 =	simm.s32 $0x300;
	s7 =	smul.u32 $0xA0, s1  }
0x6: {  	s24 =	simm.s32 $0x380;
	s25 =	simm.s32 $0x0;
	s8 =	smul.u32 $0x280, s1  }
0x7: {  	s5 =	sand.u32 $0x1, s0;
	s0 =	rddreg [dreg:$0x2];
	s9 =	smul.u32 $0x50000, s1  }
0x8: {  	[smem:$0x7FF] =	sst s3;
	s6 =	ssub.s32 $0x0, s5;
	s28 =	smul.u32 $0x2800, s5  }
0x9: {  	_ =	strace $0x80000047;
	s5 =	ssub.s32 $0x2, s5;
	s6 =	sand.u32 $0x50, s6  }
0xa: {  	s30 =	sshrl.u32 s5, $0x1;
	s31 =	sshrl.u32 s9, $0x2;
	s6 =	sadd.s32 s7, s6  }
0xb: {  	s29 =	sadd.s32 s8, s28;
	s5 =	ssub.s32 s5, s30;
	s6 =	sshll.u32 s6, $0x4  }
0xc: {  	s5 =	smax.u32 s5, $0x1;
	s15 =	sadd.s32 s6, s4;
	s6 =	sshll.u32 s29, $0x4  }
0xd: {  	s14 =	sadd.s32 s6, s4;
	s4 =	sadd.s32 s31, s2;
	s15 =	sadd.s32 $0x3000, s15  }
0xe: {  	s6 =	sadd.s32 $0x4000, s4;
	s7 =	sadd.s32 $0x8000, s4;
	s8 =	sadd.s32 $0xC000, s4  }
0xf: {  	s9 =	sadd.s32 $0x10000, s4;
	s10 =	sadd.s32 $0x17000, s14;
	s11 =	sadd.s32 $0x17800, s14  }
0x10: {  	v0 =	vimm.f32 $0.0e+00;
	v1 =	vimm.f32 $1.000000000e+00;
	s12 =	sadd.s32 $0x18000, s14;
	s13 =	sadd.s32 $0x18800, s14;
	s14 =	sadd.s32 $0x19000, s14  }
.LBB2_1:
0x11: {  	s26 =	sand.u32 $0xFE00, s3  }
0x12: {  	s28 =	sand.u32 $0x70, s3;
	s29 =	sshrl.u32 s26, $0x2  }
0x13: {  	s26 =	simm.s32 $0x40;
	s29 =	sor.u32 s28, s29;
	s28 =	simm.s32 $0x0  }
.LBB2_2:
0x14: {  	p0 =	sne.s32 s26, $0xFFC0  }
0x15: {  	[tilespmem:s29+$0x400] =	vst v0;
	s28 =	sadd.s32 $0x10, s28;
	s29 =	smov.u32 s26;
	s26 =	sadd.s32 $0x40, s26  }
.Ltmp0:
0x16: {  	(pc) =	sbr.rel @p0 .LBB2_2-.Ltmp0, $4  }
0x17: {  	_ = 	snop  }
0x18: {  	s29 =	sand.u32 $0xFE00, s29  }
0x19: {  	s30 =	sand.u32 $0x70, s28;
	s29 =	sshrl.u32 s29, $0x2  }
0x1a: {  	s29 =	sor.u32 s30, s29  }
0x1b: {  	[tilespmem:s29+$0x400] =	vst v0  }
0x1c: {  	[spmem:s4] =	stream.linear.scatter [tilespmem:s16], [sflag:$0x1], $0x4000, $0x38;
	[tilespmem:$0x18400] =	vst v63  }
0x1d: {  	_ =	swait.ge [sflag:s17], $0x4000  }
0x1e: {  	[sflag:s17] =	ssyncset.done $0x0  }
0x1f: {  	[sflag:s17] =	ssyncadd.s32 $0xFFFFC000  }
0x20: {  	[spmem:s6] =	stream.linear.scatter [tilespmem:s16], [sflag:$0x1], $0x4000, $0x38;
	[tilespmem:$0x18400] =	vst v63  }
0x21: {  	_ =	swait.ge [sflag:s17], $0x4000  }
0x22: {  	[sflag:s17] =	ssyncset.done $0x0  }
0x23: {  	[sflag:s17] =	ssyncadd.s32 $0xFFFFC000  }
0x24: {  	[spmem:s7] =	stream.linear.scatter [tilespmem:s16], [sflag:$0x1], $0x4000, $0x38;
	[tilespmem:$0x18400] =	vst v63  }
0x25: {  	_ =	swait.ge [sflag:s17], $0x4000  }
0x26: {  	[sflag:s17] =	ssyncset.done $0x0  }
0x27: {  	[sflag:s17] =	ssyncadd.s32 $0xFFFFC000  }
0x28: {  	[spmem:s8] =	stream.linear.scatter [tilespmem:s16], [sflag:$0x1], $0x4000, $0x38;
	[tilespmem:$0x18400] =	vst v63  }
0x29: {  	_ =	swait.ge [sflag:s17], $0x4000  }
0x2a: {  	[sflag:s17] =	ssyncset.done $0x0  }
0x2b: {  	s26 =	simm.s32 $0x0;
	[sflag:s17] =	ssyncadd.s32 $0xFFFFC000  }
0x2c: {  	[spmem:s9] =	stream.linear.scatter [tilespmem:s16], [sflag:$0x1], $0x4000, $0x38;
	[tilespmem:$0x18400] =	vst v63  }
0x2d: {  	s28 =	sand.u32 $0xFE00, s26;
	_ =	swait.ge [sflag:s17], $0x4000  }
0x2e: {  	s29 =	sand.u32 $0x70, s26;
	s30 =	sshrl.u32 s28, $0x2;
	[sflag:s17] =	ssyncset.done $0x0  }
0x2f: {  	s28 =	simm.s32 $0x40;
	s29 =	sor.u32 s29, s30;
	[sflag:s17] =	ssyncadd.s32 $0xFFFFC000  }
.LBB2_4:
0x30: {  	p0 =	sne.s32 s28, $0xFFC0  }
0x31: {  	[tilespmem:s29+$0x400] =	vst v1;
	s26 =	sadd.s32 $0x10, s26;
	s29 =	smov.u32 s28;
	s28 =	sadd.s32 $0x40, s28  }
.Ltmp1:
0x32: {  	(pc) =	sbr.rel @p0 .LBB2_4-.Ltmp1, $4  }
0x33: {  	_ = 	snop  }
0x34: {  	s29 =	sand.u32 $0xFE00, s29  }
0x35: {  	s30 =	sand.u32 $0x70, s26;
	s29 =	sshrl.u32 s29, $0x2  }
0x36: {  	s29 =	sor.u32 s30, s29  }
0x37: {  	[tilespmem:s29+$0x400] =	vst v1  }
0x38: {  	s26 =	sadd.s32 $0x0, s15;
	[bflag:$0x0] =	sbarrier.arrive $0xFFFF  }
0x39: {  	[tilespmem:s3], [sflag:$0x1] =	stream.linear.gather [hbm4b:s26+s3], $0x400, $0x38;
	[tilespmem:$0x18400] =	vst v63  }
0x3a: {  	_ =	swait.ge [sflag:s17], $0x400  }
0x3b: {  	[sflag:s17] =	ssyncset.done $0x0  }
0x3c: {  	[sflag:s17] =	ssyncadd.s32 $0xFFFFFC00  }
0x3d: {  	[spmem:s2] =	stream.indirect.scatter.add.f32 [tilespmem:s16], [sflag:$0x1], $0x80, s3, s18, $0xb8;
	[tilespmem:$0x18400] =	vst v63  }
0x3e: {  	_ =	swait.ge [sflag:s17], $0x4000  }
0x3f: {  	[sflag:s17] =	ssyncset.done $0x0  }
0x40: {  	[sflag:s17] =	ssyncadd.s32 $0xFFFFC000  }
0x41: {  	[spmem:s2] =	stream.indirect.scatter.add.f32 [tilespmem:s16], [sflag:$0x1], $0x80, s18, s18, $0xb8;
	[tilespmem:$0x18400] =	vst v63  }
0x42: {  	_ =	swait.ge [sflag:s17], $0x4000  }
0x43: {  	[sflag:s17] =	ssyncset.done $0x0  }
0x44: {  	[sflag:s17] =	ssyncadd.s32 $0xFFFFC000  }
0x45: {  	[spmem:s2] =	stream.indirect.scatter.add.f32 [tilespmem:s16], [sflag:$0x1], $0x80, s19, s18, $0xb8;
	[tilespmem:$0x18400] =	vst v63  }
0x46: {  	_ =	swait.ge [sflag:s17], $0x4000  }
0x47: {  	[sflag:s17] =	ssyncset.done $0x0  }
0x48: {  	[sflag:s17] =	ssyncadd.s32 $0xFFFFC000  }
0x49: {  	[spmem:s2] =	stream.indirect.scatter.add.f32 [tilespmem:s16], [sflag:$0x1], $0x80, s20, s18, $0xb8;
	[tilespmem:$0x18400] =	vst v63  }
0x4a: {  	_ =	swait.ge [sflag:s17], $0x4000  }
0x4b: {  	[sflag:s17] =	ssyncset.done $0x0  }
0x4c: {  	[sflag:s17] =	ssyncadd.s32 $0xFFFFC000  }
0x4d: {  	[spmem:s2] =	stream.indirect.scatter.add.f32 [tilespmem:s16], [sflag:$0x1], $0x80, s21, s18, $0xb8;
	[tilespmem:$0x18400] =	vst v63  }
0x4e: {  	_ =	swait.ge [sflag:s17], $0x4000  }
0x4f: {  	[sflag:s17] =	ssyncset.done $0x0  }
0x50: {  	[sflag:s17] =	ssyncadd.s32 $0xFFFFC000  }
0x51: {  	[spmem:s2] =	stream.indirect.scatter.add.f32 [tilespmem:s16], [sflag:$0x1], $0x80, s22, s18, $0xb8;
	[tilespmem:$0x18400] =	vst v63  }
0x52: {  	_ =	swait.ge [sflag:s17], $0x4000  }
0x53: {  	[sflag:s17] =	ssyncset.done $0x0  }
0x54: {  	[sflag:s17] =	ssyncadd.s32 $0xFFFFC000  }
0x55: {  	[spmem:s2] =	stream.indirect.scatter.add.f32 [tilespmem:s16], [sflag:$0x1], $0x80, s23, s18, $0xb8;
	[tilespmem:$0x18400] =	vst v63  }
0x56: {  	_ =	swait.ge [sflag:s17], $0x4000  }
0x57: {  	[sflag:s17] =	ssyncset.done $0x0  }
0x58: {  	[sflag:s17] =	ssyncadd.s32 $0xFFFFC000  }
0x59: {  	[spmem:s2] =	stream.indirect.scatter.add.f32 [tilespmem:s16], [sflag:$0x1], $0x80, s24, s18, $0xb8;
	[tilespmem:$0x18400] =	vst v63  }
0x5a: {  	_ =	swait.ge [sflag:s17], $0x4000  }
0x5b: {  	s29 =	simm.s32 $0x100;
	s26 =	simm.s32 $0x80;
	[sflag:s17] =	ssyncset.done $0x0  }
.LBB2_6:
0x5c: {  	s30 =	sadd.s32 s26, s15  }
0x5d: {  	[sflag:s17] =	ssyncadd.s32 $0xFFFFC000;
	s26 =	smov.u32 s29;
	s28 =	sadd.s32 $0x80, s29  }
0x5e: {  	[tilespmem:s3], [sflag:$0x1] =	stream.linear.gather [hbm4b:s30+s3], $0x400, $0x38;
	[tilespmem:$0x18400] =	vst v63  }
0x5f: {  	p0 =	sne.s32 s29, $0x480;
	_ =	swait.ge [sflag:s17], $0x400  }
0x60: {  	[sflag:s17] =	ssyncset.done $0x0  }
0x61: {  	[sflag:s17] =	ssyncadd.s32 $0xFFFFFC00  }
0x62: {  	[spmem:s2] =	stream.indirect.scatter.add.f32 [tilespmem:s16], [sflag:$0x1], $0x80, s3, s18, $0xb8;
	[tilespmem:$0x18400] =	vst v63  }
0x63: {  	_ =	swait.ge [sflag:s17], $0x4000  }
0x64: {  	[sflag:s17] =	ssyncset.done $0x0  }
0x65: {  	[sflag:s17] =	ssyncadd.s32 $0xFFFFC000  }
0x66: {  	[spmem:s2] =	stream.indirect.scatter.add.f32 [tilespmem:s16], [sflag:$0x1], $0x80, s18, s18, $0xb8;
	[tilespmem:$0x18400] =	vst v63  }
0x67: {  	_ =	swait.ge [sflag:s17], $0x4000  }
0x68: {  	[sflag:s17] =	ssyncset.done $0x0  }
0x69: {  	[sflag:s17] =	ssyncadd.s32 $0xFFFFC000  }
0x6a: {  	[spmem:s2] =	stream.indirect.scatter.add.f32 [tilespmem:s16], [sflag:$0x1], $0x80, s19, s18, $0xb8;
	[tilespmem:$0x18400] =	vst v63  }
0x6b: {  	_ =	swait.ge [sflag:s17], $0x4000  }
0x6c: {  	[sflag:s17] =	ssyncset.done $0x0  }
0x6d: {  	[sflag:s17] =	ssyncadd.s32 $0xFFFFC000  }
0x6e: {  	[spmem:s2] =	stream.indirect.scatter.add.f32 [tilespmem:s16], [sflag:$0x1], $0x80, s20, s18, $0xb8;
	[tilespmem:$0x18400] =	vst v63  }
0x6f: {  	_ =	swait.ge [sflag:s17], $0x4000  }
0x70: {  	[sflag:s17] =	ssyncset.done $0x0  }
0x71: {  	[sflag:s17] =	ssyncadd.s32 $0xFFFFC000  }
0x72: {  	[spmem:s2] =	stream.indirect.scatter.add.f32 [tilespmem:s16], [sflag:$0x1], $0x80, s21, s18, $0xb8;
	[tilespmem:$0x18400] =	vst v63  }
0x73: {  	_ =	swait.ge [sflag:s17], $0x4000  }
0x74: {  	[sflag:s17] =	ssyncset.done $0x0  }
0x75: {  	[sflag:s17] =	ssyncadd.s32 $0xFFFFC000  }
0x76: {  	[spmem:s2] =	stream.indirect.scatter.add.f32 [tilespmem:s16], [sflag:$0x1], $0x80, s22, s18, $0xb8;
	[tilespmem:$0x18400] =	vst v63  }
0x77: {  	_ =	swait.ge [sflag:s17], $0x4000  }
0x78: {  	[sflag:s17] =	ssyncset.done $0x0  }
0x79: {  	[sflag:s17] =	ssyncadd.s32 $0xFFFFC000  }
0x7a: {  	[spmem:s2] =	stream.indirect.scatter.add.f32 [tilespmem:s16], [sflag:$0x1], $0x80, s23, s18, $0xb8;
	[tilespmem:$0x18400] =	vst v63  }
0x7b: {  	_ =	swait.ge [sflag:s17], $0x4000  }
.Ltmp2:
0x7c: {  	[sflag:s17] =	ssyncset.done $0x0;
	(pc) =	sbr.rel @p0 .LBB2_6-.Ltmp2, $4  }
0x7d: {  	[sflag:s17] =	ssyncadd.s32 $0xFFFFC000  }
0x7e: {  	[spmem:s2] =	stream.indirect.scatter.add.f32 [tilespmem:s16], [sflag:$0x1], $0x80, s24, s18, $0xb8;
	[tilespmem:$0x18400] =	vst v63  }
0x7f: {  	_ =	swait.ge [sflag:s17], $0x4000  }
0x80: {  	s29 =	smov.u32 s28;
	[sflag:s17] =	ssyncset.done $0x0  }
0x81: {  	s26 =	sadd.s32 s26, s15;
	[sflag:s17] =	ssyncadd.s32 $0xFFFFC000  }
0x82: {  	[tilespmem:s3], [sflag:$0x1] =	stream.linear.gather [hbm4b:s26+s3], $0x400, $0x38;
	[tilespmem:$0x18400] =	vst v63  }
0x83: {  	_ =	swait.ge [sflag:s17], $0x400  }
0x84: {  	[sflag:s17] =	ssyncset.done $0x0  }
0x85: {  	[sflag:s17] =	ssyncadd.s32 $0xFFFFFC00  }
0x86: {  	[spmem:s2] =	stream.indirect.scatter.add.f32 [tilespmem:s16], [sflag:$0x1], $0x80, s3, s18, $0xb8;
	[tilespmem:$0x18400] =	vst v63  }
0x87: {  	_ =	swait.ge [sflag:s17], $0x4000  }
0x88: {  	[sflag:s17] =	ssyncset.done $0x0  }
0x89: {  	[sflag:s17] =	ssyncadd.s32 $0xFFFFC000  }
0x8a: {  	[spmem:s2] =	stream.indirect.scatter.add.f32 [tilespmem:s16], [sflag:$0x1], $0x80, s18, s18, $0xb8;
	[tilespmem:$0x18400] =	vst v63  }
0x8b: {  	_ =	swait.ge [sflag:s17], $0x4000  }
0x8c: {  	[sflag:s17] =	ssyncset.done $0x0  }
0x8d: {  	[sflag:s17] =	ssyncadd.s32 $0xFFFFC000  }
0x8e: {  	[spmem:s2] =	stream.indirect.scatter.add.f32 [tilespmem:s16], [sflag:$0x1], $0x80, s19, s18, $0xb8;
	[tilespmem:$0x18400] =	vst v63  }
0x8f: {  	_ =	swait.ge [sflag:s17], $0x4000  }
0x90: {  	[sflag:s17] =	ssyncset.done $0x0  }
0x91: {  	[sflag:s17] =	ssyncadd.s32 $0xFFFFC000  }
0x92: {  	[spmem:s2] =	stream.indirect.scatter.add.f32 [tilespmem:s16], [sflag:$0x1], $0x80, s20, s18, $0xb8;
	[tilespmem:$0x18400] =	vst v63  }
0x93: {  	_ =	swait.ge [sflag:s17], $0x4000  }
0x94: {  	[sflag:s17] =	ssyncset.done $0x0  }
0x95: {  	[sflag:s17] =	ssyncadd.s32 $0xFFFFC000  }
0x96: {  	[spmem:s2] =	stream.indirect.scatter.add.f32 [tilespmem:s16], [sflag:$0x1], $0x80, s21, s18, $0xb8;
	[tilespmem:$0x18400] =	vst v63  }
0x97: {  	_ =	swait.ge [sflag:s17], $0x4000  }
0x98: {  	[sflag:s17] =	ssyncset.done $0x0  }
0x99: {  	[sflag:s17] =	ssyncadd.s32 $0xFFFFC000  }
0x9a: {  	[spmem:s2] =	stream.indirect.scatter.add.f32 [tilespmem:s16], [sflag:$0x1], $0x80, s22, s18, $0xb8;
	[tilespmem:$0x18400] =	vst v63  }
0x9b: {  	_ =	swait.ge [sflag:s17], $0x4000  }
0x9c: {  	[sflag:s17] =	ssyncset.done $0x0  }
0x9d: {  	[sflag:s17] =	ssyncadd.s32 $0xFFFFC000  }
0x9e: {  	[spmem:s2] =	stream.indirect.scatter.add.f32 [tilespmem:s16], [sflag:$0x1], $0x80, s23, s18, $0xb8;
	[tilespmem:$0x18400] =	vst v63  }
0x9f: {  	_ =	swait.ge [sflag:s17], $0x4000  }
0xa0: {  	[sflag:s17] =	ssyncset.done $0x0  }
0xa1: {  	[sflag:s17] =	ssyncadd.s32 $0xFFFFC000  }
0xa2: {  	[spmem:s2] =	stream.indirect.scatter.add.f32 [tilespmem:s16], [sflag:$0x1], $0x80, s24, s18, $0xb8;
	[tilespmem:$0x18400] =	vst v63  }
0xa3: {  	_ =	swait.ge [sflag:s17], $0x4000  }
0xa4: {  	[sflag:s17] =	ssyncset.done $0x0  }
0xa5: {  	[sflag:s17] =	ssyncadd.s32 $0xFFFFC000  }
0xa6: {  	[bflag:$0x0] =	sbarrier.arrive $0xFFFF  }
0xa7: {  	[tilespmem:s16], [sflag:$0x1] =	stream.linear.gather [spmem:s4], $0x4000, $0x38;
	[tilespmem:$0x18400] =	vst v63  }
0xa8: {  	_ =	swait.ge [sflag:s17], $0x4000  }
0xa9: {  	[sflag:s17] =	ssyncset.done $0x0  }
0xaa: {  	[sflag:s17] =	ssyncadd.s32 $0xFFFFC000  }
0xab: {  	[hbm4b:s10+s3] =	stream.linear.scatter [tilespmem:s16], [sflag:$0x1], $0x4000, $0x38;
	[tilespmem:$0x18400] =	vst v63  }
0xac: {  	_ =	swait.ge [sflag:s17], $0x4000  }
0xad: {  	[sflag:s17] =	ssyncset.done $0x0  }
0xae: {  	[sflag:s17] =	ssyncadd.s32 $0xFFFFC000  }
0xaf: {  	[tilespmem:s16], [sflag:$0x1] =	stream.linear.gather [spmem:s6], $0x4000, $0x38;
	[tilespmem:$0x18400] =	vst v63  }
0xb0: {  	_ =	swait.ge [sflag:s17], $0x4000  }
0xb1: {  	[sflag:s17] =	ssyncset.done $0x0  }
0xb2: {  	[sflag:s17] =	ssyncadd.s32 $0xFFFFC000  }
0xb3: {  	[hbm4b:s11+s3] =	stream.linear.scatter [tilespmem:s16], [sflag:$0x1], $0x4000, $0x38;
	[tilespmem:$0x18400] =	vst v63  }
0xb4: {  	_ =	swait.ge [sflag:s17], $0x4000  }
0xb5: {  	[sflag:s17] =	ssyncset.done $0x0  }
0xb6: {  	[sflag:s17] =	ssyncadd.s32 $0xFFFFC000  }
0xb7: {  	[tilespmem:s16], [sflag:$0x1] =	stream.linear.gather [spmem:s7], $0x4000, $0x38;
	[tilespmem:$0x18400] =	vst v63  }
0xb8: {  	_ =	swait.ge [sflag:s17], $0x4000  }
0xb9: {  	[sflag:s17] =	ssyncset.done $0x0  }
0xba: {  	[sflag:s17] =	ssyncadd.s32 $0xFFFFC000  }
0xbb: {  	[hbm4b:s12+s3] =	stream.linear.scatter [tilespmem:s16], [sflag:$0x1], $0x4000, $0x38;
	[tilespmem:$0x18400] =	vst v63  }
0xbc: {  	_ =	swait.ge [sflag:s17], $0x4000  }
0xbd: {  	[sflag:s17] =	ssyncset.done $0x0  }
0xbe: {  	[sflag:s17] =	ssyncadd.s32 $0xFFFFC000  }
0xbf: {  	[tilespmem:s16], [sflag:$0x1] =	stream.linear.gather [spmem:s8], $0x4000, $0x38;
	[tilespmem:$0x18400] =	vst v63  }
0xc0: {  	_ =	swait.ge [sflag:s17], $0x4000  }
0xc1: {  	[sflag:s17] =	ssyncset.done $0x0  }
0xc2: {  	[sflag:s17] =	ssyncadd.s32 $0xFFFFC000  }
0xc3: {  	[hbm4b:s13+s3] =	stream.linear.scatter [tilespmem:s16], [sflag:$0x1], $0x4000, $0x38;
	[tilespmem:$0x18400] =	vst v63  }
0xc4: {  	_ =	swait.ge [sflag:s17], $0x4000  }
0xc5: {  	[sflag:s17] =	ssyncset.done $0x0  }
0xc6: {  	[sflag:s17] =	ssyncadd.s32 $0xFFFFC000  }
0xc7: {  	[tilespmem:s16], [sflag:$0x1] =	stream.linear.gather [spmem:s9], $0x4000, $0x38;
	[tilespmem:$0x18400] =	vst v63  }
0xc8: {  	s25 =	sadd.s32 $0x1, s25;
	_ =	swait.ge [sflag:s17], $0x4000  }
0xc9: {  	p0 =	sne.s32 s25, s5;
	[sflag:s17] =	ssyncset.done $0x0  }
.Ltmp3:
0xca: {  	[sflag:s17] =	ssyncadd.s32 $0xFFFFC000;
	(pc) =	sbr.rel @p0 .LBB2_1-.Ltmp3, $4  }
0xcb: {  	[hbm4b:s14+s3] =	stream.linear.scatter [tilespmem:s16], [sflag:$0x1], $0x4000, $0x38;
	[tilespmem:$0x18400] =	vst v63  }
0xcc: {  	_ =	swait.ge [sflag:s17], $0x4000  }
0xcd: {  	[sflag:s17] =	ssyncset.done $0x0  }
0xce: {  	[sflag:s17] =	ssyncadd.s32 $0xFFFFC000  }
0xcf: {  	_ =	sfence.sel $0x180000  }
0xd0: {  	[bflag:$0x0] =	sbarrier.arrive $0xFFFF  }
0xd1: {  	p0 =	sne.s32 s1, $0x0;
	_ =	strace $0x90000047  }
0xd2: {  	s0 =	sadd.s32 @!p0 $0x100000, s0;
	[bflag:$0x2] =	sbarrier.arrive $0xFFFF  }
0xd3: {  	[sflag:s0] =	ssyncadd.tile.s32 @!p0 $0x1;
	_ =	shalt  }
.Lfunc_end2:
_tile_overlayer_lowered:
.L_overlay_start_2:
0xd4: {  	(tag) =	ssettag $0x2  }
0xd5: {  	s0 =	rddreg [dreg:$0x0];
	s2 =	stileid.u32  }
0xd6: {  	s1 =	rddreg [dreg:$0x1];
	p0 =	sne.s32 s2, $0x0  }
0xd7: {  	s3 =	rddreg [dreg:$0x2];
	[bflag:$0x3] =	sbarrier.arrive $0xFFFF;
	s2 =	simm.s32 @!p0 $0x1C01  }
0xd8: {  	[timem:s3], [sflag:s2] =	dma.local @!p0 [hbm:s0], s1  }
0xd9: {  	s0 =	simm.s32 @!p0 $0x1  }
0xda: {  	_ =	swait.ge @!p0 [sflag:s0], s1  }
0xdb: {  	s1 =	ssub.s32 @!p0 $0x0, s1;
	[sflag:s0] =	ssyncset.done @!p0 $0x0  }
0xdc: {  	[sflag:s0] =	ssyncadd.s32 @!p0 s1  }
0xdd: {  	[bflag:$0x3] =	sbarrier.arrive $0xFFFF  }
0xde: {  	_ =	shalt  }

</sc_bundles>
